<compile_context>
chip_gen: v7x
topology: tpu7x:2x2x1
jax: 0.10.2.dev20260603
libtpu: 0.0.44.dev20260713+nightly
codegen_flags: <defaults>
</compile_context>

<pallas_src>
import functools

import jax
import jax.numpy as jnp
from jax import lax
from jax.experimental import pallas as pl
from jax.experimental.pallas import tpu as pltpu
from jax.experimental.pallas import tpu_sc as plsc

N = 10000
E = 160000
K = 8
CH = 128
HID = 120
PHI_OUT = 4
B = 512
RHO_OUT = 8

PW = 128
S = 16
NB = 400

NSC = 2
NT = 16
NR = 10240
TROWS = NR // NT

f32 = jnp.float32
i32 = jnp.int32



@functools.cache
def _mesh():
    return plsc.VectorSubcoreMesh(core_axis_name="c", subcore_axis_name="s")


BK = 125
NBW = (E // NT) // BK
NB1 = (E // (NSC * NT)) // BK


def _sc_segsum_wide(table, srcg, dst, zeros):
    SPC = S // NSC

    @functools.partial(
        pl.kernel,
        mesh=_mesh(),
        out_type=jax.ShapeDtypeStruct((S * NR, PW), f32),
        scratch_types=[
            pltpu.VMEM((NBW // 2, BK), i32),
            pltpu.VMEM((NBW, BK), i32),
            pltpu.VMEM((BK, PW), f32),
            pltpu.VMEM((BK, PW), f32),
            pltpu.VMEM_SHARED((NR, PW), f32),
            pltpu.SemaphoreType.DMA,
            pltpu.SemaphoreType.DMA,
        ],
    )
    def k(table_hbm, srcg_hbm, dst_hbm, zeros_hbm, out_hbm,
          src_blk, dst_blk, rows_a, rows_b, acc_sh, sem_a, sem_b):
        c = lax.axis_index("c")
        w = lax.axis_index("s")
        rbase = w * TROWS
        NH = NBW // 2
        pltpu.sync_copy(dst_hbm.at[pl.ds(w * NBW, NBW)], dst_blk)

        def stream_body(si, carry):
            s_chunk = c * SPC + si
            pltpu.sync_copy(zeros_hbm.at[pl.ds(0, TROWS)],
                            acc_sh.at[pl.ds(rbase, TROWS)])
            plsc.subcore_barrier()

            def half_body(hi, carry1):
                pltpu.sync_copy(
                    srcg_hbm.at[pl.ds((s_chunk * NT + w) * NBW + hi * NH,
                                      NH)], src_blk)
                pltpu.async_copy(table_hbm.at[src_blk.at[0]], rows_a, sem_a)

                def batch_body(j2, carry2):
                    b = 2 * j2
                    d = hi * NH + b
                    pltpu.async_copy(table_hbm.at[src_blk.at[b + 1]],
                                     rows_b, sem_b)
                    pltpu.make_async_copy(table_hbm.at[src_blk.at[b]],
                                          rows_a, sem_a).wait()
                    pltpu.sync_copy(rows_a, acc_sh.at[dst_blk.at[d]],
                                    add=True)

                    @pl.when(b + 2 < NH)
                    def _():
                        pltpu.async_copy(table_hbm.at[src_blk.at[b + 2]],
                                         rows_a, sem_a)

                    pltpu.make_async_copy(table_hbm.at[src_blk.at[b + 1]],
                                          rows_b, sem_b).wait()
                    pltpu.sync_copy(rows_b, acc_sh.at[dst_blk.at[d + 1]],
                                    add=True)
                    return carry2

                lax.fori_loop(0, NH // 2, batch_body, 0)
                return carry1

            lax.fori_loop(0, 2, half_body, 0)
            plsc.subcore_barrier()
            pltpu.sync_copy(acc_sh.at[pl.ds(rbase, TROWS)],
                            out_hbm.at[pl.ds(s_chunk * NR + rbase, TROWS)])
            plsc.subcore_barrier()
            return carry

        lax.fori_loop(0, SPC, stream_body, 0)

    return k(table, srcg, dst, zeros)


def _sc_segsum_single(table, src, dst, zeros):
    @functools.partial(
        pl.kernel,
        mesh=_mesh(),
        out_type=jax.ShapeDtypeStruct((NSC * NR, PW), f32),
        scratch_types=[
            pltpu.VMEM((NB1, BK), i32),
            pltpu.VMEM((NB1, BK), i32),
            pltpu.VMEM((BK, PW), f32),
            pltpu.VMEM((BK, PW), f32),
            pltpu.VMEM_SHARED((NR, PW), f32),
            pltpu.SemaphoreType.DMA,
            pltpu.SemaphoreType.DMA,
        ],
    )
    def k(table_hbm, src_hbm, dst_hbm, zeros_hbm, out_hbm,
          src_blk, dst_blk, rows_a, rows_b, acc_sh, sem_a, sem_b):
        c = lax.axis_index("c")
        w = lax.axis_index("s")
        rbase = w * TROWS
        bbase = (c * NT + w) * NB1

        pltpu.sync_copy(src_hbm.at[pl.ds(bbase, NB1)], src_blk)
        pltpu.sync_copy(dst_hbm.at[pl.ds(bbase, NB1)], dst_blk)
        pltpu.sync_copy(zeros_hbm.at[pl.ds(0, TROWS)],
                        acc_sh.at[pl.ds(rbase, TROWS)])
        plsc.subcore_barrier()

        pltpu.async_copy(table_hbm.at[src_blk.at[0]], rows_a, sem_a)

        def batch_body(j2, carry):
            b = 2 * j2
            pltpu.async_copy(table_hbm.at[src_blk.at[b + 1]], rows_b, sem_b)
            pltpu.make_async_copy(table_hbm.at[src_blk.at[b]],
                                  rows_a, sem_a).wait()
            pltpu.sync_copy(rows_a, acc_sh.at[dst_blk.at[b]], add=True)

            @pl.when(b + 2 < NB1)
            def _():
                pltpu.async_copy(table_hbm.at[src_blk.at[b + 2]],
                                 rows_a, sem_a)

            pltpu.make_async_copy(table_hbm.at[src_blk.at[b + 1]],
                                  rows_b, sem_b).wait()
            pltpu.sync_copy(rows_b, acc_sh.at[dst_blk.at[b + 1]], add=True)
            return carry

        lax.fori_loop(0, NB1 // 2, batch_body, 0)
        plsc.subcore_barrier()
        pltpu.sync_copy(acc_sh.at[pl.ds(rbase, TROWS)],
                        out_hbm.at[pl.ds(c * NR + rbase, TROWS)])

    return k(table, src, dst, zeros)



def _dot(a, b):
    return jnp.dot(a, b, preferred_element_type=f32)


def _tc_gin_layer1(t0, a0a, a0b, w1row, b1, w2, b2):
    def body(t0_r, a0a_r, a0b_r, w1_r, b1_r, w2_r, b2_r, out_r):
        s = pl.program_id(0)
        kk = jnp.remainder(s, K)
        sign = jnp.where(s < K, 1.0, -1.0).astype(f32)
        zfull = t0_r[...] + a0a_r[...] + a0b_r[...]
        sel = (lax.broadcasted_iota(i32, (NB, PW), 1) == kk).astype(f32)
        z = jnp.sum(zfull * sel, axis=1, keepdims=True) * sign
        pre = z * w1_r[...] + b1_r[...]
        out_r[0] = _dot(jnp.maximum(pre, 0.0), w2_r[...]) + b2_r[...]

    return pl.pallas_call(
        body,
        grid=(S, N // NB),
        in_specs=[
            pl.BlockSpec((NB, PW), lambda s, n: (n, 0)),
            pl.BlockSpec((NB, PW), lambda s, n: (n, 0)),
            pl.BlockSpec((NB, PW), lambda s, n: (n, 0)),
            pl.BlockSpec((1, PW), lambda s, n: (0, 0)),
            pl.BlockSpec((1, PW), lambda s, n: (0, 0)),
            pl.BlockSpec((PW, PW), lambda s, n: (0, 0)),
            pl.BlockSpec((1, PW), lambda s, n: (0, 0)),
        ],
        out_specs=pl.BlockSpec((1, NB, PW), lambda s, n: (s, n, 0)),
        out_shape=jax.ShapeDtypeStruct((S, N, PW), f32),
    )(t0, a0a, a0b, w1row, b1, w2, b2)


def _tc_gin_layer(h, agg, w1, b1, w2, b2):
    def body(h_r, agg_r, w1_r, b1_r, w2_r, b2_r, out_r):
        z = h_r[0] + agg_r[0]
        pre = _dot(z, w1_r[...]) + b1_r[...]
        out_r[0] = _dot(jnp.maximum(pre, 0.0), w2_r[...]) + b2_r[...]

    return pl.pallas_call(
        body,
        grid=(S, N // NB),
        in_specs=[
            pl.BlockSpec((1, NB, PW), lambda s, n: (s, n, 0)),
            pl.BlockSpec((1, NB, PW), lambda s, n: (s, n, 0)),
            pl.BlockSpec((PW, PW), lambda s, n: (0, 0)),
            pl.BlockSpec((1, PW), lambda s, n: (0, 0)),
            pl.BlockSpec((PW, PW), lambda s, n: (0, 0)),
            pl.BlockSpec((1, PW), lambda s, n: (0, 0)),
        ],
        out_specs=pl.BlockSpec((1, NB, PW), lambda s, n: (s, n, 0)),
        out_shape=jax.ShapeDtypeStruct((S, N, PW), f32),
    )(h, agg, w1, b1, w2, b2)


def _tc_rho_pe(phi, x, g, b1, w2, b2, w3, b3, w4, b4, pew, peb):
    def body(phi_r, x_r, g_r, b1_r, w2_r, b2_r, w3_r, b3_r, w4_r, b4_r,
             pew_r, peb_r, out_r):
        t = b1_r[...]
        for kk in range(K):
            t = t + _dot(phi_r[kk] + phi_r[kk + K], g_r[kk])
        t = jnp.maximum(t, 0.0)
        t = jnp.maximum(_dot(t, w2_r[...]) + b2_r[...], 0.0)
        t = jnp.maximum(_dot(t, w3_r[...]) + b3_r[...], 0.0)
        t = _dot(t, w4_r[...]) + b4_r[...]
        out_r[...] = x_r[...] + _dot(t, pew_r[...]) + peb_r[...]

    wspec = pl.BlockSpec((PW, PW), lambda n: (0, 0))
    bspec = pl.BlockSpec((1, PW), lambda n: (0, 0))
    return pl.pallas_call(
        body,
        grid=(N // NB,),
        in_specs=[
            pl.BlockSpec((S, NB, PW), lambda n: (0, n, 0)),
            pl.BlockSpec((NB, PW), lambda n: (n, 0)),
            pl.BlockSpec((K, PW, PW), lambda n: (0, 0, 0)),
            bspec, wspec, bspec, wspec, bspec, wspec, bspec, wspec, bspec,
        ],
        out_specs=pl.BlockSpec((NB, PW), lambda n: (n, 0)),
        out_shape=jax.ShapeDtypeStruct((N, PW), f32),
    )(phi, x, g, b1, w2, b2, w3, b3, w4, b4, pew, peb)


def _tc_sage_layer(h, agga, aggb, a0a, a0b, ws, wn, b):
    def body(h_r, agga_r, aggb_r, a0a_r, a0b_r, ws_r, wn_r, b_r, out_r):
        degsel = (lax.broadcasted_iota(i32, (NB, PW), 1) == K).astype(f32)
        deg = jnp.sum((a0a_r[...] + a0b_r[...]) * degsel, axis=1,
                      keepdims=True)
        deg = jnp.maximum(deg, 1.0)
        agg = (agga_r[...] + aggb_r[...]) / deg
        pre = _dot(h_r[...], ws_r[...]) + _dot(agg, wn_r[...]) + b_r[...]
        out_r[...] = jnp.maximum(pre, 0.0)

    nspec = pl.BlockSpec((NB, PW), lambda n: (n, 0))
    wspec = pl.BlockSpec((PW, PW), lambda n: (0, 0))
    return pl.pallas_call(
        body,
        grid=(N // NB,),
        in_specs=[nspec, nspec, nspec, nspec, nspec, wspec, wspec,
                  pl.BlockSpec((1, PW), lambda n: (0, 0))],
        out_specs=nspec,
        out_shape=jax.ShapeDtypeStruct((N, PW), f32),
    )(h, agga, aggb, a0a, a0b, ws, wn, b)


def _tc_head(h, w, bias):
    def body(h_r, w_r, b_r, out_r):
        out_r[...] = _dot(h_r[...], w_r[...]) + b_r[...]

    return pl.pallas_call(
        body,
        grid=(1,),
        in_specs=[
            pl.BlockSpec((B, PW), lambda i: (0, 0)),
            pl.BlockSpec((PW, PW), lambda i: (0, 0)),
            pl.BlockSpec((1, PW), lambda i: (0, 0)),
        ],
        out_specs=pl.BlockSpec((B, PW), lambda i: (0, 0)),
        out_shape=jax.ShapeDtypeStruct((B, PW), f32),
    )(h, w, bias)



def _padw(w):
    out = jnp.zeros((PW, PW), f32)
    return out.at[: w.shape[0], : w.shape[1]].set(w)


def _padb(bvec):
    out = jnp.zeros((1, PW), f32)
    return out.at[0, : bvec.shape[0]].set(bvec)


def kernel(x, V, edge_index, gin_params, rho_params, pe_w, pe_b,
           sage_params, head_w, head_b):
    src = edge_index[0].astype(i32)
    dst = edge_index[1].astype(i32)
    src2 = src.reshape(NSC * NT * NB1, BK)
    dst2 = dst.reshape(NT * NBW, BK)
    zeros = jnp.zeros((TROWS, PW), f32)

    t0 = jnp.zeros((N, PW), f32).at[:, :K].set(V).at[:, K].set(1.0)

    srcg = (jnp.arange(S, dtype=i32)[:, None] * N
            + src[None, :]).reshape(S * NT * NBW, BK)

    a0 = _sc_segsum_single(t0, src2, dst2, zeros)
    a0a, a0b = a0[:N], a0[NR:NR + N]

    (w1_1, b1_1, w2_1, b2_1) = gin_params[0]
    h = _tc_gin_layer1(t0, a0a, a0b,
                       _padb(w1_1[0]), _padb(b1_1), _padw(w2_1), _padb(b2_1))

    for (w1, b1, w2, b2) in gin_params[1:]:
        agg = _sc_segsum_wide(h.reshape(S * N, PW), srcg, dst2, zeros)
        h = _tc_gin_layer(h, agg.reshape(S, NR, PW)[:, :N],
                          _padw(w1), _padb(b1), _padw(w2), _padb(b2))

    w_rho1 = rho_params[0][0]
    g = jnp.zeros((K, PW, PW), f32)
    for kk in range(K):
        g = g.at[kk, :PHI_OUT, :HID].set(
            w_rho1[kk * PHI_OUT:(kk + 1) * PHI_OUT, :])
    henc = _tc_rho_pe(
        h, x, g, _padb(rho_params[0][1]),
        _padw(rho_params[1][0]), _padb(rho_params[1][1]),
        _padw(rho_params[2][0]), _padb(rho_params[2][1]),
        _padw(rho_params[3][0]), _padb(rho_params[3][1]),
        _padw(pe_w), _padb(pe_b))

    for (ws, wn, bb) in sage_params:
        ap = _sc_segsum_single(henc, src2, dst2, zeros)
        henc = _tc_sage_layer(henc, ap[:N], ap[NR:NR + N], a0a, a0b,
                              _padw(ws), _padw(wn), _padb(bb))

    out = _tc_head(henc[:B], _padw(head_w), _padb(head_b))
    return out[:, :1]

# --- scband reference (transcript-rebuilt; emitter-appended) ---
"""Pipeline reference for scband-model-signnet-66907000537827 (READ-ONLY COPY).

The authoritative reference and input builder live on the scoring server;
editing this copy changes nothing except your own understanding.
"""

import jax, jax.numpy as jnp
import numpy as np

N = 10000
E = 160000
K = 8
CH = 128
HID = 120
PHI_OUT = 4
B = 512
RHO_LAYERS = 4
RHO_OUT = 8


def _init_linear(key, shape):
    fan_in = shape[0]
    return jax.random.normal(key, shape, dtype=jnp.float32) * (1.0 / np.sqrt(fan_in))


def setup_inputs(seed: int = 0):
    key = jax.random.key(seed)
    keys = jax.random.split(key, 64)
    ki = iter(range(64))
    x = jax.random.normal(keys[next(ki)], (N, CH), dtype=jnp.float32)
    V = jax.random.normal(keys[next(ki)], (N, K), dtype=jnp.float32)
    edge_index = jax.random.randint(keys[next(ki)], (2, E), 0, N, dtype=jnp.int32)
    gin_dims = [(1, HID), (HID, HID), (HID, HID), (HID, PHI_OUT)]
    gin_params = []
    for (din, dout) in gin_dims:
        W1 = _init_linear(keys[next(ki)], (din, HID))
        b1 = jnp.zeros((HID,), dtype=jnp.float32)
        W2 = _init_linear(keys[next(ki)], (HID, dout))
        b2 = jnp.zeros((dout,), dtype=jnp.float32)
        gin_params.append((W1, b1, W2, b2))
    rho_dims = [K * PHI_OUT, HID, HID, HID, RHO_OUT]
    rho_params = []
    for i in range(RHO_LAYERS):
        W = _init_linear(keys[next(ki)], (rho_dims[i], rho_dims[i + 1]))
        b = jnp.zeros((rho_dims[i + 1],), dtype=jnp.float32)
        rho_params.append((W, b))
    pe_w = _init_linear(keys[next(ki)], (RHO_OUT, CH))
    pe_b = jnp.zeros((CH,), dtype=jnp.float32)
    sage_params = []
    for i in range(2):
        Ws = _init_linear(keys[next(ki)], (CH, CH))
        Wn = _init_linear(keys[next(ki)], (CH, CH))
        b = jnp.zeros((CH,), dtype=jnp.float32)
        sage_params.append((Ws, Wn, b))
    head_w = _init_linear(keys[next(ki)], (CH, 1))
    head_b = jnp.zeros((1,), dtype=jnp.float32)
    return {"x": x, "V": V, "edge_index": edge_index, "gin_params": gin_params,
            "rho_params": rho_params, "pe_w": pe_w, "pe_b": pe_b,
            "sage_params": sage_params, "head_w": head_w, "head_b": head_b}


def reference(x, V, edge_index, gin_params, rho_params, pe_w, pe_b, sage_params, head_w, head_b):
    src = edge_index[0]
    dst = edge_index[1]

    # SignInvPe: phi = GIN applied per eigenvector channel, sign-invariant phi(v)+phi(-v)
    def gin_forward(h):
        for (W1, b1, W2, b2) in gin_params:
            agg = jax.ops.segment_sum(h[src], dst, num_segments=N)
            z = h + agg  # (1+eps)*h + sum-aggr, eps=0
            h = jax.nn.relu(z @ W1 + b1) @ W2 + b2
        return h

    pe_feats = []
    for i in range(K):
        v = V[:, i:i + 1]
        pe_feats.append(gin_forward(v) + gin_forward(-v))
    pe = jnp.concatenate(pe_feats, axis=1)  # [N, K*PHI_OUT]

    # rho: 4-layer MLP with relu
    h = pe
    for j, (W, b) in enumerate(rho_params):
        h = h @ W + b
        if j < len(rho_params) - 1:
            h = jax.nn.relu(h)

    # pe_embedding linear, add to encoder features
    pe_emb = h @ pe_w + pe_b
    h = x + pe_emb

    # HeteroGraphSAGE (homogeneous stand-in), mean aggregation, num_layers=2
    deg = jax.ops.segment_sum(jnp.ones((E,), dtype=jnp.float32), dst, num_segments=N)
    deg = jnp.clip(deg, 1.0)[:, None]
    for (Ws, Wn, b) in sage_params:
        agg = jax.ops.segment_sum(h[src], dst, num_segments=N) / deg
        h = jax.nn.relu(h @ Ws + agg @ Wn + b)

    # head MLP (1 layer) on seed nodes
    return h[:B] @ head_w + head_b

if __name__ == "__main__":
    import jax
    _d = setup_inputs()
    print(jax.jit(kernel)(*tuple(_d.values())))

</pallas_src>

<mosaic_0001>
#map = affine_map<(d0, d1) -> (0, 0)>
module attributes {stable_mosaic.version = 14 : i64} {
  func.func @k(%arg0: i32, %arg1: i32, %arg2: memref<160000x128xf32, #tpu.memory_space<hbm>>, %arg3: memref<20480x125xi32, #tpu.memory_space<hbm>>, %arg4: memref<1280x125xi32, #tpu.memory_space<hbm>>, %arg5: memref<640x128xf32, #tpu.memory_space<hbm>>, %arg6: memref<163840x128xf32, #tpu.memory_space<hbm>>, %arg7: memref<40x125xi32, #tpu.memory_space<vmem>>, %arg8: memref<80x125xi32, #tpu.memory_space<vmem>>, %arg9: memref<125x128xf32, #tpu.memory_space<vmem>>, %arg10: memref<125x128xf32, #tpu.memory_space<vmem>>, %arg11: memref<10240x128xf32, #tpu.memory_space<vmem_shared>>, %arg12: memref<!tpu.dma_semaphore, #tpu.memory_space<semaphore_mem>>, %arg13: memref<!tpu.dma_semaphore, #tpu.memory_space<semaphore_mem>>) attributes {dimension_semantics = [#tpu.dimension_semantics<core_parallel>, #tpu.dimension_semantics<subcore_parallel>], iteration_bounds = array<i64: 2, 16>, scalar_prefetch = 0 : i64, scratch_operands = 7 : i64, tpu.core_type = #tpu.core_type<sc_vector_subcore>, window_params = [{transform_indices = #map}, {transform_indices = #map}, {transform_indices = #map}, {transform_indices = #map}, {transform_indices = #map}]} {
    %mul3A = arith.constant 640 : i32
    %mul3A_0 = arith.muli %arg1, %mul3A : i32
    %mul3A_1 = arith.constant 80 : i32
    %mul3A_2 = arith.muli %arg1, %mul3A_1 : i32
    "tpu.region"() ({
      %run_scoped3A = tpu.sem_alloc : memref<!tpu.dma_semaphore, #tpu.memory_space<semaphore_mem>>
      %dma_start3A = arith.constant 0 : i32
      %dma_start3A_8 = tpu.memref_slice %arg4[%mul3A_2, %dma_start3A] : memref<1280x125xi32, #tpu.memory_space<hbm>> -> memref<80x125xi32, #tpu.memory_space<hbm>>
      %dma_start3A_9 = arith.constant 0 : i32
      %dma_start3A_10 = tpu.memref_slice %arg4[%mul3A_2, %dma_start3A_9] : memref<1280x125xi32, #tpu.memory_space<hbm>> -> memref<80x125xi32, #tpu.memory_space<hbm>>
      tpu.enqueue_dma source(%dma_start3A_10 : memref<80x125xi32, #tpu.memory_space<hbm>>) target(%arg8 : memref<80x125xi32, #tpu.memory_space<vmem>>) target_semaphore(%run_scoped3A : memref<!tpu.dma_semaphore, #tpu.memory_space<semaphore_mem>>)
      %dma_wait3A = arith.constant 0 : i32
      %dma_wait3A_11 = tpu.memref_slice %arg4[%mul3A_2, %dma_wait3A] : memref<1280x125xi32, #tpu.memory_space<hbm>> -> memref<80x125xi32, #tpu.memory_space<hbm>>
      %dma_wait3A_12 = arith.constant 0 : i32
      %dma_wait3A_13 = tpu.memref_slice %arg4[%mul3A_2, %dma_wait3A_12] : memref<1280x125xi32, #tpu.memory_space<hbm>> -> memref<80x125xi32, #tpu.memory_space<hbm>>
      tpu.wait_dma2 semaphore(%run_scoped3A : memref<!tpu.dma_semaphore, #tpu.memory_space<semaphore_mem>>) src(%dma_wait3A_13 : memref<80x125xi32, #tpu.memory_space<hbm>>) dst(%arg8 : memref<80x125xi32, #tpu.memory_space<vmem>>)
      tpu.yield
    }) : () -> ()
    %scan3A = arith.constant 0 : i32
    %scan3A_3 = arith.constant 0 : i32
    %scan3A_4 = arith.constant 8 : i32
    %scan3A_5 = arith.addi %scan3A_3, %scan3A_4 : i32
    %scan3A_6 = arith.constant 1 : i32
    scf.for %scan3A_8 = %scan3A_3 to %scan3A_5 step %scan3A_6  : i32 {
      %mul3A_9 = arith.constant 8 : i32
      %mul3A_10 = arith.muli %arg0, %mul3A_9 : i32
      %add3A = arith.addi %mul3A_10, %scan3A_8 : i32
      "tpu.region"() ({
        %run_scoped3A = tpu.sem_alloc : memref<!tpu.dma_semaphore, #tpu.memory_space<semaphore_mem>>
        %dma_start3A = arith.constant 0 : i32
        %dma_start3A_22 = tpu.memref_slice %arg11[%mul3A_0, %dma_start3A] : memref<10240x128xf32, #tpu.memory_space<vmem_shared>> -> memref<640x128xf32, #tpu.memory_space<vmem_shared>>
        %dma_start3A_23 = arith.constant 0 : i32
        %dma_start3A_24 = arith.constant 0 : i32
        %dma_start3A_25 = tpu.memref_slice %arg5[%dma_start3A_23, %dma_start3A_24] : memref<640x128xf32, #tpu.memory_space<hbm>> -> memref<640x128xf32, #tpu.memory_space<hbm>>
        tpu.enqueue_dma source(%dma_start3A_25 : memref<640x128xf32, #tpu.memory_space<hbm>>) target(%dma_start3A_22 : memref<640x128xf32, #tpu.memory_space<vmem_shared>>) target_semaphore(%run_scoped3A : memref<!tpu.dma_semaphore, #tpu.memory_space<semaphore_mem>>)
        %dma_wait3A = arith.constant 0 : i32
        %dma_wait3A_26 = tpu.memref_slice %arg11[%mul3A_0, %dma_wait3A] : memref<10240x128xf32, #tpu.memory_space<vmem_shared>> -> memref<640x128xf32, #tpu.memory_space<vmem_shared>>
        %dma_wait3A_27 = arith.constant 0 : i32
        %dma_wait3A_28 = arith.constant 0 : i32
        %dma_wait3A_29 = tpu.memref_slice %arg5[%dma_wait3A_27, %dma_wait3A_28] : memref<640x128xf32, #tpu.memory_space<hbm>> -> memref<640x128xf32, #tpu.memory_space<hbm>>
        tpu.wait_dma2 semaphore(%run_scoped3A : memref<!tpu.dma_semaphore, #tpu.memory_space<semaphore_mem>>) src(%dma_wait3A_29 : memref<640x128xf32, #tpu.memory_space<hbm>>) dst(%dma_wait3A_26 : memref<640x128xf32, #tpu.memory_space<vmem_shared>>)
        tpu.yield
      }) : () -> ()
      %barrier3A = arith.constant 0 : index
      tpu.barrier barrier_id(%barrier3A)
      %scan3A_11 = arith.constant 0 : i32
      %scan3A_12 = arith.constant 0 : i32
      %scan3A_13 = arith.constant 2 : i32
      %scan3A_14 = arith.addi %scan3A_12, %scan3A_13 : i32
      %scan3A_15 = arith.constant 1 : i32
      scf.for %scan3A_22 = %scan3A_12 to %scan3A_14 step %scan3A_15  : i32 {
        %mul3A_23 = arith.constant 16 : i32
        %mul3A_24 = arith.muli %add3A, %mul3A_23 : i32
        %add3A_25 = arith.addi %mul3A_24, %arg1 : i32
        %mul3A_26 = arith.constant 80 : i32
        %mul3A_27 = arith.muli %add3A_25, %mul3A_26 : i32
        %mul3A_28 = arith.constant 40 : i32
        %mul3A_29 = arith.muli %scan3A_22, %mul3A_28 : i32
        %add3A_30 = arith.addi %mul3A_27, %mul3A_29 : i32
        "tpu.region"() ({
          %run_scoped3A = tpu.sem_alloc : memref<!tpu.dma_semaphore, #tpu.memory_space<semaphore_mem>>
          %dma_start3A_43 = arith.constant 0 : i32
          %dma_start3A_44 = tpu.memref_slice %arg3[%add3A_30, %dma_start3A_43] : memref<20480x125xi32, #tpu.memory_space<hbm>> -> memref<40x125xi32, #tpu.memory_space<hbm>>
          %dma_start3A_45 = arith.constant 0 : i32
          %dma_start3A_46 = tpu.memref_slice %arg3[%add3A_30, %dma_start3A_45] : memref<20480x125xi32, #tpu.memory_space<hbm>> -> memref<40x125xi32, #tpu.memory_space<hbm>>
          tpu.enqueue_dma source(%dma_start3A_46 : memref<40x125xi32, #tpu.memory_space<hbm>>) target(%arg7 : memref<40x125xi32, #tpu.memory_space<vmem>>) target_semaphore(%run_scoped3A : memref<!tpu.dma_semaphore, #tpu.memory_space<semaphore_mem>>)
          %dma_wait3A = arith.constant 0 : i32
          %dma_wait3A_47 = tpu.memref_slice %arg3[%add3A_30, %dma_wait3A] : memref<20480x125xi32, #tpu.memory_space<hbm>> -> memref<40x125xi32, #tpu.memory_space<hbm>>
          %dma_wait3A_48 = arith.constant 0 : i32
          %dma_wait3A_49 = tpu.memref_slice %arg3[%add3A_30, %dma_wait3A_48] : memref<20480x125xi32, #tpu.memory_space<hbm>> -> memref<40x125xi32, #tpu.memory_space<hbm>>
          tpu.wait_dma2 semaphore(%run_scoped3A : memref<!tpu.dma_semaphore, #tpu.memory_space<semaphore_mem>>) src(%dma_wait3A_49 : memref<40x125xi32, #tpu.memory_space<hbm>>) dst(%arg7 : memref<40x125xi32, #tpu.memory_space<vmem>>)
          tpu.yield
        }) : () -> ()
        %dma_start3A = arith.constant 0 : i32
        %dma_start3A_31 = arith.constant 0 : i32
        %dma_start3A_32 = tpu.memref_slice %arg7[%dma_start3A, %dma_start3A_31] : memref<40x125xi32, #tpu.memory_space<vmem>> -> memref<1x125xi32, #tpu.memory_space<vmem>>
        %dma_start3A_33 = tpu.memref_squeeze %dma_start3A_32 : memref<1x125xi32, #tpu.memory_space<vmem>> -> memref<125xi32, #tpu.memory_space<vmem>>
        %dma_start3A_34 = arith.constant 0 : i32
        %dma_start3A_35 = arith.constant 0 : i32
        %dma_start3A_36 = tpu.memref_slice %arg2[%dma_start3A_34, %dma_start3A_35] : memref<160000x128xf32, #tpu.memory_space<hbm>> -> memref<160000x128xf32, #tpu.memory_space<hbm>>
        tpu.enqueue_indirect_dma source(%dma_start3A_36 : memref<160000x128xf32, #tpu.memory_space<hbm>>) target(%arg9 : memref<125x128xf32, #tpu.memory_space<vmem>>) offsets(%dma_start3A_33 : memref<125xi32, #tpu.memory_space<vmem>>) semaphore(%arg12 : memref<!tpu.dma_semaphore, #tpu.memory_space<semaphore_mem>>)
        %scan3A_37 = arith.constant 0 : i32
        %scan3A_38 = arith.constant 0 : i32
        %scan3A_39 = arith.constant 20 : i32
        %scan3A_40 = arith.addi %scan3A_38, %scan3A_39 : i32
        %scan3A_41 = arith.constant 1 : i32
        scf.for %scan3A_43 = %scan3A_38 to %scan3A_40 step %scan3A_41  : i32 {
          %mul3A_44 = arith.constant 2 : i32
          %mul3A_45 = arith.muli %mul3A_44, %scan3A_43 : i32
          %mul3A_46 = arith.constant 40 : i32
          %mul3A_47 = arith.muli %scan3A_22, %mul3A_46 : i32
          %add3A_48 = arith.addi %mul3A_47, %mul3A_45 : i32
          %add3A_49 = arith.constant 1 : i32
          %add3A_50 = arith.addi %mul3A_45, %add3A_49 : i32
          %dma_start3A_51 = arith.constant 0 : i32
          %dma_start3A_52 = tpu.memref_slice %arg7[%add3A_50, %dma_start3A_51] : memref<40x125xi32, #tpu.memory_space<vmem>> -> memref<1x125xi32, #tpu.memory_space<vmem>>
          %dma_start3A_53 = tpu.memref_squeeze %dma_start3A_52 : memref<1x125xi32, #tpu.memory_space<vmem>> -> memref<125xi32, #tpu.memory_space<vmem>>
          %dma_start3A_54 = arith.constant 0 : i32
          %dma_start3A_55 = arith.constant 0 : i32
          %dma_start3A_56 = tpu.memref_slice %arg2[%dma_start3A_54, %dma_start3A_55] : memref<160000x128xf32, #tpu.memory_space<hbm>> -> memref<160000x128xf32, #tpu.memory_space<hbm>>
          tpu.enqueue_indirect_dma source(%dma_start3A_56 : memref<160000x128xf32, #tpu.memory_space<hbm>>) target(%arg10 : memref<125x128xf32, #tpu.memory_space<vmem>>) offsets(%dma_start3A_53 : memref<125xi32, #tpu.memory_space<vmem>>) semaphore(%arg13 : memref<!tpu.dma_semaphore, #tpu.memory_space<semaphore_mem>>)
          %dma_wait3A = arith.constant 0 : i32
          %dma_wait3A_57 = tpu.memref_slice %arg7[%mul3A_45, %dma_wait3A] : memref<40x125xi32, #tpu.memory_space<vmem>> -> memref<1x125xi32, #tpu.memory_space<vmem>>
          %dma_wait3A_58 = tpu.memref_squeeze %dma_wait3A_57 : memref<1x125xi32, #tpu.memory_space<vmem>> -> memref<125xi32, #tpu.memory_space<vmem>>
          %dma_wait3A_59 = arith.constant 0 : i32
          %dma_wait3A_60 = arith.constant 0 : i32
          %dma_wait3A_61 = tpu.memref_slice %arg2[%dma_wait3A_59, %dma_wait3A_60] : memref<160000x128xf32, #tpu.memory_space<hbm>> -> memref<160000x128xf32, #tpu.memory_space<hbm>>
          tpu.wait_indirect_dma semaphore(%arg12 : memref<!tpu.dma_semaphore, #tpu.memory_space<semaphore_mem>>) src(%dma_wait3A_61 : memref<160000x128xf32, #tpu.memory_space<hbm>>) dst(%arg9 : memref<125x128xf32, #tpu.memory_space<vmem>>)
          "tpu.region"() ({
            %run_scoped3A = tpu.sem_alloc : memref<!tpu.dma_semaphore, #tpu.memory_space<semaphore_mem>>
            %dma_start3A_76 = arith.constant 0 : i32
            %dma_start3A_77 = tpu.memref_slice %arg8[%add3A_48, %dma_start3A_76] : memref<80x125xi32, #tpu.memory_space<vmem>> -> memref<1x125xi32, #tpu.memory_space<vmem>>
            %dma_start3A_78 = tpu.memref_squeeze %dma_start3A_77 : memref<1x125xi32, #tpu.memory_space<vmem>> -> memref<125xi32, #tpu.memory_space<vmem>>
            %dma_start3A_79 = arith.constant 0 : i32
            %dma_start3A_80 = arith.constant 0 : i32
            %dma_start3A_81 = tpu.memref_slice %arg11[%dma_start3A_79, %dma_start3A_80] : memref<10240x128xf32, #tpu.memory_space<vmem_shared>> -> memref<10240x128xf32, #tpu.memory_space<vmem_shared>>
            tpu.enqueue_indirect_dma source(%arg9 : memref<125x128xf32, #tpu.memory_space<vmem>>) target(%dma_start3A_81 : memref<10240x128xf32, #tpu.memory_space<vmem_shared>>) offsets(%dma_start3A_78 : memref<125xi32, #tpu.memory_space<vmem>>) semaphore(%run_scoped3A : memref<!tpu.dma_semaphore, #tpu.memory_space<semaphore_mem>>) {add = true}
            %dma_wait3A_82 = arith.constant 0 : i32
            %dma_wait3A_83 = tpu.memref_slice %arg8[%add3A_48, %dma_wait3A_82] : memref<80x125xi32, #tpu.memory_space<vmem>> -> memref<1x125xi32, #tpu.memory_space<vmem>>
            %dma_wait3A_84 = tpu.memref_squeeze %dma_wait3A_83 : memref<1x125xi32, #tpu.memory_space<vmem>> -> memref<125xi32, #tpu.memory_space<vmem>>
            %dma_wait3A_85 = arith.constant 0 : i32
            %dma_wait3A_86 = arith.constant 0 : i32
            %dma_wait3A_87 = tpu.memref_slice %arg11[%dma_wait3A_85, %dma_wait3A_86] : memref<10240x128xf32, #tpu.memory_space<vmem_shared>> -> memref<10240x128xf32, #tpu.memory_space<vmem_shared>>
            tpu.wait_indirect_dma semaphore(%run_scoped3A : memref<!tpu.dma_semaphore, #tpu.memory_space<semaphore_mem>>) src(%arg9 : memref<125x128xf32, #tpu.memory_space<vmem>>) dst(%dma_wait3A_87 : memref<10240x128xf32, #tpu.memory_space<vmem_shared>>)
            tpu.yield
          }) : () -> ()
          %add3A_62 = arith.constant 2 : i32
          %add3A_63 = arith.addi %mul3A_45, %add3A_62 : i32
          %lt3A = arith.constant 40 : i32
          %lt3A_64 = arith.cmpi slt, %add3A_63, %lt3A : i32
          %convert_element_type3A = arith.extui %lt3A_64 : i1 to i32
          %cond3A = arith.constant 0 : i32
          %cond3A_65 = arith.cmpi ne, %convert_element_type3A, %cond3A : i32
          scf.if %cond3A_65 {
            %add3A_76 = arith.constant 2 : i32
            %add3A_77 = arith.addi %mul3A_45, %add3A_76 : i32
            %dma_start3A_78 = arith.constant 0 : i32
            %dma_start3A_79 = tpu.memref_slice %arg7[%add3A_77, %dma_start3A_78] : memref<40x125xi32, #tpu.memory_space<vmem>> -> memref<1x125xi32, #tpu.memory_space<vmem>>
            %dma_start3A_80 = tpu.memref_squeeze %dma_start3A_79 : memref<1x125xi32, #tpu.memory_space<vmem>> -> memref<125xi32, #tpu.memory_space<vmem>>
            %dma_start3A_81 = arith.constant 0 : i32
            %dma_start3A_82 = arith.constant 0 : i32
            %dma_start3A_83 = tpu.memref_slice %arg2[%dma_start3A_81, %dma_start3A_82] : memref<160000x128xf32, #tpu.memory_space<hbm>> -> memref<160000x128xf32, #tpu.memory_space<hbm>>
            tpu.enqueue_indirect_dma source(%dma_start3A_83 : memref<160000x128xf32, #tpu.memory_space<hbm>>) target(%arg9 : memref<125x128xf32, #tpu.memory_space<vmem>>) offsets(%dma_start3A_80 : memref<125xi32, #tpu.memory_space<vmem>>) semaphore(%arg12 : memref<!tpu.dma_semaphore, #tpu.memory_space<semaphore_mem>>)
          } else {
          }
          %add3A_66 = arith.constant 1 : i32
          %add3A_67 = arith.addi %mul3A_45, %add3A_66 : i32
          %dma_wait3A_68 = arith.constant 0 : i32
          %dma_wait3A_69 = tpu.memref_slice %arg7[%add3A_67, %dma_wait3A_68] : memref<40x125xi32, #tpu.memory_space<vmem>> -> memref<1x125xi32, #tpu.memory_space<vmem>>
          %dma_wait3A_70 = tpu.memref_squeeze %dma_wait3A_69 : memref<1x125xi32, #tpu.memory_space<vmem>> -> memref<125xi32, #tpu.memory_space<vmem>>
          %dma_wait3A_71 = arith.constant 0 : i32
          %dma_wait3A_72 = arith.constant 0 : i32
          %dma_wait3A_73 = tpu.memref_slice %arg2[%dma_wait3A_71, %dma_wait3A_72] : memref<160000x128xf32, #tpu.memory_space<hbm>> -> memref<160000x128xf32, #tpu.memory_space<hbm>>
          tpu.wait_indirect_dma semaphore(%arg13 : memref<!tpu.dma_semaphore, #tpu.memory_space<semaphore_mem>>) src(%dma_wait3A_73 : memref<160000x128xf32, #tpu.memory_space<hbm>>) dst(%arg10 : memref<125x128xf32, #tpu.memory_space<vmem>>)
          %add3A_74 = arith.constant 1 : i32
          %add3A_75 = arith.addi %add3A_48, %add3A_74 : i32
          "tpu.region"() ({
            %run_scoped3A = tpu.sem_alloc : memref<!tpu.dma_semaphore, #tpu.memory_space<semaphore_mem>>
            %dma_start3A_76 = arith.constant 0 : i32
            %dma_start3A_77 = tpu.memref_slice %arg8[%add3A_75, %dma_start3A_76] : memref<80x125xi32, #tpu.memory_space<vmem>> -> memref<1x125xi32, #tpu.memory_space<vmem>>
            %dma_start3A_78 = tpu.memref_squeeze %dma_start3A_77 : memref<1x125xi32, #tpu.memory_space<vmem>> -> memref<125xi32, #tpu.memory_space<vmem>>
            %dma_start3A_79 = arith.constant 0 : i32
            %dma_start3A_80 = arith.constant 0 : i32
            %dma_start3A_81 = tpu.memref_slice %arg11[%dma_start3A_79, %dma_start3A_80] : memref<10240x128xf32, #tpu.memory_space<vmem_shared>> -> memref<10240x128xf32, #tpu.memory_space<vmem_shared>>
            tpu.enqueue_indirect_dma source(%arg10 : memref<125x128xf32, #tpu.memory_space<vmem>>) target(%dma_start3A_81 : memref<10240x128xf32, #tpu.memory_space<vmem_shared>>) offsets(%dma_start3A_78 : memref<125xi32, #tpu.memory_space<vmem>>) semaphore(%run_scoped3A : memref<!tpu.dma_semaphore, #tpu.memory_space<semaphore_mem>>) {add = true}
            %dma_wait3A_82 = arith.constant 0 : i32
            %dma_wait3A_83 = tpu.memref_slice %arg8[%add3A_75, %dma_wait3A_82] : memref<80x125xi32, #tpu.memory_space<vmem>> -> memref<1x125xi32, #tpu.memory_space<vmem>>
            %dma_wait3A_84 = tpu.memref_squeeze %dma_wait3A_83 : memref<1x125xi32, #tpu.memory_space<vmem>> -> memref<125xi32, #tpu.memory_space<vmem>>
            %dma_wait3A_85 = arith.constant 0 : i32
            %dma_wait3A_86 = arith.constant 0 : i32
            %dma_wait3A_87 = tpu.memref_slice %arg11[%dma_wait3A_85, %dma_wait3A_86] : memref<10240x128xf32, #tpu.memory_space<vmem_shared>> -> memref<10240x128xf32, #tpu.memory_space<vmem_shared>>
            tpu.wait_indirect_dma semaphore(%run_scoped3A : memref<!tpu.dma_semaphore, #tpu.memory_space<semaphore_mem>>) src(%arg10 : memref<125x128xf32, #tpu.memory_space<vmem>>) dst(%dma_wait3A_87 : memref<10240x128xf32, #tpu.memory_space<vmem_shared>>)
            tpu.yield
          }) : () -> ()
        }
        %scan3A_42 = arith.constant 20 : i32
      }
      %scan3A_16 = arith.constant 2 : i32
      %barrier3A_17 = arith.constant 0 : index
      tpu.barrier barrier_id(%barrier3A_17)
      %mul3A_18 = arith.constant 10240 : i32
      %mul3A_19 = arith.muli %add3A, %mul3A_18 : i32
      %add3A_20 = arith.addi %mul3A_19, %mul3A_0 : i32
      "tpu.region"() ({
        %run_scoped3A = tpu.sem_alloc : memref<!tpu.dma_semaphore, #tpu.memory_space<semaphore_mem>>
        %dma_start3A = arith.constant 0 : i32
        %dma_start3A_22 = tpu.memref_slice %arg6[%add3A_20, %dma_start3A] : memref<163840x128xf32, #tpu.memory_space<hbm>> -> memref<640x128xf32, #tpu.memory_space<hbm>>
        %dma_start3A_23 = arith.constant 0 : i32
        %dma_start3A_24 = tpu.memref_slice %arg11[%mul3A_0, %dma_start3A_23] : memref<10240x128xf32, #tpu.memory_space<vmem_shared>> -> memref<640x128xf32, #tpu.memory_space<vmem_shared>>
        tpu.enqueue_dma source(%dma_start3A_24 : memref<640x128xf32, #tpu.memory_space<vmem_shared>>) target(%dma_start3A_22 : memref<640x128xf32, #tpu.memory_space<hbm>>) target_semaphore(%run_scoped3A : memref<!tpu.dma_semaphore, #tpu.memory_space<semaphore_mem>>)
        %dma_wait3A = arith.constant 0 : i32
        %dma_wait3A_25 = tpu.memref_slice %arg6[%add3A_20, %dma_wait3A] : memref<163840x128xf32, #tpu.memory_space<hbm>> -> memref<640x128xf32, #tpu.memory_space<hbm>>
        %dma_wait3A_26 = arith.constant 0 : i32
        %dma_wait3A_27 = tpu.memref_slice %arg11[%mul3A_0, %dma_wait3A_26] : memref<10240x128xf32, #tpu.memory_space<vmem_shared>> -> memref<640x128xf32, #tpu.memory_space<vmem_shared>>
        tpu.wait_dma2 semaphore(%run_scoped3A : memref<!tpu.dma_semaphore, #tpu.memory_space<semaphore_mem>>) src(%dma_wait3A_27 : memref<640x128xf32, #tpu.memory_space<vmem_shared>>) dst(%dma_wait3A_25 : memref<640x128xf32, #tpu.memory_space<hbm>>)
        tpu.yield
      }) : () -> ()
      %barrier3A_21 = arith.constant 0 : index
      tpu.barrier barrier_id(%barrier3A_21)
    }
    %scan3A_7 = arith.constant 8 : i32
    return
  }
}

#map = affine_map<(d0, d1) -> (0, 0)>
module attributes {stable_mosaic.version = 14 : i64} {
  func.func @k(%arg0: i32, %arg1: i32, %arg2: memref<160000x128xf32, #tpu.memory_space<hbm>>, %arg3: memref<20480x125xi32, #tpu.memory_space<hbm>>, %arg4: memref<1280x125xi32, #tpu.memory_space<hbm>>, %arg5: memref<640x128xf32, #tpu.memory_space<hbm>>, %arg6: memref<163840x128xf32, #tpu.memory_space<hbm>>, %arg7: memref<40x125xi32, #tpu.memory_space<vmem>>, %arg8: memref<80x125xi32, #tpu.memory_space<vmem>>, %arg9: memref<125x128xf32, #tpu.memory_space<vmem>>, %arg10: memref<125x128xf32, #tpu.memory_space<vmem>>, %arg11: memref<10240x128xf32, #tpu.memory_space<vmem_shared>>, %arg12: memref<!tpu.dma_semaphore, #tpu.memory_space<semaphore_mem>>, %arg13: memref<!tpu.dma_semaphore, #tpu.memory_space<semaphore_mem>>) attributes {dimension_semantics = [#tpu.dimension_semantics<core_parallel>, #tpu.dimension_semantics<subcore_parallel>], iteration_bounds = array<i64: 2, 16>, scalar_prefetch = 0 : i64, scratch_operands = 7 : i64, tpu.core_type = #tpu.core_type<sc_vector_subcore>, window_params = [{transform_indices = #map}, {transform_indices = #map}, {transform_indices = #map}, {transform_indices = #map}, {transform_indices = #map}]} {
    %mul3A = arith.constant 640 : i32
    %mul3A_0 = arith.muli %arg1, %mul3A : i32
    %mul3A_1 = arith.constant 80 : i32
    %mul3A_2 = arith.muli %arg1, %mul3A_1 : i32
    "tpu.region"() ({
      %run_scoped3A = tpu.sem_alloc : memref<!tpu.dma_semaphore, #tpu.memory_space<semaphore_mem>>
      %dma_start3A = arith.constant 0 : i32
      %dma_start3A_8 = tpu.memref_slice %arg4[%mul3A_2, %dma_start3A] : memref<1280x125xi32, #tpu.memory_space<hbm>> -> memref<80x125xi32, #tpu.memory_space<hbm>>
      %dma_start3A_9 = arith.constant 0 : i32
      %dma_start3A_10 = tpu.memref_slice %arg4[%mul3A_2, %dma_start3A_9] : memref<1280x125xi32, #tpu.memory_space<hbm>> -> memref<80x125xi32, #tpu.memory_space<hbm>>
      tpu.enqueue_dma source(%dma_start3A_10 : memref<80x125xi32, #tpu.memory_space<hbm>>) target(%arg8 : memref<80x125xi32, #tpu.memory_space<vmem>>) target_semaphore(%run_scoped3A : memref<!tpu.dma_semaphore, #tpu.memory_space<semaphore_mem>>)
      %dma_wait3A = arith.constant 0 : i32
      %dma_wait3A_11 = tpu.memref_slice %arg4[%mul3A_2, %dma_wait3A] : memref<1280x125xi32, #tpu.memory_space<hbm>> -> memref<80x125xi32, #tpu.memory_space<hbm>>
      %dma_wait3A_12 = arith.constant 0 : i32
      %dma_wait3A_13 = tpu.memref_slice %arg4[%mul3A_2, %dma_wait3A_12] : memref<1280x125xi32, #tpu.memory_space<hbm>> -> memref<80x125xi32, #tpu.memory_space<hbm>>
      tpu.wait_dma2 semaphore(%run_scoped3A : memref<!tpu.dma_semaphore, #tpu.memory_space<semaphore_mem>>) src(%dma_wait3A_13 : memref<80x125xi32, #tpu.memory_space<hbm>>) dst(%arg8 : memref<80x125xi32, #tpu.memory_space<vmem>>)
      tpu.yield
    }) : () -> ()
    %scan3A = arith.constant 0 : i32
    %scan3A_3 = arith.constant 0 : i32
    %scan3A_4 = arith.constant 8 : i32
    %scan3A_5 = arith.addi %scan3A_3, %scan3A_4 : i32
    %scan3A_6 = arith.constant 1 : i32
    scf.for %scan3A_8 = %scan3A_3 to %scan3A_5 step %scan3A_6  : i32 {
      %mul3A_9 = arith.constant 8 : i32
      %mul3A_10 = arith.muli %arg0, %mul3A_9 : i32
      %add3A = arith.addi %mul3A_10, %scan3A_8 : i32
      "tpu.region"() ({
        %run_scoped3A = tpu.sem_alloc : memref<!tpu.dma_semaphore, #tpu.memory_space<semaphore_mem>>
        %dma_start3A = arith.constant 0 : i32
        %dma_start3A_22 = tpu.memref_slice %arg11[%mul3A_0, %dma_start3A] : memref<10240x128xf32, #tpu.memory_space<vmem_shared>> -> memref<640x128xf32, #tpu.memory_space<vmem_shared>>
        %dma_start3A_23 = arith.constant 0 : i32
        %dma_start3A_24 = arith.constant 0 : i32
        %dma_start3A_25 = tpu.memref_slice %arg5[%dma_start3A_23, %dma_start3A_24] : memref<640x128xf32, #tpu.memory_space<hbm>> -> memref<640x128xf32, #tpu.memory_space<hbm>>
        tpu.enqueue_dma source(%dma_start3A_25 : memref<640x128xf32, #tpu.memory_space<hbm>>) target(%dma_start3A_22 : memref<640x128xf32, #tpu.memory_space<vmem_shared>>) target_semaphore(%run_scoped3A : memref<!tpu.dma_semaphore, #tpu.memory_space<semaphore_mem>>)
        %dma_wait3A = arith.constant 0 : i32
        %dma_wait3A_26 = tpu.memref_slice %arg11[%mul3A_0, %dma_wait3A] : memref<10240x128xf32, #tpu.memory_space<vmem_shared>> -> memref<640x128xf32, #tpu.memory_space<vmem_shared>>
        %dma_wait3A_27 = arith.constant 0 : i32
        %dma_wait3A_28 = arith.constant 0 : i32
        %dma_wait3A_29 = tpu.memref_slice %arg5[%dma_wait3A_27, %dma_wait3A_28] : memref<640x128xf32, #tpu.memory_space<hbm>> -> memref<640x128xf32, #tpu.memory_space<hbm>>
        tpu.wait_dma2 semaphore(%run_scoped3A : memref<!tpu.dma_semaphore, #tpu.memory_space<semaphore_mem>>) src(%dma_wait3A_29 : memref<640x128xf32, #tpu.memory_space<hbm>>) dst(%dma_wait3A_26 : memref<640x128xf32, #tpu.memory_space<vmem_shared>>)
        tpu.yield
      }) : () -> ()
      %barrier3A = arith.constant 0 : index
      tpu.barrier barrier_id(%barrier3A)
      %scan3A_11 = arith.constant 0 : i32
      %scan3A_12 = arith.constant 0 : i32
      %scan3A_13 = arith.constant 2 : i32
      %scan3A_14 = arith.addi %scan3A_12, %scan3A_13 : i32
      %scan3A_15 = arith.constant 1 : i32
      scf.for %scan3A_22 = %scan3A_12 to %scan3A_14 step %scan3A_15  : i32 {
        %mul3A_23 = arith.constant 16 : i32
        %mul3A_24 = arith.muli %add3A, %mul3A_23 : i32
        %add3A_25 = arith.addi %mul3A_24, %arg1 : i32
        %mul3A_26 = arith.constant 80 : i32
        %mul3A_27 = arith.muli %add3A_25, %mul3A_26 : i32
        %mul3A_28 = arith.constant 40 : i32
        %mul3A_29 = arith.muli %scan3A_22, %mul3A_28 : i32
        %add3A_30 = arith.addi %mul3A_27, %mul3A_29 : i32
        "tpu.region"() ({
          %run_scoped3A = tpu.sem_alloc : memref<!tpu.dma_semaphore, #tpu.memory_space<semaphore_mem>>
          %dma_start3A_43 = arith.constant 0 : i32
          %dma_start3A_44 = tpu.memref_slice %arg3[%add3A_30, %dma_start3A_43] : memref<20480x125xi32, #tpu.memory_space<hbm>> -> memref<40x125xi32, #tpu.memory_space<hbm>>
          %dma_start3A_45 = arith.constant 0 : i32
          %dma_start3A_46 = tpu.memref_slice %arg3[%add3A_30, %dma_start3A_45] : memref<20480x125xi32, #tpu.memory_space<hbm>> -> memref<40x125xi32, #tpu.memory_space<hbm>>
          tpu.enqueue_dma source(%dma_start3A_46 : memref<40x125xi32, #tpu.memory_space<hbm>>) target(%arg7 : memref<40x125xi32, #tpu.memory_space<vmem>>) target_semaphore(%run_scoped3A : memref<!tpu.dma_semaphore, #tpu.memory_space<semaphore_mem>>)
          %dma_wait3A = arith.constant 0 : i32
          %dma_wait3A_47 = tpu.memref_slice %arg3[%add3A_30, %dma_wait3A] : memref<20480x125xi32, #tpu.memory_space<hbm>> -> memref<40x125xi32, #tpu.memory_space<hbm>>
          %dma_wait3A_48 = arith.constant 0 : i32
          %dma_wait3A_49 = tpu.memref_slice %arg3[%add3A_30, %dma_wait3A_48] : memref<20480x125xi32, #tpu.memory_space<hbm>> -> memref<40x125xi32, #tpu.memory_space<hbm>>
          tpu.wait_dma2 semaphore(%run_scoped3A : memref<!tpu.dma_semaphore, #tpu.memory_space<semaphore_mem>>) src(%dma_wait3A_49 : memref<40x125xi32, #tpu.memory_space<hbm>>) dst(%arg7 : memref<40x125xi32, #tpu.memory_space<vmem>>)
          tpu.yield
        }) : () -> ()
        %dma_start3A = arith.constant 0 : i32
        %dma_start3A_31 = arith.constant 0 : i32
        %dma_start3A_32 = tpu.memref_slice %arg7[%dma_start3A, %dma_start3A_31] : memref<40x125xi32, #tpu.memory_space<vmem>> -> memref<1x125xi32, #tpu.memory_space<vmem>>
        %dma_start3A_33 = tpu.memref_squeeze %dma_start3A_32 : memref<1x125xi32, #tpu.memory_space<vmem>> -> memref<125xi32, #tpu.memory_space<vmem>>
        %dma_start3A_34 = arith.constant 0 : i32
        %dma_start3A_35 = arith.constant 0 : i32
        %dma_start3A_36 = tpu.memref_slice %arg2[%dma_start3A_34, %dma_start3A_35] : memref<160000x128xf32, #tpu.memory_space<hbm>> -> memref<160000x128xf32, #tpu.memory_space<hbm>>
        tpu.enqueue_indirect_dma source(%dma_start3A_36 : memref<160000x128xf32, #tpu.memory_space<hbm>>) target(%arg9 : memref<125x128xf32, #tpu.memory_space<vmem>>) offsets(%dma_start3A_33 : memref<125xi32, #tpu.memory_space<vmem>>) semaphore(%arg12 : memref<!tpu.dma_semaphore, #tpu.memory_space<semaphore_mem>>)
        %scan3A_37 = arith.constant 0 : i32
        %scan3A_38 = arith.constant 0 : i32
        %scan3A_39 = arith.constant 20 : i32
        %scan3A_40 = arith.addi %scan3A_38, %scan3A_39 : i32
        %scan3A_41 = arith.constant 1 : i32
        scf.for %scan3A_43 = %scan3A_38 to %scan3A_40 step %scan3A_41  : i32 {
          %mul3A_44 = arith.constant 2 : i32
          %mul3A_45 = arith.muli %mul3A_44, %scan3A_43 : i32
          %mul3A_46 = arith.constant 40 : i32
          %mul3A_47 = arith.muli %scan3A_22, %mul3A_46 : i32
          %add3A_48 = arith.addi %mul3A_47, %mul3A_45 : i32
          %add3A_49 = arith.constant 1 : i32
          %add3A_50 = arith.addi %mul3A_45, %add3A_49 : i32
          %dma_start3A_51 = arith.constant 0 : i32
          %dma_start3A_52 = tpu.memref_slice %arg7[%add3A_50, %dma_start3A_51] : memref<40x125xi32, #tpu.memory_space<vmem>> -> memref<1x125xi32, #tpu.memory_space<vmem>>
          %dma_start3A_53 = tpu.memref_squeeze %dma_start3A_52 : memref<1x125xi32, #tpu.memory_space<vmem>> -> memref<125xi32, #tpu.memory_space<vmem>>
          %dma_start3A_54 = arith.constant 0 : i32
          %dma_start3A_55 = arith.constant 0 : i32
          %dma_start3A_56 = tpu.memref_slice %arg2[%dma_start3A_54, %dma_start3A_55] : memref<160000x128xf32, #tpu.memory_space<hbm>> -> memref<160000x128xf32, #tpu.memory_space<hbm>>
          tpu.enqueue_indirect_dma source(%dma_start3A_56 : memref<160000x128xf32, #tpu.memory_space<hbm>>) target(%arg10 : memref<125x128xf32, #tpu.memory_space<vmem>>) offsets(%dma_start3A_53 : memref<125xi32, #tpu.memory_space<vmem>>) semaphore(%arg13 : memref<!tpu.dma_semaphore, #tpu.memory_space<semaphore_mem>>)
          %dma_wait3A = arith.constant 0 : i32
          %dma_wait3A_57 = tpu.memref_slice %arg7[%mul3A_45, %dma_wait3A] : memref<40x125xi32, #tpu.memory_space<vmem>> -> memref<1x125xi32, #tpu.memory_space<vmem>>
          %dma_wait3A_58 = tpu.memref_squeeze %dma_wait3A_57 : memref<1x125xi32, #tpu.memory_space<vmem>> -> memref<125xi32, #tpu.memory_space<vmem>>
          %dma_wait3A_59 = arith.constant 0 : i32
          %dma_wait3A_60 = arith.constant 0 : i32
          %dma_wait3A_61 = tpu.memref_slice %arg2[%dma_wait3A_59, %dma_wait3A_60] : memref<160000x128xf32, #tpu.memory_space<hbm>> -> memref<160000x128xf32, #tpu.memory_space<hbm>>
          tpu.wait_indirect_dma semaphore(%arg12 : memref<!tpu.dma_semaphore, #tpu.memory_space<semaphore_mem>>) src(%dma_wait3A_61 : memref<160000x128xf32, #tpu.memory_space<hbm>>) dst(%arg9 : memref<125x128xf32, #tpu.memory_space<vmem>>)
          "tpu.region"() ({
            %run_scoped3A = tpu.sem_alloc : memref<!tpu.dma_semaphore, #tpu.memory_space<semaphore_mem>>
            %dma_start3A_76 = arith.constant 0 : i32
            %dma_start3A_77 = tpu.memref_slice %arg8[%add3A_48, %dma_start3A_76] : memref<80x125xi32, #tpu.memory_space<vmem>> -> memref<1x125xi32, #tpu.memory_space<vmem>>
            %dma_start3A_78 = tpu.memref_squeeze %dma_start3A_77 : memref<1x125xi32, #tpu.memory_space<vmem>> -> memref<125xi32, #tpu.memory_space<vmem>>
            %dma_start3A_79 = arith.constant 0 : i32
            %dma_start3A_80 = arith.constant 0 : i32
            %dma_start3A_81 = tpu.memref_slice %arg11[%dma_start3A_79, %dma_start3A_80] : memref<10240x128xf32, #tpu.memory_space<vmem_shared>> -> memref<10240x128xf32, #tpu.memory_space<vmem_shared>>
            tpu.enqueue_indirect_dma source(%arg9 : memref<125x128xf32, #tpu.memory_space<vmem>>) target(%dma_start3A_81 : memref<10240x128xf32, #tpu.memory_space<vmem_shared>>) offsets(%dma_start3A_78 : memref<125xi32, #tpu.memory_space<vmem>>) semaphore(%run_scoped3A : memref<!tpu.dma_semaphore, #tpu.memory_space<semaphore_mem>>) {add = true}
            %dma_wait3A_82 = arith.constant 0 : i32
            %dma_wait3A_83 = tpu.memref_slice %arg8[%add3A_48, %dma_wait3A_82] : memref<80x125xi32, #tpu.memory_space<vmem>> -> memref<1x125xi32, #tpu.memory_space<vmem>>
            %dma_wait3A_84 = tpu.memref_squeeze %dma_wait3A_83 : memref<1x125xi32, #tpu.memory_space<vmem>> -> memref<125xi32, #tpu.memory_space<vmem>>
            %dma_wait3A_85 = arith.constant 0 : i32
            %dma_wait3A_86 = arith.constant 0 : i32
            %dma_wait3A_87 = tpu.memref_slice %arg11[%dma_wait3A_85, %dma_wait3A_86] : memref<10240x128xf32, #tpu.memory_space<vmem_shared>> -> memref<10240x128xf32, #tpu.memory_space<vmem_shared>>
            tpu.wait_indirect_dma semaphore(%run_scoped3A : memref<!tpu.dma_semaphore, #tpu.memory_space<semaphore_mem>>) src(%arg9 : memref<125x128xf32, #tpu.memory_space<vmem>>) dst(%dma_wait3A_87 : memref<10240x128xf32, #tpu.memory_space<vmem_shared>>)
            tpu.yield
          }) : () -> ()
          %add3A_62 = arith.constant 2 : i32
          %add3A_63 = arith.addi %mul3A_45, %add3A_62 : i32
          %lt3A = arith.constant 40 : i32
          %lt3A_64 = arith.cmpi slt, %add3A_63, %lt3A : i32
          %convert_element_type3A = arith.extui %lt3A_64 : i1 to i32
          %cond3A = arith.constant 0 : i32
          %cond3A_65 = arith.cmpi ne, %convert_element_type3A, %cond3A : i32
          scf.if %cond3A_65 {
            %add3A_76 = arith.constant 2 : i32
            %add3A_77 = arith.addi %mul3A_45, %add3A_76 : i32
            %dma_start3A_78 = arith.constant 0 : i32
            %dma_start3A_79 = tpu.memref_slice %arg7[%add3A_77, %dma_start3A_78] : memref<40x125xi32, #tpu.memory_space<vmem>> -> memref<1x125xi32, #tpu.memory_space<vmem>>
            %dma_start3A_80 = tpu.memref_squeeze %dma_start3A_79 : memref<1x125xi32, #tpu.memory_space<vmem>> -> memref<125xi32, #tpu.memory_space<vmem>>
            %dma_start3A_81 = arith.constant 0 : i32
            %dma_start3A_82 = arith.constant 0 : i32
            %dma_start3A_83 = tpu.memref_slice %arg2[%dma_start3A_81, %dma_start3A_82] : memref<160000x128xf32, #tpu.memory_space<hbm>> -> memref<160000x128xf32, #tpu.memory_space<hbm>>
            tpu.enqueue_indirect_dma source(%dma_start3A_83 : memref<160000x128xf32, #tpu.memory_space<hbm>>) target(%arg9 : memref<125x128xf32, #tpu.memory_space<vmem>>) offsets(%dma_start3A_80 : memref<125xi32, #tpu.memory_space<vmem>>) semaphore(%arg12 : memref<!tpu.dma_semaphore, #tpu.memory_space<semaphore_mem>>)
          } else {
          }
          %add3A_66 = arith.constant 1 : i32
          %add3A_67 = arith.addi %mul3A_45, %add3A_66 : i32
          %dma_wait3A_68 = arith.constant 0 : i32
          %dma_wait3A_69 = tpu.memref_slice %arg7[%add3A_67, %dma_wait3A_68] : memref<40x125xi32, #tpu.memory_space<vmem>> -> memref<1x125xi32, #tpu.memory_space<vmem>>
          %dma_wait3A_70 = tpu.memref_squeeze %dma_wait3A_69 : memref<1x125xi32, #tpu.memory_space<vmem>> -> memref<125xi32, #tpu.memory_space<vmem>>
          %dma_wait3A_71 = arith.constant 0 : i32
          %dma_wait3A_72 = arith.constant 0 : i32
          %dma_wait3A_73 = tpu.memref_slice %arg2[%dma_wait3A_71, %dma_wait3A_72] : memref<160000x128xf32, #tpu.memory_space<hbm>> -> memref<160000x128xf32, #tpu.memory_space<hbm>>
          tpu.wait_indirect_dma semaphore(%arg13 : memref<!tpu.dma_semaphore, #tpu.memory_space<semaphore_mem>>) src(%dma_wait3A_73 : memref<160000x128xf32, #tpu.memory_space<hbm>>) dst(%arg10 : memref<125x128xf32, #tpu.memory_space<vmem>>)
          %add3A_74 = arith.constant 1 : i32
          %add3A_75 = arith.addi %add3A_48, %add3A_74 : i32
          "tpu.region"() ({
            %run_scoped3A = tpu.sem_alloc : memref<!tpu.dma_semaphore, #tpu.memory_space<semaphore_mem>>
            %dma_start3A_76 = arith.constant 0 : i32
            %dma_start3A_77 = tpu.memref_slice %arg8[%add3A_75, %dma_start3A_76] : memref<80x125xi32, #tpu.memory_space<vmem>> -> memref<1x125xi32, #tpu.memory_space<vmem>>
            %dma_start3A_78 = tpu.memref_squeeze %dma_start3A_77 : memref<1x125xi32, #tpu.memory_space<vmem>> -> memref<125xi32, #tpu.memory_space<vmem>>
            %dma_start3A_79 = arith.constant 0 : i32
            %dma_start3A_80 = arith.constant 0 : i32
            %dma_start3A_81 = tpu.memref_slice %arg11[%dma_start3A_79, %dma_start3A_80] : memref<10240x128xf32, #tpu.memory_space<vmem_shared>> -> memref<10240x128xf32, #tpu.memory_space<vmem_shared>>
            tpu.enqueue_indirect_dma source(%arg10 : memref<125x128xf32, #tpu.memory_space<vmem>>) target(%dma_start3A_81 : memref<10240x128xf32, #tpu.memory_space<vmem_shared>>) offsets(%dma_start3A_78 : memref<125xi32, #tpu.memory_space<vmem>>) semaphore(%run_scoped3A : memref<!tpu.dma_semaphore, #tpu.memory_space<semaphore_mem>>) {add = true}
            %dma_wait3A_82 = arith.constant 0 : i32
            %dma_wait3A_83 = tpu.memref_slice %arg8[%add3A_75, %dma_wait3A_82] : memref<80x125xi32, #tpu.memory_space<vmem>> -> memref<1x125xi32, #tpu.memory_space<vmem>>
            %dma_wait3A_84 = tpu.memref_squeeze %dma_wait3A_83 : memref<1x125xi32, #tpu.memory_space<vmem>> -> memref<125xi32, #tpu.memory_space<vmem>>
            %dma_wait3A_85 = arith.constant 0 : i32
            %dma_wait3A_86 = arith.constant 0 : i32
            %dma_wait3A_87 = tpu.memref_slice %arg11[%dma_wait3A_85, %dma_wait3A_86] : memref<10240x128xf32, #tpu.memory_space<vmem_shared>> -> memref<10240x128xf32, #tpu.memory_space<vmem_shared>>
            tpu.wait_indirect_dma semaphore(%run_scoped3A : memref<!tpu.dma_semaphore, #tpu.memory_space<semaphore_mem>>) src(%arg10 : memref<125x128xf32, #tpu.memory_space<vmem>>) dst(%dma_wait3A_87 : memref<10240x128xf32, #tpu.memory_space<vmem_shared>>)
            tpu.yield
          }) : () -> ()
        }
        %scan3A_42 = arith.constant 20 : i32
      }
      %scan3A_16 = arith.constant 2 : i32
      %barrier3A_17 = arith.constant 0 : index
      tpu.barrier barrier_id(%barrier3A_17)
      %mul3A_18 = arith.constant 10240 : i32
      %mul3A_19 = arith.muli %add3A, %mul3A_18 : i32
      %add3A_20 = arith.addi %mul3A_19, %mul3A_0 : i32
      "tpu.region"() ({
        %run_scoped3A = tpu.sem_alloc : memref<!tpu.dma_semaphore, #tpu.memory_space<semaphore_mem>>
        %dma_start3A = arith.constant 0 : i32
        %dma_start3A_22 = tpu.memref_slice %arg6[%add3A_20, %dma_start3A] : memref<163840x128xf32, #tpu.memory_space<hbm>> -> memref<640x128xf32, #tpu.memory_space<hbm>>
        %dma_start3A_23 = arith.constant 0 : i32
        %dma_start3A_24 = tpu.memref_slice %arg11[%mul3A_0, %dma_start3A_23] : memref<10240x128xf32, #tpu.memory_space<vmem_shared>> -> memref<640x128xf32, #tpu.memory_space<vmem_shared>>
        tpu.enqueue_dma source(%dma_start3A_24 : memref<640x128xf32, #tpu.memory_space<vmem_shared>>) target(%dma_start3A_22 : memref<640x128xf32, #tpu.memory_space<hbm>>) target_semaphore(%run_scoped3A : memref<!tpu.dma_semaphore, #tpu.memory_space<semaphore_mem>>)
        %dma_wait3A = arith.constant 0 : i32
        %dma_wait3A_25 = tpu.memref_slice %arg6[%add3A_20, %dma_wait3A] : memref<163840x128xf32, #tpu.memory_space<hbm>> -> memref<640x128xf32, #tpu.memory_space<hbm>>
        %dma_wait3A_26 = arith.constant 0 : i32
        %dma_wait3A_27 = tpu.memref_slice %arg11[%mul3A_0, %dma_wait3A_26] : memref<10240x128xf32, #tpu.memory_space<vmem_shared>> -> memref<640x128xf32, #tpu.memory_space<vmem_shared>>
        tpu.wait_dma2 semaphore(%run_scoped3A : memref<!tpu.dma_semaphore, #tpu.memory_space<semaphore_mem>>) src(%dma_wait3A_27 : memref<640x128xf32, #tpu.memory_space<vmem_shared>>) dst(%dma_wait3A_25 : memref<640x128xf32, #tpu.memory_space<hbm>>)
        tpu.yield
      }) : () -> ()
      %barrier3A_21 = arith.constant 0 : index
      tpu.barrier barrier_id(%barrier3A_21)
    }
    %scan3A_7 = arith.constant 8 : i32
    return
  }
}

#map = affine_map<(d0, d1) -> (0, 0)>
module attributes {stable_mosaic.version = 14 : i64} {
  func.func @k(%arg0: i32, %arg1: i32, %arg2: memref<10000x128xf32, #tpu.memory_space<hbm>>, %arg3: memref<1280x125xi32, #tpu.memory_space<hbm>>, %arg4: memref<1280x125xi32, #tpu.memory_space<hbm>>, %arg5: memref<640x128xf32, #tpu.memory_space<hbm>>, %arg6: memref<20480x128xf32, #tpu.memory_space<hbm>>, %arg7: memref<40x125xi32, #tpu.memory_space<vmem>>, %arg8: memref<40x125xi32, #tpu.memory_space<vmem>>, %arg9: memref<125x128xf32, #tpu.memory_space<vmem>>, %arg10: memref<125x128xf32, #tpu.memory_space<vmem>>, %arg11: memref<10240x128xf32, #tpu.memory_space<vmem_shared>>, %arg12: memref<!tpu.dma_semaphore, #tpu.memory_space<semaphore_mem>>, %arg13: memref<!tpu.dma_semaphore, #tpu.memory_space<semaphore_mem>>) attributes {dimension_semantics = [#tpu.dimension_semantics<core_parallel>, #tpu.dimension_semantics<subcore_parallel>], iteration_bounds = array<i64: 2, 16>, scalar_prefetch = 0 : i64, scratch_operands = 7 : i64, tpu.core_type = #tpu.core_type<sc_vector_subcore>, window_params = [{transform_indices = #map}, {transform_indices = #map}, {transform_indices = #map}, {transform_indices = #map}, {transform_indices = #map}]} {
    %mul3A = arith.constant 640 : i32
    %mul3A_0 = arith.muli %arg1, %mul3A : i32
    %mul3A_1 = arith.constant 16 : i32
    %mul3A_2 = arith.muli %arg0, %mul3A_1 : i32
    %add3A = arith.addi %mul3A_2, %arg1 : i32
    %mul3A_3 = arith.constant 40 : i32
    %mul3A_4 = arith.muli %add3A, %mul3A_3 : i32
    "tpu.region"() ({
      %run_scoped3A = tpu.sem_alloc : memref<!tpu.dma_semaphore, #tpu.memory_space<semaphore_mem>>
      %dma_start3A_20 = arith.constant 0 : i32
      %dma_start3A_21 = tpu.memref_slice %arg3[%mul3A_4, %dma_start3A_20] : memref<1280x125xi32, #tpu.memory_space<hbm>> -> memref<40x125xi32, #tpu.memory_space<hbm>>
      %dma_start3A_22 = arith.constant 0 : i32
      %dma_start3A_23 = tpu.memref_slice %arg3[%mul3A_4, %dma_start3A_22] : memref<1280x125xi32, #tpu.memory_space<hbm>> -> memref<40x125xi32, #tpu.memory_space<hbm>>
      tpu.enqueue_dma source(%dma_start3A_23 : memref<40x125xi32, #tpu.memory_space<hbm>>) target(%arg7 : memref<40x125xi32, #tpu.memory_space<vmem>>) target_semaphore(%run_scoped3A : memref<!tpu.dma_semaphore, #tpu.memory_space<semaphore_mem>>)
      %dma_wait3A = arith.constant 0 : i32
      %dma_wait3A_24 = tpu.memref_slice %arg3[%mul3A_4, %dma_wait3A] : memref<1280x125xi32, #tpu.memory_space<hbm>> -> memref<40x125xi32, #tpu.memory_space<hbm>>
      %dma_wait3A_25 = arith.constant 0 : i32
      %dma_wait3A_26 = tpu.memref_slice %arg3[%mul3A_4, %dma_wait3A_25] : memref<1280x125xi32, #tpu.memory_space<hbm>> -> memref<40x125xi32, #tpu.memory_space<hbm>>
      tpu.wait_dma2 semaphore(%run_scoped3A : memref<!tpu.dma_semaphore, #tpu.memory_space<semaphore_mem>>) src(%dma_wait3A_26 : memref<40x125xi32, #tpu.memory_space<hbm>>) dst(%arg7 : memref<40x125xi32, #tpu.memory_space<vmem>>)
      tpu.yield
    }) : () -> ()
    "tpu.region"() ({
      %run_scoped3A = tpu.sem_alloc : memref<!tpu.dma_semaphore, #tpu.memory_space<semaphore_mem>>
      %dma_start3A_20 = arith.constant 0 : i32
      %dma_start3A_21 = tpu.memref_slice %arg4[%mul3A_4, %dma_start3A_20] : memref<1280x125xi32, #tpu.memory_space<hbm>> -> memref<40x125xi32, #tpu.memory_space<hbm>>
      %dma_start3A_22 = arith.constant 0 : i32
      %dma_start3A_23 = tpu.memref_slice %arg4[%mul3A_4, %dma_start3A_22] : memref<1280x125xi32, #tpu.memory_space<hbm>> -> memref<40x125xi32, #tpu.memory_space<hbm>>
      tpu.enqueue_dma source(%dma_start3A_23 : memref<40x125xi32, #tpu.memory_space<hbm>>) target(%arg8 : memref<40x125xi32, #tpu.memory_space<vmem>>) target_semaphore(%run_scoped3A : memref<!tpu.dma_semaphore, #tpu.memory_space<semaphore_mem>>)
      %dma_wait3A = arith.constant 0 : i32
      %dma_wait3A_24 = tpu.memref_slice %arg4[%mul3A_4, %dma_wait3A] : memref<1280x125xi32, #tpu.memory_space<hbm>> -> memref<40x125xi32, #tpu.memory_space<hbm>>
      %dma_wait3A_25 = arith.constant 0 : i32
      %dma_wait3A_26 = tpu.memref_slice %arg4[%mul3A_4, %dma_wait3A_25] : memref<1280x125xi32, #tpu.memory_space<hbm>> -> memref<40x125xi32, #tpu.memory_space<hbm>>
      tpu.wait_dma2 semaphore(%run_scoped3A : memref<!tpu.dma_semaphore, #tpu.memory_space<semaphore_mem>>) src(%dma_wait3A_26 : memref<40x125xi32, #tpu.memory_space<hbm>>) dst(%arg8 : memref<40x125xi32, #tpu.memory_space<vmem>>)
      tpu.yield
    }) : () -> ()
    "tpu.region"() ({
      %run_scoped3A = tpu.sem_alloc : memref<!tpu.dma_semaphore, #tpu.memory_space<semaphore_mem>>
      %dma_start3A_20 = arith.constant 0 : i32
      %dma_start3A_21 = tpu.memref_slice %arg11[%mul3A_0, %dma_start3A_20] : memref<10240x128xf32, #tpu.memory_space<vmem_shared>> -> memref<640x128xf32, #tpu.memory_space<vmem_shared>>
      %dma_start3A_22 = arith.constant 0 : i32
      %dma_start3A_23 = arith.constant 0 : i32
      %dma_start3A_24 = tpu.memref_slice %arg5[%dma_start3A_22, %dma_start3A_23] : memref<640x128xf32, #tpu.memory_space<hbm>> -> memref<640x128xf32, #tpu.memory_space<hbm>>
      tpu.enqueue_dma source(%dma_start3A_24 : memref<640x128xf32, #tpu.memory_space<hbm>>) target(%dma_start3A_21 : memref<640x128xf32, #tpu.memory_space<vmem_shared>>) target_semaphore(%run_scoped3A : memref<!tpu.dma_semaphore, #tpu.memory_space<semaphore_mem>>)
      %dma_wait3A = arith.constant 0 : i32
      %dma_wait3A_25 = tpu.memref_slice %arg11[%mul3A_0, %dma_wait3A] : memref<10240x128xf32, #tpu.memory_space<vmem_shared>> -> memref<640x128xf32, #tpu.memory_space<vmem_shared>>
      %dma_wait3A_26 = arith.constant 0 : i32
      %dma_wait3A_27 = arith.constant 0 : i32
      %dma_wait3A_28 = tpu.memref_slice %arg5[%dma_wait3A_26, %dma_wait3A_27] : memref<640x128xf32, #tpu.memory_space<hbm>> -> memref<640x128xf32, #tpu.memory_space<hbm>>
      tpu.wait_dma2 semaphore(%run_scoped3A : memref<!tpu.dma_semaphore, #tpu.memory_space<semaphore_mem>>) src(%dma_wait3A_28 : memref<640x128xf32, #tpu.memory_space<hbm>>) dst(%dma_wait3A_25 : memref<640x128xf32, #tpu.memory_space<vmem_shared>>)
      tpu.yield
    }) : () -> ()
    %barrier3A = arith.constant 0 : index
    tpu.barrier barrier_id(%barrier3A)
    %dma_start3A = arith.constant 0 : i32
    %dma_start3A_5 = arith.constant 0 : i32
    %dma_start3A_6 = tpu.memref_slice %arg7[%dma_start3A, %dma_start3A_5] : memref<40x125xi32, #tpu.memory_space<vmem>> -> memref<1x125xi32, #tpu.memory_space<vmem>>
    %dma_start3A_7 = tpu.memref_squeeze %dma_start3A_6 : memref<1x125xi32, #tpu.memory_space<vmem>> -> memref<125xi32, #tpu.memory_space<vmem>>
    %dma_start3A_8 = arith.constant 0 : i32
    %dma_start3A_9 = arith.constant 0 : i32
    %dma_start3A_10 = tpu.memref_slice %arg2[%dma_start3A_8, %dma_start3A_9] : memref<10000x128xf32, #tpu.memory_space<hbm>> -> memref<10000x128xf32, #tpu.memory_space<hbm>>
    tpu.enqueue_indirect_dma source(%dma_start3A_10 : memref<10000x128xf32, #tpu.memory_space<hbm>>) target(%arg9 : memref<125x128xf32, #tpu.memory_space<vmem>>) offsets(%dma_start3A_7 : memref<125xi32, #tpu.memory_space<vmem>>) semaphore(%arg12 : memref<!tpu.dma_semaphore, #tpu.memory_space<semaphore_mem>>)
    %scan3A = arith.constant 0 : i32
    %scan3A_11 = arith.constant 0 : i32
    %scan3A_12 = arith.constant 20 : i32
    %scan3A_13 = arith.addi %scan3A_11, %scan3A_12 : i32
    %scan3A_14 = arith.constant 1 : i32
    scf.for %scan3A_20 = %scan3A_11 to %scan3A_13 step %scan3A_14  : i32 {
      %mul3A_21 = arith.constant 2 : i32
      %mul3A_22 = arith.muli %mul3A_21, %scan3A_20 : i32
      %add3A_23 = arith.constant 1 : i32
      %add3A_24 = arith.addi %mul3A_22, %add3A_23 : i32
      %dma_start3A_25 = arith.constant 0 : i32
      %dma_start3A_26 = tpu.memref_slice %arg7[%add3A_24, %dma_start3A_25] : memref<40x125xi32, #tpu.memory_space<vmem>> -> memref<1x125xi32, #tpu.memory_space<vmem>>
      %dma_start3A_27 = tpu.memref_squeeze %dma_start3A_26 : memref<1x125xi32, #tpu.memory_space<vmem>> -> memref<125xi32, #tpu.memory_space<vmem>>
      %dma_start3A_28 = arith.constant 0 : i32
      %dma_start3A_29 = arith.constant 0 : i32
      %dma_start3A_30 = tpu.memref_slice %arg2[%dma_start3A_28, %dma_start3A_29] : memref<10000x128xf32, #tpu.memory_space<hbm>> -> memref<10000x128xf32, #tpu.memory_space<hbm>>
      tpu.enqueue_indirect_dma source(%dma_start3A_30 : memref<10000x128xf32, #tpu.memory_space<hbm>>) target(%arg10 : memref<125x128xf32, #tpu.memory_space<vmem>>) offsets(%dma_start3A_27 : memref<125xi32, #tpu.memory_space<vmem>>) semaphore(%arg13 : memref<!tpu.dma_semaphore, #tpu.memory_space<semaphore_mem>>)
      %dma_wait3A = arith.constant 0 : i32
      %dma_wait3A_31 = tpu.memref_slice %arg7[%mul3A_22, %dma_wait3A] : memref<40x125xi32, #tpu.memory_space<vmem>> -> memref<1x125xi32, #tpu.memory_space<vmem>>
      %dma_wait3A_32 = tpu.memref_squeeze %dma_wait3A_31 : memref<1x125xi32, #tpu.memory_space<vmem>> -> memref<125xi32, #tpu.memory_space<vmem>>
      %dma_wait3A_33 = arith.constant 0 : i32
      %dma_wait3A_34 = arith.constant 0 : i32
      %dma_wait3A_35 = tpu.memref_slice %arg2[%dma_wait3A_33, %dma_wait3A_34] : memref<10000x128xf32, #tpu.memory_space<hbm>> -> memref<10000x128xf32, #tpu.memory_space<hbm>>
      tpu.wait_indirect_dma semaphore(%arg12 : memref<!tpu.dma_semaphore, #tpu.memory_space<semaphore_mem>>) src(%dma_wait3A_35 : memref<10000x128xf32, #tpu.memory_space<hbm>>) dst(%arg9 : memref<125x128xf32, #tpu.memory_space<vmem>>)
      "tpu.region"() ({
        %run_scoped3A = tpu.sem_alloc : memref<!tpu.dma_semaphore, #tpu.memory_space<semaphore_mem>>
        %dma_start3A_50 = arith.constant 0 : i32
        %dma_start3A_51 = tpu.memref_slice %arg8[%mul3A_22, %dma_start3A_50] : memref<40x125xi32, #tpu.memory_space<vmem>> -> memref<1x125xi32, #tpu.memory_space<vmem>>
        %dma_start3A_52 = tpu.memref_squeeze %dma_start3A_51 : memref<1x125xi32, #tpu.memory_space<vmem>> -> memref<125xi32, #tpu.memory_space<vmem>>
        %dma_start3A_53 = arith.constant 0 : i32
        %dma_start3A_54 = arith.constant 0 : i32
        %dma_start3A_55 = tpu.memref_slice %arg11[%dma_start3A_53, %dma_start3A_54] : memref<10240x128xf32, #tpu.memory_space<vmem_shared>> -> memref<10240x128xf32, #tpu.memory_space<vmem_shared>>
        tpu.enqueue_indirect_dma source(%arg9 : memref<125x128xf32, #tpu.memory_space<vmem>>) target(%dma_start3A_55 : memref<10240x128xf32, #tpu.memory_space<vmem_shared>>) offsets(%dma_start3A_52 : memref<125xi32, #tpu.memory_space<vmem>>) semaphore(%run_scoped3A : memref<!tpu.dma_semaphore, #tpu.memory_space<semaphore_mem>>) {add = true}
        %dma_wait3A_56 = arith.constant 0 : i32
        %dma_wait3A_57 = tpu.memref_slice %arg8[%mul3A_22, %dma_wait3A_56] : memref<40x125xi32, #tpu.memory_space<vmem>> -> memref<1x125xi32, #tpu.memory_space<vmem>>
        %dma_wait3A_58 = tpu.memref_squeeze %dma_wait3A_57 : memref<1x125xi32, #tpu.memory_space<vmem>> -> memref<125xi32, #tpu.memory_space<vmem>>
        %dma_wait3A_59 = arith.constant 0 : i32
        %dma_wait3A_60 = arith.constant 0 : i32
        %dma_wait3A_61 = tpu.memref_slice %arg11[%dma_wait3A_59, %dma_wait3A_60] : memref<10240x128xf32, #tpu.memory_space<vmem_shared>> -> memref<10240x128xf32, #tpu.memory_space<vmem_shared>>
        tpu.wait_indirect_dma semaphore(%run_scoped3A : memref<!tpu.dma_semaphore, #tpu.memory_space<semaphore_mem>>) src(%arg9 : memref<125x128xf32, #tpu.memory_space<vmem>>) dst(%dma_wait3A_61 : memref<10240x128xf32, #tpu.memory_space<vmem_shared>>)
        tpu.yield
      }) : () -> ()
      %add3A_36 = arith.constant 2 : i32
      %add3A_37 = arith.addi %mul3A_22, %add3A_36 : i32
      %lt3A = arith.constant 40 : i32
      %lt3A_38 = arith.cmpi slt, %add3A_37, %lt3A : i32
      %convert_element_type3A = arith.extui %lt3A_38 : i1 to i32
      %cond3A = arith.constant 0 : i32
      %cond3A_39 = arith.cmpi ne, %convert_element_type3A, %cond3A : i32
      scf.if %cond3A_39 {
        %add3A_50 = arith.constant 2 : i32
        %add3A_51 = arith.addi %mul3A_22, %add3A_50 : i32
        %dma_start3A_52 = arith.constant 0 : i32
        %dma_start3A_53 = tpu.memref_slice %arg7[%add3A_51, %dma_start3A_52] : memref<40x125xi32, #tpu.memory_space<vmem>> -> memref<1x125xi32, #tpu.memory_space<vmem>>
        %dma_start3A_54 = tpu.memref_squeeze %dma_start3A_53 : memref<1x125xi32, #tpu.memory_space<vmem>> -> memref<125xi32, #tpu.memory_space<vmem>>
        %dma_start3A_55 = arith.constant 0 : i32
        %dma_start3A_56 = arith.constant 0 : i32
        %dma_start3A_57 = tpu.memref_slice %arg2[%dma_start3A_55, %dma_start3A_56] : memref<10000x128xf32, #tpu.memory_space<hbm>> -> memref<10000x128xf32, #tpu.memory_space<hbm>>
        tpu.enqueue_indirect_dma source(%dma_start3A_57 : memref<10000x128xf32, #tpu.memory_space<hbm>>) target(%arg9 : memref<125x128xf32, #tpu.memory_space<vmem>>) offsets(%dma_start3A_54 : memref<125xi32, #tpu.memory_space<vmem>>) semaphore(%arg12 : memref<!tpu.dma_semaphore, #tpu.memory_space<semaphore_mem>>)
      } else {
      }
      %add3A_40 = arith.constant 1 : i32
      %add3A_41 = arith.addi %mul3A_22, %add3A_40 : i32
      %dma_wait3A_42 = arith.constant 0 : i32
      %dma_wait3A_43 = tpu.memref_slice %arg7[%add3A_41, %dma_wait3A_42] : memref<40x125xi32, #tpu.memory_space<vmem>> -> memref<1x125xi32, #tpu.memory_space<vmem>>
      %dma_wait3A_44 = tpu.memref_squeeze %dma_wait3A_43 : memref<1x125xi32, #tpu.memory_space<vmem>> -> memref<125xi32, #tpu.memory_space<vmem>>
      %dma_wait3A_45 = arith.constant 0 : i32
      %dma_wait3A_46 = arith.constant 0 : i32
      %dma_wait3A_47 = tpu.memref_slice %arg2[%dma_wait3A_45, %dma_wait3A_46] : memref<10000x128xf32, #tpu.memory_space<hbm>> -> memref<10000x128xf32, #tpu.memory_space<hbm>>
      tpu.wait_indirect_dma semaphore(%arg13 : memref<!tpu.dma_semaphore, #tpu.memory_space<semaphore_mem>>) src(%dma_wait3A_47 : memref<10000x128xf32, #tpu.memory_space<hbm>>) dst(%arg10 : memref<125x128xf32, #tpu.memory_space<vmem>>)
      %add3A_48 = arith.constant 1 : i32
      %add3A_49 = arith.addi %mul3A_22, %add3A_48 : i32
      "tpu.region"() ({
        %run_scoped3A = tpu.sem_alloc : memref<!tpu.dma_semaphore, #tpu.memory_space<semaphore_mem>>
        %dma_start3A_50 = arith.constant 0 : i32
        %dma_start3A_51 = tpu.memref_slice %arg8[%add3A_49, %dma_start3A_50] : memref<40x125xi32, #tpu.memory_space<vmem>> -> memref<1x125xi32, #tpu.memory_space<vmem>>
        %dma_start3A_52 = tpu.memref_squeeze %dma_start3A_51 : memref<1x125xi32, #tpu.memory_space<vmem>> -> memref<125xi32, #tpu.memory_space<vmem>>
        %dma_start3A_53 = arith.constant 0 : i32
        %dma_start3A_54 = arith.constant 0 : i32
        %dma_start3A_55 = tpu.memref_slice %arg11[%dma_start3A_53, %dma_start3A_54] : memref<10240x128xf32, #tpu.memory_space<vmem_shared>> -> memref<10240x128xf32, #tpu.memory_space<vmem_shared>>
        tpu.enqueue_indirect_dma source(%arg10 : memref<125x128xf32, #tpu.memory_space<vmem>>) target(%dma_start3A_55 : memref<10240x128xf32, #tpu.memory_space<vmem_shared>>) offsets(%dma_start3A_52 : memref<125xi32, #tpu.memory_space<vmem>>) semaphore(%run_scoped3A : memref<!tpu.dma_semaphore, #tpu.memory_space<semaphore_mem>>) {add = true}
        %dma_wait3A_56 = arith.constant 0 : i32
        %dma_wait3A_57 = tpu.memref_slice %arg8[%add3A_49, %dma_wait3A_56] : memref<40x125xi32, #tpu.memory_space<vmem>> -> memref<1x125xi32, #tpu.memory_space<vmem>>
        %dma_wait3A_58 = tpu.memref_squeeze %dma_wait3A_57 : memref<1x125xi32, #tpu.memory_space<vmem>> -> memref<125xi32, #tpu.memory_space<vmem>>
        %dma_wait3A_59 = arith.constant 0 : i32
        %dma_wait3A_60 = arith.constant 0 : i32
        %dma_wait3A_61 = tpu.memref_slice %arg11[%dma_wait3A_59, %dma_wait3A_60] : memref<10240x128xf32, #tpu.memory_space<vmem_shared>> -> memref<10240x128xf32, #tpu.memory_space<vmem_shared>>
        tpu.wait_indirect_dma semaphore(%run_scoped3A : memref<!tpu.dma_semaphore, #tpu.memory_space<semaphore_mem>>) src(%arg10 : memref<125x128xf32, #tpu.memory_space<vmem>>) dst(%dma_wait3A_61 : memref<10240x128xf32, #tpu.memory_space<vmem_shared>>)
        tpu.yield
      }) : () -> ()
    }
    %scan3A_15 = arith.constant 20 : i32
    %barrier3A_16 = arith.constant 0 : index
    tpu.barrier barrier_id(%barrier3A_16)
    %mul3A_17 = arith.constant 10240 : i32
    %mul3A_18 = arith.muli %arg0, %mul3A_17 : i32
    %add3A_19 = arith.addi %mul3A_18, %mul3A_0 : i32
    "tpu.region"() ({
      %run_scoped3A = tpu.sem_alloc : memref<!tpu.dma_semaphore, #tpu.memory_space<semaphore_mem>>
      %dma_start3A_20 = arith.constant 0 : i32
      %dma_start3A_21 = tpu.memref_slice %arg6[%add3A_19, %dma_start3A_20] : memref<20480x128xf32, #tpu.memory_space<hbm>> -> memref<640x128xf32, #tpu.memory_space<hbm>>
      %dma_start3A_22 = arith.constant 0 : i32
      %dma_start3A_23 = tpu.memref_slice %arg11[%mul3A_0, %dma_start3A_22] : memref<10240x128xf32, #tpu.memory_space<vmem_shared>> -> memref<640x128xf32, #tpu.memory_space<vmem_shared>>
      tpu.enqueue_dma source(%dma_start3A_23 : memref<640x128xf32, #tpu.memory_space<vmem_shared>>) target(%dma_start3A_21 : memref<640x128xf32, #tpu.memory_space<hbm>>) target_semaphore(%run_scoped3A : memref<!tpu.dma_semaphore, #tpu.memory_space<semaphore_mem>>)
      %dma_wait3A = arith.constant 0 : i32
      %dma_wait3A_24 = tpu.memref_slice %arg6[%add3A_19, %dma_wait3A] : memref<20480x128xf32, #tpu.memory_space<hbm>> -> memref<640x128xf32, #tpu.memory_space<hbm>>
      %dma_wait3A_25 = arith.constant 0 : i32
      %dma_wait3A_26 = tpu.memref_slice %arg11[%mul3A_0, %dma_wait3A_25] : memref<10240x128xf32, #tpu.memory_space<vmem_shared>> -> memref<640x128xf32, #tpu.memory_space<vmem_shared>>
      tpu.wait_dma2 semaphore(%run_scoped3A : memref<!tpu.dma_semaphore, #tpu.memory_space<semaphore_mem>>) src(%dma_wait3A_26 : memref<640x128xf32, #tpu.memory_space<vmem_shared>>) dst(%dma_wait3A_24 : memref<640x128xf32, #tpu.memory_space<hbm>>)
      tpu.yield
    }) : () -> ()
    return
  }
}

#map = affine_map<(d0, d1) -> (0, 0)>
module attributes {stable_mosaic.version = 14 : i64} {
  func.func @k(%arg0: i32, %arg1: i32, %arg2: memref<160000x128xf32, #tpu.memory_space<hbm>>, %arg3: memref<20480x125xi32, #tpu.memory_space<hbm>>, %arg4: memref<1280x125xi32, #tpu.memory_space<hbm>>, %arg5: memref<640x128xf32, #tpu.memory_space<hbm>>, %arg6: memref<163840x128xf32, #tpu.memory_space<hbm>>, %arg7: memref<40x125xi32, #tpu.memory_space<vmem>>, %arg8: memref<80x125xi32, #tpu.memory_space<vmem>>, %arg9: memref<125x128xf32, #tpu.memory_space<vmem>>, %arg10: memref<125x128xf32, #tpu.memory_space<vmem>>, %arg11: memref<10240x128xf32, #tpu.memory_space<vmem_shared>>, %arg12: memref<!tpu.dma_semaphore, #tpu.memory_space<semaphore_mem>>, %arg13: memref<!tpu.dma_semaphore, #tpu.memory_space<semaphore_mem>>) attributes {dimension_semantics = [#tpu.dimension_semantics<core_parallel>, #tpu.dimension_semantics<subcore_parallel>], iteration_bounds = array<i64: 2, 16>, scalar_prefetch = 0 : i64, scratch_operands = 7 : i64, tpu.core_type = #tpu.core_type<sc_vector_subcore>, window_params = [{transform_indices = #map}, {transform_indices = #map}, {transform_indices = #map}, {transform_indices = #map}, {transform_indices = #map}]} {
    %mul3A = arith.constant 640 : i32
    %mul3A_0 = arith.muli %arg1, %mul3A : i32
    %mul3A_1 = arith.constant 80 : i32
    %mul3A_2 = arith.muli %arg1, %mul3A_1 : i32
    "tpu.region"() ({
      %run_scoped3A = tpu.sem_alloc : memref<!tpu.dma_semaphore, #tpu.memory_space<semaphore_mem>>
      %dma_start3A = arith.constant 0 : i32
      %dma_start3A_8 = tpu.memref_slice %arg4[%mul3A_2, %dma_start3A] : memref<1280x125xi32, #tpu.memory_space<hbm>> -> memref<80x125xi32, #tpu.memory_space<hbm>>
      %dma_start3A_9 = arith.constant 0 : i32
      %dma_start3A_10 = tpu.memref_slice %arg4[%mul3A_2, %dma_start3A_9] : memref<1280x125xi32, #tpu.memory_space<hbm>> -> memref<80x125xi32, #tpu.memory_space<hbm>>
      tpu.enqueue_dma source(%dma_start3A_10 : memref<80x125xi32, #tpu.memory_space<hbm>>) target(%arg8 : memref<80x125xi32, #tpu.memory_space<vmem>>) target_semaphore(%run_scoped3A : memref<!tpu.dma_semaphore, #tpu.memory_space<semaphore_mem>>)
      %dma_wait3A = arith.constant 0 : i32
      %dma_wait3A_11 = tpu.memref_slice %arg4[%mul3A_2, %dma_wait3A] : memref<1280x125xi32, #tpu.memory_space<hbm>> -> memref<80x125xi32, #tpu.memory_space<hbm>>
      %dma_wait3A_12 = arith.constant 0 : i32
      %dma_wait3A_13 = tpu.memref_slice %arg4[%mul3A_2, %dma_wait3A_12] : memref<1280x125xi32, #tpu.memory_space<hbm>> -> memref<80x125xi32, #tpu.memory_space<hbm>>
      tpu.wait_dma2 semaphore(%run_scoped3A : memref<!tpu.dma_semaphore, #tpu.memory_space<semaphore_mem>>) src(%dma_wait3A_13 : memref<80x125xi32, #tpu.memory_space<hbm>>) dst(%arg8 : memref<80x125xi32, #tpu.memory_space<vmem>>)
      tpu.yield
    }) : () -> ()
    %scan3A = arith.constant 0 : i32
    %scan3A_3 = arith.constant 0 : i32
    %scan3A_4 = arith.constant 8 : i32
    %scan3A_5 = arith.addi %scan3A_3, %scan3A_4 : i32
    %scan3A_6 = arith.constant 1 : i32
    scf.for %scan3A_8 = %scan3A_3 to %scan3A_5 step %scan3A_6  : i32 {
      %mul3A_9 = arith.constant 8 : i32
      %mul3A_10 = arith.muli %arg0, %mul3A_9 : i32
      %add3A = arith.addi %mul3A_10, %scan3A_8 : i32
      "tpu.region"() ({
        %run_scoped3A = tpu.sem_alloc : memref<!tpu.dma_semaphore, #tpu.memory_space<semaphore_mem>>
        %dma_start3A = arith.constant 0 : i32
        %dma_start3A_22 = tpu.memref_slice %arg11[%mul3A_0, %dma_start3A] : memref<10240x128xf32, #tpu.memory_space<vmem_shared>> -> memref<640x128xf32, #tpu.memory_space<vmem_shared>>
        %dma_start3A_23 = arith.constant 0 : i32
        %dma_start3A_24 = arith.constant 0 : i32
        %dma_start3A_25 = tpu.memref_slice %arg5[%dma_start3A_23, %dma_start3A_24] : memref<640x128xf32, #tpu.memory_space<hbm>> -> memref<640x128xf32, #tpu.memory_space<hbm>>
        tpu.enqueue_dma source(%dma_start3A_25 : memref<640x128xf32, #tpu.memory_space<hbm>>) target(%dma_start3A_22 : memref<640x128xf32, #tpu.memory_space<vmem_shared>>) target_semaphore(%run_scoped3A : memref<!tpu.dma_semaphore, #tpu.memory_space<semaphore_mem>>)
        %dma_wait3A = arith.constant 0 : i32
        %dma_wait3A_26 = tpu.memref_slice %arg11[%mul3A_0, %dma_wait3A] : memref<10240x128xf32, #tpu.memory_space<vmem_shared>> -> memref<640x128xf32, #tpu.memory_space<vmem_shared>>
        %dma_wait3A_27 = arith.constant 0 : i32
        %dma_wait3A_28 = arith.constant 0 : i32
        %dma_wait3A_29 = tpu.memref_slice %arg5[%dma_wait3A_27, %dma_wait3A_28] : memref<640x128xf32, #tpu.memory_space<hbm>> -> memref<640x128xf32, #tpu.memory_space<hbm>>
        tpu.wait_dma2 semaphore(%run_scoped3A : memref<!tpu.dma_semaphore, #tpu.memory_space<semaphore_mem>>) src(%dma_wait3A_29 : memref<640x128xf32, #tpu.memory_space<hbm>>) dst(%dma_wait3A_26 : memref<640x128xf32, #tpu.memory_space<vmem_shared>>)
        tpu.yield
      }) : () -> ()
      %barrier3A = arith.constant 0 : index
      tpu.barrier barrier_id(%barrier3A)
      %scan3A_11 = arith.constant 0 : i32
      %scan3A_12 = arith.constant 0 : i32
      %scan3A_13 = arith.constant 2 : i32
      %scan3A_14 = arith.addi %scan3A_12, %scan3A_13 : i32
      %scan3A_15 = arith.constant 1 : i32
      scf.for %scan3A_22 = %scan3A_12 to %scan3A_14 step %scan3A_15  : i32 {
        %mul3A_23 = arith.constant 16 : i32
        %mul3A_24 = arith.muli %add3A, %mul3A_23 : i32
        %add3A_25 = arith.addi %mul3A_24, %arg1 : i32
        %mul3A_26 = arith.constant 80 : i32
        %mul3A_27 = arith.muli %add3A_25, %mul3A_26 : i32
        %mul3A_28 = arith.constant 40 : i32
        %mul3A_29 = arith.muli %scan3A_22, %mul3A_28 : i32
        %add3A_30 = arith.addi %mul3A_27, %mul3A_29 : i32
        "tpu.region"() ({
          %run_scoped3A = tpu.sem_alloc : memref<!tpu.dma_semaphore, #tpu.memory_space<semaphore_mem>>
          %dma_start3A_43 = arith.constant 0 : i32
          %dma_start3A_44 = tpu.memref_slice %arg3[%add3A_30, %dma_start3A_43] : memref<20480x125xi32, #tpu.memory_space<hbm>> -> memref<40x125xi32, #tpu.memory_space<hbm>>
          %dma_start3A_45 = arith.constant 0 : i32
          %dma_start3A_46 = tpu.memref_slice %arg3[%add3A_30, %dma_start3A_45] : memref<20480x125xi32, #tpu.memory_space<hbm>> -> memref<40x125xi32, #tpu.memory_space<hbm>>
          tpu.enqueue_dma source(%dma_start3A_46 : memref<40x125xi32, #tpu.memory_space<hbm>>) target(%arg7 : memref<40x125xi32, #tpu.memory_space<vmem>>) target_semaphore(%run_scoped3A : memref<!tpu.dma_semaphore, #tpu.memory_space<semaphore_mem>>)
          %dma_wait3A = arith.constant 0 : i32
          %dma_wait3A_47 = tpu.memref_slice %arg3[%add3A_30, %dma_wait3A] : memref<20480x125xi32, #tpu.memory_space<hbm>> -> memref<40x125xi32, #tpu.memory_space<hbm>>
          %dma_wait3A_48 = arith.constant 0 : i32
          %dma_wait3A_49 = tpu.memref_slice %arg3[%add3A_30, %dma_wait3A_48] : memref<20480x125xi32, #tpu.memory_space<hbm>> -> memref<40x125xi32, #tpu.memory_space<hbm>>
          tpu.wait_dma2 semaphore(%run_scoped3A : memref<!tpu.dma_semaphore, #tpu.memory_space<semaphore_mem>>) src(%dma_wait3A_49 : memref<40x125xi32, #tpu.memory_space<hbm>>) dst(%arg7 : memref<40x125xi32, #tpu.memory_space<vmem>>)
          tpu.yield
        }) : () -> ()
        %dma_start3A = arith.constant 0 : i32
        %dma_start3A_31 = arith.constant 0 : i32
        %dma_start3A_32 = tpu.memref_slice %arg7[%dma_start3A, %dma_start3A_31] : memref<40x125xi32, #tpu.memory_space<vmem>> -> memref<1x125xi32, #tpu.memory_space<vmem>>
        %dma_start3A_33 = tpu.memref_squeeze %dma_start3A_32 : memref<1x125xi32, #tpu.memory_space<vmem>> -> memref<125xi32, #tpu.memory_space<vmem>>
        %dma_start3A_34 = arith.constant 0 : i32
        %dma_start3A_35 = arith.constant 0 : i32
        %dma_start3A_36 = tpu.memref_slice %arg2[%dma_start3A_34, %dma_start3A_35] : memref<160000x128xf32, #tpu.memory_space<hbm>> -> memref<160000x128xf32, #tpu.memory_space<hbm>>
        tpu.enqueue_indirect_dma source(%dma_start3A_36 : memref<160000x128xf32, #tpu.memory_space<hbm>>) target(%arg9 : memref<125x128xf32, #tpu.memory_space<vmem>>) offsets(%dma_start3A_33 : memref<125xi32, #tpu.memory_space<vmem>>) semaphore(%arg12 : memref<!tpu.dma_semaphore, #tpu.memory_space<semaphore_mem>>)
        %scan3A_37 = arith.constant 0 : i32
        %scan3A_38 = arith.constant 0 : i32
        %scan3A_39 = arith.constant 20 : i32
        %scan3A_40 = arith.addi %scan3A_38, %scan3A_39 : i32
        %scan3A_41 = arith.constant 1 : i32
        scf.for %scan3A_43 = %scan3A_38 to %scan3A_40 step %scan3A_41  : i32 {
          %mul3A_44 = arith.constant 2 : i32
          %mul3A_45 = arith.muli %mul3A_44, %scan3A_43 : i32
          %mul3A_46 = arith.constant 40 : i32
          %mul3A_47 = arith.muli %scan3A_22, %mul3A_46 : i32
          %add3A_48 = arith.addi %mul3A_47, %mul3A_45 : i32
          %add3A_49 = arith.constant 1 : i32
          %add3A_50 = arith.addi %mul3A_45, %add3A_49 : i32
          %dma_start3A_51 = arith.constant 0 : i32
          %dma_start3A_52 = tpu.memref_slice %arg7[%add3A_50, %dma_start3A_51] : memref<40x125xi32, #tpu.memory_space<vmem>> -> memref<1x125xi32, #tpu.memory_space<vmem>>
          %dma_start3A_53 = tpu.memref_squeeze %dma_start3A_52 : memref<1x125xi32, #tpu.memory_space<vmem>> -> memref<125xi32, #tpu.memory_space<vmem>>
          %dma_start3A_54 = arith.constant 0 : i32
          %dma_start3A_55 = arith.constant 0 : i32
          %dma_start3A_56 = tpu.memref_slice %arg2[%dma_start3A_54, %dma_start3A_55] : memref<160000x128xf32, #tpu.memory_space<hbm>> -> memref<160000x128xf32, #tpu.memory_space<hbm>>
          tpu.enqueue_indirect_dma source(%dma_start3A_56 : memref<160000x128xf32, #tpu.memory_space<hbm>>) target(%arg10 : memref<125x128xf32, #tpu.memory_space<vmem>>) offsets(%dma_start3A_53 : memref<125xi32, #tpu.memory_space<vmem>>) semaphore(%arg13 : memref<!tpu.dma_semaphore, #tpu.memory_space<semaphore_mem>>)
          %dma_wait3A = arith.constant 0 : i32
          %dma_wait3A_57 = tpu.memref_slice %arg7[%mul3A_45, %dma_wait3A] : memref<40x125xi32, #tpu.memory_space<vmem>> -> memref<1x125xi32, #tpu.memory_space<vmem>>
          %dma_wait3A_58 = tpu.memref_squeeze %dma_wait3A_57 : memref<1x125xi32, #tpu.memory_space<vmem>> -> memref<125xi32, #tpu.memory_space<vmem>>
          %dma_wait3A_59 = arith.constant 0 : i32
          %dma_wait3A_60 = arith.constant 0 : i32
          %dma_wait3A_61 = tpu.memref_slice %arg2[%dma_wait3A_59, %dma_wait3A_60] : memref<160000x128xf32, #tpu.memory_space<hbm>> -> memref<160000x128xf32, #tpu.memory_space<hbm>>
          tpu.wait_indirect_dma semaphore(%arg12 : memref<!tpu.dma_semaphore, #tpu.memory_space<semaphore_mem>>) src(%dma_wait3A_61 : memref<160000x128xf32, #tpu.memory_space<hbm>>) dst(%arg9 : memref<125x128xf32, #tpu.memory_space<vmem>>)
          "tpu.region"() ({
            %run_scoped3A = tpu.sem_alloc : memref<!tpu.dma_semaphore, #tpu.memory_space<semaphore_mem>>
            %dma_start3A_76 = arith.constant 0 : i32
            %dma_start3A_77 = tpu.memref_slice %arg8[%add3A_48, %dma_start3A_76] : memref<80x125xi32, #tpu.memory_space<vmem>> -> memref<1x125xi32, #tpu.memory_space<vmem>>
            %dma_start3A_78 = tpu.memref_squeeze %dma_start3A_77 : memref<1x125xi32, #tpu.memory_space<vmem>> -> memref<125xi32, #tpu.memory_space<vmem>>
            %dma_start3A_79 = arith.constant 0 : i32
            %dma_start3A_80 = arith.constant 0 : i32
            %dma_start3A_81 = tpu.memref_slice %arg11[%dma_start3A_79, %dma_start3A_80] : memref<10240x128xf32, #tpu.memory_space<vmem_shared>> -> memref<10240x128xf32, #tpu.memory_space<vmem_shared>>
            tpu.enqueue_indirect_dma source(%arg9 : memref<125x128xf32, #tpu.memory_space<vmem>>) target(%dma_start3A_81 : memref<10240x128xf32, #tpu.memory_space<vmem_shared>>) offsets(%dma_start3A_78 : memref<125xi32, #tpu.memory_space<vmem>>) semaphore(%run_scoped3A : memref<!tpu.dma_semaphore, #tpu.memory_space<semaphore_mem>>) {add = true}
            %dma_wait3A_82 = arith.constant 0 : i32
            %dma_wait3A_83 = tpu.memref_slice %arg8[%add3A_48, %dma_wait3A_82] : memref<80x125xi32, #tpu.memory_space<vmem>> -> memref<1x125xi32, #tpu.memory_space<vmem>>
            %dma_wait3A_84 = tpu.memref_squeeze %dma_wait3A_83 : memref<1x125xi32, #tpu.memory_space<vmem>> -> memref<125xi32, #tpu.memory_space<vmem>>
            %dma_wait3A_85 = arith.constant 0 : i32
            %dma_wait3A_86 = arith.constant 0 : i32
            %dma_wait3A_87 = tpu.memref_slice %arg11[%dma_wait3A_85, %dma_wait3A_86] : memref<10240x128xf32, #tpu.memory_space<vmem_shared>> -> memref<10240x128xf32, #tpu.memory_space<vmem_shared>>
            tpu.wait_indirect_dma semaphore(%run_scoped3A : memref<!tpu.dma_semaphore, #tpu.memory_space<semaphore_mem>>) src(%arg9 : memref<125x128xf32, #tpu.memory_space<vmem>>) dst(%dma_wait3A_87 : memref<10240x128xf32, #tpu.memory_space<vmem_shared>>)
            tpu.yield
          }) : () -> ()
          %add3A_62 = arith.constant 2 : i32
          %add3A_63 = arith.addi %mul3A_45, %add3A_62 : i32
          %lt3A = arith.constant 40 : i32
          %lt3A_64 = arith.cmpi slt, %add3A_63, %lt3A : i32
          %convert_element_type3A = arith.extui %lt3A_64 : i1 to i32
          %cond3A = arith.constant 0 : i32
          %cond3A_65 = arith.cmpi ne, %convert_element_type3A, %cond3A : i32
          scf.if %cond3A_65 {
            %add3A_76 = arith.constant 2 : i32
            %add3A_77 = arith.addi %mul3A_45, %add3A_76 : i32
            %dma_start3A_78 = arith.constant 0 : i32
            %dma_start3A_79 = tpu.memref_slice %arg7[%add3A_77, %dma_start3A_78] : memref<40x125xi32, #tpu.memory_space<vmem>> -> memref<1x125xi32, #tpu.memory_space<vmem>>
            %dma_start3A_80 = tpu.memref_squeeze %dma_start3A_79 : memref<1x125xi32, #tpu.memory_space<vmem>> -> memref<125xi32, #tpu.memory_space<vmem>>
            %dma_start3A_81 = arith.constant 0 : i32
            %dma_start3A_82 = arith.constant 0 : i32
            %dma_start3A_83 = tpu.memref_slice %arg2[%dma_start3A_81, %dma_start3A_82] : memref<160000x128xf32, #tpu.memory_space<hbm>> -> memref<160000x128xf32, #tpu.memory_space<hbm>>
            tpu.enqueue_indirect_dma source(%dma_start3A_83 : memref<160000x128xf32, #tpu.memory_space<hbm>>) target(%arg9 : memref<125x128xf32, #tpu.memory_space<vmem>>) offsets(%dma_start3A_80 : memref<125xi32, #tpu.memory_space<vmem>>) semaphore(%arg12 : memref<!tpu.dma_semaphore, #tpu.memory_space<semaphore_mem>>)
          } else {
          }
          %add3A_66 = arith.constant 1 : i32
          %add3A_67 = arith.addi %mul3A_45, %add3A_66 : i32
          %dma_wait3A_68 = arith.constant 0 : i32
          %dma_wait3A_69 = tpu.memref_slice %arg7[%add3A_67, %dma_wait3A_68] : memref<40x125xi32, #tpu.memory_space<vmem>> -> memref<1x125xi32, #tpu.memory_space<vmem>>
          %dma_wait3A_70 = tpu.memref_squeeze %dma_wait3A_69 : memref<1x125xi32, #tpu.memory_space<vmem>> -> memref<125xi32, #tpu.memory_space<vmem>>
          %dma_wait3A_71 = arith.constant 0 : i32
          %dma_wait3A_72 = arith.constant 0 : i32
          %dma_wait3A_73 = tpu.memref_slice %arg2[%dma_wait3A_71, %dma_wait3A_72] : memref<160000x128xf32, #tpu.memory_space<hbm>> -> memref<160000x128xf32, #tpu.memory_space<hbm>>
          tpu.wait_indirect_dma semaphore(%arg13 : memref<!tpu.dma_semaphore, #tpu.memory_space<semaphore_mem>>) src(%dma_wait3A_73 : memref<160000x128xf32, #tpu.memory_space<hbm>>) dst(%arg10 : memref<125x128xf32, #tpu.memory_space<vmem>>)
          %add3A_74 = arith.constant 1 : i32
          %add3A_75 = arith.addi %add3A_48, %add3A_74 : i32
          "tpu.region"() ({
            %run_scoped3A = tpu.sem_alloc : memref<!tpu.dma_semaphore, #tpu.memory_space<semaphore_mem>>
            %dma_start3A_76 = arith.constant 0 : i32
            %dma_start3A_77 = tpu.memref_slice %arg8[%add3A_75, %dma_start3A_76] : memref<80x125xi32, #tpu.memory_space<vmem>> -> memref<1x125xi32, #tpu.memory_space<vmem>>
            %dma_start3A_78 = tpu.memref_squeeze %dma_start3A_77 : memref<1x125xi32, #tpu.memory_space<vmem>> -> memref<125xi32, #tpu.memory_space<vmem>>
            %dma_start3A_79 = arith.constant 0 : i32
            %dma_start3A_80 = arith.constant 0 : i32
            %dma_start3A_81 = tpu.memref_slice %arg11[%dma_start3A_79, %dma_start3A_80] : memref<10240x128xf32, #tpu.memory_space<vmem_shared>> -> memref<10240x128xf32, #tpu.memory_space<vmem_shared>>
            tpu.enqueue_indirect_dma source(%arg10 : memref<125x128xf32, #tpu.memory_space<vmem>>) target(%dma_start3A_81 : memref<10240x128xf32, #tpu.memory_space<vmem_shared>>) offsets(%dma_start3A_78 : memref<125xi32, #tpu.memory_space<vmem>>) semaphore(%run_scoped3A : memref<!tpu.dma_semaphore, #tpu.memory_space<semaphore_mem>>) {add = true}
            %dma_wait3A_82 = arith.constant 0 : i32
            %dma_wait3A_83 = tpu.memref_slice %arg8[%add3A_75, %dma_wait3A_82] : memref<80x125xi32, #tpu.memory_space<vmem>> -> memref<1x125xi32, #tpu.memory_space<vmem>>
            %dma_wait3A_84 = tpu.memref_squeeze %dma_wait3A_83 : memref<1x125xi32, #tpu.memory_space<vmem>> -> memref<125xi32, #tpu.memory_space<vmem>>
            %dma_wait3A_85 = arith.constant 0 : i32
            %dma_wait3A_86 = arith.constant 0 : i32
            %dma_wait3A_87 = tpu.memref_slice %arg11[%dma_wait3A_85, %dma_wait3A_86] : memref<10240x128xf32, #tpu.memory_space<vmem_shared>> -> memref<10240x128xf32, #tpu.memory_space<vmem_shared>>
            tpu.wait_indirect_dma semaphore(%run_scoped3A : memref<!tpu.dma_semaphore, #tpu.memory_space<semaphore_mem>>) src(%arg10 : memref<125x128xf32, #tpu.memory_space<vmem>>) dst(%dma_wait3A_87 : memref<10240x128xf32, #tpu.memory_space<vmem_shared>>)
            tpu.yield
          }) : () -> ()
        }
        %scan3A_42 = arith.constant 20 : i32
      }
      %scan3A_16 = arith.constant 2 : i32
      %barrier3A_17 = arith.constant 0 : index
      tpu.barrier barrier_id(%barrier3A_17)
      %mul3A_18 = arith.constant 10240 : i32
      %mul3A_19 = arith.muli %add3A, %mul3A_18 : i32
      %add3A_20 = arith.addi %mul3A_19, %mul3A_0 : i32
      "tpu.region"() ({
        %run_scoped3A = tpu.sem_alloc : memref<!tpu.dma_semaphore, #tpu.memory_space<semaphore_mem>>
        %dma_start3A = arith.constant 0 : i32
        %dma_start3A_22 = tpu.memref_slice %arg6[%add3A_20, %dma_start3A] : memref<163840x128xf32, #tpu.memory_space<hbm>> -> memref<640x128xf32, #tpu.memory_space<hbm>>
        %dma_start3A_23 = arith.constant 0 : i32
        %dma_start3A_24 = tpu.memref_slice %arg11[%mul3A_0, %dma_start3A_23] : memref<10240x128xf32, #tpu.memory_space<vmem_shared>> -> memref<640x128xf32, #tpu.memory_space<vmem_shared>>
        tpu.enqueue_dma source(%dma_start3A_24 : memref<640x128xf32, #tpu.memory_space<vmem_shared>>) target(%dma_start3A_22 : memref<640x128xf32, #tpu.memory_space<hbm>>) target_semaphore(%run_scoped3A : memref<!tpu.dma_semaphore, #tpu.memory_space<semaphore_mem>>)
        %dma_wait3A = arith.constant 0 : i32
        %dma_wait3A_25 = tpu.memref_slice %arg6[%add3A_20, %dma_wait3A] : memref<163840x128xf32, #tpu.memory_space<hbm>> -> memref<640x128xf32, #tpu.memory_space<hbm>>
        %dma_wait3A_26 = arith.constant 0 : i32
        %dma_wait3A_27 = tpu.memref_slice %arg11[%mul3A_0, %dma_wait3A_26] : memref<10240x128xf32, #tpu.memory_space<vmem_shared>> -> memref<640x128xf32, #tpu.memory_space<vmem_shared>>
        tpu.wait_dma2 semaphore(%run_scoped3A : memref<!tpu.dma_semaphore, #tpu.memory_space<semaphore_mem>>) src(%dma_wait3A_27 : memref<640x128xf32, #tpu.memory_space<vmem_shared>>) dst(%dma_wait3A_25 : memref<640x128xf32, #tpu.memory_space<hbm>>)
        tpu.yield
      }) : () -> ()
      %barrier3A_21 = arith.constant 0 : index
      tpu.barrier barrier_id(%barrier3A_21)
    }
    %scan3A_7 = arith.constant 8 : i32
    return
  }
}

#map = affine_map<(d0, d1) -> (0, 0)>
module attributes {stable_mosaic.version = 14 : i64} {
  func.func @k(%arg0: i32, %arg1: i32, %arg2: memref<10000x128xf32, #tpu.memory_space<hbm>>, %arg3: memref<1280x125xi32, #tpu.memory_space<hbm>>, %arg4: memref<1280x125xi32, #tpu.memory_space<hbm>>, %arg5: memref<640x128xf32, #tpu.memory_space<hbm>>, %arg6: memref<20480x128xf32, #tpu.memory_space<hbm>>, %arg7: memref<40x125xi32, #tpu.memory_space<vmem>>, %arg8: memref<40x125xi32, #tpu.memory_space<vmem>>, %arg9: memref<125x128xf32, #tpu.memory_space<vmem>>, %arg10: memref<125x128xf32, #tpu.memory_space<vmem>>, %arg11: memref<10240x128xf32, #tpu.memory_space<vmem_shared>>, %arg12: memref<!tpu.dma_semaphore, #tpu.memory_space<semaphore_mem>>, %arg13: memref<!tpu.dma_semaphore, #tpu.memory_space<semaphore_mem>>) attributes {dimension_semantics = [#tpu.dimension_semantics<core_parallel>, #tpu.dimension_semantics<subcore_parallel>], iteration_bounds = array<i64: 2, 16>, scalar_prefetch = 0 : i64, scratch_operands = 7 : i64, tpu.core_type = #tpu.core_type<sc_vector_subcore>, window_params = [{transform_indices = #map}, {transform_indices = #map}, {transform_indices = #map}, {transform_indices = #map}, {transform_indices = #map}]} {
    %mul3A = arith.constant 640 : i32
    %mul3A_0 = arith.muli %arg1, %mul3A : i32
    %mul3A_1 = arith.constant 16 : i32
    %mul3A_2 = arith.muli %arg0, %mul3A_1 : i32
    %add3A = arith.addi %mul3A_2, %arg1 : i32
    %mul3A_3 = arith.constant 40 : i32
    %mul3A_4 = arith.muli %add3A, %mul3A_3 : i32
    "tpu.region"() ({
      %run_scoped3A = tpu.sem_alloc : memref<!tpu.dma_semaphore, #tpu.memory_space<semaphore_mem>>
      %dma_start3A_20 = arith.constant 0 : i32
      %dma_start3A_21 = tpu.memref_slice %arg3[%mul3A_4, %dma_start3A_20] : memref<1280x125xi32, #tpu.memory_space<hbm>> -> memref<40x125xi32, #tpu.memory_space<hbm>>
      %dma_start3A_22 = arith.constant 0 : i32
      %dma_start3A_23 = tpu.memref_slice %arg3[%mul3A_4, %dma_start3A_22] : memref<1280x125xi32, #tpu.memory_space<hbm>> -> memref<40x125xi32, #tpu.memory_space<hbm>>
      tpu.enqueue_dma source(%dma_start3A_23 : memref<40x125xi32, #tpu.memory_space<hbm>>) target(%arg7 : memref<40x125xi32, #tpu.memory_space<vmem>>) target_semaphore(%run_scoped3A : memref<!tpu.dma_semaphore, #tpu.memory_space<semaphore_mem>>)
      %dma_wait3A = arith.constant 0 : i32
      %dma_wait3A_24 = tpu.memref_slice %arg3[%mul3A_4, %dma_wait3A] : memref<1280x125xi32, #tpu.memory_space<hbm>> -> memref<40x125xi32, #tpu.memory_space<hbm>>
      %dma_wait3A_25 = arith.constant 0 : i32
      %dma_wait3A_26 = tpu.memref_slice %arg3[%mul3A_4, %dma_wait3A_25] : memref<1280x125xi32, #tpu.memory_space<hbm>> -> memref<40x125xi32, #tpu.memory_space<hbm>>
      tpu.wait_dma2 semaphore(%run_scoped3A : memref<!tpu.dma_semaphore, #tpu.memory_space<semaphore_mem>>) src(%dma_wait3A_26 : memref<40x125xi32, #tpu.memory_space<hbm>>) dst(%arg7 : memref<40x125xi32, #tpu.memory_space<vmem>>)
      tpu.yield
    }) : () -> ()
    "tpu.region"() ({
      %run_scoped3A = tpu.sem_alloc : memref<!tpu.dma_semaphore, #tpu.memory_space<semaphore_mem>>
      %dma_start3A_20 = arith.constant 0 : i32
      %dma_start3A_21 = tpu.memref_slice %arg4[%mul3A_4, %dma_start3A_20] : memref<1280x125xi32, #tpu.memory_space<hbm>> -> memref<40x125xi32, #tpu.memory_space<hbm>>
      %dma_start3A_22 = arith.constant 0 : i32
      %dma_start3A_23 = tpu.memref_slice %arg4[%mul3A_4, %dma_start3A_22] : memref<1280x125xi32, #tpu.memory_space<hbm>> -> memref<40x125xi32, #tpu.memory_space<hbm>>
      tpu.enqueue_dma source(%dma_start3A_23 : memref<40x125xi32, #tpu.memory_space<hbm>>) target(%arg8 : memref<40x125xi32, #tpu.memory_space<vmem>>) target_semaphore(%run_scoped3A : memref<!tpu.dma_semaphore, #tpu.memory_space<semaphore_mem>>)
      %dma_wait3A = arith.constant 0 : i32
      %dma_wait3A_24 = tpu.memref_slice %arg4[%mul3A_4, %dma_wait3A] : memref<1280x125xi32, #tpu.memory_space<hbm>> -> memref<40x125xi32, #tpu.memory_space<hbm>>
      %dma_wait3A_25 = arith.constant 0 : i32
      %dma_wait3A_26 = tpu.memref_slice %arg4[%mul3A_4, %dma_wait3A_25] : memref<1280x125xi32, #tpu.memory_space<hbm>> -> memref<40x125xi32, #tpu.memory_space<hbm>>
      tpu.wait_dma2 semaphore(%run_scoped3A : memref<!tpu.dma_semaphore, #tpu.memory_space<semaphore_mem>>) src(%dma_wait3A_26 : memref<40x125xi32, #tpu.memory_space<hbm>>) dst(%arg8 : memref<40x125xi32, #tpu.memory_space<vmem>>)
      tpu.yield
    }) : () -> ()
    "tpu.region"() ({
      %run_scoped3A = tpu.sem_alloc : memref<!tpu.dma_semaphore, #tpu.memory_space<semaphore_mem>>
      %dma_start3A_20 = arith.constant 0 : i32
      %dma_start3A_21 = tpu.memref_slice %arg11[%mul3A_0, %dma_start3A_20] : memref<10240x128xf32, #tpu.memory_space<vmem_shared>> -> memref<640x128xf32, #tpu.memory_space<vmem_shared>>
      %dma_start3A_22 = arith.constant 0 : i32
      %dma_start3A_23 = arith.constant 0 : i32
      %dma_start3A_24 = tpu.memref_slice %arg5[%dma_start3A_22, %dma_start3A_23] : memref<640x128xf32, #tpu.memory_space<hbm>> -> memref<640x128xf32, #tpu.memory_space<hbm>>
      tpu.enqueue_dma source(%dma_start3A_24 : memref<640x128xf32, #tpu.memory_space<hbm>>) target(%dma_start3A_21 : memref<640x128xf32, #tpu.memory_space<vmem_shared>>) target_semaphore(%run_scoped3A : memref<!tpu.dma_semaphore, #tpu.memory_space<semaphore_mem>>)
      %dma_wait3A = arith.constant 0 : i32
      %dma_wait3A_25 = tpu.memref_slice %arg11[%mul3A_0, %dma_wait3A] : memref<10240x128xf32, #tpu.memory_space<vmem_shared>> -> memref<640x128xf32, #tpu.memory_space<vmem_shared>>
      %dma_wait3A_26 = arith.constant 0 : i32
      %dma_wait3A_27 = arith.constant 0 : i32
      %dma_wait3A_28 = tpu.memref_slice %arg5[%dma_wait3A_26, %dma_wait3A_27] : memref<640x128xf32, #tpu.memory_space<hbm>> -> memref<640x128xf32, #tpu.memory_space<hbm>>
      tpu.wait_dma2 semaphore(%run_scoped3A : memref<!tpu.dma_semaphore, #tpu.memory_space<semaphore_mem>>) src(%dma_wait3A_28 : memref<640x128xf32, #tpu.memory_space<hbm>>) dst(%dma_wait3A_25 : memref<640x128xf32, #tpu.memory_space<vmem_shared>>)
      tpu.yield
    }) : () -> ()
    %barrier3A = arith.constant 0 : index
    tpu.barrier barrier_id(%barrier3A)
    %dma_start3A = arith.constant 0 : i32
    %dma_start3A_5 = arith.constant 0 : i32
    %dma_start3A_6 = tpu.memref_slice %arg7[%dma_start3A, %dma_start3A_5] : memref<40x125xi32, #tpu.memory_space<vmem>> -> memref<1x125xi32, #tpu.memory_space<vmem>>
    %dma_start3A_7 = tpu.memref_squeeze %dma_start3A_6 : memref<1x125xi32, #tpu.memory_space<vmem>> -> memref<125xi32, #tpu.memory_space<vmem>>
    %dma_start3A_8 = arith.constant 0 : i32
    %dma_start3A_9 = arith.constant 0 : i32
    %dma_start3A_10 = tpu.memref_slice %arg2[%dma_start3A_8, %dma_start3A_9] : memref<10000x128xf32, #tpu.memory_space<hbm>> -> memref<10000x128xf32, #tpu.memory_space<hbm>>
    tpu.enqueue_indirect_dma source(%dma_start3A_10 : memref<10000x128xf32, #tpu.memory_space<hbm>>) target(%arg9 : memref<125x128xf32, #tpu.memory_space<vmem>>) offsets(%dma_start3A_7 : memref<125xi32, #tpu.memory_space<vmem>>) semaphore(%arg12 : memref<!tpu.dma_semaphore, #tpu.memory_space<semaphore_mem>>)
    %scan3A = arith.constant 0 : i32
    %scan3A_11 = arith.constant 0 : i32
    %scan3A_12 = arith.constant 20 : i32
    %scan3A_13 = arith.addi %scan3A_11, %scan3A_12 : i32
    %scan3A_14 = arith.constant 1 : i32
    scf.for %scan3A_20 = %scan3A_11 to %scan3A_13 step %scan3A_14  : i32 {
      %mul3A_21 = arith.constant 2 : i32
      %mul3A_22 = arith.muli %mul3A_21, %scan3A_20 : i32
      %add3A_23 = arith.constant 1 : i32
      %add3A_24 = arith.addi %mul3A_22, %add3A_23 : i32
      %dma_start3A_25 = arith.constant 0 : i32
      %dma_start3A_26 = tpu.memref_slice %arg7[%add3A_24, %dma_start3A_25] : memref<40x125xi32, #tpu.memory_space<vmem>> -> memref<1x125xi32, #tpu.memory_space<vmem>>
      %dma_start3A_27 = tpu.memref_squeeze %dma_start3A_26 : memref<1x125xi32, #tpu.memory_space<vmem>> -> memref<125xi32, #tpu.memory_space<vmem>>
      %dma_start3A_28 = arith.constant 0 : i32
      %dma_start3A_29 = arith.constant 0 : i32
      %dma_start3A_30 = tpu.memref_slice %arg2[%dma_start3A_28, %dma_start3A_29] : memref<10000x128xf32, #tpu.memory_space<hbm>> -> memref<10000x128xf32, #tpu.memory_space<hbm>>
      tpu.enqueue_indirect_dma source(%dma_start3A_30 : memref<10000x128xf32, #tpu.memory_space<hbm>>) target(%arg10 : memref<125x128xf32, #tpu.memory_space<vmem>>) offsets(%dma_start3A_27 : memref<125xi32, #tpu.memory_space<vmem>>) semaphore(%arg13 : memref<!tpu.dma_semaphore, #tpu.memory_space<semaphore_mem>>)
      %dma_wait3A = arith.constant 0 : i32
      %dma_wait3A_31 = tpu.memref_slice %arg7[%mul3A_22, %dma_wait3A] : memref<40x125xi32, #tpu.memory_space<vmem>> -> memref<1x125xi32, #tpu.memory_space<vmem>>
      %dma_wait3A_32 = tpu.memref_squeeze %dma_wait3A_31 : memref<1x125xi32, #tpu.memory_space<vmem>> -> memref<125xi32, #tpu.memory_space<vmem>>
      %dma_wait3A_33 = arith.constant 0 : i32
      %dma_wait3A_34 = arith.constant 0 : i32
      %dma_wait3A_35 = tpu.memref_slice %arg2[%dma_wait3A_33, %dma_wait3A_34] : memref<10000x128xf32, #tpu.memory_space<hbm>> -> memref<10000x128xf32, #tpu.memory_space<hbm>>
      tpu.wait_indirect_dma semaphore(%arg12 : memref<!tpu.dma_semaphore, #tpu.memory_space<semaphore_mem>>) src(%dma_wait3A_35 : memref<10000x128xf32, #tpu.memory_space<hbm>>) dst(%arg9 : memref<125x128xf32, #tpu.memory_space<vmem>>)
      "tpu.region"() ({
        %run_scoped3A = tpu.sem_alloc : memref<!tpu.dma_semaphore, #tpu.memory_space<semaphore_mem>>
        %dma_start3A_50 = arith.constant 0 : i32
        %dma_start3A_51 = tpu.memref_slice %arg8[%mul3A_22, %dma_start3A_50] : memref<40x125xi32, #tpu.memory_space<vmem>> -> memref<1x125xi32, #tpu.memory_space<vmem>>
        %dma_start3A_52 = tpu.memref_squeeze %dma_start3A_51 : memref<1x125xi32, #tpu.memory_space<vmem>> -> memref<125xi32, #tpu.memory_space<vmem>>
        %dma_start3A_53 = arith.constant 0 : i32
        %dma_start3A_54 = arith.constant 0 : i32
        %dma_start3A_55 = tpu.memref_slice %arg11[%dma_start3A_53, %dma_start3A_54] : memref<10240x128xf32, #tpu.memory_space<vmem_shared>> -> memref<10240x128xf32, #tpu.memory_space<vmem_shared>>
        tpu.enqueue_indirect_dma source(%arg9 : memref<125x128xf32, #tpu.memory_space<vmem>>) target(%dma_start3A_55 : memref<10240x128xf32, #tpu.memory_space<vmem_shared>>) offsets(%dma_start3A_52 : memref<125xi32, #tpu.memory_space<vmem>>) semaphore(%run_scoped3A : memref<!tpu.dma_semaphore, #tpu.memory_space<semaphore_mem>>) {add = true}
        %dma_wait3A_56 = arith.constant 0 : i32
        %dma_wait3A_57 = tpu.memref_slice %arg8[%mul3A_22, %dma_wait3A_56] : memref<40x125xi32, #tpu.memory_space<vmem>> -> memref<1x125xi32, #tpu.memory_space<vmem>>
        %dma_wait3A_58 = tpu.memref_squeeze %dma_wait3A_57 : memref<1x125xi32, #tpu.memory_space<vmem>> -> memref<125xi32, #tpu.memory_space<vmem>>
        %dma_wait3A_59 = arith.constant 0 : i32
        %dma_wait3A_60 = arith.constant 0 : i32
        %dma_wait3A_61 = tpu.memref_slice %arg11[%dma_wait3A_59, %dma_wait3A_60] : memref<10240x128xf32, #tpu.memory_space<vmem_shared>> -> memref<10240x128xf32, #tpu.memory_space<vmem_shared>>
        tpu.wait_indirect_dma semaphore(%run_scoped3A : memref<!tpu.dma_semaphore, #tpu.memory_space<semaphore_mem>>) src(%arg9 : memref<125x128xf32, #tpu.memory_space<vmem>>) dst(%dma_wait3A_61 : memref<10240x128xf32, #tpu.memory_space<vmem_shared>>)
        tpu.yield
      }) : () -> ()
      %add3A_36 = arith.constant 2 : i32
      %add3A_37 = arith.addi %mul3A_22, %add3A_36 : i32
      %lt3A = arith.constant 40 : i32
      %lt3A_38 = arith.cmpi slt, %add3A_37, %lt3A : i32
      %convert_element_type3A = arith.extui %lt3A_38 : i1 to i32
      %cond3A = arith.constant 0 : i32
      %cond3A_39 = arith.cmpi ne, %convert_element_type3A, %cond3A : i32
      scf.if %cond3A_39 {
        %add3A_50 = arith.constant 2 : i32
        %add3A_51 = arith.addi %mul3A_22, %add3A_50 : i32
        %dma_start3A_52 = arith.constant 0 : i32
        %dma_start3A_53 = tpu.memref_slice %arg7[%add3A_51, %dma_start3A_52] : memref<40x125xi32, #tpu.memory_space<vmem>> -> memref<1x125xi32, #tpu.memory_space<vmem>>
        %dma_start3A_54 = tpu.memref_squeeze %dma_start3A_53 : memref<1x125xi32, #tpu.memory_space<vmem>> -> memref<125xi32, #tpu.memory_space<vmem>>
        %dma_start3A_55 = arith.constant 0 : i32
        %dma_start3A_56 = arith.constant 0 : i32
        %dma_start3A_57 = tpu.memref_slice %arg2[%dma_start3A_55, %dma_start3A_56] : memref<10000x128xf32, #tpu.memory_space<hbm>> -> memref<10000x128xf32, #tpu.memory_space<hbm>>
        tpu.enqueue_indirect_dma source(%dma_start3A_57 : memref<10000x128xf32, #tpu.memory_space<hbm>>) target(%arg9 : memref<125x128xf32, #tpu.memory_space<vmem>>) offsets(%dma_start3A_54 : memref<125xi32, #tpu.memory_space<vmem>>) semaphore(%arg12 : memref<!tpu.dma_semaphore, #tpu.memory_space<semaphore_mem>>)
      } else {
      }
      %add3A_40 = arith.constant 1 : i32
      %add3A_41 = arith.addi %mul3A_22, %add3A_40 : i32
      %dma_wait3A_42 = arith.constant 0 : i32
      %dma_wait3A_43 = tpu.memref_slice %arg7[%add3A_41, %dma_wait3A_42] : memref<40x125xi32, #tpu.memory_space<vmem>> -> memref<1x125xi32, #tpu.memory_space<vmem>>
      %dma_wait3A_44 = tpu.memref_squeeze %dma_wait3A_43 : memref<1x125xi32, #tpu.memory_space<vmem>> -> memref<125xi32, #tpu.memory_space<vmem>>
      %dma_wait3A_45 = arith.constant 0 : i32
      %dma_wait3A_46 = arith.constant 0 : i32
      %dma_wait3A_47 = tpu.memref_slice %arg2[%dma_wait3A_45, %dma_wait3A_46] : memref<10000x128xf32, #tpu.memory_space<hbm>> -> memref<10000x128xf32, #tpu.memory_space<hbm>>
      tpu.wait_indirect_dma semaphore(%arg13 : memref<!tpu.dma_semaphore, #tpu.memory_space<semaphore_mem>>) src(%dma_wait3A_47 : memref<10000x128xf32, #tpu.memory_space<hbm>>) dst(%arg10 : memref<125x128xf32, #tpu.memory_space<vmem>>)
      %add3A_48 = arith.constant 1 : i32
      %add3A_49 = arith.addi %mul3A_22, %add3A_48 : i32
      "tpu.region"() ({
        %run_scoped3A = tpu.sem_alloc : memref<!tpu.dma_semaphore, #tpu.memory_space<semaphore_mem>>
        %dma_start3A_50 = arith.constant 0 : i32
        %dma_start3A_51 = tpu.memref_slice %arg8[%add3A_49, %dma_start3A_50] : memref<40x125xi32, #tpu.memory_space<vmem>> -> memref<1x125xi32, #tpu.memory_space<vmem>>
        %dma_start3A_52 = tpu.memref_squeeze %dma_start3A_51 : memref<1x125xi32, #tpu.memory_space<vmem>> -> memref<125xi32, #tpu.memory_space<vmem>>
        %dma_start3A_53 = arith.constant 0 : i32
        %dma_start3A_54 = arith.constant 0 : i32
        %dma_start3A_55 = tpu.memref_slice %arg11[%dma_start3A_53, %dma_start3A_54] : memref<10240x128xf32, #tpu.memory_space<vmem_shared>> -> memref<10240x128xf32, #tpu.memory_space<vmem_shared>>
        tpu.enqueue_indirect_dma source(%arg10 : memref<125x128xf32, #tpu.memory_space<vmem>>) target(%dma_start3A_55 : memref<10240x128xf32, #tpu.memory_space<vmem_shared>>) offsets(%dma_start3A_52 : memref<125xi32, #tpu.memory_space<vmem>>) semaphore(%run_scoped3A : memref<!tpu.dma_semaphore, #tpu.memory_space<semaphore_mem>>) {add = true}
        %dma_wait3A_56 = arith.constant 0 : i32
        %dma_wait3A_57 = tpu.memref_slice %arg8[%add3A_49, %dma_wait3A_56] : memref<40x125xi32, #tpu.memory_space<vmem>> -> memref<1x125xi32, #tpu.memory_space<vmem>>
        %dma_wait3A_58 = tpu.memref_squeeze %dma_wait3A_57 : memref<1x125xi32, #tpu.memory_space<vmem>> -> memref<125xi32, #tpu.memory_space<vmem>>
        %dma_wait3A_59 = arith.constant 0 : i32
        %dma_wait3A_60 = arith.constant 0 : i32
        %dma_wait3A_61 = tpu.memref_slice %arg11[%dma_wait3A_59, %dma_wait3A_60] : memref<10240x128xf32, #tpu.memory_space<vmem_shared>> -> memref<10240x128xf32, #tpu.memory_space<vmem_shared>>
        tpu.wait_indirect_dma semaphore(%run_scoped3A : memref<!tpu.dma_semaphore, #tpu.memory_space<semaphore_mem>>) src(%arg10 : memref<125x128xf32, #tpu.memory_space<vmem>>) dst(%dma_wait3A_61 : memref<10240x128xf32, #tpu.memory_space<vmem_shared>>)
        tpu.yield
      }) : () -> ()
    }
    %scan3A_15 = arith.constant 20 : i32
    %barrier3A_16 = arith.constant 0 : index
    tpu.barrier barrier_id(%barrier3A_16)
    %mul3A_17 = arith.constant 10240 : i32
    %mul3A_18 = arith.muli %arg0, %mul3A_17 : i32
    %add3A_19 = arith.addi %mul3A_18, %mul3A_0 : i32
    "tpu.region"() ({
      %run_scoped3A = tpu.sem_alloc : memref<!tpu.dma_semaphore, #tpu.memory_space<semaphore_mem>>
      %dma_start3A_20 = arith.constant 0 : i32
      %dma_start3A_21 = tpu.memref_slice %arg6[%add3A_19, %dma_start3A_20] : memref<20480x128xf32, #tpu.memory_space<hbm>> -> memref<640x128xf32, #tpu.memory_space<hbm>>
      %dma_start3A_22 = arith.constant 0 : i32
      %dma_start3A_23 = tpu.memref_slice %arg11[%mul3A_0, %dma_start3A_22] : memref<10240x128xf32, #tpu.memory_space<vmem_shared>> -> memref<640x128xf32, #tpu.memory_space<vmem_shared>>
      tpu.enqueue_dma source(%dma_start3A_23 : memref<640x128xf32, #tpu.memory_space<vmem_shared>>) target(%dma_start3A_21 : memref<640x128xf32, #tpu.memory_space<hbm>>) target_semaphore(%run_scoped3A : memref<!tpu.dma_semaphore, #tpu.memory_space<semaphore_mem>>)
      %dma_wait3A = arith.constant 0 : i32
      %dma_wait3A_24 = tpu.memref_slice %arg6[%add3A_19, %dma_wait3A] : memref<20480x128xf32, #tpu.memory_space<hbm>> -> memref<640x128xf32, #tpu.memory_space<hbm>>
      %dma_wait3A_25 = arith.constant 0 : i32
      %dma_wait3A_26 = tpu.memref_slice %arg11[%mul3A_0, %dma_wait3A_25] : memref<10240x128xf32, #tpu.memory_space<vmem_shared>> -> memref<640x128xf32, #tpu.memory_space<vmem_shared>>
      tpu.wait_dma2 semaphore(%run_scoped3A : memref<!tpu.dma_semaphore, #tpu.memory_space<semaphore_mem>>) src(%dma_wait3A_26 : memref<640x128xf32, #tpu.memory_space<vmem_shared>>) dst(%dma_wait3A_24 : memref<640x128xf32, #tpu.memory_space<hbm>>)
      tpu.yield
    }) : () -> ()
    return
  }
}

#map = affine_map<(d0, d1) -> (0, 0)>
module attributes {stable_mosaic.version = 14 : i64} {
  func.func @k(%arg0: i32, %arg1: i32, %arg2: memref<10000x128xf32, #tpu.memory_space<hbm>>, %arg3: memref<1280x125xi32, #tpu.memory_space<hbm>>, %arg4: memref<1280x125xi32, #tpu.memory_space<hbm>>, %arg5: memref<640x128xf32, #tpu.memory_space<hbm>>, %arg6: memref<20480x128xf32, #tpu.memory_space<hbm>>, %arg7: memref<40x125xi32, #tpu.memory_space<vmem>>, %arg8: memref<40x125xi32, #tpu.memory_space<vmem>>, %arg9: memref<125x128xf32, #tpu.memory_space<vmem>>, %arg10: memref<125x128xf32, #tpu.memory_space<vmem>>, %arg11: memref<10240x128xf32, #tpu.memory_space<vmem_shared>>, %arg12: memref<!tpu.dma_semaphore, #tpu.memory_space<semaphore_mem>>, %arg13: memref<!tpu.dma_semaphore, #tpu.memory_space<semaphore_mem>>) attributes {dimension_semantics = [#tpu.dimension_semantics<core_parallel>, #tpu.dimension_semantics<subcore_parallel>], iteration_bounds = array<i64: 2, 16>, scalar_prefetch = 0 : i64, scratch_operands = 7 : i64, tpu.core_type = #tpu.core_type<sc_vector_subcore>, window_params = [{transform_indices = #map}, {transform_indices = #map}, {transform_indices = #map}, {transform_indices = #map}, {transform_indices = #map}]} {
    %mul3A = arith.constant 640 : i32
    %mul3A_0 = arith.muli %arg1, %mul3A : i32
    %mul3A_1 = arith.constant 16 : i32
    %mul3A_2 = arith.muli %arg0, %mul3A_1 : i32
    %add3A = arith.addi %mul3A_2, %arg1 : i32
    %mul3A_3 = arith.constant 40 : i32
    %mul3A_4 = arith.muli %add3A, %mul3A_3 : i32
    "tpu.region"() ({
      %run_scoped3A = tpu.sem_alloc : memref<!tpu.dma_semaphore, #tpu.memory_space<semaphore_mem>>
      %dma_start3A_20 = arith.constant 0 : i32
      %dma_start3A_21 = tpu.memref_slice %arg3[%mul3A_4, %dma_start3A_20] : memref<1280x125xi32, #tpu.memory_space<hbm>> -> memref<40x125xi32, #tpu.memory_space<hbm>>
      %dma_start3A_22 = arith.constant 0 : i32
      %dma_start3A_23 = tpu.memref_slice %arg3[%mul3A_4, %dma_start3A_22] : memref<1280x125xi32, #tpu.memory_space<hbm>> -> memref<40x125xi32, #tpu.memory_space<hbm>>
      tpu.enqueue_dma source(%dma_start3A_23 : memref<40x125xi32, #tpu.memory_space<hbm>>) target(%arg7 : memref<40x125xi32, #tpu.memory_space<vmem>>) target_semaphore(%run_scoped3A : memref<!tpu.dma_semaphore, #tpu.memory_space<semaphore_mem>>)
      %dma_wait3A = arith.constant 0 : i32
      %dma_wait3A_24 = tpu.memref_slice %arg3[%mul3A_4, %dma_wait3A] : memref<1280x125xi32, #tpu.memory_space<hbm>> -> memref<40x125xi32, #tpu.memory_space<hbm>>
      %dma_wait3A_25 = arith.constant 0 : i32
      %dma_wait3A_26 = tpu.memref_slice %arg3[%mul3A_4, %dma_wait3A_25] : memref<1280x125xi32, #tpu.memory_space<hbm>> -> memref<40x125xi32, #tpu.memory_space<hbm>>
      tpu.wait_dma2 semaphore(%run_scoped3A : memref<!tpu.dma_semaphore, #tpu.memory_space<semaphore_mem>>) src(%dma_wait3A_26 : memref<40x125xi32, #tpu.memory_space<hbm>>) dst(%arg7 : memref<40x125xi32, #tpu.memory_space<vmem>>)
      tpu.yield
    }) : () -> ()
    "tpu.region"() ({
      %run_scoped3A = tpu.sem_alloc : memref<!tpu.dma_semaphore, #tpu.memory_space<semaphore_mem>>
      %dma_start3A_20 = arith.constant 0 : i32
      %dma_start3A_21 = tpu.memref_slice %arg4[%mul3A_4, %dma_start3A_20] : memref<1280x125xi32, #tpu.memory_space<hbm>> -> memref<40x125xi32, #tpu.memory_space<hbm>>
      %dma_start3A_22 = arith.constant 0 : i32
      %dma_start3A_23 = tpu.memref_slice %arg4[%mul3A_4, %dma_start3A_22] : memref<1280x125xi32, #tpu.memory_space<hbm>> -> memref<40x125xi32, #tpu.memory_space<hbm>>
      tpu.enqueue_dma source(%dma_start3A_23 : memref<40x125xi32, #tpu.memory_space<hbm>>) target(%arg8 : memref<40x125xi32, #tpu.memory_space<vmem>>) target_semaphore(%run_scoped3A : memref<!tpu.dma_semaphore, #tpu.memory_space<semaphore_mem>>)
      %dma_wait3A = arith.constant 0 : i32
      %dma_wait3A_24 = tpu.memref_slice %arg4[%mul3A_4, %dma_wait3A] : memref<1280x125xi32, #tpu.memory_space<hbm>> -> memref<40x125xi32, #tpu.memory_space<hbm>>
      %dma_wait3A_25 = arith.constant 0 : i32
      %dma_wait3A_26 = tpu.memref_slice %arg4[%mul3A_4, %dma_wait3A_25] : memref<1280x125xi32, #tpu.memory_space<hbm>> -> memref<40x125xi32, #tpu.memory_space<hbm>>
      tpu.wait_dma2 semaphore(%run_scoped3A : memref<!tpu.dma_semaphore, #tpu.memory_space<semaphore_mem>>) src(%dma_wait3A_26 : memref<40x125xi32, #tpu.memory_space<hbm>>) dst(%arg8 : memref<40x125xi32, #tpu.memory_space<vmem>>)
      tpu.yield
    }) : () -> ()
    "tpu.region"() ({
      %run_scoped3A = tpu.sem_alloc : memref<!tpu.dma_semaphore, #tpu.memory_space<semaphore_mem>>
      %dma_start3A_20 = arith.constant 0 : i32
      %dma_start3A_21 = tpu.memref_slice %arg11[%mul3A_0, %dma_start3A_20] : memref<10240x128xf32, #tpu.memory_space<vmem_shared>> -> memref<640x128xf32, #tpu.memory_space<vmem_shared>>
      %dma_start3A_22 = arith.constant 0 : i32
      %dma_start3A_23 = arith.constant 0 : i32
      %dma_start3A_24 = tpu.memref_slice %arg5[%dma_start3A_22, %dma_start3A_23] : memref<640x128xf32, #tpu.memory_space<hbm>> -> memref<640x128xf32, #tpu.memory_space<hbm>>
      tpu.enqueue_dma source(%dma_start3A_24 : memref<640x128xf32, #tpu.memory_space<hbm>>) target(%dma_start3A_21 : memref<640x128xf32, #tpu.memory_space<vmem_shared>>) target_semaphore(%run_scoped3A : memref<!tpu.dma_semaphore, #tpu.memory_space<semaphore_mem>>)
      %dma_wait3A = arith.constant 0 : i32
      %dma_wait3A_25 = tpu.memref_slice %arg11[%mul3A_0, %dma_wait3A] : memref<10240x128xf32, #tpu.memory_space<vmem_shared>> -> memref<640x128xf32, #tpu.memory_space<vmem_shared>>
      %dma_wait3A_26 = arith.constant 0 : i32
      %dma_wait3A_27 = arith.constant 0 : i32
      %dma_wait3A_28 = tpu.memref_slice %arg5[%dma_wait3A_26, %dma_wait3A_27] : memref<640x128xf32, #tpu.memory_space<hbm>> -> memref<640x128xf32, #tpu.memory_space<hbm>>
      tpu.wait_dma2 semaphore(%run_scoped3A : memref<!tpu.dma_semaphore, #tpu.memory_space<semaphore_mem>>) src(%dma_wait3A_28 : memref<640x128xf32, #tpu.memory_space<hbm>>) dst(%dma_wait3A_25 : memref<640x128xf32, #tpu.memory_space<vmem_shared>>)
      tpu.yield
    }) : () -> ()
    %barrier3A = arith.constant 0 : index
    tpu.barrier barrier_id(%barrier3A)
    %dma_start3A = arith.constant 0 : i32
    %dma_start3A_5 = arith.constant 0 : i32
    %dma_start3A_6 = tpu.memref_slice %arg7[%dma_start3A, %dma_start3A_5] : memref<40x125xi32, #tpu.memory_space<vmem>> -> memref<1x125xi32, #tpu.memory_space<vmem>>
    %dma_start3A_7 = tpu.memref_squeeze %dma_start3A_6 : memref<1x125xi32, #tpu.memory_space<vmem>> -> memref<125xi32, #tpu.memory_space<vmem>>
    %dma_start3A_8 = arith.constant 0 : i32
    %dma_start3A_9 = arith.constant 0 : i32
    %dma_start3A_10 = tpu.memref_slice %arg2[%dma_start3A_8, %dma_start3A_9] : memref<10000x128xf32, #tpu.memory_space<hbm>> -> memref<10000x128xf32, #tpu.memory_space<hbm>>
    tpu.enqueue_indirect_dma source(%dma_start3A_10 : memref<10000x128xf32, #tpu.memory_space<hbm>>) target(%arg9 : memref<125x128xf32, #tpu.memory_space<vmem>>) offsets(%dma_start3A_7 : memref<125xi32, #tpu.memory_space<vmem>>) semaphore(%arg12 : memref<!tpu.dma_semaphore, #tpu.memory_space<semaphore_mem>>)
    %scan3A = arith.constant 0 : i32
    %scan3A_11 = arith.constant 0 : i32
    %scan3A_12 = arith.constant 20 : i32
    %scan3A_13 = arith.addi %scan3A_11, %scan3A_12 : i32
    %scan3A_14 = arith.constant 1 : i32
    scf.for %scan3A_20 = %scan3A_11 to %scan3A_13 step %scan3A_14  : i32 {
      %mul3A_21 = arith.constant 2 : i32
      %mul3A_22 = arith.muli %mul3A_21, %scan3A_20 : i32
      %add3A_23 = arith.constant 1 : i32
      %add3A_24 = arith.addi %mul3A_22, %add3A_23 : i32
      %dma_start3A_25 = arith.constant 0 : i32
      %dma_start3A_26 = tpu.memref_slice %arg7[%add3A_24, %dma_start3A_25] : memref<40x125xi32, #tpu.memory_space<vmem>> -> memref<1x125xi32, #tpu.memory_space<vmem>>
      %dma_start3A_27 = tpu.memref_squeeze %dma_start3A_26 : memref<1x125xi32, #tpu.memory_space<vmem>> -> memref<125xi32, #tpu.memory_space<vmem>>
      %dma_start3A_28 = arith.constant 0 : i32
      %dma_start3A_29 = arith.constant 0 : i32
      %dma_start3A_30 = tpu.memref_slice %arg2[%dma_start3A_28, %dma_start3A_29] : memref<10000x128xf32, #tpu.memory_space<hbm>> -> memref<10000x128xf32, #tpu.memory_space<hbm>>
      tpu.enqueue_indirect_dma source(%dma_start3A_30 : memref<10000x128xf32, #tpu.memory_space<hbm>>) target(%arg10 : memref<125x128xf32, #tpu.memory_space<vmem>>) offsets(%dma_start3A_27 : memref<125xi32, #tpu.memory_space<vmem>>) semaphore(%arg13 : memref<!tpu.dma_semaphore, #tpu.memory_space<semaphore_mem>>)
      %dma_wait3A = arith.constant 0 : i32
      %dma_wait3A_31 = tpu.memref_slice %arg7[%mul3A_22, %dma_wait3A] : memref<40x125xi32, #tpu.memory_space<vmem>> -> memref<1x125xi32, #tpu.memory_space<vmem>>
      %dma_wait3A_32 = tpu.memref_squeeze %dma_wait3A_31 : memref<1x125xi32, #tpu.memory_space<vmem>> -> memref<125xi32, #tpu.memory_space<vmem>>
      %dma_wait3A_33 = arith.constant 0 : i32
      %dma_wait3A_34 = arith.constant 0 : i32
      %dma_wait3A_35 = tpu.memref_slice %arg2[%dma_wait3A_33, %dma_wait3A_34] : memref<10000x128xf32, #tpu.memory_space<hbm>> -> memref<10000x128xf32, #tpu.memory_space<hbm>>
      tpu.wait_indirect_dma semaphore(%arg12 : memref<!tpu.dma_semaphore, #tpu.memory_space<semaphore_mem>>) src(%dma_wait3A_35 : memref<10000x128xf32, #tpu.memory_space<hbm>>) dst(%arg9 : memref<125x128xf32, #tpu.memory_space<vmem>>)
      "tpu.region"() ({
        %run_scoped3A = tpu.sem_alloc : memref<!tpu.dma_semaphore, #tpu.memory_space<semaphore_mem>>
        %dma_start3A_50 = arith.constant 0 : i32
        %dma_start3A_51 = tpu.memref_slice %arg8[%mul3A_22, %dma_start3A_50] : memref<40x125xi32, #tpu.memory_space<vmem>> -> memref<1x125xi32, #tpu.memory_space<vmem>>
        %dma_start3A_52 = tpu.memref_squeeze %dma_start3A_51 : memref<1x125xi32, #tpu.memory_space<vmem>> -> memref<125xi32, #tpu.memory_space<vmem>>
        %dma_start3A_53 = arith.constant 0 : i32
        %dma_start3A_54 = arith.constant 0 : i32
        %dma_start3A_55 = tpu.memref_slice %arg11[%dma_start3A_53, %dma_start3A_54] : memref<10240x128xf32, #tpu.memory_space<vmem_shared>> -> memref<10240x128xf32, #tpu.memory_space<vmem_shared>>
        tpu.enqueue_indirect_dma source(%arg9 : memref<125x128xf32, #tpu.memory_space<vmem>>) target(%dma_start3A_55 : memref<10240x128xf32, #tpu.memory_space<vmem_shared>>) offsets(%dma_start3A_52 : memref<125xi32, #tpu.memory_space<vmem>>) semaphore(%run_scoped3A : memref<!tpu.dma_semaphore, #tpu.memory_space<semaphore_mem>>) {add = true}
        %dma_wait3A_56 = arith.constant 0 : i32
        %dma_wait3A_57 = tpu.memref_slice %arg8[%mul3A_22, %dma_wait3A_56] : memref<40x125xi32, #tpu.memory_space<vmem>> -> memref<1x125xi32, #tpu.memory_space<vmem>>
        %dma_wait3A_58 = tpu.memref_squeeze %dma_wait3A_57 : memref<1x125xi32, #tpu.memory_space<vmem>> -> memref<125xi32, #tpu.memory_space<vmem>>
        %dma_wait3A_59 = arith.constant 0 : i32
        %dma_wait3A_60 = arith.constant 0 : i32
        %dma_wait3A_61 = tpu.memref_slice %arg11[%dma_wait3A_59, %dma_wait3A_60] : memref<10240x128xf32, #tpu.memory_space<vmem_shared>> -> memref<10240x128xf32, #tpu.memory_space<vmem_shared>>
        tpu.wait_indirect_dma semaphore(%run_scoped3A : memref<!tpu.dma_semaphore, #tpu.memory_space<semaphore_mem>>) src(%arg9 : memref<125x128xf32, #tpu.memory_space<vmem>>) dst(%dma_wait3A_61 : memref<10240x128xf32, #tpu.memory_space<vmem_shared>>)
        tpu.yield
      }) : () -> ()
      %add3A_36 = arith.constant 2 : i32
      %add3A_37 = arith.addi %mul3A_22, %add3A_36 : i32
      %lt3A = arith.constant 40 : i32
      %lt3A_38 = arith.cmpi slt, %add3A_37, %lt3A : i32
      %convert_element_type3A = arith.extui %lt3A_38 : i1 to i32
      %cond3A = arith.constant 0 : i32
      %cond3A_39 = arith.cmpi ne, %convert_element_type3A, %cond3A : i32
      scf.if %cond3A_39 {
        %add3A_50 = arith.constant 2 : i32
        %add3A_51 = arith.addi %mul3A_22, %add3A_50 : i32
        %dma_start3A_52 = arith.constant 0 : i32
        %dma_start3A_53 = tpu.memref_slice %arg7[%add3A_51, %dma_start3A_52] : memref<40x125xi32, #tpu.memory_space<vmem>> -> memref<1x125xi32, #tpu.memory_space<vmem>>
        %dma_start3A_54 = tpu.memref_squeeze %dma_start3A_53 : memref<1x125xi32, #tpu.memory_space<vmem>> -> memref<125xi32, #tpu.memory_space<vmem>>
        %dma_start3A_55 = arith.constant 0 : i32
        %dma_start3A_56 = arith.constant 0 : i32
        %dma_start3A_57 = tpu.memref_slice %arg2[%dma_start3A_55, %dma_start3A_56] : memref<10000x128xf32, #tpu.memory_space<hbm>> -> memref<10000x128xf32, #tpu.memory_space<hbm>>
        tpu.enqueue_indirect_dma source(%dma_start3A_57 : memref<10000x128xf32, #tpu.memory_space<hbm>>) target(%arg9 : memref<125x128xf32, #tpu.memory_space<vmem>>) offsets(%dma_start3A_54 : memref<125xi32, #tpu.memory_space<vmem>>) semaphore(%arg12 : memref<!tpu.dma_semaphore, #tpu.memory_space<semaphore_mem>>)
      } else {
      }
      %add3A_40 = arith.constant 1 : i32
      %add3A_41 = arith.addi %mul3A_22, %add3A_40 : i32
      %dma_wait3A_42 = arith.constant 0 : i32
      %dma_wait3A_43 = tpu.memref_slice %arg7[%add3A_41, %dma_wait3A_42] : memref<40x125xi32, #tpu.memory_space<vmem>> -> memref<1x125xi32, #tpu.memory_space<vmem>>
      %dma_wait3A_44 = tpu.memref_squeeze %dma_wait3A_43 : memref<1x125xi32, #tpu.memory_space<vmem>> -> memref<125xi32, #tpu.memory_space<vmem>>
      %dma_wait3A_45 = arith.constant 0 : i32
      %dma_wait3A_46 = arith.constant 0 : i32
      %dma_wait3A_47 = tpu.memref_slice %arg2[%dma_wait3A_45, %dma_wait3A_46] : memref<10000x128xf32, #tpu.memory_space<hbm>> -> memref<10000x128xf32, #tpu.memory_space<hbm>>
      tpu.wait_indirect_dma semaphore(%arg13 : memref<!tpu.dma_semaphore, #tpu.memory_space<semaphore_mem>>) src(%dma_wait3A_47 : memref<10000x128xf32, #tpu.memory_space<hbm>>) dst(%arg10 : memref<125x128xf32, #tpu.memory_space<vmem>>)
      %add3A_48 = arith.constant 1 : i32
      %add3A_49 = arith.addi %mul3A_22, %add3A_48 : i32
      "tpu.region"() ({
        %run_scoped3A = tpu.sem_alloc : memref<!tpu.dma_semaphore, #tpu.memory_space<semaphore_mem>>
        %dma_start3A_50 = arith.constant 0 : i32
        %dma_start3A_51 = tpu.memref_slice %arg8[%add3A_49, %dma_start3A_50] : memref<40x125xi32, #tpu.memory_space<vmem>> -> memref<1x125xi32, #tpu.memory_space<vmem>>
        %dma_start3A_52 = tpu.memref_squeeze %dma_start3A_51 : memref<1x125xi32, #tpu.memory_space<vmem>> -> memref<125xi32, #tpu.memory_space<vmem>>
        %dma_start3A_53 = arith.constant 0 : i32
        %dma_start3A_54 = arith.constant 0 : i32
        %dma_start3A_55 = tpu.memref_slice %arg11[%dma_start3A_53, %dma_start3A_54] : memref<10240x128xf32, #tpu.memory_space<vmem_shared>> -> memref<10240x128xf32, #tpu.memory_space<vmem_shared>>
        tpu.enqueue_indirect_dma source(%arg10 : memref<125x128xf32, #tpu.memory_space<vmem>>) target(%dma_start3A_55 : memref<10240x128xf32, #tpu.memory_space<vmem_shared>>) offsets(%dma_start3A_52 : memref<125xi32, #tpu.memory_space<vmem>>) semaphore(%run_scoped3A : memref<!tpu.dma_semaphore, #tpu.memory_space<semaphore_mem>>) {add = true}
        %dma_wait3A_56 = arith.constant 0 : i32
        %dma_wait3A_57 = tpu.memref_slice %arg8[%add3A_49, %dma_wait3A_56] : memref<40x125xi32, #tpu.memory_space<vmem>> -> memref<1x125xi32, #tpu.memory_space<vmem>>
        %dma_wait3A_58 = tpu.memref_squeeze %dma_wait3A_57 : memref<1x125xi32, #tpu.memory_space<vmem>> -> memref<125xi32, #tpu.memory_space<vmem>>
        %dma_wait3A_59 = arith.constant 0 : i32
        %dma_wait3A_60 = arith.constant 0 : i32
        %dma_wait3A_61 = tpu.memref_slice %arg11[%dma_wait3A_59, %dma_wait3A_60] : memref<10240x128xf32, #tpu.memory_space<vmem_shared>> -> memref<10240x128xf32, #tpu.memory_space<vmem_shared>>
        tpu.wait_indirect_dma semaphore(%run_scoped3A : memref<!tpu.dma_semaphore, #tpu.memory_space<semaphore_mem>>) src(%arg10 : memref<125x128xf32, #tpu.memory_space<vmem>>) dst(%dma_wait3A_61 : memref<10240x128xf32, #tpu.memory_space<vmem_shared>>)
        tpu.yield
      }) : () -> ()
    }
    %scan3A_15 = arith.constant 20 : i32
    %barrier3A_16 = arith.constant 0 : index
    tpu.barrier barrier_id(%barrier3A_16)
    %mul3A_17 = arith.constant 10240 : i32
    %mul3A_18 = arith.muli %arg0, %mul3A_17 : i32
    %add3A_19 = arith.addi %mul3A_18, %mul3A_0 : i32
    "tpu.region"() ({
      %run_scoped3A = tpu.sem_alloc : memref<!tpu.dma_semaphore, #tpu.memory_space<semaphore_mem>>
      %dma_start3A_20 = arith.constant 0 : i32
      %dma_start3A_21 = tpu.memref_slice %arg6[%add3A_19, %dma_start3A_20] : memref<20480x128xf32, #tpu.memory_space<hbm>> -> memref<640x128xf32, #tpu.memory_space<hbm>>
      %dma_start3A_22 = arith.constant 0 : i32
      %dma_start3A_23 = tpu.memref_slice %arg11[%mul3A_0, %dma_start3A_22] : memref<10240x128xf32, #tpu.memory_space<vmem_shared>> -> memref<640x128xf32, #tpu.memory_space<vmem_shared>>
      tpu.enqueue_dma source(%dma_start3A_23 : memref<640x128xf32, #tpu.memory_space<vmem_shared>>) target(%dma_start3A_21 : memref<640x128xf32, #tpu.memory_space<hbm>>) target_semaphore(%run_scoped3A : memref<!tpu.dma_semaphore, #tpu.memory_space<semaphore_mem>>)
      %dma_wait3A = arith.constant 0 : i32
      %dma_wait3A_24 = tpu.memref_slice %arg6[%add3A_19, %dma_wait3A] : memref<20480x128xf32, #tpu.memory_space<hbm>> -> memref<640x128xf32, #tpu.memory_space<hbm>>
      %dma_wait3A_25 = arith.constant 0 : i32
      %dma_wait3A_26 = tpu.memref_slice %arg11[%mul3A_0, %dma_wait3A_25] : memref<10240x128xf32, #tpu.memory_space<vmem_shared>> -> memref<640x128xf32, #tpu.memory_space<vmem_shared>>
      tpu.wait_dma2 semaphore(%run_scoped3A : memref<!tpu.dma_semaphore, #tpu.memory_space<semaphore_mem>>) src(%dma_wait3A_26 : memref<640x128xf32, #tpu.memory_space<vmem_shared>>) dst(%dma_wait3A_24 : memref<640x128xf32, #tpu.memory_space<hbm>>)
      tpu.yield
    }) : () -> ()
    return
  }
}

module attributes {stable_mosaic.version = 14 : i64} {
  func.func @body(%arg0: i32, %arg1: i32, %arg2: memref<400x128xf32, #tpu.memory_space<vmem>>, %arg3: memref<400x128xf32, #tpu.memory_space<vmem>>, %arg4: memref<400x128xf32, #tpu.memory_space<vmem>>, %arg5: memref<1x128xf32, #tpu.memory_space<vmem>>, %arg6: memref<1x128xf32, #tpu.memory_space<vmem>>, %arg7: memref<128x128xf32, #tpu.memory_space<vmem>>, %arg8: memref<1x128xf32, #tpu.memory_space<vmem>>, %arg9: memref<1x400x128xf32, #tpu.memory_space<vmem>>) attributes {dimension_semantics = [#tpu.dimension_semantics<arbitrary>, #tpu.dimension_semantics<arbitrary>], iteration_bounds = array<i64: 16, 25>, scalar_prefetch = 0 : i64, scratch_operands = 0 : i64, tpu.core_type = #tpu.core_type<tc>, window_params = [{transform_indices = @transform_0, window_bounds = array<i64: 400, 128>}, {transform_indices = @transform_1, window_bounds = array<i64: 400, 128>}, {transform_indices = @transform_2, window_bounds = array<i64: 400, 128>}, {pipeline_mode = #tpu.pipeline_mode<synchronous>, transform_indices = @transform_3, window_bounds = array<i64: 1, 128>}, {pipeline_mode = #tpu.pipeline_mode<synchronous>, transform_indices = @transform_4, window_bounds = array<i64: 1, 128>}, {pipeline_mode = #tpu.pipeline_mode<synchronous>, transform_indices = @transform_5, window_bounds = array<i64: 128, 128>}, {pipeline_mode = #tpu.pipeline_mode<synchronous>, transform_indices = @transform_6, window_bounds = array<i64: 1, 128>}, {transform_indices = @transform_7, window_bounds = array<i64: 1, 400, 128>}]} {
    %jit3A = arith.constant 8 : i32
    %eq3A = arith.constant 0 : i32
    %eq3A_0 = arith.cmpi eq, %jit3A, %eq3A : i32
    %jit3A_1 = arith.constant 1 : i32
    %select_n3A = arith.select %eq3A_0, %jit3A_1, %jit3A : i32
    %rem3A = arith.remsi %arg0, %select_n3A : i32
    %ne3A = arith.constant 0 : i32
    %ne3A_2 = arith.cmpi ne, %rem3A, %ne3A : i32
    %lt3A = arith.constant 0 : i32
    %lt3A_3 = arith.cmpi slt, %rem3A, %lt3A : i32
    %lt3A_4 = arith.constant 0 : i32
    %lt3A_5 = arith.cmpi slt, %select_n3A, %lt3A_4 : i32
    %ne3A_6 = arith.xori %lt3A_3, %lt3A_5 : i1
    %and3A = arith.andi %ne3A_6, %ne3A_2 : i1
    %add3A = arith.addi %rem3A, %select_n3A : i32
    %select_n3A_7 = arith.select %and3A, %add3A, %rem3A : i32
    %lt3A_8 = arith.constant 8 : i32
    %lt3A_9 = arith.cmpi slt, %arg0, %lt3A_8 : i32
    %jit3A_10 = arith.constant 1.000000e+00 : f32
    %jit3A_11 = arith.constant -1.000000e+00 : f32
    %select_n3A_12 = arith.select %lt3A_9, %jit3A_10, %jit3A_11 : f32
    %get3A = arith.constant 0 : index
    %get3A_13 = arith.constant 0 : index
    %get3A_14 = vector.load %arg2[%get3A, %get3A_13] : memref<400x128xf32, #tpu.memory_space<vmem>>, vector<400x128xf32>
    %get3A_15 = arith.constant 0 : index
    %get3A_16 = arith.constant 0 : index
    %get3A_17 = vector.load %arg3[%get3A_15, %get3A_16] : memref<400x128xf32, #tpu.memory_space<vmem>>, vector<400x128xf32>
    %add3A_18 = arith.addf %get3A_14, %get3A_17 : vector<400x128xf32>
    %get3A_19 = arith.constant 0 : index
    %get3A_20 = arith.constant 0 : index
    %get3A_21 = vector.load %arg4[%get3A_19, %get3A_20] : memref<400x128xf32, #tpu.memory_space<vmem>>, vector<400x128xf32>
    %add3A_22 = arith.addf %add3A_18, %get3A_21 : vector<400x128xf32>
    %iota3A = tpu.iota {dimensions = array<i32: 1>} : vector<400x128xi32>
    %eq3A_23 = vector.broadcast %select_n3A_7 : i32 to vector<400x128xi32>
    %eq3A_24 = arith.cmpi eq, %iota3A, %eq3A_23 : vector<400x128xi32>
    %convert_element_type3A = arith.extui %eq3A_24 : vector<400x128xi1> to vector<400x128xi32>
    %convert_element_type3A_25 = arith.sitofp %convert_element_type3A : vector<400x128xi32> to vector<400x128xf32>
    %mul3A = arith.mulf %add3A_22, %convert_element_type3A_25 : vector<400x128xf32>
    %reduce_sum3A = arith.constant dense<0.000000e+00> : vector<400xf32>
    %reduce_sum3A_26 = vector.multi_reduction <add>, %mul3A, %reduce_sum3A [1] : vector<400x128xf32> to vector<400xf32>
    %broadcast_in_dim3A = vector.shape_cast %reduce_sum3A_26 : vector<400xf32> to vector<400x1xf32>
    %mul3A_27 = vector.broadcast %select_n3A_12 : f32 to vector<400x1xf32>
    %mul3A_28 = arith.mulf %broadcast_in_dim3A, %mul3A_27 : vector<400x1xf32>
    %get3A_29 = arith.constant 0 : index
    %get3A_30 = arith.constant 0 : index
    %get3A_31 = vector.load %arg5[%get3A_29, %get3A_30] : memref<1x128xf32, #tpu.memory_space<vmem>>, vector<1x128xf32>
    %mul3A_32 = vector.broadcast %mul3A_28 : vector<400x1xf32> to vector<400x128xf32>
    %mul3A_33 = vector.broadcast %get3A_31 : vector<1x128xf32> to vector<400x128xf32>
    %mul3A_34 = arith.mulf %mul3A_32, %mul3A_33 : vector<400x128xf32>
    %get3A_35 = arith.constant 0 : index
    %get3A_36 = arith.constant 0 : index
    %get3A_37 = vector.load %arg6[%get3A_35, %get3A_36] : memref<1x128xf32, #tpu.memory_space<vmem>>, vector<1x128xf32>
    %add3A_38 = vector.broadcast %get3A_37 : vector<1x128xf32> to vector<400x128xf32>
    %add3A_39 = arith.addf %mul3A_34, %add3A_38 : vector<400x128xf32>
    %max3A = arith.constant 0.000000e+00 : f32
    %max3A_40 = vector.broadcast %max3A : f32 to vector<400x128xf32>
    %max3A_41 = arith.maximumf %add3A_39, %max3A_40 : vector<400x128xf32>
    %get3A_42 = arith.constant 0 : index
    %get3A_43 = arith.constant 0 : index
    %get3A_44 = vector.load %arg7[%get3A_42, %get3A_43] : memref<128x128xf32, #tpu.memory_space<vmem>>, vector<128x128xf32>
    %dot_general3A = arith.constant dense<0.000000e+00> : vector<400x128xf32>
    %dot_general3A_45 = tpu.matmul %max3A_41, %get3A_44, %dot_general3A {dimension_numbers = #tpu.dot_dimension_numbers<[1], [0], [0], [1], [0, 0, 1, 1], [], []>, transpose_lhs_hint = false} : vector<400x128xf32>, vector<128x128xf32>, vector<400x128xf32> -> vector<400x128xf32>
    %get3A_46 = arith.constant 0 : index
    %get3A_47 = arith.constant 0 : index
    %get3A_48 = vector.load %arg8[%get3A_46, %get3A_47] : memref<1x128xf32, #tpu.memory_space<vmem>>, vector<1x128xf32>
    %add3A_49 = vector.broadcast %get3A_48 : vector<1x128xf32> to vector<400x128xf32>
    %add3A_50 = arith.addf %dot_general3A_45, %add3A_49 : vector<400x128xf32>
    %swap3A = arith.constant 0 : index
    %swap3A_51 = arith.constant 0 : index
    %swap3A_52 = arith.constant 0 : index
    %swap3A_53 = vector.load %arg9[%swap3A, %swap3A_51, %swap3A_52] : memref<1x400x128xf32, #tpu.memory_space<vmem>>, vector<1x400x128xf32>
    %swap3A_54 = vector.shape_cast %swap3A_53 : vector<1x400x128xf32> to vector<400x128xf32>
    %swap3A_55 = vector.shape_cast %add3A_50 : vector<400x128xf32> to vector<1x400x128xf32>
    tpu.vector_store %arg9[%swap3A, %swap3A_51, %swap3A_52], %swap3A_55 {strides = array<i32>} : memref<1x400x128xf32, #tpu.memory_space<vmem>>, vector<1x400x128xf32>,
    return
  }
  func.func @transform_0(%arg0: i32, %arg1: i32) -> (i32, i32) {
    %c0_i32 = arith.constant 0 : i32
    %c0_i32_0 = arith.constant 0 : i32
    return %arg1, %c0_i32 : i32, i32
  }
  func.func @transform_1(%arg0: i32, %arg1: i32) -> (i32, i32) {
    %c0_i32 = arith.constant 0 : i32
    %c0_i32_0 = arith.constant 0 : i32
    return %arg1, %c0_i32 : i32, i32
  }
  func.func @transform_2(%arg0: i32, %arg1: i32) -> (i32, i32) {
    %c0_i32 = arith.constant 0 : i32
    %c0_i32_0 = arith.constant 0 : i32
    return %arg1, %c0_i32 : i32, i32
  }
  func.func @transform_3(%arg0: i32, %arg1: i32) -> (i32, i32) {
    %c0_i32 = arith.constant 0 : i32
    %c0_i32_0 = arith.constant 0 : i32
    %c0_i32_1 = arith.constant 0 : i32
    return %c0_i32, %c0_i32_0 : i32, i32
  }
  func.func @transform_4(%arg0: i32, %arg1: i32) -> (i32, i32) {
    %c0_i32 = arith.constant 0 : i32
    %c0_i32_0 = arith.constant 0 : i32
    %c0_i32_1 = arith.constant 0 : i32
    return %c0_i32, %c0_i32_0 : i32, i32
  }
  func.func @transform_5(%arg0: i32, %arg1: i32) -> (i32, i32) {
    %c0_i32 = arith.constant 0 : i32
    %c0_i32_0 = arith.constant 0 : i32
    %c0_i32_1 = arith.constant 0 : i32
    return %c0_i32, %c0_i32_0 : i32, i32
  }
  func.func @transform_6(%arg0: i32, %arg1: i32) -> (i32, i32) {
    %c0_i32 = arith.constant 0 : i32
    %c0_i32_0 = arith.constant 0 : i32
    %c0_i32_1 = arith.constant 0 : i32
    return %c0_i32, %c0_i32_0 : i32, i32
  }
  func.func @transform_7(%arg0: i32, %arg1: i32) -> (i32, i32, i32) {
    %c0_i32 = arith.constant 0 : i32
    %c0_i32_0 = arith.constant 0 : i32
    return %arg0, %arg1, %c0_i32 : i32, i32, i32
  }
}

module attributes {stable_mosaic.version = 14 : i64} {
  func.func @body(%arg0: i32, %arg1: i32, %arg2: memref<1x400x128xf32, #tpu.memory_space<vmem>>, %arg3: memref<1x400x128xf32, #tpu.memory_space<vmem>>, %arg4: memref<128x128xf32, #tpu.memory_space<vmem>>, %arg5: memref<1x128xf32, #tpu.memory_space<vmem>>, %arg6: memref<128x128xf32, #tpu.memory_space<vmem>>, %arg7: memref<1x128xf32, #tpu.memory_space<vmem>>, %arg8: memref<1x400x128xf32, #tpu.memory_space<vmem>>) attributes {dimension_semantics = [#tpu.dimension_semantics<arbitrary>, #tpu.dimension_semantics<arbitrary>], iteration_bounds = array<i64: 16, 25>, scalar_prefetch = 0 : i64, scratch_operands = 0 : i64, tpu.core_type = #tpu.core_type<tc>, window_params = [{transform_indices = @transform_0, window_bounds = array<i64: 1, 400, 128>}, {transform_indices = @transform_1, window_bounds = array<i64: 1, 400, 128>}, {pipeline_mode = #tpu.pipeline_mode<synchronous>, transform_indices = @transform_2, window_bounds = array<i64: 128, 128>}, {pipeline_mode = #tpu.pipeline_mode<synchronous>, transform_indices = @transform_3, window_bounds = array<i64: 1, 128>}, {pipeline_mode = #tpu.pipeline_mode<synchronous>, transform_indices = @transform_4, window_bounds = array<i64: 128, 128>}, {pipeline_mode = #tpu.pipeline_mode<synchronous>, transform_indices = @transform_5, window_bounds = array<i64: 1, 128>}, {transform_indices = @transform_6, window_bounds = array<i64: 1, 400, 128>}]} {
    %get3A = arith.constant 0 : index
    %get3A_0 = arith.constant 0 : index
    %get3A_1 = arith.constant 0 : index
    %get3A_2 = vector.load %arg2[%get3A, %get3A_0, %get3A_1] : memref<1x400x128xf32, #tpu.memory_space<vmem>>, vector<1x400x128xf32>
    %get3A_3 = vector.shape_cast %get3A_2 : vector<1x400x128xf32> to vector<400x128xf32>
    %get3A_4 = arith.constant 0 : index
    %get3A_5 = arith.constant 0 : index
    %get3A_6 = arith.constant 0 : index
    %get3A_7 = vector.load %arg3[%get3A_4, %get3A_5, %get3A_6] : memref<1x400x128xf32, #tpu.memory_space<vmem>>, vector<1x400x128xf32>
    %get3A_8 = vector.shape_cast %get3A_7 : vector<1x400x128xf32> to vector<400x128xf32>
    %add3A = arith.addf %get3A_3, %get3A_8 : vector<400x128xf32>
    %get3A_9 = arith.constant 0 : index
    %get3A_10 = arith.constant 0 : index
    %get3A_11 = vector.load %arg4[%get3A_9, %get3A_10] : memref<128x128xf32, #tpu.memory_space<vmem>>, vector<128x128xf32>
    %dot_general3A = arith.constant dense<0.000000e+00> : vector<400x128xf32>
    %dot_general3A_12 = tpu.matmul %add3A, %get3A_11, %dot_general3A {dimension_numbers = #tpu.dot_dimension_numbers<[1], [0], [0], [1], [0, 0, 1, 1], [], []>, transpose_lhs_hint = false} : vector<400x128xf32>, vector<128x128xf32>, vector<400x128xf32> -> vector<400x128xf32>
    %get3A_13 = arith.constant 0 : index
    %get3A_14 = arith.constant 0 : index
    %get3A_15 = vector.load %arg5[%get3A_13, %get3A_14] : memref<1x128xf32, #tpu.memory_space<vmem>>, vector<1x128xf32>
    %add3A_16 = vector.broadcast %get3A_15 : vector<1x128xf32> to vector<400x128xf32>
    %add3A_17 = arith.addf %dot_general3A_12, %add3A_16 : vector<400x128xf32>
    %max3A = arith.constant 0.000000e+00 : f32
    %max3A_18 = vector.broadcast %max3A : f32 to vector<400x128xf32>
    %max3A_19 = arith.maximumf %add3A_17, %max3A_18 : vector<400x128xf32>
    %get3A_20 = arith.constant 0 : index
    %get3A_21 = arith.constant 0 : index
    %get3A_22 = vector.load %arg6[%get3A_20, %get3A_21] : memref<128x128xf32, #tpu.memory_space<vmem>>, vector<128x128xf32>
    %dot_general3A_23 = arith.constant dense<0.000000e+00> : vector<400x128xf32>
    %dot_general3A_24 = tpu.matmul %max3A_19, %get3A_22, %dot_general3A_23 {dimension_numbers = #tpu.dot_dimension_numbers<[1], [0], [0], [1], [0, 0, 1, 1], [], []>, transpose_lhs_hint = false} : vector<400x128xf32>, vector<128x128xf32>, vector<400x128xf32> -> vector<400x128xf32>
    %get3A_25 = arith.constant 0 : index
    %get3A_26 = arith.constant 0 : index
    %get3A_27 = vector.load %arg7[%get3A_25, %get3A_26] : memref<1x128xf32, #tpu.memory_space<vmem>>, vector<1x128xf32>
    %add3A_28 = vector.broadcast %get3A_27 : vector<1x128xf32> to vector<400x128xf32>
    %add3A_29 = arith.addf %dot_general3A_24, %add3A_28 : vector<400x128xf32>
    %swap3A = arith.constant 0 : index
    %swap3A_30 = arith.constant 0 : index
    %swap3A_31 = arith.constant 0 : index
    %swap3A_32 = vector.load %arg8[%swap3A, %swap3A_30, %swap3A_31] : memref<1x400x128xf32, #tpu.memory_space<vmem>>, vector<1x400x128xf32>
    %swap3A_33 = vector.shape_cast %swap3A_32 : vector<1x400x128xf32> to vector<400x128xf32>
    %swap3A_34 = vector.shape_cast %add3A_29 : vector<400x128xf32> to vector<1x400x128xf32>
    tpu.vector_store %arg8[%swap3A, %swap3A_30, %swap3A_31], %swap3A_34 {strides = array<i32>} : memref<1x400x128xf32, #tpu.memory_space<vmem>>, vector<1x400x128xf32>,
    return
  }
  func.func @transform_0(%arg0: i32, %arg1: i32) -> (i32, i32, i32) {
    %c0_i32 = arith.constant 0 : i32
    %c0_i32_0 = arith.constant 0 : i32
    return %arg0, %arg1, %c0_i32 : i32, i32, i32
  }
  func.func @transform_1(%arg0: i32, %arg1: i32) -> (i32, i32, i32) {
    %c0_i32 = arith.constant 0 : i32
    %c0_i32_0 = arith.constant 0 : i32
    return %arg0, %arg1, %c0_i32 : i32, i32, i32
  }
  func.func @transform_2(%arg0: i32, %arg1: i32) -> (i32, i32) {
    %c0_i32 = arith.constant 0 : i32
    %c0_i32_0 = arith.constant 0 : i32
    %c0_i32_1 = arith.constant 0 : i32
    return %c0_i32, %c0_i32_0 : i32, i32
  }
  func.func @transform_3(%arg0: i32, %arg1: i32) -> (i32, i32) {
    %c0_i32 = arith.constant 0 : i32
    %c0_i32_0 = arith.constant 0 : i32
    %c0_i32_1 = arith.constant 0 : i32
    return %c0_i32, %c0_i32_0 : i32, i32
  }
  func.func @transform_4(%arg0: i32, %arg1: i32) -> (i32, i32) {
    %c0_i32 = arith.constant 0 : i32
    %c0_i32_0 = arith.constant 0 : i32
    %c0_i32_1 = arith.constant 0 : i32
    return %c0_i32, %c0_i32_0 : i32, i32
  }
  func.func @transform_5(%arg0: i32, %arg1: i32) -> (i32, i32) {
    %c0_i32 = arith.constant 0 : i32
    %c0_i32_0 = arith.constant 0 : i32
    %c0_i32_1 = arith.constant 0 : i32
    return %c0_i32, %c0_i32_0 : i32, i32
  }
  func.func @transform_6(%arg0: i32, %arg1: i32) -> (i32, i32, i32) {
    %c0_i32 = arith.constant 0 : i32
    %c0_i32_0 = arith.constant 0 : i32
    return %arg0, %arg1, %c0_i32 : i32, i32, i32
  }
}

module attributes {stable_mosaic.version = 14 : i64} {
  func.func @body(%arg0: i32, %arg1: memref<16x400x128xf32, #tpu.memory_space<vmem>>, %arg2: memref<400x128xf32, #tpu.memory_space<vmem>>, %arg3: memref<8x128x128xf32, #tpu.memory_space<vmem>>, %arg4: memref<1x128xf32, #tpu.memory_space<vmem>>, %arg5: memref<128x128xf32, #tpu.memory_space<vmem>>, %arg6: memref<1x128xf32, #tpu.memory_space<vmem>>, %arg7: memref<128x128xf32, #tpu.memory_space<vmem>>, %arg8: memref<1x128xf32, #tpu.memory_space<vmem>>, %arg9: memref<128x128xf32, #tpu.memory_space<vmem>>, %arg10: memref<1x128xf32, #tpu.memory_space<vmem>>, %arg11: memref<128x128xf32, #tpu.memory_space<vmem>>, %arg12: memref<1x128xf32, #tpu.memory_space<vmem>>, %arg13: memref<400x128xf32, #tpu.memory_space<vmem>>) attributes {dimension_semantics = [#tpu.dimension_semantics<arbitrary>], iteration_bounds = array<i64: 25>, scalar_prefetch = 0 : i64, scratch_operands = 0 : i64, tpu.core_type = #tpu.core_type<tc>, window_params = [{transform_indices = @transform_0, window_bounds = array<i64: 16, 400, 128>}, {transform_indices = @transform_1, window_bounds = array<i64: 400, 128>}, {pipeline_mode = #tpu.pipeline_mode<synchronous>, transform_indices = @transform_2, window_bounds = array<i64: 8, 128, 128>}, {pipeline_mode = #tpu.pipeline_mode<synchronous>, transform_indices = @transform_3, window_bounds = array<i64: 1, 128>}, {pipeline_mode = #tpu.pipeline_mode<synchronous>, transform_indices = @transform_4, window_bounds = array<i64: 128, 128>}, {pipeline_mode = #tpu.pipeline_mode<synchronous>, transform_indices = @transform_5, window_bounds = array<i64: 1, 128>}, {pipeline_mode = #tpu.pipeline_mode<synchronous>, transform_indices = @transform_6, window_bounds = array<i64: 128, 128>}, {pipeline_mode = #tpu.pipeline_mode<synchronous>, transform_indices = @transform_7, window_bounds = array<i64: 1, 128>}, {pipeline_mode = #tpu.pipeline_mode<synchronous>, transform_indices = @transform_8, window_bounds = array<i64: 128, 128>}, {pipeline_mode = #tpu.pipeline_mode<synchronous>, transform_indices = @transform_9, window_bounds = array<i64: 1, 128>}, {pipeline_mode = #tpu.pipeline_mode<synchronous>, transform_indices = @transform_10, window_bounds = array<i64: 128, 128>}, {pipeline_mode = #tpu.pipeline_mode<synchronous>, transform_indices = @transform_11, window_bounds = array<i64: 1, 128>}, {transform_indices = @transform_12, window_bounds = array<i64: 400, 128>}]} {
    %get3A = arith.constant 0 : index
    %get3A_0 = arith.constant 0 : index
    %get3A_1 = vector.load %arg4[%get3A, %get3A_0] : memref<1x128xf32, #tpu.memory_space<vmem>>, vector<1x128xf32>
    %get3A_2 = arith.constant 0 : index
    %get3A_3 = arith.constant 0 : index
    %get3A_4 = arith.constant 0 : index
    %get3A_5 = vector.load %arg1[%get3A_2, %get3A_3, %get3A_4] : memref<16x400x128xf32, #tpu.memory_space<vmem>>, vector<1x400x128xf32>
    %get3A_6 = vector.shape_cast %get3A_5 : vector<1x400x128xf32> to vector<400x128xf32>
    %get3A_7 = arith.constant 8 : index
    %get3A_8 = arith.constant 0 : index
    %get3A_9 = arith.constant 0 : index
    %get3A_10 = vector.load %arg1[%get3A_7, %get3A_8, %get3A_9] : memref<16x400x128xf32, #tpu.memory_space<vmem>>, vector<1x400x128xf32>
    %get3A_11 = vector.shape_cast %get3A_10 : vector<1x400x128xf32> to vector<400x128xf32>
    %add3A = arith.addf %get3A_6, %get3A_11 : vector<400x128xf32>
    %get3A_12 = arith.constant 0 : index
    %get3A_13 = arith.constant 0 : index
    %get3A_14 = arith.constant 0 : index
    %get3A_15 = vector.load %arg3[%get3A_12, %get3A_13, %get3A_14] : memref<8x128x128xf32, #tpu.memory_space<vmem>>, vector<1x128x128xf32>
    %get3A_16 = vector.shape_cast %get3A_15 : vector<1x128x128xf32> to vector<128x128xf32>
    %dot_general3A = arith.constant dense<0.000000e+00> : vector<400x128xf32>
    %dot_general3A_17 = tpu.matmul %add3A, %get3A_16, %dot_general3A {dimension_numbers = #tpu.dot_dimension_numbers<[1], [0], [0], [1], [0, 0, 1, 1], [], []>, transpose_lhs_hint = false} : vector<400x128xf32>, vector<128x128xf32>, vector<400x128xf32> -> vector<400x128xf32>
    %add3A_18 = vector.broadcast %get3A_1 : vector<1x128xf32> to vector<400x128xf32>
    %add3A_19 = arith.addf %add3A_18, %dot_general3A_17 : vector<400x128xf32>
    %get3A_20 = arith.constant 1 : index
    %get3A_21 = arith.constant 0 : index
    %get3A_22 = arith.constant 0 : index
    %get3A_23 = vector.load %arg1[%get3A_20, %get3A_21, %get3A_22] : memref<16x400x128xf32, #tpu.memory_space<vmem>>, vector<1x400x128xf32>
    %get3A_24 = vector.shape_cast %get3A_23 : vector<1x400x128xf32> to vector<400x128xf32>
    %get3A_25 = arith.constant 9 : index
    %get3A_26 = arith.constant 0 : index
    %get3A_27 = arith.constant 0 : index
    %get3A_28 = vector.load %arg1[%get3A_25, %get3A_26, %get3A_27] : memref<16x400x128xf32, #tpu.memory_space<vmem>>, vector<1x400x128xf32>
    %get3A_29 = vector.shape_cast %get3A_28 : vector<1x400x128xf32> to vector<400x128xf32>
    %add3A_30 = arith.addf %get3A_24, %get3A_29 : vector<400x128xf32>
    %get3A_31 = arith.constant 1 : index
    %get3A_32 = arith.constant 0 : index
    %get3A_33 = arith.constant 0 : index
    %get3A_34 = vector.load %arg3[%get3A_31, %get3A_32, %get3A_33] : memref<8x128x128xf32, #tpu.memory_space<vmem>>, vector<1x128x128xf32>
    %get3A_35 = vector.shape_cast %get3A_34 : vector<1x128x128xf32> to vector<128x128xf32>
    %dot_general3A_36 = arith.constant dense<0.000000e+00> : vector<400x128xf32>
    %dot_general3A_37 = tpu.matmul %add3A_30, %get3A_35, %dot_general3A_36 {dimension_numbers = #tpu.dot_dimension_numbers<[1], [0], [0], [1], [0, 0, 1, 1], [], []>, transpose_lhs_hint = false} : vector<400x128xf32>, vector<128x128xf32>, vector<400x128xf32> -> vector<400x128xf32>
    %add3A_38 = arith.addf %add3A_19, %dot_general3A_37 : vector<400x128xf32>
    %get3A_39 = arith.constant 2 : index
    %get3A_40 = arith.constant 0 : index
    %get3A_41 = arith.constant 0 : index
    %get3A_42 = vector.load %arg1[%get3A_39, %get3A_40, %get3A_41] : memref<16x400x128xf32, #tpu.memory_space<vmem>>, vector<1x400x128xf32>
    %get3A_43 = vector.shape_cast %get3A_42 : vector<1x400x128xf32> to vector<400x128xf32>
    %get3A_44 = arith.constant 10 : index
    %get3A_45 = arith.constant 0 : index
    %get3A_46 = arith.constant 0 : index
    %get3A_47 = vector.load %arg1[%get3A_44, %get3A_45, %get3A_46] : memref<16x400x128xf32, #tpu.memory_space<vmem>>, vector<1x400x128xf32>
    %get3A_48 = vector.shape_cast %get3A_47 : vector<1x400x128xf32> to vector<400x128xf32>
    %add3A_49 = arith.addf %get3A_43, %get3A_48 : vector<400x128xf32>
    %get3A_50 = arith.constant 2 : index
    %get3A_51 = arith.constant 0 : index
    %get3A_52 = arith.constant 0 : index
    %get3A_53 = vector.load %arg3[%get3A_50, %get3A_51, %get3A_52] : memref<8x128x128xf32, #tpu.memory_space<vmem>>, vector<1x128x128xf32>
    %get3A_54 = vector.shape_cast %get3A_53 : vector<1x128x128xf32> to vector<128x128xf32>
    %dot_general3A_55 = arith.constant dense<0.000000e+00> : vector<400x128xf32>
    %dot_general3A_56 = tpu.matmul %add3A_49, %get3A_54, %dot_general3A_55 {dimension_numbers = #tpu.dot_dimension_numbers<[1], [0], [0], [1], [0, 0, 1, 1], [], []>, transpose_lhs_hint = false} : vector<400x128xf32>, vector<128x128xf32>, vector<400x128xf32> -> vector<400x128xf32>
    %add3A_57 = arith.addf %add3A_38, %dot_general3A_56 : vector<400x128xf32>
    %get3A_58 = arith.constant 3 : index
    %get3A_59 = arith.constant 0 : index
    %get3A_60 = arith.constant 0 : index
    %get3A_61 = vector.load %arg1[%get3A_58, %get3A_59, %get3A_60] : memref<16x400x128xf32, #tpu.memory_space<vmem>>, vector<1x400x128xf32>
    %get3A_62 = vector.shape_cast %get3A_61 : vector<1x400x128xf32> to vector<400x128xf32>
    %get3A_63 = arith.constant 11 : index
    %get3A_64 = arith.constant 0 : index
    %get3A_65 = arith.constant 0 : index
    %get3A_66 = vector.load %arg1[%get3A_63, %get3A_64, %get3A_65] : memref<16x400x128xf32, #tpu.memory_space<vmem>>, vector<1x400x128xf32>
    %get3A_67 = vector.shape_cast %get3A_66 : vector<1x400x128xf32> to vector<400x128xf32>
    %add3A_68 = arith.addf %get3A_62, %get3A_67 : vector<400x128xf32>
    %get3A_69 = arith.constant 3 : index
    %get3A_70 = arith.constant 0 : index
    %get3A_71 = arith.constant 0 : index
    %get3A_72 = vector.load %arg3[%get3A_69, %get3A_70, %get3A_71] : memref<8x128x128xf32, #tpu.memory_space<vmem>>, vector<1x128x128xf32>
    %get3A_73 = vector.shape_cast %get3A_72 : vector<1x128x128xf32> to vector<128x128xf32>
    %dot_general3A_74 = arith.constant dense<0.000000e+00> : vector<400x128xf32>
    %dot_general3A_75 = tpu.matmul %add3A_68, %get3A_73, %dot_general3A_74 {dimension_numbers = #tpu.dot_dimension_numbers<[1], [0], [0], [1], [0, 0, 1, 1], [], []>, transpose_lhs_hint = false} : vector<400x128xf32>, vector<128x128xf32>, vector<400x128xf32> -> vector<400x128xf32>
    %add3A_76 = arith.addf %add3A_57, %dot_general3A_75 : vector<400x128xf32>
    %get3A_77 = arith.constant 4 : index
    %get3A_78 = arith.constant 0 : index
    %get3A_79 = arith.constant 0 : index
    %get3A_80 = vector.load %arg1[%get3A_77, %get3A_78, %get3A_79] : memref<16x400x128xf32, #tpu.memory_space<vmem>>, vector<1x400x128xf32>
    %get3A_81 = vector.shape_cast %get3A_80 : vector<1x400x128xf32> to vector<400x128xf32>
    %get3A_82 = arith.constant 12 : index
    %get3A_83 = arith.constant 0 : index
    %get3A_84 = arith.constant 0 : index
    %get3A_85 = vector.load %arg1[%get3A_82, %get3A_83, %get3A_84] : memref<16x400x128xf32, #tpu.memory_space<vmem>>, vector<1x400x128xf32>
    %get3A_86 = vector.shape_cast %get3A_85 : vector<1x400x128xf32> to vector<400x128xf32>
    %add3A_87 = arith.addf %get3A_81, %get3A_86 : vector<400x128xf32>
    %get3A_88 = arith.constant 4 : index
    %get3A_89 = arith.constant 0 : index
    %get3A_90 = arith.constant 0 : index
    %get3A_91 = vector.load %arg3[%get3A_88, %get3A_89, %get3A_90] : memref<8x128x128xf32, #tpu.memory_space<vmem>>, vector<1x128x128xf32>
    %get3A_92 = vector.shape_cast %get3A_91 : vector<1x128x128xf32> to vector<128x128xf32>
    %dot_general3A_93 = arith.constant dense<0.000000e+00> : vector<400x128xf32>
    %dot_general3A_94 = tpu.matmul %add3A_87, %get3A_92, %dot_general3A_93 {dimension_numbers = #tpu.dot_dimension_numbers<[1], [0], [0], [1], [0, 0, 1, 1], [], []>, transpose_lhs_hint = false} : vector<400x128xf32>, vector<128x128xf32>, vector<400x128xf32> -> vector<400x128xf32>
    %add3A_95 = arith.addf %add3A_76, %dot_general3A_94 : vector<400x128xf32>
    %get3A_96 = arith.constant 5 : index
    %get3A_97 = arith.constant 0 : index
    %get3A_98 = arith.constant 0 : index
    %get3A_99 = vector.load %arg1[%get3A_96, %get3A_97, %get3A_98] : memref<16x400x128xf32, #tpu.memory_space<vmem>>, vector<1x400x128xf32>
    %get3A_100 = vector.shape_cast %get3A_99 : vector<1x400x128xf32> to vector<400x128xf32>
    %get3A_101 = arith.constant 13 : index
    %get3A_102 = arith.constant 0 : index
    %get3A_103 = arith.constant 0 : index
    %get3A_104 = vector.load %arg1[%get3A_101, %get3A_102, %get3A_103] : memref<16x400x128xf32, #tpu.memory_space<vmem>>, vector<1x400x128xf32>
    %get3A_105 = vector.shape_cast %get3A_104 : vector<1x400x128xf32> to vector<400x128xf32>
    %add3A_106 = arith.addf %get3A_100, %get3A_105 : vector<400x128xf32>
    %get3A_107 = arith.constant 5 : index
    %get3A_108 = arith.constant 0 : index
    %get3A_109 = arith.constant 0 : index
    %get3A_110 = vector.load %arg3[%get3A_107, %get3A_108, %get3A_109] : memref<8x128x128xf32, #tpu.memory_space<vmem>>, vector<1x128x128xf32>
    %get3A_111 = vector.shape_cast %get3A_110 : vector<1x128x128xf32> to vector<128x128xf32>
    %dot_general3A_112 = arith.constant dense<0.000000e+00> : vector<400x128xf32>
    %dot_general3A_113 = tpu.matmul %add3A_106, %get3A_111, %dot_general3A_112 {dimension_numbers = #tpu.dot_dimension_numbers<[1], [0], [0], [1], [0, 0, 1, 1], [], []>, transpose_lhs_hint = false} : vector<400x128xf32>, vector<128x128xf32>, vector<400x128xf32> -> vector<400x128xf32>
    %add3A_114 = arith.addf %add3A_95, %dot_general3A_113 : vector<400x128xf32>
    %get3A_115 = arith.constant 6 : index
    %get3A_116 = arith.constant 0 : index
    %get3A_117 = arith.constant 0 : index
    %get3A_118 = vector.load %arg1[%get3A_115, %get3A_116, %get3A_117] : memref<16x400x128xf32, #tpu.memory_space<vmem>>, vector<1x400x128xf32>
    %get3A_119 = vector.shape_cast %get3A_118 : vector<1x400x128xf32> to vector<400x128xf32>
    %get3A_120 = arith.constant 14 : index
    %get3A_121 = arith.constant 0 : index
    %get3A_122 = arith.constant 0 : index
    %get3A_123 = vector.load %arg1[%get3A_120, %get3A_121, %get3A_122] : memref<16x400x128xf32, #tpu.memory_space<vmem>>, vector<1x400x128xf32>
    %get3A_124 = vector.shape_cast %get3A_123 : vector<1x400x128xf32> to vector<400x128xf32>
    %add3A_125 = arith.addf %get3A_119, %get3A_124 : vector<400x128xf32>
    %get3A_126 = arith.constant 6 : index
    %get3A_127 = arith.constant 0 : index
    %get3A_128 = arith.constant 0 : index
    %get3A_129 = vector.load %arg3[%get3A_126, %get3A_127, %get3A_128] : memref<8x128x128xf32, #tpu.memory_space<vmem>>, vector<1x128x128xf32>
    %get3A_130 = vector.shape_cast %get3A_129 : vector<1x128x128xf32> to vector<128x128xf32>
    %dot_general3A_131 = arith.constant dense<0.000000e+00> : vector<400x128xf32>
    %dot_general3A_132 = tpu.matmul %add3A_125, %get3A_130, %dot_general3A_131 {dimension_numbers = #tpu.dot_dimension_numbers<[1], [0], [0], [1], [0, 0, 1, 1], [], []>, transpose_lhs_hint = false} : vector<400x128xf32>, vector<128x128xf32>, vector<400x128xf32> -> vector<400x128xf32>
    %add3A_133 = arith.addf %add3A_114, %dot_general3A_132 : vector<400x128xf32>
    %get3A_134 = arith.constant 7 : index
    %get3A_135 = arith.constant 0 : index
    %get3A_136 = arith.constant 0 : index
    %get3A_137 = vector.load %arg1[%get3A_134, %get3A_135, %get3A_136] : memref<16x400x128xf32, #tpu.memory_space<vmem>>, vector<1x400x128xf32>
    %get3A_138 = vector.shape_cast %get3A_137 : vector<1x400x128xf32> to vector<400x128xf32>
    %get3A_139 = arith.constant 15 : index
    %get3A_140 = arith.constant 0 : index
    %get3A_141 = arith.constant 0 : index
    %get3A_142 = vector.load %arg1[%get3A_139, %get3A_140, %get3A_141] : memref<16x400x128xf32, #tpu.memory_space<vmem>>, vector<1x400x128xf32>
    %get3A_143 = vector.shape_cast %get3A_142 : vector<1x400x128xf32> to vector<400x128xf32>
    %add3A_144 = arith.addf %get3A_138, %get3A_143 : vector<400x128xf32>
    %get3A_145 = arith.constant 7 : index
    %get3A_146 = arith.constant 0 : index
    %get3A_147 = arith.constant 0 : index
    %get3A_148 = vector.load %arg3[%get3A_145, %get3A_146, %get3A_147] : memref<8x128x128xf32, #tpu.memory_space<vmem>>, vector<1x128x128xf32>
    %get3A_149 = vector.shape_cast %get3A_148 : vector<1x128x128xf32> to vector<128x128xf32>
    %dot_general3A_150 = arith.constant dense<0.000000e+00> : vector<400x128xf32>
    %dot_general3A_151 = tpu.matmul %add3A_144, %get3A_149, %dot_general3A_150 {dimension_numbers = #tpu.dot_dimension_numbers<[1], [0], [0], [1], [0, 0, 1, 1], [], []>, transpose_lhs_hint = false} : vector<400x128xf32>, vector<128x128xf32>, vector<400x128xf32> -> vector<400x128xf32>
    %add3A_152 = arith.addf %add3A_133, %dot_general3A_151 : vector<400x128xf32>
    %max3A = arith.constant 0.000000e+00 : f32
    %max3A_153 = vector.broadcast %max3A : f32 to vector<400x128xf32>
    %max3A_154 = arith.maximumf %add3A_152, %max3A_153 : vector<400x128xf32>
    %get3A_155 = arith.constant 0 : index
    %get3A_156 = arith.constant 0 : index
    %get3A_157 = vector.load %arg5[%get3A_155, %get3A_156] : memref<128x128xf32, #tpu.memory_space<vmem>>, vector<128x128xf32>
    %dot_general3A_158 = arith.constant dense<0.000000e+00> : vector<400x128xf32>
    %dot_general3A_159 = tpu.matmul %max3A_154, %get3A_157, %dot_general3A_158 {dimension_numbers = #tpu.dot_dimension_numbers<[1], [0], [0], [1], [0, 0, 1, 1], [], []>, transpose_lhs_hint = false} : vector<400x128xf32>, vector<128x128xf32>, vector<400x128xf32> -> vector<400x128xf32>
    %get3A_160 = arith.constant 0 : index
    %get3A_161 = arith.constant 0 : index
    %get3A_162 = vector.load %arg6[%get3A_160, %get3A_161] : memref<1x128xf32, #tpu.memory_space<vmem>>, vector<1x128xf32>
    %add3A_163 = vector.broadcast %get3A_162 : vector<1x128xf32> to vector<400x128xf32>
    %add3A_164 = arith.addf %dot_general3A_159, %add3A_163 : vector<400x128xf32>
    %max3A_165 = arith.constant 0.000000e+00 : f32
    %max3A_166 = vector.broadcast %max3A_165 : f32 to vector<400x128xf32>
    %max3A_167 = arith.maximumf %add3A_164, %max3A_166 : vector<400x128xf32>
    %get3A_168 = arith.constant 0 : index
    %get3A_169 = arith.constant 0 : index
    %get3A_170 = vector.load %arg7[%get3A_168, %get3A_169] : memref<128x128xf32, #tpu.memory_space<vmem>>, vector<128x128xf32>
    %dot_general3A_171 = arith.constant dense<0.000000e+00> : vector<400x128xf32>
    %dot_general3A_172 = tpu.matmul %max3A_167, %get3A_170, %dot_general3A_171 {dimension_numbers = #tpu.dot_dimension_numbers<[1], [0], [0], [1], [0, 0, 1, 1], [], []>, transpose_lhs_hint = false} : vector<400x128xf32>, vector<128x128xf32>, vector<400x128xf32> -> vector<400x128xf32>
    %get3A_173 = arith.constant 0 : index
    %get3A_174 = arith.constant 0 : index
    %get3A_175 = vector.load %arg8[%get3A_173, %get3A_174] : memref<1x128xf32, #tpu.memory_space<vmem>>, vector<1x128xf32>
    %add3A_176 = vector.broadcast %get3A_175 : vector<1x128xf32> to vector<400x128xf32>
    %add3A_177 = arith.addf %dot_general3A_172, %add3A_176 : vector<400x128xf32>
    %max3A_178 = arith.constant 0.000000e+00 : f32
    %max3A_179 = vector.broadcast %max3A_178 : f32 to vector<400x128xf32>
    %max3A_180 = arith.maximumf %add3A_177, %max3A_179 : vector<400x128xf32>
    %get3A_181 = arith.constant 0 : index
    %get3A_182 = arith.constant 0 : index
    %get3A_183 = vector.load %arg9[%get3A_181, %get3A_182] : memref<128x128xf32, #tpu.memory_space<vmem>>, vector<128x128xf32>
    %dot_general3A_184 = arith.constant dense<0.000000e+00> : vector<400x128xf32>
    %dot_general3A_185 = tpu.matmul %max3A_180, %get3A_183, %dot_general3A_184 {dimension_numbers = #tpu.dot_dimension_numbers<[1], [0], [0], [1], [0, 0, 1, 1], [], []>, transpose_lhs_hint = false} : vector<400x128xf32>, vector<128x128xf32>, vector<400x128xf32> -> vector<400x128xf32>
    %get3A_186 = arith.constant 0 : index
    %get3A_187 = arith.constant 0 : index
    %get3A_188 = vector.load %arg10[%get3A_186, %get3A_187] : memref<1x128xf32, #tpu.memory_space<vmem>>, vector<1x128xf32>
    %add3A_189 = vector.broadcast %get3A_188 : vector<1x128xf32> to vector<400x128xf32>
    %add3A_190 = arith.addf %dot_general3A_185, %add3A_189 : vector<400x128xf32>
    %get3A_191 = arith.constant 0 : index
    %get3A_192 = arith.constant 0 : index
    %get3A_193 = vector.load %arg2[%get3A_191, %get3A_192] : memref<400x128xf32, #tpu.memory_space<vmem>>, vector<400x128xf32>
    %get3A_194 = arith.constant 0 : index
    %get3A_195 = arith.constant 0 : index
    %get3A_196 = vector.load %arg11[%get3A_194, %get3A_195] : memref<128x128xf32, #tpu.memory_space<vmem>>, vector<128x128xf32>
    %dot_general3A_197 = arith.constant dense<0.000000e+00> : vector<400x128xf32>
    %dot_general3A_198 = tpu.matmul %add3A_190, %get3A_196, %dot_general3A_197 {dimension_numbers = #tpu.dot_dimension_numbers<[1], [0], [0], [1], [0, 0, 1, 1], [], []>, transpose_lhs_hint = false} : vector<400x128xf32>, vector<128x128xf32>, vector<400x128xf32> -> vector<400x128xf32>
    %add3A_199 = arith.addf %get3A_193, %dot_general3A_198 : vector<400x128xf32>
    %get3A_200 = arith.constant 0 : index
    %get3A_201 = arith.constant 0 : index
    %get3A_202 = vector.load %arg12[%get3A_200, %get3A_201] : memref<1x128xf32, #tpu.memory_space<vmem>>, vector<1x128xf32>
    %add3A_203 = vector.broadcast %get3A_202 : vector<1x128xf32> to vector<400x128xf32>
    %add3A_204 = arith.addf %add3A_199, %add3A_203 : vector<400x128xf32>
    %swap3A = arith.constant 0 : index
    %swap3A_205 = arith.constant 0 : index
    %swap3A_206 = vector.load %arg13[%swap3A, %swap3A_205] : memref<400x128xf32, #tpu.memory_space<vmem>>, vector<400x128xf32>
    tpu.vector_store %arg13[%swap3A, %swap3A_205], %add3A_204 {strides = array<i32>} : memref<400x128xf32, #tpu.memory_space<vmem>>, vector<400x128xf32>,
    return
  }
  func.func @transform_0(%arg0: i32) -> (i32, i32, i32) {
    %c0_i32 = arith.constant 0 : i32
    %c0_i32_0 = arith.constant 0 : i32
    %c0_i32_1 = arith.constant 0 : i32
    return %c0_i32, %arg0, %c0_i32_0 : i32, i32, i32
  }
  func.func @transform_1(%arg0: i32) -> (i32, i32) {
    %c0_i32 = arith.constant 0 : i32
    %c0_i32_0 = arith.constant 0 : i32
    return %arg0, %c0_i32 : i32, i32
  }
  func.func @transform_2(%arg0: i32) -> (i32, i32, i32) {
    %c0_i32 = arith.constant 0 : i32
    %c0_i32_0 = arith.constant 0 : i32
    %c0_i32_1 = arith.constant 0 : i32
    %c0_i32_2 = arith.constant 0 : i32
    return %c0_i32, %c0_i32_0, %c0_i32_1 : i32, i32, i32
  }
  func.func @transform_3(%arg0: i32) -> (i32, i32) {
    %c0_i32 = arith.constant 0 : i32
    %c0_i32_0 = arith.constant 0 : i32
    %c0_i32_1 = arith.constant 0 : i32
    return %c0_i32, %c0_i32_0 : i32, i32
  }
  func.func @transform_4(%arg0: i32) -> (i32, i32) {
    %c0_i32 = arith.constant 0 : i32
    %c0_i32_0 = arith.constant 0 : i32
    %c0_i32_1 = arith.constant 0 : i32
    return %c0_i32, %c0_i32_0 : i32, i32
  }
  func.func @transform_5(%arg0: i32) -> (i32, i32) {
    %c0_i32 = arith.constant 0 : i32
    %c0_i32_0 = arith.constant 0 : i32
    %c0_i32_1 = arith.constant 0 : i32
    return %c0_i32, %c0_i32_0 : i32, i32
  }
  func.func @transform_6(%arg0: i32) -> (i32, i32) {
    %c0_i32 = arith.constant 0 : i32
    %c0_i32_0 = arith.constant 0 : i32
    %c0_i32_1 = arith.constant 0 : i32
    return %c0_i32, %c0_i32_0 : i32, i32
  }
  func.func @transform_7(%arg0: i32) -> (i32, i32) {
    %c0_i32 = arith.constant 0 : i32
    %c0_i32_0 = arith.constant 0 : i32
    %c0_i32_1 = arith.constant 0 : i32
    return %c0_i32, %c0_i32_0 : i32, i32
  }
  func.func @transform_8(%arg0: i32) -> (i32, i32) {
    %c0_i32 = arith.constant 0 : i32
    %c0_i32_0 = arith.constant 0 : i32
    %c0_i32_1 = arith.constant 0 : i32
    return %c0_i32, %c0_i32_0 : i32, i32
  }
  func.func @transform_9(%arg0: i32) -> (i32, i32) {
    %c0_i32 = arith.constant 0 : i32
    %c0_i32_0 = arith.constant 0 : i32
    %c0_i32_1 = arith.constant 0 : i32
    return %c0_i32, %c0_i32_0 : i32, i32
  }
  func.func @transform_10(%arg0: i32) -> (i32, i32) {
    %c0_i32 = arith.constant 0 : i32
    %c0_i32_0 = arith.constant 0 : i32
    %c0_i32_1 = arith.constant 0 : i32
    return %c0_i32, %c0_i32_0 : i32, i32
  }
  func.func @transform_11(%arg0: i32) -> (i32, i32) {
    %c0_i32 = arith.constant 0 : i32
    %c0_i32_0 = arith.constant 0 : i32
    %c0_i32_1 = arith.constant 0 : i32
    return %c0_i32, %c0_i32_0 : i32, i32
  }
  func.func @transform_12(%arg0: i32) -> (i32, i32) {
    %c0_i32 = arith.constant 0 : i32
    %c0_i32_0 = arith.constant 0 : i32
    return %arg0, %c0_i32 : i32, i32
  }
}

module attributes {stable_mosaic.version = 14 : i64} {
  func.func @body(%arg0: i32, %arg1: memref<400x128xf32, #tpu.memory_space<vmem>>, %arg2: memref<400x128xf32, #tpu.memory_space<vmem>>, %arg3: memref<400x128xf32, #tpu.memory_space<vmem>>, %arg4: memref<400x128xf32, #tpu.memory_space<vmem>>, %arg5: memref<400x128xf32, #tpu.memory_space<vmem>>, %arg6: memref<128x128xf32, #tpu.memory_space<vmem>>, %arg7: memref<128x128xf32, #tpu.memory_space<vmem>>, %arg8: memref<1x128xf32, #tpu.memory_space<vmem>>, %arg9: memref<400x128xf32, #tpu.memory_space<vmem>>) attributes {dimension_semantics = [#tpu.dimension_semantics<arbitrary>], iteration_bounds = array<i64: 25>, scalar_prefetch = 0 : i64, scratch_operands = 0 : i64, tpu.core_type = #tpu.core_type<tc>, window_params = [{transform_indices = @transform_0, window_bounds = array<i64: 400, 128>}, {transform_indices = @transform_1, window_bounds = array<i64: 400, 128>}, {transform_indices = @transform_2, window_bounds = array<i64: 400, 128>}, {transform_indices = @transform_3, window_bounds = array<i64: 400, 128>}, {transform_indices = @transform_4, window_bounds = array<i64: 400, 128>}, {pipeline_mode = #tpu.pipeline_mode<synchronous>, transform_indices = @transform_5, window_bounds = array<i64: 128, 128>}, {pipeline_mode = #tpu.pipeline_mode<synchronous>, transform_indices = @transform_6, window_bounds = array<i64: 128, 128>}, {pipeline_mode = #tpu.pipeline_mode<synchronous>, transform_indices = @transform_7, window_bounds = array<i64: 1, 128>}, {transform_indices = @transform_8, window_bounds = array<i64: 400, 128>}]} {
    %iota3A = tpu.iota {dimensions = array<i32: 1>} : vector<400x128xi32>
    %eq3A = arith.constant 8 : i32
    %eq3A_0 = vector.broadcast %eq3A : i32 to vector<400x128xi32>
    %eq3A_1 = arith.cmpi eq, %iota3A, %eq3A_0 : vector<400x128xi32>
    %convert_element_type3A = arith.extui %eq3A_1 : vector<400x128xi1> to vector<400x128xi32>
    %convert_element_type3A_2 = arith.sitofp %convert_element_type3A : vector<400x128xi32> to vector<400x128xf32>
    %get3A = arith.constant 0 : index
    %get3A_3 = arith.constant 0 : index
    %get3A_4 = vector.load %arg4[%get3A, %get3A_3] : memref<400x128xf32, #tpu.memory_space<vmem>>, vector<400x128xf32>
    %get3A_5 = arith.constant 0 : index
    %get3A_6 = arith.constant 0 : index
    %get3A_7 = vector.load %arg5[%get3A_5, %get3A_6] : memref<400x128xf32, #tpu.memory_space<vmem>>, vector<400x128xf32>
    %add3A = arith.addf %get3A_4, %get3A_7 : vector<400x128xf32>
    %mul3A = arith.mulf %add3A, %convert_element_type3A_2 : vector<400x128xf32>
    %reduce_sum3A = arith.constant dense<0.000000e+00> : vector<400xf32>
    %reduce_sum3A_8 = vector.multi_reduction <add>, %mul3A, %reduce_sum3A [1] : vector<400x128xf32> to vector<400xf32>
    %broadcast_in_dim3A = vector.shape_cast %reduce_sum3A_8 : vector<400xf32> to vector<400x1xf32>
    %max3A = arith.constant 1.000000e+00 : f32
    %max3A_9 = vector.broadcast %max3A : f32 to vector<400x1xf32>
    %max3A_10 = arith.maximumf %broadcast_in_dim3A, %max3A_9 : vector<400x1xf32>
    %get3A_11 = arith.constant 0 : index
    %get3A_12 = arith.constant 0 : index
    %get3A_13 = vector.load %arg2[%get3A_11, %get3A_12] : memref<400x128xf32, #tpu.memory_space<vmem>>, vector<400x128xf32>
    %get3A_14 = arith.constant 0 : index
    %get3A_15 = arith.constant 0 : index
    %get3A_16 = vector.load %arg3[%get3A_14, %get3A_15] : memref<400x128xf32, #tpu.memory_space<vmem>>, vector<400x128xf32>
    %add3A_17 = arith.addf %get3A_13, %get3A_16 : vector<400x128xf32>
    %div3A = vector.broadcast %max3A_10 : vector<400x1xf32> to vector<400x128xf32>
    %div3A_18 = arith.divf %add3A_17, %div3A : vector<400x128xf32>
    %get3A_19 = arith.constant 0 : index
    %get3A_20 = arith.constant 0 : index
    %get3A_21 = vector.load %arg1[%get3A_19, %get3A_20] : memref<400x128xf32, #tpu.memory_space<vmem>>, vector<400x128xf32>
    %get3A_22 = arith.constant 0 : index
    %get3A_23 = arith.constant 0 : index
    %get3A_24 = vector.load %arg6[%get3A_22, %get3A_23] : memref<128x128xf32, #tpu.memory_space<vmem>>, vector<128x128xf32>
    %dot_general3A = arith.constant dense<0.000000e+00> : vector<400x128xf32>
    %dot_general3A_25 = tpu.matmul %get3A_21, %get3A_24, %dot_general3A {dimension_numbers = #tpu.dot_dimension_numbers<[1], [0], [0], [1], [0, 0, 1, 1], [], []>, transpose_lhs_hint = false} : vector<400x128xf32>, vector<128x128xf32>, vector<400x128xf32> -> vector<400x128xf32>
    %get3A_26 = arith.constant 0 : index
    %get3A_27 = arith.constant 0 : index
    %get3A_28 = vector.load %arg7[%get3A_26, %get3A_27] : memref<128x128xf32, #tpu.memory_space<vmem>>, vector<128x128xf32>
    %dot_general3A_29 = arith.constant dense<0.000000e+00> : vector<400x128xf32>
    %dot_general3A_30 = tpu.matmul %div3A_18, %get3A_28, %dot_general3A_29 {dimension_numbers = #tpu.dot_dimension_numbers<[1], [0], [0], [1], [0, 0, 1, 1], [], []>, transpose_lhs_hint = false} : vector<400x128xf32>, vector<128x128xf32>, vector<400x128xf32> -> vector<400x128xf32>
    %add3A_31 = arith.addf %dot_general3A_25, %dot_general3A_30 : vector<400x128xf32>
    %get3A_32 = arith.constant 0 : index
    %get3A_33 = arith.constant 0 : index
    %get3A_34 = vector.load %arg8[%get3A_32, %get3A_33] : memref<1x128xf32, #tpu.memory_space<vmem>>, vector<1x128xf32>
    %add3A_35 = vector.broadcast %get3A_34 : vector<1x128xf32> to vector<400x128xf32>
    %add3A_36 = arith.addf %add3A_31, %add3A_35 : vector<400x128xf32>
    %max3A_37 = arith.constant 0.000000e+00 : f32
    %max3A_38 = vector.broadcast %max3A_37 : f32 to vector<400x128xf32>
    %max3A_39 = arith.maximumf %add3A_36, %max3A_38 : vector<400x128xf32>
    %swap3A = arith.constant 0 : index
    %swap3A_40 = arith.constant 0 : index
    %swap3A_41 = vector.load %arg9[%swap3A, %swap3A_40] : memref<400x128xf32, #tpu.memory_space<vmem>>, vector<400x128xf32>
    tpu.vector_store %arg9[%swap3A, %swap3A_40], %max3A_39 {strides = array<i32>} : memref<400x128xf32, #tpu.memory_space<vmem>>, vector<400x128xf32>,
    return
  }
  func.func @transform_0(%arg0: i32) -> (i32, i32) {
    %c0_i32 = arith.constant 0 : i32
    %c0_i32_0 = arith.constant 0 : i32
    return %arg0, %c0_i32 : i32, i32
  }
  func.func @transform_1(%arg0: i32) -> (i32, i32) {
    %c0_i32 = arith.constant 0 : i32
    %c0_i32_0 = arith.constant 0 : i32
    return %arg0, %c0_i32 : i32, i32
  }
  func.func @transform_2(%arg0: i32) -> (i32, i32) {
    %c0_i32 = arith.constant 0 : i32
    %c0_i32_0 = arith.constant 0 : i32
    return %arg0, %c0_i32 : i32, i32
  }
  func.func @transform_3(%arg0: i32) -> (i32, i32) {
    %c0_i32 = arith.constant 0 : i32
    %c0_i32_0 = arith.constant 0 : i32
    return %arg0, %c0_i32 : i32, i32
  }
  func.func @transform_4(%arg0: i32) -> (i32, i32) {
    %c0_i32 = arith.constant 0 : i32
    %c0_i32_0 = arith.constant 0 : i32
    return %arg0, %c0_i32 : i32, i32
  }
  func.func @transform_5(%arg0: i32) -> (i32, i32) {
    %c0_i32 = arith.constant 0 : i32
    %c0_i32_0 = arith.constant 0 : i32
    %c0_i32_1 = arith.constant 0 : i32
    return %c0_i32, %c0_i32_0 : i32, i32
  }
  func.func @transform_6(%arg0: i32) -> (i32, i32) {
    %c0_i32 = arith.constant 0 : i32
    %c0_i32_0 = arith.constant 0 : i32
    %c0_i32_1 = arith.constant 0 : i32
    return %c0_i32, %c0_i32_0 : i32, i32
  }
  func.func @transform_7(%arg0: i32) -> (i32, i32) {
    %c0_i32 = arith.constant 0 : i32
    %c0_i32_0 = arith.constant 0 : i32
    %c0_i32_1 = arith.constant 0 : i32
    return %c0_i32, %c0_i32_0 : i32, i32
  }
  func.func @transform_8(%arg0: i32) -> (i32, i32) {
    %c0_i32 = arith.constant 0 : i32
    %c0_i32_0 = arith.constant 0 : i32
    return %arg0, %c0_i32 : i32, i32
  }
}

module attributes {stable_mosaic.version = 14 : i64} {
  func.func @body(%arg0: i32, %arg1: memref<512x128xf32, #tpu.memory_space<vmem>>, %arg2: memref<128x128xf32, #tpu.memory_space<vmem>>, %arg3: memref<1x128xf32, #tpu.memory_space<vmem>>, %arg4: memref<512x128xf32, #tpu.memory_space<vmem>>) attributes {dimension_semantics = [#tpu.dimension_semantics<arbitrary>], iteration_bounds = array<i64: 1>, scalar_prefetch = 0 : i64, scratch_operands = 0 : i64, tpu.core_type = #tpu.core_type<tc>, window_params = [{pipeline_mode = #tpu.pipeline_mode<synchronous>, transform_indices = @transform_0, window_bounds = array<i64: 512, 128>}, {pipeline_mode = #tpu.pipeline_mode<synchronous>, transform_indices = @transform_1, window_bounds = array<i64: 128, 128>}, {pipeline_mode = #tpu.pipeline_mode<synchronous>, transform_indices = @transform_2, window_bounds = array<i64: 1, 128>}, {pipeline_mode = #tpu.pipeline_mode<synchronous>, transform_indices = @transform_3, window_bounds = array<i64: 512, 128>}]} {
    %get3A = arith.constant 0 : index
    %get3A_0 = arith.constant 0 : index
    %get3A_1 = vector.load %arg1[%get3A, %get3A_0] : memref<512x128xf32, #tpu.memory_space<vmem>>, vector<512x128xf32>
    %get3A_2 = arith.constant 0 : index
    %get3A_3 = arith.constant 0 : index
    %get3A_4 = vector.load %arg2[%get3A_2, %get3A_3] : memref<128x128xf32, #tpu.memory_space<vmem>>, vector<128x128xf32>
    %dot_general3A = arith.constant dense<0.000000e+00> : vector<512x128xf32>
    %dot_general3A_5 = tpu.matmul %get3A_1, %get3A_4, %dot_general3A {dimension_numbers = #tpu.dot_dimension_numbers<[1], [0], [0], [1], [0, 0, 1, 1], [], []>, transpose_lhs_hint = false} : vector<512x128xf32>, vector<128x128xf32>, vector<512x128xf32> -> vector<512x128xf32>
    %get3A_6 = arith.constant 0 : index
    %get3A_7 = arith.constant 0 : index
    %get3A_8 = vector.load %arg3[%get3A_6, %get3A_7] : memref<1x128xf32, #tpu.memory_space<vmem>>, vector<1x128xf32>
    %add3A = vector.broadcast %get3A_8 : vector<1x128xf32> to vector<512x128xf32>
    %add3A_9 = arith.addf %dot_general3A_5, %add3A : vector<512x128xf32>
    %swap3A = arith.constant 0 : index
    %swap3A_10 = arith.constant 0 : index
    %swap3A_11 = vector.load %arg4[%swap3A, %swap3A_10] : memref<512x128xf32, #tpu.memory_space<vmem>>, vector<512x128xf32>
    tpu.vector_store %arg4[%swap3A, %swap3A_10], %add3A_9 {strides = array<i32>} : memref<512x128xf32, #tpu.memory_space<vmem>>, vector<512x128xf32>,
    return
  }
  func.func @transform_0(%arg0: i32) -> (i32, i32) {
    %c0_i32 = arith.constant 0 : i32
    %c0_i32_0 = arith.constant 0 : i32
    %c0_i32_1 = arith.constant 0 : i32
    return %c0_i32, %c0_i32_0 : i32, i32
  }
  func.func @transform_1(%arg0: i32) -> (i32, i32) {
    %c0_i32 = arith.constant 0 : i32
    %c0_i32_0 = arith.constant 0 : i32
    %c0_i32_1 = arith.constant 0 : i32
    return %c0_i32, %c0_i32_0 : i32, i32
  }
  func.func @transform_2(%arg0: i32) -> (i32, i32) {
    %c0_i32 = arith.constant 0 : i32
    %c0_i32_0 = arith.constant 0 : i32
    %c0_i32_1 = arith.constant 0 : i32
    return %c0_i32, %c0_i32_0 : i32, i32
  }
  func.func @transform_3(%arg0: i32) -> (i32, i32) {
    %c0_i32 = arith.constant 0 : i32
    %c0_i32_0 = arith.constant 0 : i32
    %c0_i32_1 = arith.constant 0 : i32
    return %c0_i32, %c0_i32_0 : i32, i32
  }
}

</mosaic_0001>

<sc_bundles>
// kernel: kernel.16.cloned.1.call-start
scs
__scs_entry_jumppad:
0x0: {  	(pc) =	sbr.rel $0x88, $3  }
0x1: {  	(tag) =	ssettag $0x0;
	lr =	simm.s32 $0x1  }
0x2: {  	[smem:$0x3F7C] =	sst lr;
	_ =	strace $0xD0000000  }
0x3: {  	_ = 	snop  }
0x4: {  	_ = 	snop  }
0x5: {  	_ = 	snop  }
0x6: {  	_ = 	snop  }
0x7: {  	_ = 	snop  }
__scs_overlays_trampoline_lowered:
0x8: {  	[smem:$0x3F8B] =	sst s0  }
0x9: {  	[smem:$0x3F8C] =	sst s1  }
0xa: {  	[smem:$0x3F8D] =	sst s2  }
0xb: {  	[smem:$0x3F8E] =	sst s3  }
0xc: {  	[smem:$0x3F8F] =	sst s4  }
0xd: {  	[smem:$0x3F90] =	sst s5  }
0xe: {  	[smem:$0x3F91] =	sst s6  }
0xf: {  	[smem:$0x3F92] =	sst s7  }
0x10: {  	[smem:$0x3F93] =	sst s8  }
0x11: {  	[smem:$0x3F94] =	sst s9;
	s0 =	simm.s32 @!p0 $0x0  }
0x12: {  	s1 =	sld [smem:$0x3F7A];
	s0 =	simm.s32 @p0 $0x1  }
0x13: {  	[smem:$0x3F95] =	sst s0;
	s0 =	simm.s32 @!p1 $0x0  }
0x14: {  	s2 =	sld [smem:$0x3F79];
	s0 =	simm.s32 @p1 $0x1  }
0x15: {  	[smem:$0x3F96] =	sst s0;
	s0 =	simm.s32 @!p2 $0x0  }
0x16: {  	s3 =	sld [smem:$0x3FDB];
	s0 =	simm.s32 @p2 $0x1  }
0x17: {  	s4 =	simm.s32 $0x1BF5;
	[smem:$0x3F98] =	sst s0  }
0x18: {  	s0 =	sld [smem:$0x3F7B];
	_ =	swait.ge [sflag:s4], $0x0  }
0x19: {  	s7 =	sld [smem:$0x3F7C]  }
0x1a: {  	s8 =	sadd.s32 $0xFFFFE003, lr  }
0x1b: {  	s9 =	sadd.s32 $0xFFFFFEF7, lr;
	s5 =	simm.s32 $0xFFFFFFFF;
	p2 =	slt.u32 s8, $0xFFFFF086  }
0x1c: {  	p1 =	slt.u32 s9, $0xF7A;
	s5 =	simm.s32 @!p2 $0x0  }
0x1d: {  	s5 =	simm.s32 @p1 $0x1;
	p0 =	seq.s32 s7, s2  }
0x1e: {  	s7 =	smul.u32 @!p0 $0xF7A, s2;
	p2 =	seq.s32 @!p0 s5, $0x0  }
0x1f: {  	s9 =	smul.u32 $0xF7A, s1;
	s8 =	simm.s32 @!p0 $0x1BF5;
	p2 =	por !p2, p0  }
0x20: {  	[sflag:s8] =	ssyncset.s32 @!p0 $0xFFFFF086;
	s6 =	sadd.s32 @!p0 s3, s7;
	s7 =	simm.s32 @!p0 $0x108  }
0x21: {  	s3 =	sadd.s32 s3, s9;
	s6 =	sadd.s32 @!p0 $0x88, s6;
	s7 =	simm.s32 @p2 $0x1082  }
0x22: {  	[simem:s7], [sflag:s8] =	dma.local @!p0 [hbm:s6], $0xF7A  }
0x23: {  	s9 =	sor.u32 $0xD0000000, s2;
	s6 =	simm.s32 $0x108;
	_ =	swait.ge @!p0 [sflag:s8], $0x0  }
0x24: {  	s3 =	sadd.s32 $0x88, s3;
	s6 =	simm.s32 @!p1 $0x1082;
	[sflag:s4] =	ssyncset.s32 $0xFFFFF086  }
0x25: {  	[simem:s6], [sflag:s4] =	dma.local [hbm:s3], $0xF7A  }
0x26: {  	[smem:$0x3F7C] =	sst s1;
	(tag) =	ssettag s2;
	_ =	strace s9  }
0x27: {  	s1 =	sld [smem:$0x3F8C]  }
0x28: {  	s2 =	sld [smem:$0x3F8D]  }
0x29: {  	s4 =	sld [smem:$0x3F8F]  }
0x2a: {  	p0 =	seq.s32 s5, $0x0;
	s5 =	sld [smem:$0x3F90]  }
0x2b: {  	s6 =	sld [smem:$0x3F91]  }
0x2c: {  	s7 =	sld [smem:$0x3F92]  }
0x2d: {  	s3 =	simm.s32 $0x108;
	s8 =	sld [smem:$0x3F93]  }
0x2e: {  	s3 =	simm.s32 @!p0 $0x1082;
	s9 =	sld [smem:$0x3F94]  }
0x2f: {  	lr =	sadd.s32 s0, s3;
	s0 =	sld [smem:$0x3F8B]  }
0x30: {  	s3 =	sld [smem:$0x3F8E]  }
0x31: {  	[smem:$0x3F97] =	sst s10  }
0x32: {  	s10 =	sld [smem:$0x3F95];
	_ =	sdelay $0x3  }
0x33: {  	p0 =	seq.s32 s10, $0x1;
	s10 =	sld [smem:$0x3F97];
	_ =	sdelay $0x3  }
0x34: {  	[smem:$0x3F97] =	sst s10  }
0x35: {  	s10 =	sld [smem:$0x3F96];
	_ =	sdelay $0x3  }
0x36: {  	p1 =	seq.s32 s10, $0x1;
	s10 =	sld [smem:$0x3F97];
	_ =	sdelay $0x3  }
0x37: {  	[smem:$0x3F97] =	sst s10  }
0x38: {  	s10 =	sld [smem:$0x3F98]  }
0x39: {  	_ = 	snop;
	(pc) =	sbr.ind lr, $3  }
0x3a: {  	_ = 	snop  }
0x3b: {  	_ = 	snop  }
0x3c: {  	p2 =	seq.s32 s10, $0x1;
	s10 =	sld [smem:$0x3F97]  }
0x3d: {  	_ =	shalt  }
0x3e: {  	_ =	shalt  }
0x3f: {  	_ =	shalt  }
0x40: {  	_ =	shalt  }
0x41: {  	_ =	shalt  }
0x42: {  	_ =	shalt  }
0x43: {  	_ =	shalt  }
0x44: {  	_ =	shalt  }
0x45: {  	_ =	shalt  }
0x46: {  	_ =	shalt  }
0x47: {  	_ =	shalt  }
0x48: {  	_ =	shalt  }
0x49: {  	_ =	shalt  }
0x4a: {  	_ =	shalt  }
0x4b: {  	_ =	shalt  }
0x4c: {  	_ =	shalt  }
0x4d: {  	_ =	shalt  }
0x4e: {  	_ =	shalt  }
0x4f: {  	_ =	shalt  }
0x50: {  	_ =	shalt  }
0x51: {  	_ =	shalt  }
0x52: {  	_ =	shalt  }
0x53: {  	_ =	shalt  }
0x54: {  	_ =	shalt  }
0x55: {  	_ =	shalt  }
0x56: {  	_ =	shalt  }
0x57: {  	_ =	shalt  }
0x58: {  	_ =	shalt  }
0x59: {  	_ =	shalt  }
0x5a: {  	_ =	shalt  }
0x5b: {  	_ =	shalt  }
0x5c: {  	_ =	shalt  }
0x5d: {  	_ =	shalt  }
0x5e: {  	_ =	shalt  }
0x5f: {  	_ =	shalt  }
0x60: {  	_ =	shalt  }
0x61: {  	_ =	shalt  }
0x62: {  	_ =	shalt  }
0x63: {  	_ =	shalt  }
0x64: {  	_ =	shalt  }
0x65: {  	_ =	shalt  }
0x66: {  	_ =	shalt  }
0x67: {  	_ =	shalt  }
0x68: {  	_ =	shalt  }
0x69: {  	_ =	shalt  }
0x6a: {  	_ =	shalt  }
0x6b: {  	_ =	shalt  }
0x6c: {  	_ =	shalt  }
0x6d: {  	_ =	shalt  }
0x6e: {  	_ =	shalt  }
0x6f: {  	_ =	shalt  }
0x70: {  	_ =	shalt  }
0x71: {  	_ =	shalt  }
0x72: {  	_ =	shalt  }
0x73: {  	_ =	shalt  }
0x74: {  	_ =	shalt  }
0x75: {  	_ =	shalt  }
0x76: {  	_ =	shalt  }
0x77: {  	_ =	shalt  }
0x78: {  	_ =	shalt  }
0x79: {  	_ =	shalt  }
0x7a: {  	_ =	shalt  }
0x7b: {  	_ =	shalt  }
0x7c: {  	_ =	shalt  }
0x7d: {  	_ =	shalt  }
0x7e: {  	_ =	shalt  }
0x7f: {  	_ =	shalt  }
0x80: {  	_ =	shalt  }
0x81: {  	_ =	shalt  }
0x82: {  	_ =	shalt  }
0x83: {  	_ =	shalt  }
0x84: {  	_ =	shalt  }
0x85: {  	_ =	shalt  }
0x86: {  	_ =	shalt  }
0x87: {  	_ =	shalt  }
.Lfunc_end0:
.L_simem_size_0:
called_computation_lowered:
.L_overlay_start_0:
0x88: {  	s2 =	sld [smem:$0x3FD9]  }
0x89: {  	s3 =	sld [smem:$0x3FFE];
	_ =	sdelay $0x1  }
0x8a: {  	s1 =	srdreg.scid  }
0x8b: {  	s0 =	sand.u32 $0x1, s1  }
0x8c: {  	s16 =	sshll.u32 s0, $0xA;
	s2 =	sadd.s32 s3, s2  }
0x8d: {  	s2 =	sadd.s32 s2, s16  }
0x8e: {  	[smem:$0x3FA3] =	sst s2  }
0x8f: {  	_ = 	snop  }
0x90: {  	(tm) =	ssettm $0x1  }
0x91: {  	s17 =	sld [smem:$0x3FFB];
	_ =	sdelay $0x3  }
0x92: {  	_ =	strace s17  }
0x93: {  	s2 =	sld [smem:$0x3FFC];
	_ =	sdelay $0x3  }
0x94: {  	_ =	strace s2  }
0x95: {  	s2 =	sld [smem:$0x3FFD];
	_ =	sdelay $0x3  }
0x96: {  	_ =	strace s2  }
0x97: {  	_ =	strace $0x8FFFFFFF  }
0x98: {  	s18 =	sld [smem:$0x3FDB];
	_ =	sdelay $0x1  }
0x99: {  	s19 =	simm.s32 $_scs_section_size  }
0x9a: {  	s4 =	simm.s32 $_size__tile_overlayer_lowered;
	s5 =	simm.s32 $_tile_overlayer_lowered  }
0x9b: {  	s22 =	simm.s32 $0x1BFF;
	s21 =	sshll.u32 s5, $0x1;
	s2 =	sadd.s32 s19, s18  }
0x9c: {  	s6 =	simm.s32 $0x0;
	s20 =	sshll.u32 s4, $0x1;
	s4 =	sadd.s32 s21, s2  }
0x9d: {  	[timem:s6], [sflag:s22] =	dma.local [hbm:s4], s20  }
0x9e: {  	_ =	swait.ge [sflag:s22], s20  }
0x9f: {  	s3 =	ssub.s32 $0x0, s20;
	[sflag:s22] =	ssyncset.done $0x0  }
0xa0: {  	[sflag:s22] =	ssyncadd.s32 s3;
	_ =	sdelay $0x1  }
0xa1: {  	s23 =	simm.s32 $0x1B8B  }
0xa2: {  	_ =	swait.ge [sflag:s23], $0x1  }
0xa3: {  	[sflag:s23] =	ssyncset.done $0x0  }
0xa4: {  	s25 =	simm.s32 $0x1B8E;
	s24 =	sld [smem:$0x3FFE];
	[sflag:s23] =	ssyncadd.s32 $0xFFFFFFFF  }
0xa5: {  	s26 =	simm.s32 $execute0_lowered;
	[smem:$0x3FD2] =	sst s25  }
0xa6: {  	s4 =	sshll.u32 s26, $0x1;
	_ =	strace $0x80000046;
	[dreg:$0x1] =	wrdreg $0xFFFFFFFF  }
0xa7: {  	s28 =	simm.s32 $_size_execute0_lowered;
	s2 =	sadd.s32 s2, s4;
	[dreg:$0x0] =	wrdreg $0x0  }
0xa8: {  	s4 =	sshll.u32 s28, $0x1;
	[dreg:$0x2] =	wrdreg s2  }
0xa9: {  	[dreg:$0x3] =	wrdreg s4  }
0xaa: {  	[dreg:$0x4] =	wrdreg $0xC0  }
0xab: {  	_ =	task [dreg:s6], $0x5FFFF  }
0xac: {  	[dreg:$0x1] =	wrdreg $0xFFFFFFFF  }
0xad: {  	[dreg:$0x0] =	wrdreg $0x60  }
0xae: {  	[dreg:$0x2] =	wrdreg s24  }
0xaf: {  	[dreg:$0x3] =	wrdreg $0xA8000  }
0xb0: {  	[dreg:$0x4] =	wrdreg $0x9  }
0xb1: {  	_ =	task.clear_ibuf [dreg:s6], $0x5FFFF;
	_ =	strace $0x90000046  }
0xb2: {  	s29 =	simm.s32 $0x9;
	_ =	strace $0x80000048  }
0xb3: {  	_ =	swait.ge [sflag:s29], $0x1  }
0xb4: {  	[sflag:s29] =	ssyncadd.s32 $0xFFFFFFFF  }
0xb5: {  	_ =	strace $0x90000048  }
0xb6: {  	_ =	sfence  }
0xb7: {  	s30 =	sld [smem:$0x0];
	_ =	sdelay $0x2  }
0xb8: {  	s31 =	sshll.u32 s1, $0xD;
	s1 =	sshrl.u32 s1, $0x2  }
0xb9: {  	s3 =	sand.u32 $0x4000, s31;
	s1 =	sadd.s32 s1, s30  }
0xba: {  	s0 =	sor.u32 s3, s0;
	s1 =	sshll.u32 s1, $0x11  }
0xbb: {  	s0 =	sor.u32 s1, s0  }
0xbc: {  	s0 =	sadd.s32 $0x8F2B, s0  }
0xbd: {  	[sflag:s0] =	ssyncadd.remote.s32 $0x1  }
0xbe: {  	_ =	sfence.sel $0xFFFF  }
0xbf: {  	[dreg:$0x0] =	wrdreg $0xFFFFFFFF;
	(pc) =	sbr.abs _section_cstart, $3  }
0xc0: {  	[dreg:$0x1] =	wrdreg $0xFFFFFFFF  }
0xc1: {  	_ =	task.clear_ibuf [dreg:s6], $0x2FFFF;
	_ =	strace $0x9FFFFFFF  }
0xc2: {  	(tm) =	ssettm $0x7FFFFFFF  }
0xc3: {  	_ =	shalt  }
tec
execute0_lowered:
.L_overlay_start_1:
0x0: {  	(tag) =	ssettag $0x1  }
0x1: {  	s6 =	rddreg [dreg:$0x0]  }
0x2: {  	s0 =	srdreg.scid;
	s2 =	rddreg [dreg:$0x1];
	s3 =	simm.s32 $0x0  }
0x3: {  	s11 =	simm.s32 $0x1400;
	s14 =	simm.s32 $0x7D;
	s15 =	simm.s32 $0x2800  }
0x4: {  	s16 =	simm.s32 $0x6800;
	s17 =	simm.s32 $0x1;
	s18 =	simm.s32 $0x2  }
0x5: {  	s19 =	simm.s32 $0x1380;
	s20 =	simm.s32 $0x2700;
	s21 =	simm.s32 $0x2780  }
0x6: {  	s22 =	simm.s32 $0x0;
	s5 =	sand.u32 $0x1, s0;
	s0 =	stileid.u32  }
0x7: {  	[smem:$0x7FF] =	sst s3;
	s4 =	sadd.s32 $0x11600, s6;
	s8 =	smul.u32 $0x2800, s0  }
0x8: {  	s1 =	sshll.u32 s5, $0x4;
	s9 =	smul.u32 $0x28000, s5;
	s30 =	ssub.s32 $0x2, s5  }
0x9: {  	s10 =	smul.u32 $0x50000, s0;
	s5 =	sadd.s32 $0x38800, s6;
	s12 =	sshll.u32 s0, $0x6  }
0xa: {  	s1 =	sor.u32 s0, s1;
	s31 =	sshrl.u32 s30, $0x1;
	s12 =	sor.u32 $0x1C03, s12  }
0xb: {  	s7 =	smul.u32 $0x280, s1;
	s1 =	rddreg [dreg:$0x2];
	_ =	strace $0x80000047  }
0xc: {  	s8 =	sadd.s32 s8, s9;
	s9 =	ssub.s32 s30, s31;
	s10 =	sshrl.u32 s10, $0x2  }
0xd: {  	s8 =	sadd.s32 s8, s6;
	s13 =	sadd.s32 s10, s2;
	s9 =	smax.u32 s9, $0x1  }
0xe: {  	s10 =	simm.s32 $0x3;
	s7 =	sadd.s32 s7, s6;
	s8 =	sadd.s32 $0x3B000, s8  }
0xf: {  	s13 =	sshrl.u32 s13, $0x3;
	s6 =	sadd.s32 $0xC600, s7;
	s7 =	sadd.s32 $0x7600, s7  }
.LBB2_1:
0x10: {  	[tilespmem:s3], [sflag:$0x3] =	stream.linear.gather [hbm4b:s6+s3], $0x1400, $0x38;
	[tilespmem:$0x1E800] =	vst v63  }
0x11: {  	_ =	swait.ge [sflag:s10], $0x1400  }
0x12: {  	[sflag:s10] =	ssyncset.done $0x0  }
0x13: {  	[sflag:s10] =	ssyncadd.s32 $0xFFFFEC00  }
0x14: {  	[tilespmem:s11], [sflag:$0x3] =	stream.linear.gather [hbm4b:s7+s3], $0x1400, $0x38;
	[tilespmem:$0x1E800] =	vst v63  }
0x15: {  	_ =	swait.ge [sflag:s10], $0x1400  }
0x16: {  	[sflag:s10] =	ssyncset.done $0x0  }
0x17: {  	[sflag:s10] =	ssyncadd.s32 $0xFFFFEC00  }
0x18: {  	[spmem:s13], [sflag:s12] =	dma.local [hbm:s5], $0x2800  }
0x19: {  	_ =	swait.ge [sflag:s10], $0x2800  }
0x1a: {  	[sflag:s10] =	ssyncset.done $0x0  }
0x1b: {  	[sflag:s10] =	ssyncadd.s32 $0xFFFFD800  }
0x1c: {  	[bflag:$0x0] =	sbarrier.arrive $0xFFFF  }
0x1d: {  	[tilespmem:s15], [sflag:$0x1] =	stream.indirect.gather [hbm4b:s4+s14], $0x80, s3, s14, $0xb8;
	[tilespmem:$0x1E800] =	vst v63  }
0x1e: {  	s23 =	simm.s32 $0x80  }
0x1f: {  	[tilespmem:s16], [sflag:$0x2] =	stream.indirect.gather [hbm4b:s4+s14], $0x80, s23, s14, $0xb8;
	[tilespmem:$0x1E800] =	vst v63  }
0x20: {  	_ =	swait.ge [sflag:s17], $0x3E80  }
0x21: {  	[sflag:s17] =	ssyncset.done $0x0  }
0x22: {  	s29 =	simm.s32 $0x1400;
	[sflag:s17] =	ssyncadd.s32 $0xFFFFC180  }
0x23: {  	[spmem:s2] =	stream.indirect.scatter.add.f32 [tilespmem:s15], [sflag:$0x3], $0x80, s29, s14, $0xb8;
	[tilespmem:$0x1E800] =	vst v63  }
0x24: {  	_ =	swait.ge [sflag:s10], $0x3E80  }
0x25: {  	[sflag:s10] =	ssyncset.done $0x0  }
0x26: {  	s30 =	simm.s32 $0x100;
	[sflag:s10] =	ssyncadd.s32 $0xFFFFC180  }
0x27: {  	[tilespmem:s15], [sflag:$0x1] =	stream.indirect.gather [hbm4b:s4+s14], $0x80, s30, s14, $0xb8;
	[tilespmem:$0x1E800] =	vst v63  }
0x28: {  	_ =	swait.ge [sflag:s18], $0x3E80  }
0x29: {  	[sflag:s18] =	ssyncset.done $0x0  }
0x2a: {  	s31 =	simm.s32 $0x1480;
	[sflag:s18] =	ssyncadd.s32 $0xFFFFC180  }
0x2b: {  	[spmem:s2] =	stream.indirect.scatter.add.f32 [tilespmem:s16], [sflag:$0x3], $0x80, s31, s14, $0xb8;
	[tilespmem:$0x1E800] =	vst v63  }
0x2c: {  	_ =	swait.ge [sflag:s10], $0x3E80  }
0x2d: {  	s24 =	simm.s32 $0x800;
	s23 =	simm.s32 $0x100;
	[sflag:s10] =	ssyncset.done $0x0  }
.LBB2_2:
0x2e: {  	s25 =	sadd.s32 $0x80, s23  }
0x2f: {  	[sflag:s10] =	ssyncadd.s32 $0xFFFFC180;
	s26 =	smov.u32 s24;
	s28 =	sadd.s32 $0x400, s24  }
0x30: {  	[tilespmem:s16], [sflag:$0x2] =	stream.indirect.gather [hbm4b:s4+s14], $0x80, s25, s14, $0xb8;
	[tilespmem:$0x1E800] =	vst v63  }
0x31: {  	p0 =	sne.s32 s24, $0x4800;
	_ =	swait.ge [sflag:s17], $0x3E80  }
0x32: {  	[sflag:s17] =	ssyncset.done $0x0  }
0x33: {  	s24 =	sadd.s32 $0x1400, s23;
	[sflag:s17] =	ssyncadd.s32 $0xFFFFC180  }
0x34: {  	[spmem:s2] =	stream.indirect.scatter.add.f32 [tilespmem:s15], [sflag:$0x3], $0x80, s24, s14, $0xb8;
	[tilespmem:$0x1E800] =	vst v63  }
0x35: {  	_ =	swait.ge [sflag:s10], $0x3E80  }
0x36: {  	[sflag:s10] =	ssyncset.done $0x0  }
0x37: {  	s24 =	sadd.s32 $0x100, s23;
	[sflag:s10] =	ssyncadd.s32 $0xFFFFC180  }
0x38: {  	[tilespmem:s15], [sflag:$0x1] =	stream.indirect.gather [hbm4b:s4+s14], $0x80, s24, s14, $0xb8;
	[tilespmem:$0x1E800] =	vst v63  }
0x39: {  	_ =	swait.ge [sflag:s18], $0x3E80  }
.Ltmp0:
0x3a: {  	[sflag:s18] =	ssyncset.done $0x0;
	(pc) =	sbr.rel @p0 .LBB2_2-.Ltmp0, $4  }
0x3b: {  	s23 =	sadd.s32 $0x1480, s23;
	[sflag:s18] =	ssyncadd.s32 $0xFFFFC180  }
0x3c: {  	[spmem:s2] =	stream.indirect.scatter.add.f32 [tilespmem:s16], [sflag:$0x3], $0x80, s23, s14, $0xb8;
	[tilespmem:$0x1E800] =	vst v63  }
0x3d: {  	_ =	swait.ge [sflag:s10], $0x3E80  }
0x3e: {  	s24 =	smov.u32 s28;
	s23 =	sshra.s32 s26, $0x2;
	[sflag:s10] =	ssyncset.done $0x0  }
0x3f: {  	s24 =	sadd.s32 $0x80, s23;
	[sflag:s10] =	ssyncadd.s32 $0xFFFFC180  }
0x40: {  	[tilespmem:s16], [sflag:$0x2] =	stream.indirect.gather [hbm4b:s4+s14], $0x80, s24, s14, $0xb8;
	[tilespmem:$0x1E800] =	vst v63  }
0x41: {  	_ =	swait.ge [sflag:s17], $0x3E80  }
0x42: {  	[sflag:s17] =	ssyncset.done $0x0  }
0x43: {  	s29 =	sadd.s32 $0x1400, s23;
	[sflag:s17] =	ssyncadd.s32 $0xFFFFC180  }
0x44: {  	[spmem:s2] =	stream.indirect.scatter.add.f32 [tilespmem:s15], [sflag:$0x3], $0x80, s29, s14, $0xb8;
	[tilespmem:$0x1E800] =	vst v63  }
0x45: {  	_ =	swait.ge [sflag:s10], $0x3E80  }
0x46: {  	[sflag:s10] =	ssyncset.done $0x0  }
0x47: {  	s30 =	sadd.s32 $0x100, s23;
	[sflag:s10] =	ssyncadd.s32 $0xFFFFC180  }
0x48: {  	[tilespmem:s15], [sflag:$0x1] =	stream.indirect.gather [hbm4b:s4+s14], $0x80, s30, s14, $0xb8;
	[tilespmem:$0x1E800] =	vst v63  }
0x49: {  	_ =	swait.ge [sflag:s18], $0x3E80  }
0x4a: {  	[sflag:s18] =	ssyncset.done $0x0  }
0x4b: {  	s31 =	sadd.s32 $0x1480, s23;
	[sflag:s18] =	ssyncadd.s32 $0xFFFFC180  }
0x4c: {  	[spmem:s2] =	stream.indirect.scatter.add.f32 [tilespmem:s16], [sflag:$0x3], $0x80, s31, s14, $0xb8;
	[tilespmem:$0x1E800] =	vst v63  }
0x4d: {  	_ =	swait.ge [sflag:s10], $0x3E80  }
0x4e: {  	[sflag:s10] =	ssyncset.done $0x0  }
0x4f: {  	[sflag:s10] =	ssyncadd.s32 $0xFFFFC180  }
0x50: {  	[tilespmem:s16], [sflag:$0x2] =	stream.indirect.gather [hbm4b:s4+s14], $0x80, s19, s14, $0xb8;
	[tilespmem:$0x1E800] =	vst v63  }
0x51: {  	_ =	swait.ge [sflag:s17], $0x3E80  }
0x52: {  	[sflag:s17] =	ssyncset.done $0x0  }
0x53: {  	[sflag:s17] =	ssyncadd.s32 $0xFFFFC180  }
0x54: {  	[spmem:s2] =	stream.indirect.scatter.add.f32 [tilespmem:s15], [sflag:$0x3], $0x80, s20, s14, $0xb8;
	[tilespmem:$0x1E800] =	vst v63  }
0x55: {  	_ =	swait.ge [sflag:s10], $0x3E80  }
0x56: {  	[sflag:s10] =	ssyncset.done $0x0  }
0x57: {  	[sflag:s10] =	ssyncadd.s32 $0xFFFFC180  }
0x58: {  	_ =	swait.ge [sflag:s18], $0x3E80  }
0x59: {  	[sflag:s18] =	ssyncset.done $0x0  }
0x5a: {  	[sflag:s18] =	ssyncadd.s32 $0xFFFFC180  }
0x5b: {  	[spmem:s2] =	stream.indirect.scatter.add.f32 [tilespmem:s16], [sflag:$0x3], $0x80, s21, s14, $0xb8;
	[tilespmem:$0x1E800] =	vst v63  }
0x5c: {  	_ =	swait.ge [sflag:s10], $0x3E80  }
0x5d: {  	s22 =	sadd.s32 $0x1, s22;
	[sflag:s10] =	ssyncset.done $0x0  }
0x5e: {  	p0 =	sne.s32 s22, s9;
	[sflag:s10] =	ssyncadd.s32 $0xFFFFC180  }
.Ltmp1:
0x5f: {  	[bflag:$0x0] =	sbarrier.arrive $0xFFFF;
	(pc) =	sbr.rel @p0 .LBB2_1-.Ltmp1, $4  }
0x60: {  	[hbm:s8], [sflag:s12] =	dma.local [spmem:s13], $0x2800  }
0x61: {  	_ =	swait.ge [sflag:s10], $0x2800  }
0x62: {  	[sflag:s10] =	ssyncset.done $0x0  }
0x63: {  	[sflag:s10] =	ssyncadd.s32 $0xFFFFD800  }
0x64: {  	_ =	sfence.sel $0x180000  }
0x65: {  	[bflag:$0x0] =	sbarrier.arrive $0xFFFF  }
0x66: {  	p0 =	sne.s32 s0, $0x0;
	_ =	strace $0x90000047  }
0x67: {  	s0 =	sadd.s32 @!p0 $0x100000, s1;
	[bflag:$0x2] =	sbarrier.arrive $0xFFFF  }
0x68: {  	[sflag:s0] =	ssyncadd.tile.s32 @!p0 $0x1;
	_ =	shalt  }
.Lfunc_end2:
_tile_overlayer_lowered:
.L_overlay_start_2:
0x69: {  	(tag) =	ssettag $0x2  }
0x6a: {  	s0 =	rddreg [dreg:$0x0];
	s2 =	stileid.u32  }
0x6b: {  	s1 =	rddreg [dreg:$0x1];
	p0 =	sne.s32 s2, $0x0  }
0x6c: {  	s3 =	rddreg [dreg:$0x2];
	[bflag:$0x3] =	sbarrier.arrive $0xFFFF;
	s2 =	simm.s32 @!p0 $0x1C03  }
0x6d: {  	[timem:s3], [sflag:s2] =	dma.local @!p0 [hbm:s0], s1  }
0x6e: {  	s0 =	simm.s32 @!p0 $0x3  }
0x6f: {  	_ =	swait.ge @!p0 [sflag:s0], s1  }
0x70: {  	s1 =	ssub.s32 @!p0 $0x0, s1;
	[sflag:s0] =	ssyncset.done @!p0 $0x0  }
0x71: {  	[sflag:s0] =	ssyncadd.s32 @!p0 s1  }
0x72: {  	[bflag:$0x3] =	sbarrier.arrive $0xFFFF  }
0x73: {  	_ =	shalt  }

// kernel: kernel.19.cloned.1.call-start
scs
__scs_entry_jumppad:
0x0: {  	(pc) =	sbr.rel $0x88, $3  }
0x1: {  	(tag) =	ssettag $0x0;
	lr =	simm.s32 $0x1  }
0x2: {  	[smem:$0x3F7C] =	sst lr;
	_ =	strace $0xD0000000  }
0x3: {  	_ = 	snop  }
0x4: {  	_ = 	snop  }
0x5: {  	_ = 	snop  }
0x6: {  	_ = 	snop  }
0x7: {  	_ = 	snop  }
__scs_overlays_trampoline_lowered:
0x8: {  	[smem:$0x3F8B] =	sst s0  }
0x9: {  	[smem:$0x3F8C] =	sst s1  }
0xa: {  	[smem:$0x3F8D] =	sst s2  }
0xb: {  	[smem:$0x3F8E] =	sst s3  }
0xc: {  	[smem:$0x3F8F] =	sst s4  }
0xd: {  	[smem:$0x3F90] =	sst s5  }
0xe: {  	[smem:$0x3F91] =	sst s6  }
0xf: {  	[smem:$0x3F92] =	sst s7  }
0x10: {  	[smem:$0x3F93] =	sst s8  }
0x11: {  	[smem:$0x3F94] =	sst s9;
	s0 =	simm.s32 @!p0 $0x0  }
0x12: {  	s1 =	sld [smem:$0x3F7A];
	s0 =	simm.s32 @p0 $0x1  }
0x13: {  	[smem:$0x3F95] =	sst s0;
	s0 =	simm.s32 @!p1 $0x0  }
0x14: {  	s2 =	sld [smem:$0x3F79];
	s0 =	simm.s32 @p1 $0x1  }
0x15: {  	[smem:$0x3F96] =	sst s0;
	s0 =	simm.s32 @!p2 $0x0  }
0x16: {  	s3 =	sld [smem:$0x3FDB];
	s0 =	simm.s32 @p2 $0x1  }
0x17: {  	s4 =	simm.s32 $0x1BF5;
	[smem:$0x3F98] =	sst s0  }
0x18: {  	s0 =	sld [smem:$0x3F7B];
	_ =	swait.ge [sflag:s4], $0x0  }
0x19: {  	s7 =	sld [smem:$0x3F7C]  }
0x1a: {  	s8 =	sadd.s32 $0xFFFFE003, lr  }
0x1b: {  	s9 =	sadd.s32 $0xFFFFFEF7, lr;
	s5 =	simm.s32 $0xFFFFFFFF;
	p2 =	slt.u32 s8, $0xFFFFF086  }
0x1c: {  	p1 =	slt.u32 s9, $0xF7A;
	s5 =	simm.s32 @!p2 $0x0  }
0x1d: {  	s5 =	simm.s32 @p1 $0x1;
	p0 =	seq.s32 s7, s2  }
0x1e: {  	s7 =	smul.u32 @!p0 $0xF7A, s2;
	p2 =	seq.s32 @!p0 s5, $0x0  }
0x1f: {  	s9 =	smul.u32 $0xF7A, s1;
	s8 =	simm.s32 @!p0 $0x1BF5;
	p2 =	por !p2, p0  }
0x20: {  	[sflag:s8] =	ssyncset.s32 @!p0 $0xFFFFF086;
	s6 =	sadd.s32 @!p0 s3, s7;
	s7 =	simm.s32 @!p0 $0x108  }
0x21: {  	s3 =	sadd.s32 s3, s9;
	s6 =	sadd.s32 @!p0 $0x88, s6;
	s7 =	simm.s32 @p2 $0x1082  }
0x22: {  	[simem:s7], [sflag:s8] =	dma.local @!p0 [hbm:s6], $0xF7A  }
0x23: {  	s9 =	sor.u32 $0xD0000000, s2;
	s6 =	simm.s32 $0x108;
	_ =	swait.ge @!p0 [sflag:s8], $0x0  }
0x24: {  	s3 =	sadd.s32 $0x88, s3;
	s6 =	simm.s32 @!p1 $0x1082;
	[sflag:s4] =	ssyncset.s32 $0xFFFFF086  }
0x25: {  	[simem:s6], [sflag:s4] =	dma.local [hbm:s3], $0xF7A  }
0x26: {  	[smem:$0x3F7C] =	sst s1;
	(tag) =	ssettag s2;
	_ =	strace s9  }
0x27: {  	s1 =	sld [smem:$0x3F8C]  }
0x28: {  	s2 =	sld [smem:$0x3F8D]  }
0x29: {  	s4 =	sld [smem:$0x3F8F]  }
0x2a: {  	p0 =	seq.s32 s5, $0x0;
	s5 =	sld [smem:$0x3F90]  }
0x2b: {  	s6 =	sld [smem:$0x3F91]  }
0x2c: {  	s7 =	sld [smem:$0x3F92]  }
0x2d: {  	s3 =	simm.s32 $0x108;
	s8 =	sld [smem:$0x3F93]  }
0x2e: {  	s3 =	simm.s32 @!p0 $0x1082;
	s9 =	sld [smem:$0x3F94]  }
0x2f: {  	lr =	sadd.s32 s0, s3;
	s0 =	sld [smem:$0x3F8B]  }
0x30: {  	s3 =	sld [smem:$0x3F8E]  }
0x31: {  	[smem:$0x3F97] =	sst s10  }
0x32: {  	s10 =	sld [smem:$0x3F95];
	_ =	sdelay $0x3  }
0x33: {  	p0 =	seq.s32 s10, $0x1;
	s10 =	sld [smem:$0x3F97];
	_ =	sdelay $0x3  }
0x34: {  	[smem:$0x3F97] =	sst s10  }
0x35: {  	s10 =	sld [smem:$0x3F96];
	_ =	sdelay $0x3  }
0x36: {  	p1 =	seq.s32 s10, $0x1;
	s10 =	sld [smem:$0x3F97];
	_ =	sdelay $0x3  }
0x37: {  	[smem:$0x3F97] =	sst s10  }
0x38: {  	s10 =	sld [smem:$0x3F98]  }
0x39: {  	_ = 	snop;
	(pc) =	sbr.ind lr, $3  }
0x3a: {  	_ = 	snop  }
0x3b: {  	_ = 	snop  }
0x3c: {  	p2 =	seq.s32 s10, $0x1;
	s10 =	sld [smem:$0x3F97]  }
0x3d: {  	_ =	shalt  }
0x3e: {  	_ =	shalt  }
0x3f: {  	_ =	shalt  }
0x40: {  	_ =	shalt  }
0x41: {  	_ =	shalt  }
0x42: {  	_ =	shalt  }
0x43: {  	_ =	shalt  }
0x44: {  	_ =	shalt  }
0x45: {  	_ =	shalt  }
0x46: {  	_ =	shalt  }
0x47: {  	_ =	shalt  }
0x48: {  	_ =	shalt  }
0x49: {  	_ =	shalt  }
0x4a: {  	_ =	shalt  }
0x4b: {  	_ =	shalt  }
0x4c: {  	_ =	shalt  }
0x4d: {  	_ =	shalt  }
0x4e: {  	_ =	shalt  }
0x4f: {  	_ =	shalt  }
0x50: {  	_ =	shalt  }
0x51: {  	_ =	shalt  }
0x52: {  	_ =	shalt  }
0x53: {  	_ =	shalt  }
0x54: {  	_ =	shalt  }
0x55: {  	_ =	shalt  }
0x56: {  	_ =	shalt  }
0x57: {  	_ =	shalt  }
0x58: {  	_ =	shalt  }
0x59: {  	_ =	shalt  }
0x5a: {  	_ =	shalt  }
0x5b: {  	_ =	shalt  }
0x5c: {  	_ =	shalt  }
0x5d: {  	_ =	shalt  }
0x5e: {  	_ =	shalt  }
0x5f: {  	_ =	shalt  }
0x60: {  	_ =	shalt  }
0x61: {  	_ =	shalt  }
0x62: {  	_ =	shalt  }
0x63: {  	_ =	shalt  }
0x64: {  	_ =	shalt  }
0x65: {  	_ =	shalt  }
0x66: {  	_ =	shalt  }
0x67: {  	_ =	shalt  }
0x68: {  	_ =	shalt  }
0x69: {  	_ =	shalt  }
0x6a: {  	_ =	shalt  }
0x6b: {  	_ =	shalt  }
0x6c: {  	_ =	shalt  }
0x6d: {  	_ =	shalt  }
0x6e: {  	_ =	shalt  }
0x6f: {  	_ =	shalt  }
0x70: {  	_ =	shalt  }
0x71: {  	_ =	shalt  }
0x72: {  	_ =	shalt  }
0x73: {  	_ =	shalt  }
0x74: {  	_ =	shalt  }
0x75: {  	_ =	shalt  }
0x76: {  	_ =	shalt  }
0x77: {  	_ =	shalt  }
0x78: {  	_ =	shalt  }
0x79: {  	_ =	shalt  }
0x7a: {  	_ =	shalt  }
0x7b: {  	_ =	shalt  }
0x7c: {  	_ =	shalt  }
0x7d: {  	_ =	shalt  }
0x7e: {  	_ =	shalt  }
0x7f: {  	_ =	shalt  }
0x80: {  	_ =	shalt  }
0x81: {  	_ =	shalt  }
0x82: {  	_ =	shalt  }
0x83: {  	_ =	shalt  }
0x84: {  	_ =	shalt  }
0x85: {  	_ =	shalt  }
0x86: {  	_ =	shalt  }
0x87: {  	_ =	shalt  }
.Lfunc_end0:
.L_simem_size_0:
called_computation.1_lowered:
.L_overlay_start_0:
0x88: {  	s2 =	sld [smem:$0x3FD9]  }
0x89: {  	s3 =	sld [smem:$0x3FFE];
	_ =	sdelay $0x1  }
0x8a: {  	s1 =	srdreg.scid  }
0x8b: {  	s0 =	sand.u32 $0x1, s1  }
0x8c: {  	s16 =	sshll.u32 s0, $0xA;
	s2 =	sadd.s32 s3, s2  }
0x8d: {  	s2 =	sadd.s32 s2, s16  }
0x8e: {  	[smem:$0x3FA3] =	sst s2  }
0x8f: {  	_ = 	snop  }
0x90: {  	(tm) =	ssettm $0x1  }
0x91: {  	s17 =	sld [smem:$0x3FFB];
	_ =	sdelay $0x3  }
0x92: {  	_ =	strace s17  }
0x93: {  	s2 =	sld [smem:$0x3FFC];
	_ =	sdelay $0x3  }
0x94: {  	_ =	strace s2  }
0x95: {  	s2 =	sld [smem:$0x3FFD];
	_ =	sdelay $0x3  }
0x96: {  	_ =	strace s2  }
0x97: {  	_ =	strace $0x8FFFFFFF  }
0x98: {  	s18 =	sld [smem:$0x3FDB];
	_ =	sdelay $0x1  }
0x99: {  	s19 =	simm.s32 $_scs_section_size  }
0x9a: {  	s4 =	simm.s32 $_size__tile_overlayer_lowered;
	s5 =	simm.s32 $_tile_overlayer_lowered  }
0x9b: {  	s22 =	simm.s32 $0x1BFF;
	s21 =	sshll.u32 s5, $0x1;
	s2 =	sadd.s32 s19, s18  }
0x9c: {  	s6 =	simm.s32 $0x0;
	s20 =	sshll.u32 s4, $0x1;
	s4 =	sadd.s32 s21, s2  }
0x9d: {  	[timem:s6], [sflag:s22] =	dma.local [hbm:s4], s20  }
0x9e: {  	_ =	swait.ge [sflag:s22], s20  }
0x9f: {  	s3 =	ssub.s32 $0x0, s20;
	[sflag:s22] =	ssyncset.done $0x0  }
0xa0: {  	[sflag:s22] =	ssyncadd.s32 s3;
	_ =	sdelay $0x1  }
0xa1: {  	s23 =	simm.s32 $0x1B8B  }
0xa2: {  	_ =	swait.ge [sflag:s23], $0x1  }
0xa3: {  	[sflag:s23] =	ssyncset.done $0x0  }
0xa4: {  	s25 =	simm.s32 $0x1B8E;
	s24 =	sld [smem:$0x3FFE];
	[sflag:s23] =	ssyncadd.s32 $0xFFFFFFFF  }
0xa5: {  	s26 =	simm.s32 $execute0_lowered;
	[smem:$0x3FD2] =	sst s25  }
0xa6: {  	s4 =	sshll.u32 s26, $0x1;
	_ =	strace $0x80000049;
	[dreg:$0x1] =	wrdreg $0xFFFFFFFF  }
0xa7: {  	s28 =	simm.s32 $_size_execute0_lowered;
	s2 =	sadd.s32 s2, s4;
	[dreg:$0x0] =	wrdreg $0x0  }
0xa8: {  	s4 =	sshll.u32 s28, $0x1;
	[dreg:$0x2] =	wrdreg s2  }
0xa9: {  	[dreg:$0x3] =	wrdreg s4  }
0xaa: {  	[dreg:$0x4] =	wrdreg $0xC0  }
0xab: {  	_ =	task [dreg:s6], $0x5FFFF  }
0xac: {  	[dreg:$0x1] =	wrdreg $0xFFFFFFFF  }
0xad: {  	[dreg:$0x0] =	wrdreg $0x60  }
0xae: {  	[dreg:$0x2] =	wrdreg s24  }
0xaf: {  	[dreg:$0x3] =	wrdreg $0xBC000  }
0xb0: {  	[dreg:$0x4] =	wrdreg $0x9  }
0xb1: {  	_ =	task.clear_ibuf [dreg:s6], $0x5FFFF;
	_ =	strace $0x90000049  }
0xb2: {  	s29 =	simm.s32 $0x9;
	_ =	strace $0x8000004B  }
0xb3: {  	_ =	swait.ge [sflag:s29], $0x1  }
0xb4: {  	[sflag:s29] =	ssyncadd.s32 $0xFFFFFFFF  }
0xb5: {  	_ =	strace $0x9000004B  }
0xb6: {  	_ =	sfence  }
0xb7: {  	s30 =	sld [smem:$0x0];
	_ =	sdelay $0x2  }
0xb8: {  	s31 =	sshll.u32 s1, $0xD;
	s1 =	sshrl.u32 s1, $0x2  }
0xb9: {  	s3 =	sand.u32 $0x4000, s31;
	s1 =	sadd.s32 s1, s30  }
0xba: {  	s0 =	sor.u32 s3, s0;
	s1 =	sshll.u32 s1, $0x11  }
0xbb: {  	s0 =	sor.u32 s1, s0  }
0xbc: {  	s0 =	sadd.s32 $0x8F2B, s0  }
0xbd: {  	[sflag:s0] =	ssyncadd.remote.s32 $0x1  }
0xbe: {  	_ =	sfence.sel $0xFFFF  }
0xbf: {  	[dreg:$0x0] =	wrdreg $0xFFFFFFFF;
	(pc) =	sbr.abs _section_cstart, $3  }
0xc0: {  	[dreg:$0x1] =	wrdreg $0xFFFFFFFF  }
0xc1: {  	_ =	task.clear_ibuf [dreg:s6], $0x2FFFF;
	_ =	strace $0x9FFFFFFF  }
0xc2: {  	(tm) =	ssettm $0x7FFFFFFF  }
0xc3: {  	_ =	shalt  }
tec
execute0_lowered:
.L_overlay_start_1:
0x0: {  	(tag) =	ssettag $0x1  }
0x1: {  	s0 =	rddreg [dreg:$0x0]  }
0x2: {  	s2 =	rddreg [dreg:$0x1];
	s3 =	simm.s32 $0x0  }
0x3: {  	s1 =	stileid.u32;
	s7 =	srdreg.scid;
	s14 =	simm.s32 $0x3  }
0x4: {  	s17 =	simm.s32 $0x7D;
	s18 =	simm.s32 $0x3C00;
	s19 =	simm.s32 $0x7C00  }
0x5: {  	s20 =	simm.s32 $0x1;
	s21 =	simm.s32 $0x2;
	s22 =	simm.s32 $0x1380  }
0x6: {  	s23 =	simm.s32 $0x2700;
	s24 =	simm.s32 $0x2780;
	s25 =	simm.s32 $0x3B00  }
0x7: {  	s26 =	simm.s32 $0x3B80;
	[smem:$0x7FF] =	sst s3;
	s6 =	smul.u32 $0x500, s1  }
0x8: {  	s4 =	sadd.s32 $0xDB000, s0;
	s5 =	sadd.s32 $0x8B000, s0;
	s10 =	sand.u32 $0x1, s7  }
0x9: {  	s11 =	smul.u32 $0x50000, s1;
	s7 =	sadd.s32 $0x34C000, s0;
	s31 =	sshll.u32 s1, $0x6  }
0xa: {  	_ =	strace $0x8000004A;
	s8 =	ssub.s32 $0x2, s10;
	s10 =	sshll.u32 s10, $0x3  }
0xb: {  	s15 =	sor.u32 $0x1C03, s31;
	s9 =	sadd.s32 s6, s0;
	s12 =	sshrl.u32 s8, $0x1  }
0xc: {  	s6 =	sadd.s32 $0x38800, s0;
	s11 =	sshrl.u32 s11, $0x2;
	s12 =	ssub.s32 s8, s12  }
0xd: {  	s8 =	smul.u32 $0x280, s1;
	s9 =	sadd.s32 $0x7600, s9;
	s13 =	sadd.s32 s11, s2  }
0xe: {  	[dreg:$0x3] =	wrdreg s9;
	s30 =	smax.u32 s12, $0x1;
	s12 =	sadd.s32 $0x8B280, s0  }
0xf: {  	s16 =	sshrl.u32 s13, $0x3;
	s9 =	simm.s32 $0x0;
	[dreg:$0x4] =	wrdreg s30  }
.LBB2_1:
0x10: {  	[dreg:$0x5] =	wrdreg s9  }
0x11: {  	s0 =	rddreg [dreg:$0x3];
	s31 =	simm.s32 $0x1400  }
0x12: {  	[tilespmem:s31], [sflag:$0x3] =	stream.linear.gather [hbm4b:s0+s3], $0x2800, $0x38;
	[tilespmem:$0x1FC00] =	vst v63  }
0x13: {  	_ =	swait.ge [sflag:s14], $0x2800  }
0x14: {  	[sflag:s14] =	ssyncset.done $0x0  }
0x15: {  	s29 =	simm.s32 $0x0;
	[sflag:s14] =	ssyncadd.s32 $0xFFFFD800  }
.LBB2_2:
0x16: {  	s30 =	sadd.s32 s10, s29  }
0x17: {  	[spmem:s16], [sflag:s15] =	dma.local [hbm:s6], $0x2800  }
0x18: {  	s0 =	sshll.u32 s30, $0x4  }
0x19: {  	_ =	swait.ge [sflag:s14], $0x2800;
	s0 =	sor.u32 s1, s0  }
0x1a: {  	[sflag:s14] =	ssyncset.done $0x0;
	s31 =	smul.u32 $0x500, s0  }
0x1b: {  	[sflag:s14] =	ssyncadd.s32 $0xFFFFD800  }
0x1c: {  	s13 =	simm.s32 $0x0;
	[bflag:$0x0] =	sbarrier.arrive $0xFFFF;
	s0 =	sadd.s32 s5, s31  }
0x1d: {  	[tilespmem:s13], [sflag:$0x3] =	stream.linear.gather [hbm4b:s0+s13], $0x1400, $0x38;
	[tilespmem:$0x1FC00] =	vst v63  }
0x1e: {  	_ =	swait.ge [sflag:s14], $0x1400  }
0x1f: {  	[sflag:s14] =	ssyncset.done $0x0  }
0x20: {  	[sflag:s14] =	ssyncadd.s32 $0xFFFFEC00  }
0x21: {  	[tilespmem:s18], [sflag:$0x1] =	stream.indirect.gather [hbm4b:s4+s17], $0x80, s13, s17, $0xb8;
	[tilespmem:$0x1FC00] =	vst v63  }
0x22: {  	s9 =	simm.s32 $0x80  }
0x23: {  	[tilespmem:s19], [sflag:$0x2] =	stream.indirect.gather [hbm4b:s4+s17], $0x80, s9, s17, $0xb8;
	[tilespmem:$0x1FC00] =	vst v63  }
0x24: {  	_ =	swait.ge [sflag:s20], $0x3E80  }
0x25: {  	[sflag:s20] =	ssyncset.done $0x0  }
0x26: {  	s11 =	simm.s32 $0x1400;
	[sflag:s20] =	ssyncadd.s32 $0xFFFFC180  }
0x27: {  	[spmem:s2] =	stream.indirect.scatter.add.f32 [tilespmem:s18], [sflag:$0x3], $0x80, s11, s17, $0xb8;
	[tilespmem:$0x1FC00] =	vst v63  }
0x28: {  	_ =	swait.ge [sflag:s14], $0x3E80  }
0x29: {  	[sflag:s14] =	ssyncset.done $0x0  }
0x2a: {  	s13 =	simm.s32 $0x100;
	[sflag:s14] =	ssyncadd.s32 $0xFFFFC180  }
0x2b: {  	[tilespmem:s18], [sflag:$0x1] =	stream.indirect.gather [hbm4b:s4+s17], $0x80, s13, s17, $0xb8;
	[tilespmem:$0x1FC00] =	vst v63  }
0x2c: {  	_ =	swait.ge [sflag:s21], $0x3E80  }
0x2d: {  	[sflag:s21] =	ssyncset.done $0x0  }
0x2e: {  	s28 =	simm.s32 $0x1480;
	[sflag:s21] =	ssyncadd.s32 $0xFFFFC180  }
0x2f: {  	[spmem:s2] =	stream.indirect.scatter.add.f32 [tilespmem:s19], [sflag:$0x3], $0x80, s28, s17, $0xb8;
	[tilespmem:$0x1FC00] =	vst v63  }
0x30: {  	_ =	swait.ge [sflag:s14], $0x3E80  }
0x31: {  	s0 =	simm.s32 $0x100;
	s13 =	simm.s32 $0x800;
	[sflag:s14] =	ssyncset.done $0x0  }
.LBB2_3:
0x32: {  	s9 =	sadd.s32 $0x80, s0  }
0x33: {  	[sflag:s14] =	ssyncadd.s32 $0xFFFFC180;
	s11 =	smov.u32 s13;
	s28 =	sadd.s32 $0x400, s13  }
0x34: {  	[tilespmem:s19], [sflag:$0x2] =	stream.indirect.gather [hbm4b:s4+s17], $0x80, s9, s17, $0xb8;
	[tilespmem:$0x1FC00] =	vst v63  }
0x35: {  	p0 =	sne.s32 s13, $0x4800;
	_ =	swait.ge [sflag:s20], $0x3E80  }
0x36: {  	[sflag:s20] =	ssyncset.done $0x0  }
0x37: {  	s9 =	sadd.s32 $0x1400, s0;
	[sflag:s20] =	ssyncadd.s32 $0xFFFFC180  }
0x38: {  	[spmem:s2] =	stream.indirect.scatter.add.f32 [tilespmem:s18], [sflag:$0x3], $0x80, s9, s17, $0xb8;
	[tilespmem:$0x1FC00] =	vst v63  }
0x39: {  	_ =	swait.ge [sflag:s14], $0x3E80  }
0x3a: {  	[sflag:s14] =	ssyncset.done $0x0  }
0x3b: {  	s9 =	sadd.s32 $0x100, s0;
	[sflag:s14] =	ssyncadd.s32 $0xFFFFC180  }
0x3c: {  	[tilespmem:s18], [sflag:$0x1] =	stream.indirect.gather [hbm4b:s4+s17], $0x80, s9, s17, $0xb8;
	[tilespmem:$0x1FC00] =	vst v63  }
0x3d: {  	_ =	swait.ge [sflag:s21], $0x3E80  }
.Ltmp0:
0x3e: {  	[sflag:s21] =	ssyncset.done $0x0;
	(pc) =	sbr.rel @p0 .LBB2_3-.Ltmp0, $4  }
0x3f: {  	s0 =	sadd.s32 $0x1480, s0;
	[sflag:s21] =	ssyncadd.s32 $0xFFFFC180  }
0x40: {  	[spmem:s2] =	stream.indirect.scatter.add.f32 [tilespmem:s19], [sflag:$0x3], $0x80, s0, s17, $0xb8;
	[tilespmem:$0x1FC00] =	vst v63  }
0x41: {  	_ =	swait.ge [sflag:s14], $0x3E80  }
0x42: {  	s13 =	smov.u32 s28;
	s0 =	sshra.s32 s11, $0x2;
	[sflag:s14] =	ssyncset.done $0x0  }
0x43: {  	s9 =	sadd.s32 $0x80, s0;
	[sflag:s14] =	ssyncadd.s32 $0xFFFFC180  }
0x44: {  	[tilespmem:s19], [sflag:$0x2] =	stream.indirect.gather [hbm4b:s4+s17], $0x80, s9, s17, $0xb8;
	[tilespmem:$0x1FC00] =	vst v63  }
0x45: {  	_ =	swait.ge [sflag:s20], $0x3E80  }
0x46: {  	[sflag:s20] =	ssyncset.done $0x0  }
0x47: {  	s11 =	sadd.s32 $0x1400, s0;
	[sflag:s20] =	ssyncadd.s32 $0xFFFFC180  }
0x48: {  	[spmem:s2] =	stream.indirect.scatter.add.f32 [tilespmem:s18], [sflag:$0x3], $0x80, s11, s17, $0xb8;
	[tilespmem:$0x1FC00] =	vst v63  }
0x49: {  	_ =	swait.ge [sflag:s14], $0x3E80  }
0x4a: {  	[sflag:s14] =	ssyncset.done $0x0  }
0x4b: {  	s13 =	sadd.s32 $0x100, s0;
	[sflag:s14] =	ssyncadd.s32 $0xFFFFC180  }
0x4c: {  	[tilespmem:s18], [sflag:$0x1] =	stream.indirect.gather [hbm4b:s4+s17], $0x80, s13, s17, $0xb8;
	[tilespmem:$0x1FC00] =	vst v63  }
0x4d: {  	_ =	swait.ge [sflag:s21], $0x3E80  }
0x4e: {  	[sflag:s21] =	ssyncset.done $0x0  }
0x4f: {  	s28 =	sadd.s32 $0x1480, s0;
	[sflag:s21] =	ssyncadd.s32 $0xFFFFC180  }
0x50: {  	[spmem:s2] =	stream.indirect.scatter.add.f32 [tilespmem:s19], [sflag:$0x3], $0x80, s28, s17, $0xb8;
	[tilespmem:$0x1FC00] =	vst v63  }
0x51: {  	_ =	swait.ge [sflag:s14], $0x3E80  }
0x52: {  	[sflag:s14] =	ssyncset.done $0x0  }
0x53: {  	[sflag:s14] =	ssyncadd.s32 $0xFFFFC180  }
0x54: {  	[tilespmem:s19], [sflag:$0x2] =	stream.indirect.gather [hbm4b:s4+s17], $0x80, s22, s17, $0xb8;
	[tilespmem:$0x1FC00] =	vst v63  }
0x55: {  	_ =	swait.ge [sflag:s20], $0x3E80  }
0x56: {  	[sflag:s20] =	ssyncset.done $0x0  }
0x57: {  	[sflag:s20] =	ssyncadd.s32 $0xFFFFC180  }
0x58: {  	[spmem:s2] =	stream.indirect.scatter.add.f32 [tilespmem:s18], [sflag:$0x3], $0x80, s23, s17, $0xb8;
	[tilespmem:$0x1FC00] =	vst v63  }
0x59: {  	_ =	swait.ge [sflag:s14], $0x3E80  }
0x5a: {  	[sflag:s14] =	ssyncset.done $0x0  }
0x5b: {  	[sflag:s14] =	ssyncadd.s32 $0xFFFFC180  }
0x5c: {  	_ =	swait.ge [sflag:s21], $0x3E80  }
0x5d: {  	[sflag:s21] =	ssyncset.done $0x0  }
0x5e: {  	[sflag:s21] =	ssyncadd.s32 $0xFFFFC180  }
0x5f: {  	[spmem:s2] =	stream.indirect.scatter.add.f32 [tilespmem:s19], [sflag:$0x3], $0x80, s24, s17, $0xb8;
	[tilespmem:$0x1FC00] =	vst v63  }
0x60: {  	_ =	swait.ge [sflag:s14], $0x3E80  }
0x61: {  	[sflag:s14] =	ssyncset.done $0x0  }
0x62: {  	s9 =	sadd.s32 s12, s31;
	[sflag:s14] =	ssyncadd.s32 $0xFFFFC180  }
0x63: {  	[tilespmem:s3], [sflag:$0x3] =	stream.linear.gather [hbm4b:s9+s3], $0x1400, $0x38;
	[tilespmem:$0x1FC00] =	vst v63  }
0x64: {  	_ =	swait.ge [sflag:s14], $0x1400  }
0x65: {  	[sflag:s14] =	ssyncset.done $0x0  }
0x66: {  	[sflag:s14] =	ssyncadd.s32 $0xFFFFEC00  }
0x67: {  	[tilespmem:s18], [sflag:$0x1] =	stream.indirect.gather [hbm4b:s4+s17], $0x80, s3, s17, $0xb8;
	[tilespmem:$0x1FC00] =	vst v63  }
0x68: {  	s11 =	simm.s32 $0x80  }
0x69: {  	[tilespmem:s19], [sflag:$0x2] =	stream.indirect.gather [hbm4b:s4+s17], $0x80, s11, s17, $0xb8;
	[tilespmem:$0x1FC00] =	vst v63  }
0x6a: {  	_ =	swait.ge [sflag:s20], $0x3E80  }
0x6b: {  	[sflag:s20] =	ssyncset.done $0x0  }
0x6c: {  	s13 =	simm.s32 $0x2800;
	[sflag:s20] =	ssyncadd.s32 $0xFFFFC180  }
0x6d: {  	[spmem:s2] =	stream.indirect.scatter.add.f32 [tilespmem:s18], [sflag:$0x3], $0x80, s13, s17, $0xb8;
	[tilespmem:$0x1FC00] =	vst v63  }
0x6e: {  	_ =	swait.ge [sflag:s14], $0x3E80  }
0x6f: {  	[sflag:s14] =	ssyncset.done $0x0  }
0x70: {  	s28 =	simm.s32 $0x100;
	[sflag:s14] =	ssyncadd.s32 $0xFFFFC180  }
0x71: {  	[tilespmem:s18], [sflag:$0x1] =	stream.indirect.gather [hbm4b:s4+s17], $0x80, s28, s17, $0xb8;
	[tilespmem:$0x1FC00] =	vst v63  }
0x72: {  	_ =	swait.ge [sflag:s21], $0x3E80  }
0x73: {  	[sflag:s21] =	ssyncset.done $0x0  }
0x74: {  	s31 =	simm.s32 $0x2880;
	[sflag:s21] =	ssyncadd.s32 $0xFFFFC180  }
0x75: {  	[spmem:s2] =	stream.indirect.scatter.add.f32 [tilespmem:s19], [sflag:$0x3], $0x80, s31, s17, $0xb8;
	[tilespmem:$0x1FC00] =	vst v63  }
0x76: {  	_ =	swait.ge [sflag:s14], $0x3E80  }
0x77: {  	s0 =	simm.s32 $0xFFFFEE00;
	s13 =	simm.s32 $0xFFFFBC00;
	[sflag:s14] =	ssyncset.done $0x0  }
.LBB2_5:
0x78: {  	s9 =	sadd.s32 $0x1380, s0  }
0x79: {  	[sflag:s14] =	ssyncadd.s32 $0xFFFFC180;
	s11 =	smov.u32 s13;
	s28 =	sadd.s32 $0x400, s13  }
0x7a: {  	[tilespmem:s19], [sflag:$0x2] =	stream.indirect.gather [hbm4b:s4+s17], $0x80, s9, s17, $0xb8;
	[tilespmem:$0x1FC00] =	vst v63  }
0x7b: {  	p0 =	sne.s32 s13, $0xFFFFFC00;
	_ =	swait.ge [sflag:s20], $0x3E80  }
0x7c: {  	[sflag:s20] =	ssyncset.done $0x0  }
0x7d: {  	s9 =	sadd.s32 $0x3B00, s0;
	[sflag:s20] =	ssyncadd.s32 $0xFFFFC180  }
0x7e: {  	[spmem:s2] =	stream.indirect.scatter.add.f32 [tilespmem:s18], [sflag:$0x3], $0x80, s9, s17, $0xb8;
	[tilespmem:$0x1FC00] =	vst v63  }
0x7f: {  	_ =	swait.ge [sflag:s14], $0x3E80  }
0x80: {  	[sflag:s14] =	ssyncset.done $0x0  }
0x81: {  	s9 =	sadd.s32 $0x1400, s0;
	[sflag:s14] =	ssyncadd.s32 $0xFFFFC180  }
0x82: {  	[tilespmem:s18], [sflag:$0x1] =	stream.indirect.gather [hbm4b:s4+s17], $0x80, s9, s17, $0xb8;
	[tilespmem:$0x1FC00] =	vst v63  }
0x83: {  	_ =	swait.ge [sflag:s21], $0x3E80  }
.Ltmp1:
0x84: {  	[sflag:s21] =	ssyncset.done $0x0;
	(pc) =	sbr.rel @p0 .LBB2_5-.Ltmp1, $4  }
0x85: {  	s0 =	sadd.s32 $0x3B80, s0;
	[sflag:s21] =	ssyncadd.s32 $0xFFFFC180  }
0x86: {  	[spmem:s2] =	stream.indirect.scatter.add.f32 [tilespmem:s19], [sflag:$0x3], $0x80, s0, s17, $0xb8;
	[tilespmem:$0x1FC00] =	vst v63  }
0x87: {  	_ =	swait.ge [sflag:s14], $0x3E80  }
0x88: {  	s13 =	smov.u32 s28;
	s0 =	sshra.s32 s11, $0x2;
	[sflag:s14] =	ssyncset.done $0x0  }
0x89: {  	s9 =	sadd.s32 $0x1380, s0;
	[sflag:s14] =	ssyncadd.s32 $0xFFFFC180  }
0x8a: {  	[tilespmem:s19], [sflag:$0x2] =	stream.indirect.gather [hbm4b:s4+s17], $0x80, s9, s17, $0xb8;
	[tilespmem:$0x1FC00] =	vst v63  }
0x8b: {  	_ =	swait.ge [sflag:s20], $0x3E80  }
0x8c: {  	[sflag:s20] =	ssyncset.done $0x0  }
0x8d: {  	s11 =	sadd.s32 $0x3B00, s0;
	[sflag:s20] =	ssyncadd.s32 $0xFFFFC180  }
0x8e: {  	[spmem:s2] =	stream.indirect.scatter.add.f32 [tilespmem:s18], [sflag:$0x3], $0x80, s11, s17, $0xb8;
	[tilespmem:$0x1FC00] =	vst v63  }
0x8f: {  	_ =	swait.ge [sflag:s14], $0x3E80  }
0x90: {  	[sflag:s14] =	ssyncset.done $0x0  }
0x91: {  	s13 =	sadd.s32 $0x1400, s0;
	[sflag:s14] =	ssyncadd.s32 $0xFFFFC180  }
0x92: {  	[tilespmem:s18], [sflag:$0x1] =	stream.indirect.gather [hbm4b:s4+s17], $0x80, s13, s17, $0xb8;
	[tilespmem:$0x1FC00] =	vst v63  }
0x93: {  	_ =	swait.ge [sflag:s21], $0x3E80  }
0x94: {  	[sflag:s21] =	ssyncset.done $0x0  }
0x95: {  	s28 =	sadd.s32 $0x3B80, s0;
	[sflag:s21] =	ssyncadd.s32 $0xFFFFC180  }
0x96: {  	[spmem:s2] =	stream.indirect.scatter.add.f32 [tilespmem:s19], [sflag:$0x3], $0x80, s28, s17, $0xb8;
	[tilespmem:$0x1FC00] =	vst v63  }
0x97: {  	_ =	swait.ge [sflag:s14], $0x3E80  }
0x98: {  	[sflag:s14] =	ssyncset.done $0x0  }
0x99: {  	[sflag:s14] =	ssyncadd.s32 $0xFFFFC180  }
0x9a: {  	[tilespmem:s19], [sflag:$0x2] =	stream.indirect.gather [hbm4b:s4+s17], $0x80, s22, s17, $0xb8;
	[tilespmem:$0x1FC00] =	vst v63  }
0x9b: {  	_ =	swait.ge [sflag:s20], $0x3E80  }
0x9c: {  	[sflag:s20] =	ssyncset.done $0x0  }
0x9d: {  	[sflag:s20] =	ssyncadd.s32 $0xFFFFC180  }
0x9e: {  	[spmem:s2] =	stream.indirect.scatter.add.f32 [tilespmem:s18], [sflag:$0x3], $0x80, s25, s17, $0xb8;
	[tilespmem:$0x1FC00] =	vst v63  }
0x9f: {  	_ =	swait.ge [sflag:s14], $0x3E80  }
0xa0: {  	[sflag:s14] =	ssyncset.done $0x0  }
0xa1: {  	[sflag:s14] =	ssyncadd.s32 $0xFFFFC180  }
0xa2: {  	_ =	swait.ge [sflag:s21], $0x3E80  }
0xa3: {  	[sflag:s21] =	ssyncset.done $0x0  }
0xa4: {  	s31 =	smul.u32 $0x2800, s30;
	[sflag:s21] =	ssyncadd.s32 $0xFFFFC180  }
0xa5: {  	[spmem:s2] =	stream.indirect.scatter.add.f32 [tilespmem:s19], [sflag:$0x3], $0x80, s26, s17, $0xb8;
	[tilespmem:$0x1FC00] =	vst v63  }
0xa6: {  	_ =	swait.ge [sflag:s14], $0x3E80  }
0xa7: {  	s0 =	sadd.s32 s8, s31;
	[sflag:s14] =	ssyncset.done $0x0  }
0xa8: {  	s29 =	sadd.s32 $0x1, s29;
	s0 =	sshll.u32 s0, $0x4;
	[sflag:s14] =	ssyncadd.s32 $0xFFFFC180  }
0xa9: {  	p0 =	sne.s32 s29, $0x8;
	s0 =	sadd.s32 s7, s0;
	[bflag:$0x0] =	sbarrier.arrive $0xFFFF  }
0xaa: {  	[hbm:s0], [sflag:s15] =	dma.local [spmem:s16], $0x2800  }
.Ltmp2:
0xab: {  	_ =	swait.ge [sflag:s14], $0x2800;
	(pc) =	sbr.rel @p0 .LBB2_2-.Ltmp2, $3  }
0xac: {  	[sflag:s14] =	ssyncset.done $0x0  }
0xad: {  	[sflag:s14] =	ssyncadd.s32 $0xFFFFD800  }
0xae: {  	[bflag:$0x0] =	sbarrier.arrive $0xFFFF;
	_ =	sdelay $0x1  }
0xaf: {  	s9 =	rddreg [dreg:$0x5]  }
0xb0: {  	s0 =	rddreg [dreg:$0x4];
	s9 =	sadd.s32 $0x1, s9  }
0xb1: {  	p0 =	sne.s32 s9, s0  }
.Ltmp3:
0xb2: {  	_ = 	snop;
	(pc) =	sbr.rel @p0 .LBB2_1-.Ltmp3, $1  }
0xb3: {  	_ =	sdelay $0x3  }
0xb4: {  	_ =	sfence.sel $0x180000  }
0xb5: {  	[bflag:$0x0] =	sbarrier.arrive $0xFFFF  }
0xb6: {  	_ =	strace $0x9000004A  }
0xb7: {  	[bflag:$0x2] =	sbarrier.arrive $0xFFFF  }
0xb8: {  	p0 =	sne.s32 s1, $0x0;
	s0 =	rddreg [dreg:$0x2]  }
0xb9: {  	s0 =	sadd.s32 @!p0 $0x100000, s0  }
0xba: {  	[sflag:s0] =	ssyncadd.tile.s32 @!p0 $0x1;
	_ =	shalt  }
.Lfunc_end2:
_tile_overlayer_lowered:
.L_overlay_start_2:
0xbb: {  	(tag) =	ssettag $0x2  }
0xbc: {  	s0 =	rddreg [dreg:$0x0];
	s2 =	stileid.u32  }
0xbd: {  	s1 =	rddreg [dreg:$0x1];
	p0 =	sne.s32 s2, $0x0  }
0xbe: {  	s3 =	rddreg [dreg:$0x2];
	[bflag:$0x3] =	sbarrier.arrive $0xFFFF;
	s2 =	simm.s32 @!p0 $0x1C03  }
0xbf: {  	[timem:s3], [sflag:s2] =	dma.local @!p0 [hbm:s0], s1  }
0xc0: {  	s0 =	simm.s32 @!p0 $0x3  }
0xc1: {  	_ =	swait.ge @!p0 [sflag:s0], s1  }
0xc2: {  	s1 =	ssub.s32 @!p0 $0x0, s1;
	[sflag:s0] =	ssyncset.done @!p0 $0x0  }
0xc3: {  	[sflag:s0] =	ssyncadd.s32 @!p0 s1  }
0xc4: {  	[bflag:$0x3] =	sbarrier.arrive $0xFFFF  }
0xc5: {  	_ =	shalt  }

// kernel: kernel.22.cloned.1.call-start
scs
__scs_entry_jumppad:
0x0: {  	(pc) =	sbr.rel $0x88, $3  }
0x1: {  	(tag) =	ssettag $0x0;
	lr =	simm.s32 $0x1  }
0x2: {  	[smem:$0x3F7C] =	sst lr;
	_ =	strace $0xD0000000  }
0x3: {  	_ = 	snop  }
0x4: {  	_ = 	snop  }
0x5: {  	_ = 	snop  }
0x6: {  	_ = 	snop  }
0x7: {  	_ = 	snop  }
__scs_overlays_trampoline_lowered:
0x8: {  	[smem:$0x3F8B] =	sst s0  }
0x9: {  	[smem:$0x3F8C] =	sst s1  }
0xa: {  	[smem:$0x3F8D] =	sst s2  }
0xb: {  	[smem:$0x3F8E] =	sst s3  }
0xc: {  	[smem:$0x3F8F] =	sst s4  }
0xd: {  	[smem:$0x3F90] =	sst s5  }
0xe: {  	[smem:$0x3F91] =	sst s6  }
0xf: {  	[smem:$0x3F92] =	sst s7  }
0x10: {  	[smem:$0x3F93] =	sst s8  }
0x11: {  	[smem:$0x3F94] =	sst s9;
	s0 =	simm.s32 @!p0 $0x0  }
0x12: {  	s1 =	sld [smem:$0x3F7A];
	s0 =	simm.s32 @p0 $0x1  }
0x13: {  	[smem:$0x3F95] =	sst s0;
	s0 =	simm.s32 @!p1 $0x0  }
0x14: {  	s2 =	sld [smem:$0x3F79];
	s0 =	simm.s32 @p1 $0x1  }
0x15: {  	[smem:$0x3F96] =	sst s0;
	s0 =	simm.s32 @!p2 $0x0  }
0x16: {  	s3 =	sld [smem:$0x3FDB];
	s0 =	simm.s32 @p2 $0x1  }
0x17: {  	s4 =	simm.s32 $0x1BF5;
	[smem:$0x3F98] =	sst s0  }
0x18: {  	s0 =	sld [smem:$0x3F7B];
	_ =	swait.ge [sflag:s4], $0x0  }
0x19: {  	s7 =	sld [smem:$0x3F7C]  }
0x1a: {  	s8 =	sadd.s32 $0xFFFFE003, lr  }
0x1b: {  	s9 =	sadd.s32 $0xFFFFFEF7, lr;
	s5 =	simm.s32 $0xFFFFFFFF;
	p2 =	slt.u32 s8, $0xFFFFF086  }
0x1c: {  	p1 =	slt.u32 s9, $0xF7A;
	s5 =	simm.s32 @!p2 $0x0  }
0x1d: {  	s5 =	simm.s32 @p1 $0x1;
	p0 =	seq.s32 s7, s2  }
0x1e: {  	s7 =	smul.u32 @!p0 $0xF7A, s2;
	p2 =	seq.s32 @!p0 s5, $0x0  }
0x1f: {  	s9 =	smul.u32 $0xF7A, s1;
	s8 =	simm.s32 @!p0 $0x1BF5;
	p2 =	por !p2, p0  }
0x20: {  	[sflag:s8] =	ssyncset.s32 @!p0 $0xFFFFF086;
	s6 =	sadd.s32 @!p0 s3, s7;
	s7 =	simm.s32 @!p0 $0x108  }
0x21: {  	s3 =	sadd.s32 s3, s9;
	s6 =	sadd.s32 @!p0 $0x88, s6;
	s7 =	simm.s32 @p2 $0x1082  }
0x22: {  	[simem:s7], [sflag:s8] =	dma.local @!p0 [hbm:s6], $0xF7A  }
0x23: {  	s9 =	sor.u32 $0xD0000000, s2;
	s6 =	simm.s32 $0x108;
	_ =	swait.ge @!p0 [sflag:s8], $0x0  }
0x24: {  	s3 =	sadd.s32 $0x88, s3;
	s6 =	simm.s32 @!p1 $0x1082;
	[sflag:s4] =	ssyncset.s32 $0xFFFFF086  }
0x25: {  	[simem:s6], [sflag:s4] =	dma.local [hbm:s3], $0xF7A  }
0x26: {  	[smem:$0x3F7C] =	sst s1;
	(tag) =	ssettag s2;
	_ =	strace s9  }
0x27: {  	s1 =	sld [smem:$0x3F8C]  }
0x28: {  	s2 =	sld [smem:$0x3F8D]  }
0x29: {  	s4 =	sld [smem:$0x3F8F]  }
0x2a: {  	p0 =	seq.s32 s5, $0x0;
	s5 =	sld [smem:$0x3F90]  }
0x2b: {  	s6 =	sld [smem:$0x3F91]  }
0x2c: {  	s7 =	sld [smem:$0x3F92]  }
0x2d: {  	s3 =	simm.s32 $0x108;
	s8 =	sld [smem:$0x3F93]  }
0x2e: {  	s3 =	simm.s32 @!p0 $0x1082;
	s9 =	sld [smem:$0x3F94]  }
0x2f: {  	lr =	sadd.s32 s0, s3;
	s0 =	sld [smem:$0x3F8B]  }
0x30: {  	s3 =	sld [smem:$0x3F8E]  }
0x31: {  	[smem:$0x3F97] =	sst s10  }
0x32: {  	s10 =	sld [smem:$0x3F95];
	_ =	sdelay $0x3  }
0x33: {  	p0 =	seq.s32 s10, $0x1;
	s10 =	sld [smem:$0x3F97];
	_ =	sdelay $0x3  }
0x34: {  	[smem:$0x3F97] =	sst s10  }
0x35: {  	s10 =	sld [smem:$0x3F96];
	_ =	sdelay $0x3  }
0x36: {  	p1 =	seq.s32 s10, $0x1;
	s10 =	sld [smem:$0x3F97];
	_ =	sdelay $0x3  }
0x37: {  	[smem:$0x3F97] =	sst s10  }
0x38: {  	s10 =	sld [smem:$0x3F98]  }
0x39: {  	_ = 	snop;
	(pc) =	sbr.ind lr, $3  }
0x3a: {  	_ = 	snop  }
0x3b: {  	_ = 	snop  }
0x3c: {  	p2 =	seq.s32 s10, $0x1;
	s10 =	sld [smem:$0x3F97]  }
0x3d: {  	_ =	shalt  }
0x3e: {  	_ =	shalt  }
0x3f: {  	_ =	shalt  }
0x40: {  	_ =	shalt  }
0x41: {  	_ =	shalt  }
0x42: {  	_ =	shalt  }
0x43: {  	_ =	shalt  }
0x44: {  	_ =	shalt  }
0x45: {  	_ =	shalt  }
0x46: {  	_ =	shalt  }
0x47: {  	_ =	shalt  }
0x48: {  	_ =	shalt  }
0x49: {  	_ =	shalt  }
0x4a: {  	_ =	shalt  }
0x4b: {  	_ =	shalt  }
0x4c: {  	_ =	shalt  }
0x4d: {  	_ =	shalt  }
0x4e: {  	_ =	shalt  }
0x4f: {  	_ =	shalt  }
0x50: {  	_ =	shalt  }
0x51: {  	_ =	shalt  }
0x52: {  	_ =	shalt  }
0x53: {  	_ =	shalt  }
0x54: {  	_ =	shalt  }
0x55: {  	_ =	shalt  }
0x56: {  	_ =	shalt  }
0x57: {  	_ =	shalt  }
0x58: {  	_ =	shalt  }
0x59: {  	_ =	shalt  }
0x5a: {  	_ =	shalt  }
0x5b: {  	_ =	shalt  }
0x5c: {  	_ =	shalt  }
0x5d: {  	_ =	shalt  }
0x5e: {  	_ =	shalt  }
0x5f: {  	_ =	shalt  }
0x60: {  	_ =	shalt  }
0x61: {  	_ =	shalt  }
0x62: {  	_ =	shalt  }
0x63: {  	_ =	shalt  }
0x64: {  	_ =	shalt  }
0x65: {  	_ =	shalt  }
0x66: {  	_ =	shalt  }
0x67: {  	_ =	shalt  }
0x68: {  	_ =	shalt  }
0x69: {  	_ =	shalt  }
0x6a: {  	_ =	shalt  }
0x6b: {  	_ =	shalt  }
0x6c: {  	_ =	shalt  }
0x6d: {  	_ =	shalt  }
0x6e: {  	_ =	shalt  }
0x6f: {  	_ =	shalt  }
0x70: {  	_ =	shalt  }
0x71: {  	_ =	shalt  }
0x72: {  	_ =	shalt  }
0x73: {  	_ =	shalt  }
0x74: {  	_ =	shalt  }
0x75: {  	_ =	shalt  }
0x76: {  	_ =	shalt  }
0x77: {  	_ =	shalt  }
0x78: {  	_ =	shalt  }
0x79: {  	_ =	shalt  }
0x7a: {  	_ =	shalt  }
0x7b: {  	_ =	shalt  }
0x7c: {  	_ =	shalt  }
0x7d: {  	_ =	shalt  }
0x7e: {  	_ =	shalt  }
0x7f: {  	_ =	shalt  }
0x80: {  	_ =	shalt  }
0x81: {  	_ =	shalt  }
0x82: {  	_ =	shalt  }
0x83: {  	_ =	shalt  }
0x84: {  	_ =	shalt  }
0x85: {  	_ =	shalt  }
0x86: {  	_ =	shalt  }
0x87: {  	_ =	shalt  }
.Lfunc_end0:
.L_simem_size_0:
called_computation.2_lowered:
.L_overlay_start_0:
0x88: {  	s2 =	sld [smem:$0x3FD9]  }
0x89: {  	s3 =	sld [smem:$0x3FFE];
	_ =	sdelay $0x1  }
0x8a: {  	s1 =	srdreg.scid  }
0x8b: {  	s0 =	sand.u32 $0x1, s1  }
0x8c: {  	s16 =	sshll.u32 s0, $0xA;
	s2 =	sadd.s32 s3, s2  }
0x8d: {  	s2 =	sadd.s32 s2, s16  }
0x8e: {  	[smem:$0x3FA3] =	sst s2  }
0x8f: {  	_ = 	snop  }
0x90: {  	(tm) =	ssettm $0x1  }
0x91: {  	s17 =	sld [smem:$0x3FFB];
	_ =	sdelay $0x3  }
0x92: {  	_ =	strace s17  }
0x93: {  	s2 =	sld [smem:$0x3FFC];
	_ =	sdelay $0x3  }
0x94: {  	_ =	strace s2  }
0x95: {  	s2 =	sld [smem:$0x3FFD];
	_ =	sdelay $0x3  }
0x96: {  	_ =	strace s2  }
0x97: {  	_ =	strace $0x8FFFFFFF  }
0x98: {  	s18 =	sld [smem:$0x3FDB];
	_ =	sdelay $0x1  }
0x99: {  	s19 =	simm.s32 $_scs_section_size  }
0x9a: {  	s4 =	simm.s32 $_size__tile_overlayer_lowered;
	s5 =	simm.s32 $_tile_overlayer_lowered  }
0x9b: {  	s22 =	simm.s32 $0x1BFF;
	s21 =	sshll.u32 s5, $0x1;
	s2 =	sadd.s32 s19, s18  }
0x9c: {  	s6 =	simm.s32 $0x0;
	s20 =	sshll.u32 s4, $0x1;
	s4 =	sadd.s32 s21, s2  }
0x9d: {  	[timem:s6], [sflag:s22] =	dma.local [hbm:s4], s20  }
0x9e: {  	_ =	swait.ge [sflag:s22], s20  }
0x9f: {  	s3 =	ssub.s32 $0x0, s20;
	[sflag:s22] =	ssyncset.done $0x0  }
0xa0: {  	[sflag:s22] =	ssyncadd.s32 s3;
	_ =	sdelay $0x1  }
0xa1: {  	s23 =	simm.s32 $0x1B8B  }
0xa2: {  	_ =	swait.ge [sflag:s23], $0x1  }
0xa3: {  	[sflag:s23] =	ssyncset.done $0x0  }
0xa4: {  	s25 =	simm.s32 $0x1B8E;
	s24 =	sld [smem:$0x3FFE];
	[sflag:s23] =	ssyncadd.s32 $0xFFFFFFFF  }
0xa5: {  	s26 =	simm.s32 $execute0_lowered;
	[smem:$0x3FD2] =	sst s25  }
0xa6: {  	s4 =	sshll.u32 s26, $0x1;
	_ =	strace $0x8000004C;
	[dreg:$0x1] =	wrdreg $0xFFFFFFFF  }
0xa7: {  	s28 =	simm.s32 $_size_execute0_lowered;
	s2 =	sadd.s32 s2, s4;
	[dreg:$0x0] =	wrdreg $0x0  }
0xa8: {  	s4 =	sshll.u32 s28, $0x1;
	[dreg:$0x2] =	wrdreg s2  }
0xa9: {  	[dreg:$0x3] =	wrdreg s4  }
0xaa: {  	[dreg:$0x4] =	wrdreg $0xC0  }
0xab: {  	_ =	task [dreg:s6], $0x5FFFF  }
0xac: {  	[dreg:$0x1] =	wrdreg $0xFFFFFFFF  }
0xad: {  	[dreg:$0x0] =	wrdreg $0x60  }
0xae: {  	[dreg:$0x2] =	wrdreg s24  }
0xaf: {  	[dreg:$0x3] =	wrdreg $0xBC000  }
0xb0: {  	[dreg:$0x4] =	wrdreg $0x9  }
0xb1: {  	_ =	task.clear_ibuf [dreg:s6], $0x5FFFF;
	_ =	strace $0x9000004C  }
0xb2: {  	s29 =	simm.s32 $0x9;
	_ =	strace $0x8000004E  }
0xb3: {  	_ =	swait.ge [sflag:s29], $0x1  }
0xb4: {  	[sflag:s29] =	ssyncadd.s32 $0xFFFFFFFF  }
0xb5: {  	_ =	strace $0x9000004E  }
0xb6: {  	_ =	sfence  }
0xb7: {  	s30 =	sld [smem:$0x0];
	_ =	sdelay $0x2  }
0xb8: {  	s31 =	sshll.u32 s1, $0xD;
	s1 =	sshrl.u32 s1, $0x2  }
0xb9: {  	s3 =	sand.u32 $0x4000, s31;
	s1 =	sadd.s32 s1, s30  }
0xba: {  	s0 =	sor.u32 s3, s0;
	s1 =	sshll.u32 s1, $0x11  }
0xbb: {  	s0 =	sor.u32 s1, s0  }
0xbc: {  	s0 =	sadd.s32 $0x8F2B, s0  }
0xbd: {  	[sflag:s0] =	ssyncadd.remote.s32 $0x1  }
0xbe: {  	_ =	sfence.sel $0xFFFF  }
0xbf: {  	[dreg:$0x0] =	wrdreg $0xFFFFFFFF;
	(pc) =	sbr.abs _section_cstart, $3  }
0xc0: {  	[dreg:$0x1] =	wrdreg $0xFFFFFFFF  }
0xc1: {  	_ =	task.clear_ibuf [dreg:s6], $0x2FFFF;
	_ =	strace $0x9FFFFFFF  }
0xc2: {  	(tm) =	ssettm $0x7FFFFFFF  }
0xc3: {  	_ =	shalt  }
tec
execute0_lowered:
.L_overlay_start_1:
0x0: {  	(tag) =	ssettag $0x1  }
0x1: {  	s0 =	rddreg [dreg:$0x0]  }
0x2: {  	s2 =	rddreg [dreg:$0x1];
	s3 =	simm.s32 $0x0  }
0x3: {  	s1 =	stileid.u32;
	s7 =	srdreg.scid;
	s14 =	simm.s32 $0x3  }
0x4: {  	s17 =	simm.s32 $0x7D;
	s18 =	simm.s32 $0x3C00;
	s19 =	simm.s32 $0x7C00  }
0x5: {  	s20 =	simm.s32 $0x1;
	s21 =	simm.s32 $0x2;
	s22 =	simm.s32 $0x1380  }
0x6: {  	s23 =	simm.s32 $0x2700;
	s24 =	simm.s32 $0x2780;
	s25 =	simm.s32 $0x3B00  }
0x7: {  	s26 =	simm.s32 $0x3B80;
	[smem:$0x7FF] =	sst s3;
	s6 =	smul.u32 $0x500, s1  }
0x8: {  	s4 =	sadd.s32 $0x34C000, s0;
	s5 =	sadd.s32 $0x8B000, s0;
	s10 =	sand.u32 $0x1, s7  }
0x9: {  	s11 =	smul.u32 $0x50000, s1;
	s7 =	sadd.s32 $0x5BD000, s0;
	s31 =	sshll.u32 s1, $0x6  }
0xa: {  	_ =	strace $0x8000004D;
	s8 =	ssub.s32 $0x2, s10;
	s10 =	sshll.u32 s10, $0x3  }
0xb: {  	s15 =	sor.u32 $0x1C03, s31;
	s9 =	sadd.s32 s6, s0;
	s12 =	sshrl.u32 s8, $0x1  }
0xc: {  	s6 =	sadd.s32 $0x38800, s0;
	s11 =	sshrl.u32 s11, $0x2;
	s12 =	ssub.s32 s8, s12  }
0xd: {  	s8 =	smul.u32 $0x280, s1;
	s9 =	sadd.s32 $0x7600, s9;
	s13 =	sadd.s32 s11, s2  }
0xe: {  	[dreg:$0x3] =	wrdreg s9;
	s30 =	smax.u32 s12, $0x1;
	s12 =	sadd.s32 $0x8B280, s0  }
0xf: {  	s16 =	sshrl.u32 s13, $0x3;
	s9 =	simm.s32 $0x0;
	[dreg:$0x4] =	wrdreg s30  }
.LBB2_1:
0x10: {  	[dreg:$0x5] =	wrdreg s9  }
0x11: {  	s0 =	rddreg [dreg:$0x3];
	s31 =	simm.s32 $0x1400  }
0x12: {  	[tilespmem:s31], [sflag:$0x3] =	stream.linear.gather [hbm4b:s0+s3], $0x2800, $0x38;
	[tilespmem:$0x1FC00] =	vst v63  }
0x13: {  	_ =	swait.ge [sflag:s14], $0x2800  }
0x14: {  	[sflag:s14] =	ssyncset.done $0x0  }
0x15: {  	s29 =	simm.s32 $0x0;
	[sflag:s14] =	ssyncadd.s32 $0xFFFFD800  }
.LBB2_2:
0x16: {  	s30 =	sadd.s32 s10, s29  }
0x17: {  	[spmem:s16], [sflag:s15] =	dma.local [hbm:s6], $0x2800  }
0x18: {  	s0 =	sshll.u32 s30, $0x4  }
0x19: {  	_ =	swait.ge [sflag:s14], $0x2800;
	s0 =	sor.u32 s1, s0  }
0x1a: {  	[sflag:s14] =	ssyncset.done $0x0;
	s31 =	smul.u32 $0x500, s0  }
0x1b: {  	[sflag:s14] =	ssyncadd.s32 $0xFFFFD800  }
0x1c: {  	s13 =	simm.s32 $0x0;
	[bflag:$0x0] =	sbarrier.arrive $0xFFFF;
	s0 =	sadd.s32 s5, s31  }
0x1d: {  	[tilespmem:s13], [sflag:$0x3] =	stream.linear.gather [hbm4b:s0+s13], $0x1400, $0x38;
	[tilespmem:$0x1FC00] =	vst v63  }
0x1e: {  	_ =	swait.ge [sflag:s14], $0x1400  }
0x1f: {  	[sflag:s14] =	ssyncset.done $0x0  }
0x20: {  	[sflag:s14] =	ssyncadd.s32 $0xFFFFEC00  }
0x21: {  	[tilespmem:s18], [sflag:$0x1] =	stream.indirect.gather [hbm4b:s4+s17], $0x80, s13, s17, $0xb8;
	[tilespmem:$0x1FC00] =	vst v63  }
0x22: {  	s9 =	simm.s32 $0x80  }
0x23: {  	[tilespmem:s19], [sflag:$0x2] =	stream.indirect.gather [hbm4b:s4+s17], $0x80, s9, s17, $0xb8;
	[tilespmem:$0x1FC00] =	vst v63  }
0x24: {  	_ =	swait.ge [sflag:s20], $0x3E80  }
0x25: {  	[sflag:s20] =	ssyncset.done $0x0  }
0x26: {  	s11 =	simm.s32 $0x1400;
	[sflag:s20] =	ssyncadd.s32 $0xFFFFC180  }
0x27: {  	[spmem:s2] =	stream.indirect.scatter.add.f32 [tilespmem:s18], [sflag:$0x3], $0x80, s11, s17, $0xb8;
	[tilespmem:$0x1FC00] =	vst v63  }
0x28: {  	_ =	swait.ge [sflag:s14], $0x3E80  }
0x29: {  	[sflag:s14] =	ssyncset.done $0x0  }
0x2a: {  	s13 =	simm.s32 $0x100;
	[sflag:s14] =	ssyncadd.s32 $0xFFFFC180  }
0x2b: {  	[tilespmem:s18], [sflag:$0x1] =	stream.indirect.gather [hbm4b:s4+s17], $0x80, s13, s17, $0xb8;
	[tilespmem:$0x1FC00] =	vst v63  }
0x2c: {  	_ =	swait.ge [sflag:s21], $0x3E80  }
0x2d: {  	[sflag:s21] =	ssyncset.done $0x0  }
0x2e: {  	s28 =	simm.s32 $0x1480;
	[sflag:s21] =	ssyncadd.s32 $0xFFFFC180  }
0x2f: {  	[spmem:s2] =	stream.indirect.scatter.add.f32 [tilespmem:s19], [sflag:$0x3], $0x80, s28, s17, $0xb8;
	[tilespmem:$0x1FC00] =	vst v63  }
0x30: {  	_ =	swait.ge [sflag:s14], $0x3E80  }
0x31: {  	s0 =	simm.s32 $0x100;
	s13 =	simm.s32 $0x800;
	[sflag:s14] =	ssyncset.done $0x0  }
.LBB2_3:
0x32: {  	s9 =	sadd.s32 $0x80, s0  }
0x33: {  	[sflag:s14] =	ssyncadd.s32 $0xFFFFC180;
	s11 =	smov.u32 s13;
	s28 =	sadd.s32 $0x400, s13  }
0x34: {  	[tilespmem:s19], [sflag:$0x2] =	stream.indirect.gather [hbm4b:s4+s17], $0x80, s9, s17, $0xb8;
	[tilespmem:$0x1FC00] =	vst v63  }
0x35: {  	p0 =	sne.s32 s13, $0x4800;
	_ =	swait.ge [sflag:s20], $0x3E80  }
0x36: {  	[sflag:s20] =	ssyncset.done $0x0  }
0x37: {  	s9 =	sadd.s32 $0x1400, s0;
	[sflag:s20] =	ssyncadd.s32 $0xFFFFC180  }
0x38: {  	[spmem:s2] =	stream.indirect.scatter.add.f32 [tilespmem:s18], [sflag:$0x3], $0x80, s9, s17, $0xb8;
	[tilespmem:$0x1FC00] =	vst v63  }
0x39: {  	_ =	swait.ge [sflag:s14], $0x3E80  }
0x3a: {  	[sflag:s14] =	ssyncset.done $0x0  }
0x3b: {  	s9 =	sadd.s32 $0x100, s0;
	[sflag:s14] =	ssyncadd.s32 $0xFFFFC180  }
0x3c: {  	[tilespmem:s18], [sflag:$0x1] =	stream.indirect.gather [hbm4b:s4+s17], $0x80, s9, s17, $0xb8;
	[tilespmem:$0x1FC00] =	vst v63  }
0x3d: {  	_ =	swait.ge [sflag:s21], $0x3E80  }
.Ltmp0:
0x3e: {  	[sflag:s21] =	ssyncset.done $0x0;
	(pc) =	sbr.rel @p0 .LBB2_3-.Ltmp0, $4  }
0x3f: {  	s0 =	sadd.s32 $0x1480, s0;
	[sflag:s21] =	ssyncadd.s32 $0xFFFFC180  }
0x40: {  	[spmem:s2] =	stream.indirect.scatter.add.f32 [tilespmem:s19], [sflag:$0x3], $0x80, s0, s17, $0xb8;
	[tilespmem:$0x1FC00] =	vst v63  }
0x41: {  	_ =	swait.ge [sflag:s14], $0x3E80  }
0x42: {  	s13 =	smov.u32 s28;
	s0 =	sshra.s32 s11, $0x2;
	[sflag:s14] =	ssyncset.done $0x0  }
0x43: {  	s9 =	sadd.s32 $0x80, s0;
	[sflag:s14] =	ssyncadd.s32 $0xFFFFC180  }
0x44: {  	[tilespmem:s19], [sflag:$0x2] =	stream.indirect.gather [hbm4b:s4+s17], $0x80, s9, s17, $0xb8;
	[tilespmem:$0x1FC00] =	vst v63  }
0x45: {  	_ =	swait.ge [sflag:s20], $0x3E80  }
0x46: {  	[sflag:s20] =	ssyncset.done $0x0  }
0x47: {  	s11 =	sadd.s32 $0x1400, s0;
	[sflag:s20] =	ssyncadd.s32 $0xFFFFC180  }
0x48: {  	[spmem:s2] =	stream.indirect.scatter.add.f32 [tilespmem:s18], [sflag:$0x3], $0x80, s11, s17, $0xb8;
	[tilespmem:$0x1FC00] =	vst v63  }
0x49: {  	_ =	swait.ge [sflag:s14], $0x3E80  }
0x4a: {  	[sflag:s14] =	ssyncset.done $0x0  }
0x4b: {  	s13 =	sadd.s32 $0x100, s0;
	[sflag:s14] =	ssyncadd.s32 $0xFFFFC180  }
0x4c: {  	[tilespmem:s18], [sflag:$0x1] =	stream.indirect.gather [hbm4b:s4+s17], $0x80, s13, s17, $0xb8;
	[tilespmem:$0x1FC00] =	vst v63  }
0x4d: {  	_ =	swait.ge [sflag:s21], $0x3E80  }
0x4e: {  	[sflag:s21] =	ssyncset.done $0x0  }
0x4f: {  	s28 =	sadd.s32 $0x1480, s0;
	[sflag:s21] =	ssyncadd.s32 $0xFFFFC180  }
0x50: {  	[spmem:s2] =	stream.indirect.scatter.add.f32 [tilespmem:s19], [sflag:$0x3], $0x80, s28, s17, $0xb8;
	[tilespmem:$0x1FC00] =	vst v63  }
0x51: {  	_ =	swait.ge [sflag:s14], $0x3E80  }
0x52: {  	[sflag:s14] =	ssyncset.done $0x0  }
0x53: {  	[sflag:s14] =	ssyncadd.s32 $0xFFFFC180  }
0x54: {  	[tilespmem:s19], [sflag:$0x2] =	stream.indirect.gather [hbm4b:s4+s17], $0x80, s22, s17, $0xb8;
	[tilespmem:$0x1FC00] =	vst v63  }
0x55: {  	_ =	swait.ge [sflag:s20], $0x3E80  }
0x56: {  	[sflag:s20] =	ssyncset.done $0x0  }
0x57: {  	[sflag:s20] =	ssyncadd.s32 $0xFFFFC180  }
0x58: {  	[spmem:s2] =	stream.indirect.scatter.add.f32 [tilespmem:s18], [sflag:$0x3], $0x80, s23, s17, $0xb8;
	[tilespmem:$0x1FC00] =	vst v63  }
0x59: {  	_ =	swait.ge [sflag:s14], $0x3E80  }
0x5a: {  	[sflag:s14] =	ssyncset.done $0x0  }
0x5b: {  	[sflag:s14] =	ssyncadd.s32 $0xFFFFC180  }
0x5c: {  	_ =	swait.ge [sflag:s21], $0x3E80  }
0x5d: {  	[sflag:s21] =	ssyncset.done $0x0  }
0x5e: {  	[sflag:s21] =	ssyncadd.s32 $0xFFFFC180  }
0x5f: {  	[spmem:s2] =	stream.indirect.scatter.add.f32 [tilespmem:s19], [sflag:$0x3], $0x80, s24, s17, $0xb8;
	[tilespmem:$0x1FC00] =	vst v63  }
0x60: {  	_ =	swait.ge [sflag:s14], $0x3E80  }
0x61: {  	[sflag:s14] =	ssyncset.done $0x0  }
0x62: {  	s9 =	sadd.s32 s12, s31;
	[sflag:s14] =	ssyncadd.s32 $0xFFFFC180  }
0x63: {  	[tilespmem:s3], [sflag:$0x3] =	stream.linear.gather [hbm4b:s9+s3], $0x1400, $0x38;
	[tilespmem:$0x1FC00] =	vst v63  }
0x64: {  	_ =	swait.ge [sflag:s14], $0x1400  }
0x65: {  	[sflag:s14] =	ssyncset.done $0x0  }
0x66: {  	[sflag:s14] =	ssyncadd.s32 $0xFFFFEC00  }
0x67: {  	[tilespmem:s18], [sflag:$0x1] =	stream.indirect.gather [hbm4b:s4+s17], $0x80, s3, s17, $0xb8;
	[tilespmem:$0x1FC00] =	vst v63  }
0x68: {  	s11 =	simm.s32 $0x80  }
0x69: {  	[tilespmem:s19], [sflag:$0x2] =	stream.indirect.gather [hbm4b:s4+s17], $0x80, s11, s17, $0xb8;
	[tilespmem:$0x1FC00] =	vst v63  }
0x6a: {  	_ =	swait.ge [sflag:s20], $0x3E80  }
0x6b: {  	[sflag:s20] =	ssyncset.done $0x0  }
0x6c: {  	s13 =	simm.s32 $0x2800;
	[sflag:s20] =	ssyncadd.s32 $0xFFFFC180  }
0x6d: {  	[spmem:s2] =	stream.indirect.scatter.add.f32 [tilespmem:s18], [sflag:$0x3], $0x80, s13, s17, $0xb8;
	[tilespmem:$0x1FC00] =	vst v63  }
0x6e: {  	_ =	swait.ge [sflag:s14], $0x3E80  }
0x6f: {  	[sflag:s14] =	ssyncset.done $0x0  }
0x70: {  	s28 =	simm.s32 $0x100;
	[sflag:s14] =	ssyncadd.s32 $0xFFFFC180  }
0x71: {  	[tilespmem:s18], [sflag:$0x1] =	stream.indirect.gather [hbm4b:s4+s17], $0x80, s28, s17, $0xb8;
	[tilespmem:$0x1FC00] =	vst v63  }
0x72: {  	_ =	swait.ge [sflag:s21], $0x3E80  }
0x73: {  	[sflag:s21] =	ssyncset.done $0x0  }
0x74: {  	s31 =	simm.s32 $0x2880;
	[sflag:s21] =	ssyncadd.s32 $0xFFFFC180  }
0x75: {  	[spmem:s2] =	stream.indirect.scatter.add.f32 [tilespmem:s19], [sflag:$0x3], $0x80, s31, s17, $0xb8;
	[tilespmem:$0x1FC00] =	vst v63  }
0x76: {  	_ =	swait.ge [sflag:s14], $0x3E80  }
0x77: {  	s0 =	simm.s32 $0xFFFFEE00;
	s13 =	simm.s32 $0xFFFFBC00;
	[sflag:s14] =	ssyncset.done $0x0  }
.LBB2_5:
0x78: {  	s9 =	sadd.s32 $0x1380, s0  }
0x79: {  	[sflag:s14] =	ssyncadd.s32 $0xFFFFC180;
	s11 =	smov.u32 s13;
	s28 =	sadd.s32 $0x400, s13  }
0x7a: {  	[tilespmem:s19], [sflag:$0x2] =	stream.indirect.gather [hbm4b:s4+s17], $0x80, s9, s17, $0xb8;
	[tilespmem:$0x1FC00] =	vst v63  }
0x7b: {  	p0 =	sne.s32 s13, $0xFFFFFC00;
	_ =	swait.ge [sflag:s20], $0x3E80  }
0x7c: {  	[sflag:s20] =	ssyncset.done $0x0  }
0x7d: {  	s9 =	sadd.s32 $0x3B00, s0;
	[sflag:s20] =	ssyncadd.s32 $0xFFFFC180  }
0x7e: {  	[spmem:s2] =	stream.indirect.scatter.add.f32 [tilespmem:s18], [sflag:$0x3], $0x80, s9, s17, $0xb8;
	[tilespmem:$0x1FC00] =	vst v63  }
0x7f: {  	_ =	swait.ge [sflag:s14], $0x3E80  }
0x80: {  	[sflag:s14] =	ssyncset.done $0x0  }
0x81: {  	s9 =	sadd.s32 $0x1400, s0;
	[sflag:s14] =	ssyncadd.s32 $0xFFFFC180  }
0x82: {  	[tilespmem:s18], [sflag:$0x1] =	stream.indirect.gather [hbm4b:s4+s17], $0x80, s9, s17, $0xb8;
	[tilespmem:$0x1FC00] =	vst v63  }
0x83: {  	_ =	swait.ge [sflag:s21], $0x3E80  }
.Ltmp1:
0x84: {  	[sflag:s21] =	ssyncset.done $0x0;
	(pc) =	sbr.rel @p0 .LBB2_5-.Ltmp1, $4  }
0x85: {  	s0 =	sadd.s32 $0x3B80, s0;
	[sflag:s21] =	ssyncadd.s32 $0xFFFFC180  }
0x86: {  	[spmem:s2] =	stream.indirect.scatter.add.f32 [tilespmem:s19], [sflag:$0x3], $0x80, s0, s17, $0xb8;
	[tilespmem:$0x1FC00] =	vst v63  }
0x87: {  	_ =	swait.ge [sflag:s14], $0x3E80  }
0x88: {  	s13 =	smov.u32 s28;
	s0 =	sshra.s32 s11, $0x2;
	[sflag:s14] =	ssyncset.done $0x0  }
0x89: {  	s9 =	sadd.s32 $0x1380, s0;
	[sflag:s14] =	ssyncadd.s32 $0xFFFFC180  }
0x8a: {  	[tilespmem:s19], [sflag:$0x2] =	stream.indirect.gather [hbm4b:s4+s17], $0x80, s9, s17, $0xb8;
	[tilespmem:$0x1FC00] =	vst v63  }
0x8b: {  	_ =	swait.ge [sflag:s20], $0x3E80  }
0x8c: {  	[sflag:s20] =	ssyncset.done $0x0  }
0x8d: {  	s11 =	sadd.s32 $0x3B00, s0;
	[sflag:s20] =	ssyncadd.s32 $0xFFFFC180  }
0x8e: {  	[spmem:s2] =	stream.indirect.scatter.add.f32 [tilespmem:s18], [sflag:$0x3], $0x80, s11, s17, $0xb8;
	[tilespmem:$0x1FC00] =	vst v63  }
0x8f: {  	_ =	swait.ge [sflag:s14], $0x3E80  }
0x90: {  	[sflag:s14] =	ssyncset.done $0x0  }
0x91: {  	s13 =	sadd.s32 $0x1400, s0;
	[sflag:s14] =	ssyncadd.s32 $0xFFFFC180  }
0x92: {  	[tilespmem:s18], [sflag:$0x1] =	stream.indirect.gather [hbm4b:s4+s17], $0x80, s13, s17, $0xb8;
	[tilespmem:$0x1FC00] =	vst v63  }
0x93: {  	_ =	swait.ge [sflag:s21], $0x3E80  }
0x94: {  	[sflag:s21] =	ssyncset.done $0x0  }
0x95: {  	s28 =	sadd.s32 $0x3B80, s0;
	[sflag:s21] =	ssyncadd.s32 $0xFFFFC180  }
0x96: {  	[spmem:s2] =	stream.indirect.scatter.add.f32 [tilespmem:s19], [sflag:$0x3], $0x80, s28, s17, $0xb8;
	[tilespmem:$0x1FC00] =	vst v63  }
0x97: {  	_ =	swait.ge [sflag:s14], $0x3E80  }
0x98: {  	[sflag:s14] =	ssyncset.done $0x0  }
0x99: {  	[sflag:s14] =	ssyncadd.s32 $0xFFFFC180  }
0x9a: {  	[tilespmem:s19], [sflag:$0x2] =	stream.indirect.gather [hbm4b:s4+s17], $0x80, s22, s17, $0xb8;
	[tilespmem:$0x1FC00] =	vst v63  }
0x9b: {  	_ =	swait.ge [sflag:s20], $0x3E80  }
0x9c: {  	[sflag:s20] =	ssyncset.done $0x0  }
0x9d: {  	[sflag:s20] =	ssyncadd.s32 $0xFFFFC180  }
0x9e: {  	[spmem:s2] =	stream.indirect.scatter.add.f32 [tilespmem:s18], [sflag:$0x3], $0x80, s25, s17, $0xb8;
	[tilespmem:$0x1FC00] =	vst v63  }
0x9f: {  	_ =	swait.ge [sflag:s14], $0x3E80  }
0xa0: {  	[sflag:s14] =	ssyncset.done $0x0  }
0xa1: {  	[sflag:s14] =	ssyncadd.s32 $0xFFFFC180  }
0xa2: {  	_ =	swait.ge [sflag:s21], $0x3E80  }
0xa3: {  	[sflag:s21] =	ssyncset.done $0x0  }
0xa4: {  	s31 =	smul.u32 $0x2800, s30;
	[sflag:s21] =	ssyncadd.s32 $0xFFFFC180  }
0xa5: {  	[spmem:s2] =	stream.indirect.scatter.add.f32 [tilespmem:s19], [sflag:$0x3], $0x80, s26, s17, $0xb8;
	[tilespmem:$0x1FC00] =	vst v63  }
0xa6: {  	_ =	swait.ge [sflag:s14], $0x3E80  }
0xa7: {  	s0 =	sadd.s32 s8, s31;
	[sflag:s14] =	ssyncset.done $0x0  }
0xa8: {  	s29 =	sadd.s32 $0x1, s29;
	s0 =	sshll.u32 s0, $0x4;
	[sflag:s14] =	ssyncadd.s32 $0xFFFFC180  }
0xa9: {  	p0 =	sne.s32 s29, $0x8;
	s0 =	sadd.s32 s7, s0;
	[bflag:$0x0] =	sbarrier.arrive $0xFFFF  }
0xaa: {  	[hbm:s0], [sflag:s15] =	dma.local [spmem:s16], $0x2800  }
.Ltmp2:
0xab: {  	_ =	swait.ge [sflag:s14], $0x2800;
	(pc) =	sbr.rel @p0 .LBB2_2-.Ltmp2, $3  }
0xac: {  	[sflag:s14] =	ssyncset.done $0x0  }
0xad: {  	[sflag:s14] =	ssyncadd.s32 $0xFFFFD800  }
0xae: {  	[bflag:$0x0] =	sbarrier.arrive $0xFFFF;
	_ =	sdelay $0x1  }
0xaf: {  	s9 =	rddreg [dreg:$0x5]  }
0xb0: {  	s0 =	rddreg [dreg:$0x4];
	s9 =	sadd.s32 $0x1, s9  }
0xb1: {  	p0 =	sne.s32 s9, s0  }
.Ltmp3:
0xb2: {  	_ = 	snop;
	(pc) =	sbr.rel @p0 .LBB2_1-.Ltmp3, $1  }
0xb3: {  	_ =	sdelay $0x3  }
0xb4: {  	_ =	sfence.sel $0x180000  }
0xb5: {  	[bflag:$0x0] =	sbarrier.arrive $0xFFFF  }
0xb6: {  	_ =	strace $0x9000004D  }
0xb7: {  	[bflag:$0x2] =	sbarrier.arrive $0xFFFF  }
0xb8: {  	p0 =	sne.s32 s1, $0x0;
	s0 =	rddreg [dreg:$0x2]  }
0xb9: {  	s0 =	sadd.s32 @!p0 $0x100000, s0  }
0xba: {  	[sflag:s0] =	ssyncadd.tile.s32 @!p0 $0x1;
	_ =	shalt  }
.Lfunc_end2:
_tile_overlayer_lowered:
.L_overlay_start_2:
0xbb: {  	(tag) =	ssettag $0x2  }
0xbc: {  	s0 =	rddreg [dreg:$0x0];
	s2 =	stileid.u32  }
0xbd: {  	s1 =	rddreg [dreg:$0x1];
	p0 =	sne.s32 s2, $0x0  }
0xbe: {  	s3 =	rddreg [dreg:$0x2];
	[bflag:$0x3] =	sbarrier.arrive $0xFFFF;
	s2 =	simm.s32 @!p0 $0x1C03  }
0xbf: {  	[timem:s3], [sflag:s2] =	dma.local @!p0 [hbm:s0], s1  }
0xc0: {  	s0 =	simm.s32 @!p0 $0x3  }
0xc1: {  	_ =	swait.ge @!p0 [sflag:s0], s1  }
0xc2: {  	s1 =	ssub.s32 @!p0 $0x0, s1;
	[sflag:s0] =	ssyncset.done @!p0 $0x0  }
0xc3: {  	[sflag:s0] =	ssyncadd.s32 @!p0 s1  }
0xc4: {  	[bflag:$0x3] =	sbarrier.arrive $0xFFFF  }
0xc5: {  	_ =	shalt  }

// kernel: kernel.25.cloned.1.call-start
scs
__scs_entry_jumppad:
0x0: {  	(pc) =	sbr.rel $0x88, $3  }
0x1: {  	(tag) =	ssettag $0x0;
	lr =	simm.s32 $0x1  }
0x2: {  	[smem:$0x3F7C] =	sst lr;
	_ =	strace $0xD0000000  }
0x3: {  	_ = 	snop  }
0x4: {  	_ = 	snop  }
0x5: {  	_ = 	snop  }
0x6: {  	_ = 	snop  }
0x7: {  	_ = 	snop  }
__scs_overlays_trampoline_lowered:
0x8: {  	[smem:$0x3F8B] =	sst s0  }
0x9: {  	[smem:$0x3F8C] =	sst s1  }
0xa: {  	[smem:$0x3F8D] =	sst s2  }
0xb: {  	[smem:$0x3F8E] =	sst s3  }
0xc: {  	[smem:$0x3F8F] =	sst s4  }
0xd: {  	[smem:$0x3F90] =	sst s5  }
0xe: {  	[smem:$0x3F91] =	sst s6  }
0xf: {  	[smem:$0x3F92] =	sst s7  }
0x10: {  	[smem:$0x3F93] =	sst s8  }
0x11: {  	[smem:$0x3F94] =	sst s9;
	s0 =	simm.s32 @!p0 $0x0  }
0x12: {  	s1 =	sld [smem:$0x3F7A];
	s0 =	simm.s32 @p0 $0x1  }
0x13: {  	[smem:$0x3F95] =	sst s0;
	s0 =	simm.s32 @!p1 $0x0  }
0x14: {  	s2 =	sld [smem:$0x3F79];
	s0 =	simm.s32 @p1 $0x1  }
0x15: {  	[smem:$0x3F96] =	sst s0;
	s0 =	simm.s32 @!p2 $0x0  }
0x16: {  	s3 =	sld [smem:$0x3FDB];
	s0 =	simm.s32 @p2 $0x1  }
0x17: {  	s4 =	simm.s32 $0x1BF5;
	[smem:$0x3F98] =	sst s0  }
0x18: {  	s0 =	sld [smem:$0x3F7B];
	_ =	swait.ge [sflag:s4], $0x0  }
0x19: {  	s7 =	sld [smem:$0x3F7C]  }
0x1a: {  	s8 =	sadd.s32 $0xFFFFE003, lr  }
0x1b: {  	s9 =	sadd.s32 $0xFFFFFEF7, lr;
	s5 =	simm.s32 $0xFFFFFFFF;
	p2 =	slt.u32 s8, $0xFFFFF086  }
0x1c: {  	p1 =	slt.u32 s9, $0xF7A;
	s5 =	simm.s32 @!p2 $0x0  }
0x1d: {  	s5 =	simm.s32 @p1 $0x1;
	p0 =	seq.s32 s7, s2  }
0x1e: {  	s7 =	smul.u32 @!p0 $0xF7A, s2;
	p2 =	seq.s32 @!p0 s5, $0x0  }
0x1f: {  	s9 =	smul.u32 $0xF7A, s1;
	s8 =	simm.s32 @!p0 $0x1BF5;
	p2 =	por !p2, p0  }
0x20: {  	[sflag:s8] =	ssyncset.s32 @!p0 $0xFFFFF086;
	s6 =	sadd.s32 @!p0 s3, s7;
	s7 =	simm.s32 @!p0 $0x108  }
0x21: {  	s3 =	sadd.s32 s3, s9;
	s6 =	sadd.s32 @!p0 $0x88, s6;
	s7 =	simm.s32 @p2 $0x1082  }
0x22: {  	[simem:s7], [sflag:s8] =	dma.local @!p0 [hbm:s6], $0xF7A  }
0x23: {  	s9 =	sor.u32 $0xD0000000, s2;
	s6 =	simm.s32 $0x108;
	_ =	swait.ge @!p0 [sflag:s8], $0x0  }
0x24: {  	s3 =	sadd.s32 $0x88, s3;
	s6 =	simm.s32 @!p1 $0x1082;
	[sflag:s4] =	ssyncset.s32 $0xFFFFF086  }
0x25: {  	[simem:s6], [sflag:s4] =	dma.local [hbm:s3], $0xF7A  }
0x26: {  	[smem:$0x3F7C] =	sst s1;
	(tag) =	ssettag s2;
	_ =	strace s9  }
0x27: {  	s1 =	sld [smem:$0x3F8C]  }
0x28: {  	s2 =	sld [smem:$0x3F8D]  }
0x29: {  	s4 =	sld [smem:$0x3F8F]  }
0x2a: {  	p0 =	seq.s32 s5, $0x0;
	s5 =	sld [smem:$0x3F90]  }
0x2b: {  	s6 =	sld [smem:$0x3F91]  }
0x2c: {  	s7 =	sld [smem:$0x3F92]  }
0x2d: {  	s3 =	simm.s32 $0x108;
	s8 =	sld [smem:$0x3F93]  }
0x2e: {  	s3 =	simm.s32 @!p0 $0x1082;
	s9 =	sld [smem:$0x3F94]  }
0x2f: {  	lr =	sadd.s32 s0, s3;
	s0 =	sld [smem:$0x3F8B]  }
0x30: {  	s3 =	sld [smem:$0x3F8E]  }
0x31: {  	[smem:$0x3F97] =	sst s10  }
0x32: {  	s10 =	sld [smem:$0x3F95];
	_ =	sdelay $0x3  }
0x33: {  	p0 =	seq.s32 s10, $0x1;
	s10 =	sld [smem:$0x3F97];
	_ =	sdelay $0x3  }
0x34: {  	[smem:$0x3F97] =	sst s10  }
0x35: {  	s10 =	sld [smem:$0x3F96];
	_ =	sdelay $0x3  }
0x36: {  	p1 =	seq.s32 s10, $0x1;
	s10 =	sld [smem:$0x3F97];
	_ =	sdelay $0x3  }
0x37: {  	[smem:$0x3F97] =	sst s10  }
0x38: {  	s10 =	sld [smem:$0x3F98]  }
0x39: {  	_ = 	snop;
	(pc) =	sbr.ind lr, $3  }
0x3a: {  	_ = 	snop  }
0x3b: {  	_ = 	snop  }
0x3c: {  	p2 =	seq.s32 s10, $0x1;
	s10 =	sld [smem:$0x3F97]  }
0x3d: {  	_ =	shalt  }
0x3e: {  	_ =	shalt  }
0x3f: {  	_ =	shalt  }
0x40: {  	_ =	shalt  }
0x41: {  	_ =	shalt  }
0x42: {  	_ =	shalt  }
0x43: {  	_ =	shalt  }
0x44: {  	_ =	shalt  }
0x45: {  	_ =	shalt  }
0x46: {  	_ =	shalt  }
0x47: {  	_ =	shalt  }
0x48: {  	_ =	shalt  }
0x49: {  	_ =	shalt  }
0x4a: {  	_ =	shalt  }
0x4b: {  	_ =	shalt  }
0x4c: {  	_ =	shalt  }
0x4d: {  	_ =	shalt  }
0x4e: {  	_ =	shalt  }
0x4f: {  	_ =	shalt  }
0x50: {  	_ =	shalt  }
0x51: {  	_ =	shalt  }
0x52: {  	_ =	shalt  }
0x53: {  	_ =	shalt  }
0x54: {  	_ =	shalt  }
0x55: {  	_ =	shalt  }
0x56: {  	_ =	shalt  }
0x57: {  	_ =	shalt  }
0x58: {  	_ =	shalt  }
0x59: {  	_ =	shalt  }
0x5a: {  	_ =	shalt  }
0x5b: {  	_ =	shalt  }
0x5c: {  	_ =	shalt  }
0x5d: {  	_ =	shalt  }
0x5e: {  	_ =	shalt  }
0x5f: {  	_ =	shalt  }
0x60: {  	_ =	shalt  }
0x61: {  	_ =	shalt  }
0x62: {  	_ =	shalt  }
0x63: {  	_ =	shalt  }
0x64: {  	_ =	shalt  }
0x65: {  	_ =	shalt  }
0x66: {  	_ =	shalt  }
0x67: {  	_ =	shalt  }
0x68: {  	_ =	shalt  }
0x69: {  	_ =	shalt  }
0x6a: {  	_ =	shalt  }
0x6b: {  	_ =	shalt  }
0x6c: {  	_ =	shalt  }
0x6d: {  	_ =	shalt  }
0x6e: {  	_ =	shalt  }
0x6f: {  	_ =	shalt  }
0x70: {  	_ =	shalt  }
0x71: {  	_ =	shalt  }
0x72: {  	_ =	shalt  }
0x73: {  	_ =	shalt  }
0x74: {  	_ =	shalt  }
0x75: {  	_ =	shalt  }
0x76: {  	_ =	shalt  }
0x77: {  	_ =	shalt  }
0x78: {  	_ =	shalt  }
0x79: {  	_ =	shalt  }
0x7a: {  	_ =	shalt  }
0x7b: {  	_ =	shalt  }
0x7c: {  	_ =	shalt  }
0x7d: {  	_ =	shalt  }
0x7e: {  	_ =	shalt  }
0x7f: {  	_ =	shalt  }
0x80: {  	_ =	shalt  }
0x81: {  	_ =	shalt  }
0x82: {  	_ =	shalt  }
0x83: {  	_ =	shalt  }
0x84: {  	_ =	shalt  }
0x85: {  	_ =	shalt  }
0x86: {  	_ =	shalt  }
0x87: {  	_ =	shalt  }
.Lfunc_end0:
.L_simem_size_0:
called_computation.3_lowered:
.L_overlay_start_0:
0x88: {  	s2 =	sld [smem:$0x3FD9]  }
0x89: {  	s3 =	sld [smem:$0x3FFE];
	_ =	sdelay $0x1  }
0x8a: {  	s1 =	srdreg.scid  }
0x8b: {  	s0 =	sand.u32 $0x1, s1  }
0x8c: {  	s16 =	sshll.u32 s0, $0xA;
	s2 =	sadd.s32 s3, s2  }
0x8d: {  	s2 =	sadd.s32 s2, s16  }
0x8e: {  	[smem:$0x3FA3] =	sst s2  }
0x8f: {  	_ = 	snop  }
0x90: {  	(tm) =	ssettm $0x1  }
0x91: {  	s17 =	sld [smem:$0x3FFB];
	_ =	sdelay $0x3  }
0x92: {  	_ =	strace s17  }
0x93: {  	s2 =	sld [smem:$0x3FFC];
	_ =	sdelay $0x3  }
0x94: {  	_ =	strace s2  }
0x95: {  	s2 =	sld [smem:$0x3FFD];
	_ =	sdelay $0x3  }
0x96: {  	_ =	strace s2  }
0x97: {  	_ =	strace $0x8FFFFFFF  }
0x98: {  	s18 =	sld [smem:$0x3FDB];
	_ =	sdelay $0x1  }
0x99: {  	s19 =	simm.s32 $_scs_section_size  }
0x9a: {  	s4 =	simm.s32 $_size__tile_overlayer_lowered;
	s5 =	simm.s32 $_tile_overlayer_lowered  }
0x9b: {  	s22 =	simm.s32 $0x1BFF;
	s21 =	sshll.u32 s5, $0x1;
	s2 =	sadd.s32 s19, s18  }
0x9c: {  	s6 =	simm.s32 $0x0;
	s20 =	sshll.u32 s4, $0x1;
	s4 =	sadd.s32 s21, s2  }
0x9d: {  	[timem:s6], [sflag:s22] =	dma.local [hbm:s4], s20  }
0x9e: {  	_ =	swait.ge [sflag:s22], s20  }
0x9f: {  	s3 =	ssub.s32 $0x0, s20;
	[sflag:s22] =	ssyncset.done $0x0  }
0xa0: {  	[sflag:s22] =	ssyncadd.s32 s3;
	_ =	sdelay $0x1  }
0xa1: {  	s23 =	simm.s32 $0x1B8B  }
0xa2: {  	_ =	swait.ge [sflag:s23], $0x1  }
0xa3: {  	[sflag:s23] =	ssyncset.done $0x0  }
0xa4: {  	s25 =	simm.s32 $0x1B8E;
	s24 =	sld [smem:$0x3FFE];
	[sflag:s23] =	ssyncadd.s32 $0xFFFFFFFF  }
0xa5: {  	s26 =	simm.s32 $execute0_lowered;
	[smem:$0x3FD2] =	sst s25  }
0xa6: {  	s4 =	sshll.u32 s26, $0x1;
	_ =	strace $0x8000004F;
	[dreg:$0x1] =	wrdreg $0xFFFFFFFF  }
0xa7: {  	s28 =	simm.s32 $_size_execute0_lowered;
	s2 =	sadd.s32 s2, s4;
	[dreg:$0x0] =	wrdreg $0x0  }
0xa8: {  	s4 =	sshll.u32 s28, $0x1;
	[dreg:$0x2] =	wrdreg s2  }
0xa9: {  	[dreg:$0x3] =	wrdreg s4  }
0xaa: {  	[dreg:$0x4] =	wrdreg $0xC0  }
0xab: {  	_ =	task [dreg:s6], $0x5FFFF  }
0xac: {  	[dreg:$0x1] =	wrdreg $0xFFFFFFFF  }
0xad: {  	[dreg:$0x0] =	wrdreg $0x60  }
0xae: {  	[dreg:$0x2] =	wrdreg s24  }
0xaf: {  	[dreg:$0x3] =	wrdreg $0xBC000  }
0xb0: {  	[dreg:$0x4] =	wrdreg $0x9  }
0xb1: {  	_ =	task.clear_ibuf [dreg:s6], $0x5FFFF;
	_ =	strace $0x9000004F  }
0xb2: {  	s29 =	simm.s32 $0x9;
	_ =	strace $0x80000051  }
0xb3: {  	_ =	swait.ge [sflag:s29], $0x1  }
0xb4: {  	[sflag:s29] =	ssyncadd.s32 $0xFFFFFFFF  }
0xb5: {  	_ =	strace $0x90000051  }
0xb6: {  	_ =	sfence  }
0xb7: {  	s30 =	sld [smem:$0x0];
	_ =	sdelay $0x2  }
0xb8: {  	s31 =	sshll.u32 s1, $0xD;
	s1 =	sshrl.u32 s1, $0x2  }
0xb9: {  	s3 =	sand.u32 $0x4000, s31;
	s1 =	sadd.s32 s1, s30  }
0xba: {  	s0 =	sor.u32 s3, s0;
	s1 =	sshll.u32 s1, $0x11  }
0xbb: {  	s0 =	sor.u32 s1, s0  }
0xbc: {  	s0 =	sadd.s32 $0x8F2B, s0  }
0xbd: {  	[sflag:s0] =	ssyncadd.remote.s32 $0x1  }
0xbe: {  	_ =	sfence.sel $0xFFFF  }
0xbf: {  	[dreg:$0x0] =	wrdreg $0xFFFFFFFF;
	(pc) =	sbr.abs _section_cstart, $3  }
0xc0: {  	[dreg:$0x1] =	wrdreg $0xFFFFFFFF  }
0xc1: {  	_ =	task.clear_ibuf [dreg:s6], $0x2FFFF;
	_ =	strace $0x9FFFFFFF  }
0xc2: {  	(tm) =	ssettm $0x7FFFFFFF  }
0xc3: {  	_ =	shalt  }
tec
execute0_lowered:
.L_overlay_start_1:
0x0: {  	(tag) =	ssettag $0x1  }
0x1: {  	s0 =	rddreg [dreg:$0x0]  }
0x2: {  	s2 =	rddreg [dreg:$0x1];
	s3 =	simm.s32 $0x0  }
0x3: {  	s1 =	stileid.u32;
	s7 =	srdreg.scid;
	s14 =	simm.s32 $0x3  }
0x4: {  	s17 =	simm.s32 $0x7D;
	s18 =	simm.s32 $0x3C00;
	s19 =	simm.s32 $0x7C00  }
0x5: {  	s20 =	simm.s32 $0x1;
	s21 =	simm.s32 $0x2;
	s22 =	simm.s32 $0x1380  }
0x6: {  	s23 =	simm.s32 $0x2700;
	s24 =	simm.s32 $0x2780;
	s25 =	simm.s32 $0x3B00  }
0x7: {  	s26 =	simm.s32 $0x3B80;
	[smem:$0x7FF] =	sst s3;
	s6 =	smul.u32 $0x500, s1  }
0x8: {  	s4 =	sadd.s32 $0x5BD000, s0;
	s5 =	sadd.s32 $0x8B000, s0;
	s10 =	sand.u32 $0x1, s7  }
0x9: {  	s11 =	smul.u32 $0x50000, s1;
	s7 =	sadd.s32 $0xDB000, s0;
	s31 =	sshll.u32 s1, $0x6  }
0xa: {  	_ =	strace $0x80000050;
	s8 =	ssub.s32 $0x2, s10;
	s10 =	sshll.u32 s10, $0x3  }
0xb: {  	s15 =	sor.u32 $0x1C03, s31;
	s9 =	sadd.s32 s6, s0;
	s12 =	sshrl.u32 s8, $0x1  }
0xc: {  	s6 =	sadd.s32 $0x38800, s0;
	s11 =	sshrl.u32 s11, $0x2;
	s12 =	ssub.s32 s8, s12  }
0xd: {  	s8 =	smul.u32 $0x280, s1;
	s9 =	sadd.s32 $0x7600, s9;
	s13 =	sadd.s32 s11, s2  }
0xe: {  	[dreg:$0x3] =	wrdreg s9;
	s30 =	smax.u32 s12, $0x1;
	s12 =	sadd.s32 $0x8B280, s0  }
0xf: {  	s16 =	sshrl.u32 s13, $0x3;
	s9 =	simm.s32 $0x0;
	[dreg:$0x4] =	wrdreg s30  }
.LBB2_1:
0x10: {  	[dreg:$0x5] =	wrdreg s9  }
0x11: {  	s0 =	rddreg [dreg:$0x3];
	s31 =	simm.s32 $0x1400  }
0x12: {  	[tilespmem:s31], [sflag:$0x3] =	stream.linear.gather [hbm4b:s0+s3], $0x2800, $0x38;
	[tilespmem:$0x1FC00] =	vst v63  }
0x13: {  	_ =	swait.ge [sflag:s14], $0x2800  }
0x14: {  	[sflag:s14] =	ssyncset.done $0x0  }
0x15: {  	s29 =	simm.s32 $0x0;
	[sflag:s14] =	ssyncadd.s32 $0xFFFFD800  }
.LBB2_2:
0x16: {  	s30 =	sadd.s32 s10, s29  }
0x17: {  	[spmem:s16], [sflag:s15] =	dma.local [hbm:s6], $0x2800  }
0x18: {  	s0 =	sshll.u32 s30, $0x4  }
0x19: {  	_ =	swait.ge [sflag:s14], $0x2800;
	s0 =	sor.u32 s1, s0  }
0x1a: {  	[sflag:s14] =	ssyncset.done $0x0;
	s31 =	smul.u32 $0x500, s0  }
0x1b: {  	[sflag:s14] =	ssyncadd.s32 $0xFFFFD800  }
0x1c: {  	s13 =	simm.s32 $0x0;
	[bflag:$0x0] =	sbarrier.arrive $0xFFFF;
	s0 =	sadd.s32 s5, s31  }
0x1d: {  	[tilespmem:s13], [sflag:$0x3] =	stream.linear.gather [hbm4b:s0+s13], $0x1400, $0x38;
	[tilespmem:$0x1FC00] =	vst v63  }
0x1e: {  	_ =	swait.ge [sflag:s14], $0x1400  }
0x1f: {  	[sflag:s14] =	ssyncset.done $0x0  }
0x20: {  	[sflag:s14] =	ssyncadd.s32 $0xFFFFEC00  }
0x21: {  	[tilespmem:s18], [sflag:$0x1] =	stream.indirect.gather [hbm4b:s4+s17], $0x80, s13, s17, $0xb8;
	[tilespmem:$0x1FC00] =	vst v63  }
0x22: {  	s9 =	simm.s32 $0x80  }
0x23: {  	[tilespmem:s19], [sflag:$0x2] =	stream.indirect.gather [hbm4b:s4+s17], $0x80, s9, s17, $0xb8;
	[tilespmem:$0x1FC00] =	vst v63  }
0x24: {  	_ =	swait.ge [sflag:s20], $0x3E80  }
0x25: {  	[sflag:s20] =	ssyncset.done $0x0  }
0x26: {  	s11 =	simm.s32 $0x1400;
	[sflag:s20] =	ssyncadd.s32 $0xFFFFC180  }
0x27: {  	[spmem:s2] =	stream.indirect.scatter.add.f32 [tilespmem:s18], [sflag:$0x3], $0x80, s11, s17, $0xb8;
	[tilespmem:$0x1FC00] =	vst v63  }
0x28: {  	_ =	swait.ge [sflag:s14], $0x3E80  }
0x29: {  	[sflag:s14] =	ssyncset.done $0x0  }
0x2a: {  	s13 =	simm.s32 $0x100;
	[sflag:s14] =	ssyncadd.s32 $0xFFFFC180  }
0x2b: {  	[tilespmem:s18], [sflag:$0x1] =	stream.indirect.gather [hbm4b:s4+s17], $0x80, s13, s17, $0xb8;
	[tilespmem:$0x1FC00] =	vst v63  }
0x2c: {  	_ =	swait.ge [sflag:s21], $0x3E80  }
0x2d: {  	[sflag:s21] =	ssyncset.done $0x0  }
0x2e: {  	s28 =	simm.s32 $0x1480;
	[sflag:s21] =	ssyncadd.s32 $0xFFFFC180  }
0x2f: {  	[spmem:s2] =	stream.indirect.scatter.add.f32 [tilespmem:s19], [sflag:$0x3], $0x80, s28, s17, $0xb8;
	[tilespmem:$0x1FC00] =	vst v63  }
0x30: {  	_ =	swait.ge [sflag:s14], $0x3E80  }
0x31: {  	s0 =	simm.s32 $0x100;
	s13 =	simm.s32 $0x800;
	[sflag:s14] =	ssyncset.done $0x0  }
.LBB2_3:
0x32: {  	s9 =	sadd.s32 $0x80, s0  }
0x33: {  	[sflag:s14] =	ssyncadd.s32 $0xFFFFC180;
	s11 =	smov.u32 s13;
	s28 =	sadd.s32 $0x400, s13  }
0x34: {  	[tilespmem:s19], [sflag:$0x2] =	stream.indirect.gather [hbm4b:s4+s17], $0x80, s9, s17, $0xb8;
	[tilespmem:$0x1FC00] =	vst v63  }
0x35: {  	p0 =	sne.s32 s13, $0x4800;
	_ =	swait.ge [sflag:s20], $0x3E80  }
0x36: {  	[sflag:s20] =	ssyncset.done $0x0  }
0x37: {  	s9 =	sadd.s32 $0x1400, s0;
	[sflag:s20] =	ssyncadd.s32 $0xFFFFC180  }
0x38: {  	[spmem:s2] =	stream.indirect.scatter.add.f32 [tilespmem:s18], [sflag:$0x3], $0x80, s9, s17, $0xb8;
	[tilespmem:$0x1FC00] =	vst v63  }
0x39: {  	_ =	swait.ge [sflag:s14], $0x3E80  }
0x3a: {  	[sflag:s14] =	ssyncset.done $0x0  }
0x3b: {  	s9 =	sadd.s32 $0x100, s0;
	[sflag:s14] =	ssyncadd.s32 $0xFFFFC180  }
0x3c: {  	[tilespmem:s18], [sflag:$0x1] =	stream.indirect.gather [hbm4b:s4+s17], $0x80, s9, s17, $0xb8;
	[tilespmem:$0x1FC00] =	vst v63  }
0x3d: {  	_ =	swait.ge [sflag:s21], $0x3E80  }
.Ltmp0:
0x3e: {  	[sflag:s21] =	ssyncset.done $0x0;
	(pc) =	sbr.rel @p0 .LBB2_3-.Ltmp0, $4  }
0x3f: {  	s0 =	sadd.s32 $0x1480, s0;
	[sflag:s21] =	ssyncadd.s32 $0xFFFFC180  }
0x40: {  	[spmem:s2] =	stream.indirect.scatter.add.f32 [tilespmem:s19], [sflag:$0x3], $0x80, s0, s17, $0xb8;
	[tilespmem:$0x1FC00] =	vst v63  }
0x41: {  	_ =	swait.ge [sflag:s14], $0x3E80  }
0x42: {  	s13 =	smov.u32 s28;
	s0 =	sshra.s32 s11, $0x2;
	[sflag:s14] =	ssyncset.done $0x0  }
0x43: {  	s9 =	sadd.s32 $0x80, s0;
	[sflag:s14] =	ssyncadd.s32 $0xFFFFC180  }
0x44: {  	[tilespmem:s19], [sflag:$0x2] =	stream.indirect.gather [hbm4b:s4+s17], $0x80, s9, s17, $0xb8;
	[tilespmem:$0x1FC00] =	vst v63  }
0x45: {  	_ =	swait.ge [sflag:s20], $0x3E80  }
0x46: {  	[sflag:s20] =	ssyncset.done $0x0  }
0x47: {  	s11 =	sadd.s32 $0x1400, s0;
	[sflag:s20] =	ssyncadd.s32 $0xFFFFC180  }
0x48: {  	[spmem:s2] =	stream.indirect.scatter.add.f32 [tilespmem:s18], [sflag:$0x3], $0x80, s11, s17, $0xb8;
	[tilespmem:$0x1FC00] =	vst v63  }
0x49: {  	_ =	swait.ge [sflag:s14], $0x3E80  }
0x4a: {  	[sflag:s14] =	ssyncset.done $0x0  }
0x4b: {  	s13 =	sadd.s32 $0x100, s0;
	[sflag:s14] =	ssyncadd.s32 $0xFFFFC180  }
0x4c: {  	[tilespmem:s18], [sflag:$0x1] =	stream.indirect.gather [hbm4b:s4+s17], $0x80, s13, s17, $0xb8;
	[tilespmem:$0x1FC00] =	vst v63  }
0x4d: {  	_ =	swait.ge [sflag:s21], $0x3E80  }
0x4e: {  	[sflag:s21] =	ssyncset.done $0x0  }
0x4f: {  	s28 =	sadd.s32 $0x1480, s0;
	[sflag:s21] =	ssyncadd.s32 $0xFFFFC180  }
0x50: {  	[spmem:s2] =	stream.indirect.scatter.add.f32 [tilespmem:s19], [sflag:$0x3], $0x80, s28, s17, $0xb8;
	[tilespmem:$0x1FC00] =	vst v63  }
0x51: {  	_ =	swait.ge [sflag:s14], $0x3E80  }
0x52: {  	[sflag:s14] =	ssyncset.done $0x0  }
0x53: {  	[sflag:s14] =	ssyncadd.s32 $0xFFFFC180  }
0x54: {  	[tilespmem:s19], [sflag:$0x2] =	stream.indirect.gather [hbm4b:s4+s17], $0x80, s22, s17, $0xb8;
	[tilespmem:$0x1FC00] =	vst v63  }
0x55: {  	_ =	swait.ge [sflag:s20], $0x3E80  }
0x56: {  	[sflag:s20] =	ssyncset.done $0x0  }
0x57: {  	[sflag:s20] =	ssyncadd.s32 $0xFFFFC180  }
0x58: {  	[spmem:s2] =	stream.indirect.scatter.add.f32 [tilespmem:s18], [sflag:$0x3], $0x80, s23, s17, $0xb8;
	[tilespmem:$0x1FC00] =	vst v63  }
0x59: {  	_ =	swait.ge [sflag:s14], $0x3E80  }
0x5a: {  	[sflag:s14] =	ssyncset.done $0x0  }
0x5b: {  	[sflag:s14] =	ssyncadd.s32 $0xFFFFC180  }
0x5c: {  	_ =	swait.ge [sflag:s21], $0x3E80  }
0x5d: {  	[sflag:s21] =	ssyncset.done $0x0  }
0x5e: {  	[sflag:s21] =	ssyncadd.s32 $0xFFFFC180  }
0x5f: {  	[spmem:s2] =	stream.indirect.scatter.add.f32 [tilespmem:s19], [sflag:$0x3], $0x80, s24, s17, $0xb8;
	[tilespmem:$0x1FC00] =	vst v63  }
0x60: {  	_ =	swait.ge [sflag:s14], $0x3E80  }
0x61: {  	[sflag:s14] =	ssyncset.done $0x0  }
0x62: {  	s9 =	sadd.s32 s12, s31;
	[sflag:s14] =	ssyncadd.s32 $0xFFFFC180  }
0x63: {  	[tilespmem:s3], [sflag:$0x3] =	stream.linear.gather [hbm4b:s9+s3], $0x1400, $0x38;
	[tilespmem:$0x1FC00] =	vst v63  }
0x64: {  	_ =	swait.ge [sflag:s14], $0x1400  }
0x65: {  	[sflag:s14] =	ssyncset.done $0x0  }
0x66: {  	[sflag:s14] =	ssyncadd.s32 $0xFFFFEC00  }
0x67: {  	[tilespmem:s18], [sflag:$0x1] =	stream.indirect.gather [hbm4b:s4+s17], $0x80, s3, s17, $0xb8;
	[tilespmem:$0x1FC00] =	vst v63  }
0x68: {  	s11 =	simm.s32 $0x80  }
0x69: {  	[tilespmem:s19], [sflag:$0x2] =	stream.indirect.gather [hbm4b:s4+s17], $0x80, s11, s17, $0xb8;
	[tilespmem:$0x1FC00] =	vst v63  }
0x6a: {  	_ =	swait.ge [sflag:s20], $0x3E80  }
0x6b: {  	[sflag:s20] =	ssyncset.done $0x0  }
0x6c: {  	s13 =	simm.s32 $0x2800;
	[sflag:s20] =	ssyncadd.s32 $0xFFFFC180  }
0x6d: {  	[spmem:s2] =	stream.indirect.scatter.add.f32 [tilespmem:s18], [sflag:$0x3], $0x80, s13, s17, $0xb8;
	[tilespmem:$0x1FC00] =	vst v63  }
0x6e: {  	_ =	swait.ge [sflag:s14], $0x3E80  }
0x6f: {  	[sflag:s14] =	ssyncset.done $0x0  }
0x70: {  	s28 =	simm.s32 $0x100;
	[sflag:s14] =	ssyncadd.s32 $0xFFFFC180  }
0x71: {  	[tilespmem:s18], [sflag:$0x1] =	stream.indirect.gather [hbm4b:s4+s17], $0x80, s28, s17, $0xb8;
	[tilespmem:$0x1FC00] =	vst v63  }
0x72: {  	_ =	swait.ge [sflag:s21], $0x3E80  }
0x73: {  	[sflag:s21] =	ssyncset.done $0x0  }
0x74: {  	s31 =	simm.s32 $0x2880;
	[sflag:s21] =	ssyncadd.s32 $0xFFFFC180  }
0x75: {  	[spmem:s2] =	stream.indirect.scatter.add.f32 [tilespmem:s19], [sflag:$0x3], $0x80, s31, s17, $0xb8;
	[tilespmem:$0x1FC00] =	vst v63  }
0x76: {  	_ =	swait.ge [sflag:s14], $0x3E80  }
0x77: {  	s0 =	simm.s32 $0xFFFFEE00;
	s13 =	simm.s32 $0xFFFFBC00;
	[sflag:s14] =	ssyncset.done $0x0  }
.LBB2_5:
0x78: {  	s9 =	sadd.s32 $0x1380, s0  }
0x79: {  	[sflag:s14] =	ssyncadd.s32 $0xFFFFC180;
	s11 =	smov.u32 s13;
	s28 =	sadd.s32 $0x400, s13  }
0x7a: {  	[tilespmem:s19], [sflag:$0x2] =	stream.indirect.gather [hbm4b:s4+s17], $0x80, s9, s17, $0xb8;
	[tilespmem:$0x1FC00] =	vst v63  }
0x7b: {  	p0 =	sne.s32 s13, $0xFFFFFC00;
	_ =	swait.ge [sflag:s20], $0x3E80  }
0x7c: {  	[sflag:s20] =	ssyncset.done $0x0  }
0x7d: {  	s9 =	sadd.s32 $0x3B00, s0;
	[sflag:s20] =	ssyncadd.s32 $0xFFFFC180  }
0x7e: {  	[spmem:s2] =	stream.indirect.scatter.add.f32 [tilespmem:s18], [sflag:$0x3], $0x80, s9, s17, $0xb8;
	[tilespmem:$0x1FC00] =	vst v63  }
0x7f: {  	_ =	swait.ge [sflag:s14], $0x3E80  }
0x80: {  	[sflag:s14] =	ssyncset.done $0x0  }
0x81: {  	s9 =	sadd.s32 $0x1400, s0;
	[sflag:s14] =	ssyncadd.s32 $0xFFFFC180  }
0x82: {  	[tilespmem:s18], [sflag:$0x1] =	stream.indirect.gather [hbm4b:s4+s17], $0x80, s9, s17, $0xb8;
	[tilespmem:$0x1FC00] =	vst v63  }
0x83: {  	_ =	swait.ge [sflag:s21], $0x3E80  }
.Ltmp1:
0x84: {  	[sflag:s21] =	ssyncset.done $0x0;
	(pc) =	sbr.rel @p0 .LBB2_5-.Ltmp1, $4  }
0x85: {  	s0 =	sadd.s32 $0x3B80, s0;
	[sflag:s21] =	ssyncadd.s32 $0xFFFFC180  }
0x86: {  	[spmem:s2] =	stream.indirect.scatter.add.f32 [tilespmem:s19], [sflag:$0x3], $0x80, s0, s17, $0xb8;
	[tilespmem:$0x1FC00] =	vst v63  }
0x87: {  	_ =	swait.ge [sflag:s14], $0x3E80  }
0x88: {  	s13 =	smov.u32 s28;
	s0 =	sshra.s32 s11, $0x2;
	[sflag:s14] =	ssyncset.done $0x0  }
0x89: {  	s9 =	sadd.s32 $0x1380, s0;
	[sflag:s14] =	ssyncadd.s32 $0xFFFFC180  }
0x8a: {  	[tilespmem:s19], [sflag:$0x2] =	stream.indirect.gather [hbm4b:s4+s17], $0x80, s9, s17, $0xb8;
	[tilespmem:$0x1FC00] =	vst v63  }
0x8b: {  	_ =	swait.ge [sflag:s20], $0x3E80  }
0x8c: {  	[sflag:s20] =	ssyncset.done $0x0  }
0x8d: {  	s11 =	sadd.s32 $0x3B00, s0;
	[sflag:s20] =	ssyncadd.s32 $0xFFFFC180  }
0x8e: {  	[spmem:s2] =	stream.indirect.scatter.add.f32 [tilespmem:s18], [sflag:$0x3], $0x80, s11, s17, $0xb8;
	[tilespmem:$0x1FC00] =	vst v63  }
0x8f: {  	_ =	swait.ge [sflag:s14], $0x3E80  }
0x90: {  	[sflag:s14] =	ssyncset.done $0x0  }
0x91: {  	s13 =	sadd.s32 $0x1400, s0;
	[sflag:s14] =	ssyncadd.s32 $0xFFFFC180  }
0x92: {  	[tilespmem:s18], [sflag:$0x1] =	stream.indirect.gather [hbm4b:s4+s17], $0x80, s13, s17, $0xb8;
	[tilespmem:$0x1FC00] =	vst v63  }
0x93: {  	_ =	swait.ge [sflag:s21], $0x3E80  }
0x94: {  	[sflag:s21] =	ssyncset.done $0x0  }
0x95: {  	s28 =	sadd.s32 $0x3B80, s0;
	[sflag:s21] =	ssyncadd.s32 $0xFFFFC180  }
0x96: {  	[spmem:s2] =	stream.indirect.scatter.add.f32 [tilespmem:s19], [sflag:$0x3], $0x80, s28, s17, $0xb8;
	[tilespmem:$0x1FC00] =	vst v63  }
0x97: {  	_ =	swait.ge [sflag:s14], $0x3E80  }
0x98: {  	[sflag:s14] =	ssyncset.done $0x0  }
0x99: {  	[sflag:s14] =	ssyncadd.s32 $0xFFFFC180  }
0x9a: {  	[tilespmem:s19], [sflag:$0x2] =	stream.indirect.gather [hbm4b:s4+s17], $0x80, s22, s17, $0xb8;
	[tilespmem:$0x1FC00] =	vst v63  }
0x9b: {  	_ =	swait.ge [sflag:s20], $0x3E80  }
0x9c: {  	[sflag:s20] =	ssyncset.done $0x0  }
0x9d: {  	[sflag:s20] =	ssyncadd.s32 $0xFFFFC180  }
0x9e: {  	[spmem:s2] =	stream.indirect.scatter.add.f32 [tilespmem:s18], [sflag:$0x3], $0x80, s25, s17, $0xb8;
	[tilespmem:$0x1FC00] =	vst v63  }
0x9f: {  	_ =	swait.ge [sflag:s14], $0x3E80  }
0xa0: {  	[sflag:s14] =	ssyncset.done $0x0  }
0xa1: {  	[sflag:s14] =	ssyncadd.s32 $0xFFFFC180  }
0xa2: {  	_ =	swait.ge [sflag:s21], $0x3E80  }
0xa3: {  	[sflag:s21] =	ssyncset.done $0x0  }
0xa4: {  	s31 =	smul.u32 $0x2800, s30;
	[sflag:s21] =	ssyncadd.s32 $0xFFFFC180  }
0xa5: {  	[spmem:s2] =	stream.indirect.scatter.add.f32 [tilespmem:s19], [sflag:$0x3], $0x80, s26, s17, $0xb8;
	[tilespmem:$0x1FC00] =	vst v63  }
0xa6: {  	_ =	swait.ge [sflag:s14], $0x3E80  }
0xa7: {  	s0 =	sadd.s32 s8, s31;
	[sflag:s14] =	ssyncset.done $0x0  }
0xa8: {  	s29 =	sadd.s32 $0x1, s29;
	s0 =	sshll.u32 s0, $0x4;
	[sflag:s14] =	ssyncadd.s32 $0xFFFFC180  }
0xa9: {  	p0 =	sne.s32 s29, $0x8;
	s0 =	sadd.s32 s7, s0;
	[bflag:$0x0] =	sbarrier.arrive $0xFFFF  }
0xaa: {  	[hbm:s0], [sflag:s15] =	dma.local [spmem:s16], $0x2800  }
.Ltmp2:
0xab: {  	_ =	swait.ge [sflag:s14], $0x2800;
	(pc) =	sbr.rel @p0 .LBB2_2-.Ltmp2, $3  }
0xac: {  	[sflag:s14] =	ssyncset.done $0x0  }
0xad: {  	[sflag:s14] =	ssyncadd.s32 $0xFFFFD800  }
0xae: {  	[bflag:$0x0] =	sbarrier.arrive $0xFFFF;
	_ =	sdelay $0x1  }
0xaf: {  	s9 =	rddreg [dreg:$0x5]  }
0xb0: {  	s0 =	rddreg [dreg:$0x4];
	s9 =	sadd.s32 $0x1, s9  }
0xb1: {  	p0 =	sne.s32 s9, s0  }
.Ltmp3:
0xb2: {  	_ = 	snop;
	(pc) =	sbr.rel @p0 .LBB2_1-.Ltmp3, $1  }
0xb3: {  	_ =	sdelay $0x3  }
0xb4: {  	_ =	sfence.sel $0x180000  }
0xb5: {  	[bflag:$0x0] =	sbarrier.arrive $0xFFFF  }
0xb6: {  	_ =	strace $0x90000050  }
0xb7: {  	[bflag:$0x2] =	sbarrier.arrive $0xFFFF  }
0xb8: {  	p0 =	sne.s32 s1, $0x0;
	s0 =	rddreg [dreg:$0x2]  }
0xb9: {  	s0 =	sadd.s32 @!p0 $0x100000, s0  }
0xba: {  	[sflag:s0] =	ssyncadd.tile.s32 @!p0 $0x1;
	_ =	shalt  }
.Lfunc_end2:
_tile_overlayer_lowered:
.L_overlay_start_2:
0xbb: {  	(tag) =	ssettag $0x2  }
0xbc: {  	s0 =	rddreg [dreg:$0x0];
	s2 =	stileid.u32  }
0xbd: {  	s1 =	rddreg [dreg:$0x1];
	p0 =	sne.s32 s2, $0x0  }
0xbe: {  	s3 =	rddreg [dreg:$0x2];
	[bflag:$0x3] =	sbarrier.arrive $0xFFFF;
	s2 =	simm.s32 @!p0 $0x1C03  }
0xbf: {  	[timem:s3], [sflag:s2] =	dma.local @!p0 [hbm:s0], s1  }
0xc0: {  	s0 =	simm.s32 @!p0 $0x3  }
0xc1: {  	_ =	swait.ge @!p0 [sflag:s0], s1  }
0xc2: {  	s1 =	ssub.s32 @!p0 $0x0, s1;
	[sflag:s0] =	ssyncset.done @!p0 $0x0  }
0xc3: {  	[sflag:s0] =	ssyncadd.s32 @!p0 s1  }
0xc4: {  	[bflag:$0x3] =	sbarrier.arrive $0xFFFF  }
0xc5: {  	_ =	shalt  }

// kernel: kernel.28.cloned.1.call-start
scs
__scs_entry_jumppad:
0x0: {  	(pc) =	sbr.rel $0x88, $3  }
0x1: {  	(tag) =	ssettag $0x0;
	lr =	simm.s32 $0x1  }
0x2: {  	[smem:$0x3F7C] =	sst lr;
	_ =	strace $0xD0000000  }
0x3: {  	_ = 	snop  }
0x4: {  	_ = 	snop  }
0x5: {  	_ = 	snop  }
0x6: {  	_ = 	snop  }
0x7: {  	_ = 	snop  }
__scs_overlays_trampoline_lowered:
0x8: {  	[smem:$0x3F8B] =	sst s0  }
0x9: {  	[smem:$0x3F8C] =	sst s1  }
0xa: {  	[smem:$0x3F8D] =	sst s2  }
0xb: {  	[smem:$0x3F8E] =	sst s3  }
0xc: {  	[smem:$0x3F8F] =	sst s4  }
0xd: {  	[smem:$0x3F90] =	sst s5  }
0xe: {  	[smem:$0x3F91] =	sst s6  }
0xf: {  	[smem:$0x3F92] =	sst s7  }
0x10: {  	[smem:$0x3F93] =	sst s8  }
0x11: {  	[smem:$0x3F94] =	sst s9;
	s0 =	simm.s32 @!p0 $0x0  }
0x12: {  	s1 =	sld [smem:$0x3F7A];
	s0 =	simm.s32 @p0 $0x1  }
0x13: {  	[smem:$0x3F95] =	sst s0;
	s0 =	simm.s32 @!p1 $0x0  }
0x14: {  	s2 =	sld [smem:$0x3F79];
	s0 =	simm.s32 @p1 $0x1  }
0x15: {  	[smem:$0x3F96] =	sst s0;
	s0 =	simm.s32 @!p2 $0x0  }
0x16: {  	s3 =	sld [smem:$0x3FDB];
	s0 =	simm.s32 @p2 $0x1  }
0x17: {  	s4 =	simm.s32 $0x1BF5;
	[smem:$0x3F98] =	sst s0  }
0x18: {  	s0 =	sld [smem:$0x3F7B];
	_ =	swait.ge [sflag:s4], $0x0  }
0x19: {  	s7 =	sld [smem:$0x3F7C]  }
0x1a: {  	s8 =	sadd.s32 $0xFFFFE003, lr  }
0x1b: {  	s9 =	sadd.s32 $0xFFFFFEF7, lr;
	s5 =	simm.s32 $0xFFFFFFFF;
	p2 =	slt.u32 s8, $0xFFFFF086  }
0x1c: {  	p1 =	slt.u32 s9, $0xF7A;
	s5 =	simm.s32 @!p2 $0x0  }
0x1d: {  	s5 =	simm.s32 @p1 $0x1;
	p0 =	seq.s32 s7, s2  }
0x1e: {  	s7 =	smul.u32 @!p0 $0xF7A, s2;
	p2 =	seq.s32 @!p0 s5, $0x0  }
0x1f: {  	s9 =	smul.u32 $0xF7A, s1;
	s8 =	simm.s32 @!p0 $0x1BF5;
	p2 =	por !p2, p0  }
0x20: {  	[sflag:s8] =	ssyncset.s32 @!p0 $0xFFFFF086;
	s6 =	sadd.s32 @!p0 s3, s7;
	s7 =	simm.s32 @!p0 $0x108  }
0x21: {  	s3 =	sadd.s32 s3, s9;
	s6 =	sadd.s32 @!p0 $0x88, s6;
	s7 =	simm.s32 @p2 $0x1082  }
0x22: {  	[simem:s7], [sflag:s8] =	dma.local @!p0 [hbm:s6], $0xF7A  }
0x23: {  	s9 =	sor.u32 $0xD0000000, s2;
	s6 =	simm.s32 $0x108;
	_ =	swait.ge @!p0 [sflag:s8], $0x0  }
0x24: {  	s3 =	sadd.s32 $0x88, s3;
	s6 =	simm.s32 @!p1 $0x1082;
	[sflag:s4] =	ssyncset.s32 $0xFFFFF086  }
0x25: {  	[simem:s6], [sflag:s4] =	dma.local [hbm:s3], $0xF7A  }
0x26: {  	[smem:$0x3F7C] =	sst s1;
	(tag) =	ssettag s2;
	_ =	strace s9  }
0x27: {  	s1 =	sld [smem:$0x3F8C]  }
0x28: {  	s2 =	sld [smem:$0x3F8D]  }
0x29: {  	s4 =	sld [smem:$0x3F8F]  }
0x2a: {  	p0 =	seq.s32 s5, $0x0;
	s5 =	sld [smem:$0x3F90]  }
0x2b: {  	s6 =	sld [smem:$0x3F91]  }
0x2c: {  	s7 =	sld [smem:$0x3F92]  }
0x2d: {  	s3 =	simm.s32 $0x108;
	s8 =	sld [smem:$0x3F93]  }
0x2e: {  	s3 =	simm.s32 @!p0 $0x1082;
	s9 =	sld [smem:$0x3F94]  }
0x2f: {  	lr =	sadd.s32 s0, s3;
	s0 =	sld [smem:$0x3F8B]  }
0x30: {  	s3 =	sld [smem:$0x3F8E]  }
0x31: {  	[smem:$0x3F97] =	sst s10  }
0x32: {  	s10 =	sld [smem:$0x3F95];
	_ =	sdelay $0x3  }
0x33: {  	p0 =	seq.s32 s10, $0x1;
	s10 =	sld [smem:$0x3F97];
	_ =	sdelay $0x3  }
0x34: {  	[smem:$0x3F97] =	sst s10  }
0x35: {  	s10 =	sld [smem:$0x3F96];
	_ =	sdelay $0x3  }
0x36: {  	p1 =	seq.s32 s10, $0x1;
	s10 =	sld [smem:$0x3F97];
	_ =	sdelay $0x3  }
0x37: {  	[smem:$0x3F97] =	sst s10  }
0x38: {  	s10 =	sld [smem:$0x3F98]  }
0x39: {  	_ = 	snop;
	(pc) =	sbr.ind lr, $3  }
0x3a: {  	_ = 	snop  }
0x3b: {  	_ = 	snop  }
0x3c: {  	p2 =	seq.s32 s10, $0x1;
	s10 =	sld [smem:$0x3F97]  }
0x3d: {  	_ =	shalt  }
0x3e: {  	_ =	shalt  }
0x3f: {  	_ =	shalt  }
0x40: {  	_ =	shalt  }
0x41: {  	_ =	shalt  }
0x42: {  	_ =	shalt  }
0x43: {  	_ =	shalt  }
0x44: {  	_ =	shalt  }
0x45: {  	_ =	shalt  }
0x46: {  	_ =	shalt  }
0x47: {  	_ =	shalt  }
0x48: {  	_ =	shalt  }
0x49: {  	_ =	shalt  }
0x4a: {  	_ =	shalt  }
0x4b: {  	_ =	shalt  }
0x4c: {  	_ =	shalt  }
0x4d: {  	_ =	shalt  }
0x4e: {  	_ =	shalt  }
0x4f: {  	_ =	shalt  }
0x50: {  	_ =	shalt  }
0x51: {  	_ =	shalt  }
0x52: {  	_ =	shalt  }
0x53: {  	_ =	shalt  }
0x54: {  	_ =	shalt  }
0x55: {  	_ =	shalt  }
0x56: {  	_ =	shalt  }
0x57: {  	_ =	shalt  }
0x58: {  	_ =	shalt  }
0x59: {  	_ =	shalt  }
0x5a: {  	_ =	shalt  }
0x5b: {  	_ =	shalt  }
0x5c: {  	_ =	shalt  }
0x5d: {  	_ =	shalt  }
0x5e: {  	_ =	shalt  }
0x5f: {  	_ =	shalt  }
0x60: {  	_ =	shalt  }
0x61: {  	_ =	shalt  }
0x62: {  	_ =	shalt  }
0x63: {  	_ =	shalt  }
0x64: {  	_ =	shalt  }
0x65: {  	_ =	shalt  }
0x66: {  	_ =	shalt  }
0x67: {  	_ =	shalt  }
0x68: {  	_ =	shalt  }
0x69: {  	_ =	shalt  }
0x6a: {  	_ =	shalt  }
0x6b: {  	_ =	shalt  }
0x6c: {  	_ =	shalt  }
0x6d: {  	_ =	shalt  }
0x6e: {  	_ =	shalt  }
0x6f: {  	_ =	shalt  }
0x70: {  	_ =	shalt  }
0x71: {  	_ =	shalt  }
0x72: {  	_ =	shalt  }
0x73: {  	_ =	shalt  }
0x74: {  	_ =	shalt  }
0x75: {  	_ =	shalt  }
0x76: {  	_ =	shalt  }
0x77: {  	_ =	shalt  }
0x78: {  	_ =	shalt  }
0x79: {  	_ =	shalt  }
0x7a: {  	_ =	shalt  }
0x7b: {  	_ =	shalt  }
0x7c: {  	_ =	shalt  }
0x7d: {  	_ =	shalt  }
0x7e: {  	_ =	shalt  }
0x7f: {  	_ =	shalt  }
0x80: {  	_ =	shalt  }
0x81: {  	_ =	shalt  }
0x82: {  	_ =	shalt  }
0x83: {  	_ =	shalt  }
0x84: {  	_ =	shalt  }
0x85: {  	_ =	shalt  }
0x86: {  	_ =	shalt  }
0x87: {  	_ =	shalt  }
.Lfunc_end0:
.L_simem_size_0:
called_computation.4_lowered:
.L_overlay_start_0:
0x88: {  	s2 =	sld [smem:$0x3FD9]  }
0x89: {  	s3 =	sld [smem:$0x3FFE];
	_ =	sdelay $0x1  }
0x8a: {  	s1 =	srdreg.scid  }
0x8b: {  	s0 =	sand.u32 $0x1, s1  }
0x8c: {  	s16 =	sshll.u32 s0, $0xA;
	s2 =	sadd.s32 s3, s2  }
0x8d: {  	s2 =	sadd.s32 s2, s16  }
0x8e: {  	[smem:$0x3FA3] =	sst s2  }
0x8f: {  	_ = 	snop  }
0x90: {  	(tm) =	ssettm $0x1  }
0x91: {  	s17 =	sld [smem:$0x3FFB];
	_ =	sdelay $0x3  }
0x92: {  	_ =	strace s17  }
0x93: {  	s2 =	sld [smem:$0x3FFC];
	_ =	sdelay $0x3  }
0x94: {  	_ =	strace s2  }
0x95: {  	s2 =	sld [smem:$0x3FFD];
	_ =	sdelay $0x3  }
0x96: {  	_ =	strace s2  }
0x97: {  	_ =	strace $0x8FFFFFFF  }
0x98: {  	s18 =	sld [smem:$0x3FDB];
	_ =	sdelay $0x1  }
0x99: {  	s19 =	simm.s32 $_scs_section_size  }
0x9a: {  	s4 =	simm.s32 $_size__tile_overlayer_lowered;
	s5 =	simm.s32 $_tile_overlayer_lowered  }
0x9b: {  	s22 =	simm.s32 $0x1BFF;
	s21 =	sshll.u32 s5, $0x1;
	s2 =	sadd.s32 s19, s18  }
0x9c: {  	s6 =	simm.s32 $0x0;
	s20 =	sshll.u32 s4, $0x1;
	s4 =	sadd.s32 s21, s2  }
0x9d: {  	[timem:s6], [sflag:s22] =	dma.local [hbm:s4], s20  }
0x9e: {  	_ =	swait.ge [sflag:s22], s20  }
0x9f: {  	s3 =	ssub.s32 $0x0, s20;
	[sflag:s22] =	ssyncset.done $0x0  }
0xa0: {  	[sflag:s22] =	ssyncadd.s32 s3;
	_ =	sdelay $0x1  }
0xa1: {  	s23 =	simm.s32 $0x1B8B  }
0xa2: {  	_ =	swait.ge [sflag:s23], $0x1  }
0xa3: {  	[sflag:s23] =	ssyncset.done $0x0  }
0xa4: {  	s25 =	simm.s32 $0x1B8E;
	s24 =	sld [smem:$0x3FFE];
	[sflag:s23] =	ssyncadd.s32 $0xFFFFFFFF  }
0xa5: {  	s26 =	simm.s32 $execute0_lowered;
	[smem:$0x3FD2] =	sst s25  }
0xa6: {  	s4 =	sshll.u32 s26, $0x1;
	_ =	strace $0x80000052;
	[dreg:$0x1] =	wrdreg $0xFFFFFFFF  }
0xa7: {  	s28 =	simm.s32 $_size_execute0_lowered;
	s2 =	sadd.s32 s2, s4;
	[dreg:$0x0] =	wrdreg $0x0  }
0xa8: {  	s4 =	sshll.u32 s28, $0x1;
	[dreg:$0x2] =	wrdreg s2  }
0xa9: {  	[dreg:$0x3] =	wrdreg s4  }
0xaa: {  	[dreg:$0x4] =	wrdreg $0xC0  }
0xab: {  	_ =	task [dreg:s6], $0x5FFFF  }
0xac: {  	[dreg:$0x1] =	wrdreg $0xFFFFFFFF  }
0xad: {  	[dreg:$0x0] =	wrdreg $0x60  }
0xae: {  	[dreg:$0x2] =	wrdreg s24  }
0xaf: {  	[dreg:$0x3] =	wrdreg $0xA8000  }
0xb0: {  	[dreg:$0x4] =	wrdreg $0x9  }
0xb1: {  	_ =	task.clear_ibuf [dreg:s6], $0x5FFFF;
	_ =	strace $0x90000052  }
0xb2: {  	s29 =	simm.s32 $0x9;
	_ =	strace $0x80000054  }
0xb3: {  	_ =	swait.ge [sflag:s29], $0x1  }
0xb4: {  	[sflag:s29] =	ssyncadd.s32 $0xFFFFFFFF  }
0xb5: {  	_ =	strace $0x90000054  }
0xb6: {  	_ =	sfence  }
0xb7: {  	s30 =	sld [smem:$0x0];
	_ =	sdelay $0x2  }
0xb8: {  	s31 =	sshll.u32 s1, $0xD;
	s1 =	sshrl.u32 s1, $0x2  }
0xb9: {  	s3 =	sand.u32 $0x4000, s31;
	s1 =	sadd.s32 s1, s30  }
0xba: {  	s0 =	sor.u32 s3, s0;
	s1 =	sshll.u32 s1, $0x11  }
0xbb: {  	s0 =	sor.u32 s1, s0  }
0xbc: {  	s0 =	sadd.s32 $0x8F2B, s0  }
0xbd: {  	[sflag:s0] =	ssyncadd.remote.s32 $0x1  }
0xbe: {  	_ =	sfence.sel $0xFFFF  }
0xbf: {  	[dreg:$0x0] =	wrdreg $0xFFFFFFFF;
	(pc) =	sbr.abs _section_cstart, $3  }
0xc0: {  	[dreg:$0x1] =	wrdreg $0xFFFFFFFF  }
0xc1: {  	_ =	task.clear_ibuf [dreg:s6], $0x2FFFF;
	_ =	strace $0x9FFFFFFF  }
0xc2: {  	(tm) =	ssettm $0x7FFFFFFF  }
0xc3: {  	_ =	shalt  }
tec
execute0_lowered:
.L_overlay_start_1:
0x0: {  	(tag) =	ssettag $0x1  }
0x1: {  	s6 =	rddreg [dreg:$0x0]  }
0x2: {  	s0 =	srdreg.scid;
	s2 =	rddreg [dreg:$0x1];
	s3 =	simm.s32 $0x0  }
0x3: {  	s11 =	simm.s32 $0x1400;
	s14 =	simm.s32 $0x7D;
	s15 =	simm.s32 $0x2800  }
0x4: {  	s16 =	simm.s32 $0x6800;
	s17 =	simm.s32 $0x1;
	s18 =	simm.s32 $0x2  }
0x5: {  	s19 =	simm.s32 $0x1380;
	s20 =	simm.s32 $0x2700;
	s21 =	simm.s32 $0x2780  }
0x6: {  	s22 =	simm.s32 $0x0;
	s5 =	sand.u32 $0x1, s0;
	s0 =	stileid.u32  }
0x7: {  	[smem:$0x7FF] =	sst s3;
	s4 =	sadd.s32 $0x11600, s6;
	s8 =	smul.u32 $0x2800, s0  }
0x8: {  	s1 =	sshll.u32 s5, $0x4;
	s9 =	smul.u32 $0x28000, s5;
	s30 =	ssub.s32 $0x2, s5  }
0x9: {  	s10 =	smul.u32 $0x50000, s0;
	s5 =	sadd.s32 $0x38800, s6;
	s12 =	sshll.u32 s0, $0x6  }
0xa: {  	s1 =	sor.u32 s0, s1;
	s31 =	sshrl.u32 s30, $0x1;
	s12 =	sor.u32 $0x1C03, s12  }
0xb: {  	s7 =	smul.u32 $0x280, s1;
	s1 =	rddreg [dreg:$0x2];
	_ =	strace $0x80000053  }
0xc: {  	s8 =	sadd.s32 s8, s9;
	s9 =	ssub.s32 s30, s31;
	s10 =	sshrl.u32 s10, $0x2  }
0xd: {  	s8 =	sadd.s32 s8, s6;
	s13 =	sadd.s32 s10, s2;
	s9 =	smax.u32 s9, $0x1  }
0xe: {  	s10 =	simm.s32 $0x3;
	s7 =	sadd.s32 s7, s6;
	s8 =	sadd.s32 $0x89400, s8  }
0xf: {  	s13 =	sshrl.u32 s13, $0x3;
	s6 =	sadd.s32 $0xC600, s7;
	s7 =	sadd.s32 $0x7600, s7  }
.LBB2_1:
0x10: {  	[tilespmem:s3], [sflag:$0x3] =	stream.linear.gather [hbm4b:s6+s3], $0x1400, $0x38;
	[tilespmem:$0x1E800] =	vst v63  }
0x11: {  	_ =	swait.ge [sflag:s10], $0x1400  }
0x12: {  	[sflag:s10] =	ssyncset.done $0x0  }
0x13: {  	[sflag:s10] =	ssyncadd.s32 $0xFFFFEC00  }
0x14: {  	[tilespmem:s11], [sflag:$0x3] =	stream.linear.gather [hbm4b:s7+s3], $0x1400, $0x38;
	[tilespmem:$0x1E800] =	vst v63  }
0x15: {  	_ =	swait.ge [sflag:s10], $0x1400  }
0x16: {  	[sflag:s10] =	ssyncset.done $0x0  }
0x17: {  	[sflag:s10] =	ssyncadd.s32 $0xFFFFEC00  }
0x18: {  	[spmem:s13], [sflag:s12] =	dma.local [hbm:s5], $0x2800  }
0x19: {  	_ =	swait.ge [sflag:s10], $0x2800  }
0x1a: {  	[sflag:s10] =	ssyncset.done $0x0  }
0x1b: {  	[sflag:s10] =	ssyncadd.s32 $0xFFFFD800  }
0x1c: {  	[bflag:$0x0] =	sbarrier.arrive $0xFFFF  }
0x1d: {  	[tilespmem:s15], [sflag:$0x1] =	stream.indirect.gather [hbm4b:s4+s14], $0x80, s3, s14, $0xb8;
	[tilespmem:$0x1E800] =	vst v63  }
0x1e: {  	s23 =	simm.s32 $0x80  }
0x1f: {  	[tilespmem:s16], [sflag:$0x2] =	stream.indirect.gather [hbm4b:s4+s14], $0x80, s23, s14, $0xb8;
	[tilespmem:$0x1E800] =	vst v63  }
0x20: {  	_ =	swait.ge [sflag:s17], $0x3E80  }
0x21: {  	[sflag:s17] =	ssyncset.done $0x0  }
0x22: {  	s29 =	simm.s32 $0x1400;
	[sflag:s17] =	ssyncadd.s32 $0xFFFFC180  }
0x23: {  	[spmem:s2] =	stream.indirect.scatter.add.f32 [tilespmem:s15], [sflag:$0x3], $0x80, s29, s14, $0xb8;
	[tilespmem:$0x1E800] =	vst v63  }
0x24: {  	_ =	swait.ge [sflag:s10], $0x3E80  }
0x25: {  	[sflag:s10] =	ssyncset.done $0x0  }
0x26: {  	s30 =	simm.s32 $0x100;
	[sflag:s10] =	ssyncadd.s32 $0xFFFFC180  }
0x27: {  	[tilespmem:s15], [sflag:$0x1] =	stream.indirect.gather [hbm4b:s4+s14], $0x80, s30, s14, $0xb8;
	[tilespmem:$0x1E800] =	vst v63  }
0x28: {  	_ =	swait.ge [sflag:s18], $0x3E80  }
0x29: {  	[sflag:s18] =	ssyncset.done $0x0  }
0x2a: {  	s31 =	simm.s32 $0x1480;
	[sflag:s18] =	ssyncadd.s32 $0xFFFFC180  }
0x2b: {  	[spmem:s2] =	stream.indirect.scatter.add.f32 [tilespmem:s16], [sflag:$0x3], $0x80, s31, s14, $0xb8;
	[tilespmem:$0x1E800] =	vst v63  }
0x2c: {  	_ =	swait.ge [sflag:s10], $0x3E80  }
0x2d: {  	s24 =	simm.s32 $0x800;
	s23 =	simm.s32 $0x100;
	[sflag:s10] =	ssyncset.done $0x0  }
.LBB2_2:
0x2e: {  	s25 =	sadd.s32 $0x80, s23  }
0x2f: {  	[sflag:s10] =	ssyncadd.s32 $0xFFFFC180;
	s26 =	smov.u32 s24;
	s28 =	sadd.s32 $0x400, s24  }
0x30: {  	[tilespmem:s16], [sflag:$0x2] =	stream.indirect.gather [hbm4b:s4+s14], $0x80, s25, s14, $0xb8;
	[tilespmem:$0x1E800] =	vst v63  }
0x31: {  	p0 =	sne.s32 s24, $0x4800;
	_ =	swait.ge [sflag:s17], $0x3E80  }
0x32: {  	[sflag:s17] =	ssyncset.done $0x0  }
0x33: {  	s24 =	sadd.s32 $0x1400, s23;
	[sflag:s17] =	ssyncadd.s32 $0xFFFFC180  }
0x34: {  	[spmem:s2] =	stream.indirect.scatter.add.f32 [tilespmem:s15], [sflag:$0x3], $0x80, s24, s14, $0xb8;
	[tilespmem:$0x1E800] =	vst v63  }
0x35: {  	_ =	swait.ge [sflag:s10], $0x3E80  }
0x36: {  	[sflag:s10] =	ssyncset.done $0x0  }
0x37: {  	s24 =	sadd.s32 $0x100, s23;
	[sflag:s10] =	ssyncadd.s32 $0xFFFFC180  }
0x38: {  	[tilespmem:s15], [sflag:$0x1] =	stream.indirect.gather [hbm4b:s4+s14], $0x80, s24, s14, $0xb8;
	[tilespmem:$0x1E800] =	vst v63  }
0x39: {  	_ =	swait.ge [sflag:s18], $0x3E80  }
.Ltmp0:
0x3a: {  	[sflag:s18] =	ssyncset.done $0x0;
	(pc) =	sbr.rel @p0 .LBB2_2-.Ltmp0, $4  }
0x3b: {  	s23 =	sadd.s32 $0x1480, s23;
	[sflag:s18] =	ssyncadd.s32 $0xFFFFC180  }
0x3c: {  	[spmem:s2] =	stream.indirect.scatter.add.f32 [tilespmem:s16], [sflag:$0x3], $0x80, s23, s14, $0xb8;
	[tilespmem:$0x1E800] =	vst v63  }
0x3d: {  	_ =	swait.ge [sflag:s10], $0x3E80  }
0x3e: {  	s24 =	smov.u32 s28;
	s23 =	sshra.s32 s26, $0x2;
	[sflag:s10] =	ssyncset.done $0x0  }
0x3f: {  	s24 =	sadd.s32 $0x80, s23;
	[sflag:s10] =	ssyncadd.s32 $0xFFFFC180  }
0x40: {  	[tilespmem:s16], [sflag:$0x2] =	stream.indirect.gather [hbm4b:s4+s14], $0x80, s24, s14, $0xb8;
	[tilespmem:$0x1E800] =	vst v63  }
0x41: {  	_ =	swait.ge [sflag:s17], $0x3E80  }
0x42: {  	[sflag:s17] =	ssyncset.done $0x0  }
0x43: {  	s29 =	sadd.s32 $0x1400, s23;
	[sflag:s17] =	ssyncadd.s32 $0xFFFFC180  }
0x44: {  	[spmem:s2] =	stream.indirect.scatter.add.f32 [tilespmem:s15], [sflag:$0x3], $0x80, s29, s14, $0xb8;
	[tilespmem:$0x1E800] =	vst v63  }
0x45: {  	_ =	swait.ge [sflag:s10], $0x3E80  }
0x46: {  	[sflag:s10] =	ssyncset.done $0x0  }
0x47: {  	s30 =	sadd.s32 $0x100, s23;
	[sflag:s10] =	ssyncadd.s32 $0xFFFFC180  }
0x48: {  	[tilespmem:s15], [sflag:$0x1] =	stream.indirect.gather [hbm4b:s4+s14], $0x80, s30, s14, $0xb8;
	[tilespmem:$0x1E800] =	vst v63  }
0x49: {  	_ =	swait.ge [sflag:s18], $0x3E80  }
0x4a: {  	[sflag:s18] =	ssyncset.done $0x0  }
0x4b: {  	s31 =	sadd.s32 $0x1480, s23;
	[sflag:s18] =	ssyncadd.s32 $0xFFFFC180  }
0x4c: {  	[spmem:s2] =	stream.indirect.scatter.add.f32 [tilespmem:s16], [sflag:$0x3], $0x80, s31, s14, $0xb8;
	[tilespmem:$0x1E800] =	vst v63  }
0x4d: {  	_ =	swait.ge [sflag:s10], $0x3E80  }
0x4e: {  	[sflag:s10] =	ssyncset.done $0x0  }
0x4f: {  	[sflag:s10] =	ssyncadd.s32 $0xFFFFC180  }
0x50: {  	[tilespmem:s16], [sflag:$0x2] =	stream.indirect.gather [hbm4b:s4+s14], $0x80, s19, s14, $0xb8;
	[tilespmem:$0x1E800] =	vst v63  }
0x51: {  	_ =	swait.ge [sflag:s17], $0x3E80  }
0x52: {  	[sflag:s17] =	ssyncset.done $0x0  }
0x53: {  	[sflag:s17] =	ssyncadd.s32 $0xFFFFC180  }
0x54: {  	[spmem:s2] =	stream.indirect.scatter.add.f32 [tilespmem:s15], [sflag:$0x3], $0x80, s20, s14, $0xb8;
	[tilespmem:$0x1E800] =	vst v63  }
0x55: {  	_ =	swait.ge [sflag:s10], $0x3E80  }
0x56: {  	[sflag:s10] =	ssyncset.done $0x0  }
0x57: {  	[sflag:s10] =	ssyncadd.s32 $0xFFFFC180  }
0x58: {  	_ =	swait.ge [sflag:s18], $0x3E80  }
0x59: {  	[sflag:s18] =	ssyncset.done $0x0  }
0x5a: {  	[sflag:s18] =	ssyncadd.s32 $0xFFFFC180  }
0x5b: {  	[spmem:s2] =	stream.indirect.scatter.add.f32 [tilespmem:s16], [sflag:$0x3], $0x80, s21, s14, $0xb8;
	[tilespmem:$0x1E800] =	vst v63  }
0x5c: {  	_ =	swait.ge [sflag:s10], $0x3E80  }
0x5d: {  	s22 =	sadd.s32 $0x1, s22;
	[sflag:s10] =	ssyncset.done $0x0  }
0x5e: {  	p0 =	sne.s32 s22, s9;
	[sflag:s10] =	ssyncadd.s32 $0xFFFFC180  }
.Ltmp1:
0x5f: {  	[bflag:$0x0] =	sbarrier.arrive $0xFFFF;
	(pc) =	sbr.rel @p0 .LBB2_1-.Ltmp1, $4  }
0x60: {  	[hbm:s8], [sflag:s12] =	dma.local [spmem:s13], $0x2800  }
0x61: {  	_ =	swait.ge [sflag:s10], $0x2800  }
0x62: {  	[sflag:s10] =	ssyncset.done $0x0  }
0x63: {  	[sflag:s10] =	ssyncadd.s32 $0xFFFFD800  }
0x64: {  	_ =	sfence.sel $0x180000  }
0x65: {  	[bflag:$0x0] =	sbarrier.arrive $0xFFFF  }
0x66: {  	p0 =	sne.s32 s0, $0x0;
	_ =	strace $0x90000053  }
0x67: {  	s0 =	sadd.s32 @!p0 $0x100000, s1;
	[bflag:$0x2] =	sbarrier.arrive $0xFFFF  }
0x68: {  	[sflag:s0] =	ssyncadd.tile.s32 @!p0 $0x1;
	_ =	shalt  }
.Lfunc_end2:
_tile_overlayer_lowered:
.L_overlay_start_2:
0x69: {  	(tag) =	ssettag $0x2  }
0x6a: {  	s0 =	rddreg [dreg:$0x0];
	s2 =	stileid.u32  }
0x6b: {  	s1 =	rddreg [dreg:$0x1];
	p0 =	sne.s32 s2, $0x0  }
0x6c: {  	s3 =	rddreg [dreg:$0x2];
	[bflag:$0x3] =	sbarrier.arrive $0xFFFF;
	s2 =	simm.s32 @!p0 $0x1C03  }
0x6d: {  	[timem:s3], [sflag:s2] =	dma.local @!p0 [hbm:s0], s1  }
0x6e: {  	s0 =	simm.s32 @!p0 $0x3  }
0x6f: {  	_ =	swait.ge @!p0 [sflag:s0], s1  }
0x70: {  	s1 =	ssub.s32 @!p0 $0x0, s1;
	[sflag:s0] =	ssyncset.done @!p0 $0x0  }
0x71: {  	[sflag:s0] =	ssyncadd.s32 @!p0 s1  }
0x72: {  	[bflag:$0x3] =	sbarrier.arrive $0xFFFF  }
0x73: {  	_ =	shalt  }

// kernel: kernel.31.cloned.1.call-start
scs
__scs_entry_jumppad:
0x0: {  	(pc) =	sbr.rel $0x88, $3  }
0x1: {  	(tag) =	ssettag $0x0;
	lr =	simm.s32 $0x1  }
0x2: {  	[smem:$0x3F7C] =	sst lr;
	_ =	strace $0xD0000000  }
0x3: {  	_ = 	snop  }
0x4: {  	_ = 	snop  }
0x5: {  	_ = 	snop  }
0x6: {  	_ = 	snop  }
0x7: {  	_ = 	snop  }
__scs_overlays_trampoline_lowered:
0x8: {  	[smem:$0x3F8B] =	sst s0  }
0x9: {  	[smem:$0x3F8C] =	sst s1  }
0xa: {  	[smem:$0x3F8D] =	sst s2  }
0xb: {  	[smem:$0x3F8E] =	sst s3  }
0xc: {  	[smem:$0x3F8F] =	sst s4  }
0xd: {  	[smem:$0x3F90] =	sst s5  }
0xe: {  	[smem:$0x3F91] =	sst s6  }
0xf: {  	[smem:$0x3F92] =	sst s7  }
0x10: {  	[smem:$0x3F93] =	sst s8  }
0x11: {  	[smem:$0x3F94] =	sst s9;
	s0 =	simm.s32 @!p0 $0x0  }
0x12: {  	s1 =	sld [smem:$0x3F7A];
	s0 =	simm.s32 @p0 $0x1  }
0x13: {  	[smem:$0x3F95] =	sst s0;
	s0 =	simm.s32 @!p1 $0x0  }
0x14: {  	s2 =	sld [smem:$0x3F79];
	s0 =	simm.s32 @p1 $0x1  }
0x15: {  	[smem:$0x3F96] =	sst s0;
	s0 =	simm.s32 @!p2 $0x0  }
0x16: {  	s3 =	sld [smem:$0x3FDB];
	s0 =	simm.s32 @p2 $0x1  }
0x17: {  	s4 =	simm.s32 $0x1BF5;
	[smem:$0x3F98] =	sst s0  }
0x18: {  	s0 =	sld [smem:$0x3F7B];
	_ =	swait.ge [sflag:s4], $0x0  }
0x19: {  	s7 =	sld [smem:$0x3F7C]  }
0x1a: {  	s8 =	sadd.s32 $0xFFFFE003, lr  }
0x1b: {  	s9 =	sadd.s32 $0xFFFFFEF7, lr;
	s5 =	simm.s32 $0xFFFFFFFF;
	p2 =	slt.u32 s8, $0xFFFFF086  }
0x1c: {  	p1 =	slt.u32 s9, $0xF7A;
	s5 =	simm.s32 @!p2 $0x0  }
0x1d: {  	s5 =	simm.s32 @p1 $0x1;
	p0 =	seq.s32 s7, s2  }
0x1e: {  	s7 =	smul.u32 @!p0 $0xF7A, s2;
	p2 =	seq.s32 @!p0 s5, $0x0  }
0x1f: {  	s9 =	smul.u32 $0xF7A, s1;
	s8 =	simm.s32 @!p0 $0x1BF5;
	p2 =	por !p2, p0  }
0x20: {  	[sflag:s8] =	ssyncset.s32 @!p0 $0xFFFFF086;
	s6 =	sadd.s32 @!p0 s3, s7;
	s7 =	simm.s32 @!p0 $0x108  }
0x21: {  	s3 =	sadd.s32 s3, s9;
	s6 =	sadd.s32 @!p0 $0x88, s6;
	s7 =	simm.s32 @p2 $0x1082  }
0x22: {  	[simem:s7], [sflag:s8] =	dma.local @!p0 [hbm:s6], $0xF7A  }
0x23: {  	s9 =	sor.u32 $0xD0000000, s2;
	s6 =	simm.s32 $0x108;
	_ =	swait.ge @!p0 [sflag:s8], $0x0  }
0x24: {  	s3 =	sadd.s32 $0x88, s3;
	s6 =	simm.s32 @!p1 $0x1082;
	[sflag:s4] =	ssyncset.s32 $0xFFFFF086  }
0x25: {  	[simem:s6], [sflag:s4] =	dma.local [hbm:s3], $0xF7A  }
0x26: {  	[smem:$0x3F7C] =	sst s1;
	(tag) =	ssettag s2;
	_ =	strace s9  }
0x27: {  	s1 =	sld [smem:$0x3F8C]  }
0x28: {  	s2 =	sld [smem:$0x3F8D]  }
0x29: {  	s4 =	sld [smem:$0x3F8F]  }
0x2a: {  	p0 =	seq.s32 s5, $0x0;
	s5 =	sld [smem:$0x3F90]  }
0x2b: {  	s6 =	sld [smem:$0x3F91]  }
0x2c: {  	s7 =	sld [smem:$0x3F92]  }
0x2d: {  	s3 =	simm.s32 $0x108;
	s8 =	sld [smem:$0x3F93]  }
0x2e: {  	s3 =	simm.s32 @!p0 $0x1082;
	s9 =	sld [smem:$0x3F94]  }
0x2f: {  	lr =	sadd.s32 s0, s3;
	s0 =	sld [smem:$0x3F8B]  }
0x30: {  	s3 =	sld [smem:$0x3F8E]  }
0x31: {  	[smem:$0x3F97] =	sst s10  }
0x32: {  	s10 =	sld [smem:$0x3F95];
	_ =	sdelay $0x3  }
0x33: {  	p0 =	seq.s32 s10, $0x1;
	s10 =	sld [smem:$0x3F97];
	_ =	sdelay $0x3  }
0x34: {  	[smem:$0x3F97] =	sst s10  }
0x35: {  	s10 =	sld [smem:$0x3F96];
	_ =	sdelay $0x3  }
0x36: {  	p1 =	seq.s32 s10, $0x1;
	s10 =	sld [smem:$0x3F97];
	_ =	sdelay $0x3  }
0x37: {  	[smem:$0x3F97] =	sst s10  }
0x38: {  	s10 =	sld [smem:$0x3F98]  }
0x39: {  	_ = 	snop;
	(pc) =	sbr.ind lr, $3  }
0x3a: {  	_ = 	snop  }
0x3b: {  	_ = 	snop  }
0x3c: {  	p2 =	seq.s32 s10, $0x1;
	s10 =	sld [smem:$0x3F97]  }
0x3d: {  	_ =	shalt  }
0x3e: {  	_ =	shalt  }
0x3f: {  	_ =	shalt  }
0x40: {  	_ =	shalt  }
0x41: {  	_ =	shalt  }
0x42: {  	_ =	shalt  }
0x43: {  	_ =	shalt  }
0x44: {  	_ =	shalt  }
0x45: {  	_ =	shalt  }
0x46: {  	_ =	shalt  }
0x47: {  	_ =	shalt  }
0x48: {  	_ =	shalt  }
0x49: {  	_ =	shalt  }
0x4a: {  	_ =	shalt  }
0x4b: {  	_ =	shalt  }
0x4c: {  	_ =	shalt  }
0x4d: {  	_ =	shalt  }
0x4e: {  	_ =	shalt  }
0x4f: {  	_ =	shalt  }
0x50: {  	_ =	shalt  }
0x51: {  	_ =	shalt  }
0x52: {  	_ =	shalt  }
0x53: {  	_ =	shalt  }
0x54: {  	_ =	shalt  }
0x55: {  	_ =	shalt  }
0x56: {  	_ =	shalt  }
0x57: {  	_ =	shalt  }
0x58: {  	_ =	shalt  }
0x59: {  	_ =	shalt  }
0x5a: {  	_ =	shalt  }
0x5b: {  	_ =	shalt  }
0x5c: {  	_ =	shalt  }
0x5d: {  	_ =	shalt  }
0x5e: {  	_ =	shalt  }
0x5f: {  	_ =	shalt  }
0x60: {  	_ =	shalt  }
0x61: {  	_ =	shalt  }
0x62: {  	_ =	shalt  }
0x63: {  	_ =	shalt  }
0x64: {  	_ =	shalt  }
0x65: {  	_ =	shalt  }
0x66: {  	_ =	shalt  }
0x67: {  	_ =	shalt  }
0x68: {  	_ =	shalt  }
0x69: {  	_ =	shalt  }
0x6a: {  	_ =	shalt  }
0x6b: {  	_ =	shalt  }
0x6c: {  	_ =	shalt  }
0x6d: {  	_ =	shalt  }
0x6e: {  	_ =	shalt  }
0x6f: {  	_ =	shalt  }
0x70: {  	_ =	shalt  }
0x71: {  	_ =	shalt  }
0x72: {  	_ =	shalt  }
0x73: {  	_ =	shalt  }
0x74: {  	_ =	shalt  }
0x75: {  	_ =	shalt  }
0x76: {  	_ =	shalt  }
0x77: {  	_ =	shalt  }
0x78: {  	_ =	shalt  }
0x79: {  	_ =	shalt  }
0x7a: {  	_ =	shalt  }
0x7b: {  	_ =	shalt  }
0x7c: {  	_ =	shalt  }
0x7d: {  	_ =	shalt  }
0x7e: {  	_ =	shalt  }
0x7f: {  	_ =	shalt  }
0x80: {  	_ =	shalt  }
0x81: {  	_ =	shalt  }
0x82: {  	_ =	shalt  }
0x83: {  	_ =	shalt  }
0x84: {  	_ =	shalt  }
0x85: {  	_ =	shalt  }
0x86: {  	_ =	shalt  }
0x87: {  	_ =	shalt  }
.Lfunc_end0:
.L_simem_size_0:
called_computation.5_lowered:
.L_overlay_start_0:
0x88: {  	s2 =	sld [smem:$0x3FD9]  }
0x89: {  	s3 =	sld [smem:$0x3FFE];
	_ =	sdelay $0x1  }
0x8a: {  	s1 =	srdreg.scid  }
0x8b: {  	s0 =	sand.u32 $0x1, s1  }
0x8c: {  	s16 =	sshll.u32 s0, $0xA;
	s2 =	sadd.s32 s3, s2  }
0x8d: {  	s2 =	sadd.s32 s2, s16  }
0x8e: {  	[smem:$0x3FA3] =	sst s2  }
0x8f: {  	_ = 	snop  }
0x90: {  	(tm) =	ssettm $0x1  }
0x91: {  	s17 =	sld [smem:$0x3FFB];
	_ =	sdelay $0x3  }
0x92: {  	_ =	strace s17  }
0x93: {  	s2 =	sld [smem:$0x3FFC];
	_ =	sdelay $0x3  }
0x94: {  	_ =	strace s2  }
0x95: {  	s2 =	sld [smem:$0x3FFD];
	_ =	sdelay $0x3  }
0x96: {  	_ =	strace s2  }
0x97: {  	_ =	strace $0x8FFFFFFF  }
0x98: {  	s18 =	sld [smem:$0x3FDB];
	_ =	sdelay $0x1  }
0x99: {  	s19 =	simm.s32 $_scs_section_size  }
0x9a: {  	s4 =	simm.s32 $_size__tile_overlayer_lowered;
	s5 =	simm.s32 $_tile_overlayer_lowered  }
0x9b: {  	s22 =	simm.s32 $0x1BFF;
	s21 =	sshll.u32 s5, $0x1;
	s2 =	sadd.s32 s19, s18  }
0x9c: {  	s6 =	simm.s32 $0x0;
	s20 =	sshll.u32 s4, $0x1;
	s4 =	sadd.s32 s21, s2  }
0x9d: {  	[timem:s6], [sflag:s22] =	dma.local [hbm:s4], s20  }
0x9e: {  	_ =	swait.ge [sflag:s22], s20  }
0x9f: {  	s3 =	ssub.s32 $0x0, s20;
	[sflag:s22] =	ssyncset.done $0x0  }
0xa0: {  	[sflag:s22] =	ssyncadd.s32 s3;
	_ =	sdelay $0x1  }
0xa1: {  	s23 =	simm.s32 $0x1B8B  }
0xa2: {  	_ =	swait.ge [sflag:s23], $0x1  }
0xa3: {  	[sflag:s23] =	ssyncset.done $0x0  }
0xa4: {  	s25 =	simm.s32 $0x1B8E;
	s24 =	sld [smem:$0x3FFE];
	[sflag:s23] =	ssyncadd.s32 $0xFFFFFFFF  }
0xa5: {  	s26 =	simm.s32 $execute0_lowered;
	[smem:$0x3FD2] =	sst s25  }
0xa6: {  	s4 =	sshll.u32 s26, $0x1;
	_ =	strace $0x80000055;
	[dreg:$0x1] =	wrdreg $0xFFFFFFFF  }
0xa7: {  	s28 =	simm.s32 $_size_execute0_lowered;
	s2 =	sadd.s32 s2, s4;
	[dreg:$0x0] =	wrdreg $0x0  }
0xa8: {  	s4 =	sshll.u32 s28, $0x1;
	[dreg:$0x2] =	wrdreg s2  }
0xa9: {  	[dreg:$0x3] =	wrdreg s4  }
0xaa: {  	[dreg:$0x4] =	wrdreg $0xC0  }
0xab: {  	_ =	task [dreg:s6], $0x5FFFF  }
0xac: {  	[dreg:$0x1] =	wrdreg $0xFFFFFFFF  }
0xad: {  	[dreg:$0x0] =	wrdreg $0x60  }
0xae: {  	[dreg:$0x2] =	wrdreg s24  }
0xaf: {  	[dreg:$0x3] =	wrdreg $0xA8000  }
0xb0: {  	[dreg:$0x4] =	wrdreg $0x9  }
0xb1: {  	_ =	task.clear_ibuf [dreg:s6], $0x5FFFF;
	_ =	strace $0x90000055  }
0xb2: {  	s29 =	simm.s32 $0x9;
	_ =	strace $0x80000057  }
0xb3: {  	_ =	swait.ge [sflag:s29], $0x1  }
0xb4: {  	[sflag:s29] =	ssyncadd.s32 $0xFFFFFFFF  }
0xb5: {  	_ =	strace $0x90000057  }
0xb6: {  	_ =	sfence  }
0xb7: {  	s30 =	sld [smem:$0x0];
	_ =	sdelay $0x2  }
0xb8: {  	s31 =	sshll.u32 s1, $0xD;
	s1 =	sshrl.u32 s1, $0x2  }
0xb9: {  	s3 =	sand.u32 $0x4000, s31;
	s1 =	sadd.s32 s1, s30  }
0xba: {  	s0 =	sor.u32 s3, s0;
	s1 =	sshll.u32 s1, $0x11  }
0xbb: {  	s0 =	sor.u32 s1, s0  }
0xbc: {  	s0 =	sadd.s32 $0x8F2B, s0  }
0xbd: {  	[sflag:s0] =	ssyncadd.remote.s32 $0x1  }
0xbe: {  	_ =	sfence.sel $0xFFFF  }
0xbf: {  	[dreg:$0x0] =	wrdreg $0xFFFFFFFF;
	(pc) =	sbr.abs _section_cstart, $3  }
0xc0: {  	[dreg:$0x1] =	wrdreg $0xFFFFFFFF  }
0xc1: {  	_ =	task.clear_ibuf [dreg:s6], $0x2FFFF;
	_ =	strace $0x9FFFFFFF  }
0xc2: {  	(tm) =	ssettm $0x7FFFFFFF  }
0xc3: {  	_ =	shalt  }
tec
execute0_lowered:
.L_overlay_start_1:
0x0: {  	(tag) =	ssettag $0x1  }
0x1: {  	s6 =	rddreg [dreg:$0x0]  }
0x2: {  	s0 =	srdreg.scid;
	s2 =	rddreg [dreg:$0x1];
	s3 =	simm.s32 $0x0  }
0x3: {  	s11 =	simm.s32 $0x1400;
	s14 =	simm.s32 $0x7D;
	s15 =	simm.s32 $0x2800  }
0x4: {  	s16 =	simm.s32 $0x6800;
	s17 =	simm.s32 $0x1;
	s18 =	simm.s32 $0x2  }
0x5: {  	s19 =	simm.s32 $0x1380;
	s20 =	simm.s32 $0x2700;
	s21 =	simm.s32 $0x2780  }
0x6: {  	s22 =	simm.s32 $0x0;
	s5 =	sand.u32 $0x1, s0;
	s0 =	stileid.u32  }
0x7: {  	[smem:$0x7FF] =	sst s3;
	s4 =	sadd.s32 $0x11600, s6;
	s8 =	smul.u32 $0x2800, s0  }
0x8: {  	s1 =	sshll.u32 s5, $0x4;
	s9 =	smul.u32 $0x28000, s5;
	s30 =	ssub.s32 $0x2, s5  }
0x9: {  	s10 =	smul.u32 $0x50000, s0;
	s5 =	sadd.s32 $0x38800, s6;
	s12 =	sshll.u32 s0, $0x6  }
0xa: {  	s1 =	sor.u32 s0, s1;
	s31 =	sshrl.u32 s30, $0x1;
	s12 =	sor.u32 $0x1C03, s12  }
0xb: {  	s7 =	smul.u32 $0x280, s1;
	s1 =	rddreg [dreg:$0x2];
	_ =	strace $0x80000056  }
0xc: {  	s8 =	sadd.s32 s8, s9;
	s9 =	ssub.s32 s30, s31;
	s10 =	sshrl.u32 s10, $0x2  }
0xd: {  	s8 =	sadd.s32 s8, s6;
	s13 =	sadd.s32 s10, s2;
	s9 =	smax.u32 s9, $0x1  }
0xe: {  	s10 =	simm.s32 $0x3;
	s7 =	sadd.s32 s7, s6;
	s8 =	sadd.s32 $0x89400, s8  }
0xf: {  	s13 =	sshrl.u32 s13, $0x3;
	s6 =	sadd.s32 $0xC600, s7;
	s7 =	sadd.s32 $0x7600, s7  }
.LBB2_1:
0x10: {  	[tilespmem:s3], [sflag:$0x3] =	stream.linear.gather [hbm4b:s6+s3], $0x1400, $0x38;
	[tilespmem:$0x1E800] =	vst v63  }
0x11: {  	_ =	swait.ge [sflag:s10], $0x1400  }
0x12: {  	[sflag:s10] =	ssyncset.done $0x0  }
0x13: {  	[sflag:s10] =	ssyncadd.s32 $0xFFFFEC00  }
0x14: {  	[tilespmem:s11], [sflag:$0x3] =	stream.linear.gather [hbm4b:s7+s3], $0x1400, $0x38;
	[tilespmem:$0x1E800] =	vst v63  }
0x15: {  	_ =	swait.ge [sflag:s10], $0x1400  }
0x16: {  	[sflag:s10] =	ssyncset.done $0x0  }
0x17: {  	[sflag:s10] =	ssyncadd.s32 $0xFFFFEC00  }
0x18: {  	[spmem:s13], [sflag:s12] =	dma.local [hbm:s5], $0x2800  }
0x19: {  	_ =	swait.ge [sflag:s10], $0x2800  }
0x1a: {  	[sflag:s10] =	ssyncset.done $0x0  }
0x1b: {  	[sflag:s10] =	ssyncadd.s32 $0xFFFFD800  }
0x1c: {  	[bflag:$0x0] =	sbarrier.arrive $0xFFFF  }
0x1d: {  	[tilespmem:s15], [sflag:$0x1] =	stream.indirect.gather [hbm4b:s4+s14], $0x80, s3, s14, $0xb8;
	[tilespmem:$0x1E800] =	vst v63  }
0x1e: {  	s23 =	simm.s32 $0x80  }
0x1f: {  	[tilespmem:s16], [sflag:$0x2] =	stream.indirect.gather [hbm4b:s4+s14], $0x80, s23, s14, $0xb8;
	[tilespmem:$0x1E800] =	vst v63  }
0x20: {  	_ =	swait.ge [sflag:s17], $0x3E80  }
0x21: {  	[sflag:s17] =	ssyncset.done $0x0  }
0x22: {  	s29 =	simm.s32 $0x1400;
	[sflag:s17] =	ssyncadd.s32 $0xFFFFC180  }
0x23: {  	[spmem:s2] =	stream.indirect.scatter.add.f32 [tilespmem:s15], [sflag:$0x3], $0x80, s29, s14, $0xb8;
	[tilespmem:$0x1E800] =	vst v63  }
0x24: {  	_ =	swait.ge [sflag:s10], $0x3E80  }
0x25: {  	[sflag:s10] =	ssyncset.done $0x0  }
0x26: {  	s30 =	simm.s32 $0x100;
	[sflag:s10] =	ssyncadd.s32 $0xFFFFC180  }
0x27: {  	[tilespmem:s15], [sflag:$0x1] =	stream.indirect.gather [hbm4b:s4+s14], $0x80, s30, s14, $0xb8;
	[tilespmem:$0x1E800] =	vst v63  }
0x28: {  	_ =	swait.ge [sflag:s18], $0x3E80  }
0x29: {  	[sflag:s18] =	ssyncset.done $0x0  }
0x2a: {  	s31 =	simm.s32 $0x1480;
	[sflag:s18] =	ssyncadd.s32 $0xFFFFC180  }
0x2b: {  	[spmem:s2] =	stream.indirect.scatter.add.f32 [tilespmem:s16], [sflag:$0x3], $0x80, s31, s14, $0xb8;
	[tilespmem:$0x1E800] =	vst v63  }
0x2c: {  	_ =	swait.ge [sflag:s10], $0x3E80  }
0x2d: {  	s24 =	simm.s32 $0x800;
	s23 =	simm.s32 $0x100;
	[sflag:s10] =	ssyncset.done $0x0  }
.LBB2_2:
0x2e: {  	s25 =	sadd.s32 $0x80, s23  }
0x2f: {  	[sflag:s10] =	ssyncadd.s32 $0xFFFFC180;
	s26 =	smov.u32 s24;
	s28 =	sadd.s32 $0x400, s24  }
0x30: {  	[tilespmem:s16], [sflag:$0x2] =	stream.indirect.gather [hbm4b:s4+s14], $0x80, s25, s14, $0xb8;
	[tilespmem:$0x1E800] =	vst v63  }
0x31: {  	p0 =	sne.s32 s24, $0x4800;
	_ =	swait.ge [sflag:s17], $0x3E80  }
0x32: {  	[sflag:s17] =	ssyncset.done $0x0  }
0x33: {  	s24 =	sadd.s32 $0x1400, s23;
	[sflag:s17] =	ssyncadd.s32 $0xFFFFC180  }
0x34: {  	[spmem:s2] =	stream.indirect.scatter.add.f32 [tilespmem:s15], [sflag:$0x3], $0x80, s24, s14, $0xb8;
	[tilespmem:$0x1E800] =	vst v63  }
0x35: {  	_ =	swait.ge [sflag:s10], $0x3E80  }
0x36: {  	[sflag:s10] =	ssyncset.done $0x0  }
0x37: {  	s24 =	sadd.s32 $0x100, s23;
	[sflag:s10] =	ssyncadd.s32 $0xFFFFC180  }
0x38: {  	[tilespmem:s15], [sflag:$0x1] =	stream.indirect.gather [hbm4b:s4+s14], $0x80, s24, s14, $0xb8;
	[tilespmem:$0x1E800] =	vst v63  }
0x39: {  	_ =	swait.ge [sflag:s18], $0x3E80  }
.Ltmp0:
0x3a: {  	[sflag:s18] =	ssyncset.done $0x0;
	(pc) =	sbr.rel @p0 .LBB2_2-.Ltmp0, $4  }
0x3b: {  	s23 =	sadd.s32 $0x1480, s23;
	[sflag:s18] =	ssyncadd.s32 $0xFFFFC180  }
0x3c: {  	[spmem:s2] =	stream.indirect.scatter.add.f32 [tilespmem:s16], [sflag:$0x3], $0x80, s23, s14, $0xb8;
	[tilespmem:$0x1E800] =	vst v63  }
0x3d: {  	_ =	swait.ge [sflag:s10], $0x3E80  }
0x3e: {  	s24 =	smov.u32 s28;
	s23 =	sshra.s32 s26, $0x2;
	[sflag:s10] =	ssyncset.done $0x0  }
0x3f: {  	s24 =	sadd.s32 $0x80, s23;
	[sflag:s10] =	ssyncadd.s32 $0xFFFFC180  }
0x40: {  	[tilespmem:s16], [sflag:$0x2] =	stream.indirect.gather [hbm4b:s4+s14], $0x80, s24, s14, $0xb8;
	[tilespmem:$0x1E800] =	vst v63  }
0x41: {  	_ =	swait.ge [sflag:s17], $0x3E80  }
0x42: {  	[sflag:s17] =	ssyncset.done $0x0  }
0x43: {  	s29 =	sadd.s32 $0x1400, s23;
	[sflag:s17] =	ssyncadd.s32 $0xFFFFC180  }
0x44: {  	[spmem:s2] =	stream.indirect.scatter.add.f32 [tilespmem:s15], [sflag:$0x3], $0x80, s29, s14, $0xb8;
	[tilespmem:$0x1E800] =	vst v63  }
0x45: {  	_ =	swait.ge [sflag:s10], $0x3E80  }
0x46: {  	[sflag:s10] =	ssyncset.done $0x0  }
0x47: {  	s30 =	sadd.s32 $0x100, s23;
	[sflag:s10] =	ssyncadd.s32 $0xFFFFC180  }
0x48: {  	[tilespmem:s15], [sflag:$0x1] =	stream.indirect.gather [hbm4b:s4+s14], $0x80, s30, s14, $0xb8;
	[tilespmem:$0x1E800] =	vst v63  }
0x49: {  	_ =	swait.ge [sflag:s18], $0x3E80  }
0x4a: {  	[sflag:s18] =	ssyncset.done $0x0  }
0x4b: {  	s31 =	sadd.s32 $0x1480, s23;
	[sflag:s18] =	ssyncadd.s32 $0xFFFFC180  }
0x4c: {  	[spmem:s2] =	stream.indirect.scatter.add.f32 [tilespmem:s16], [sflag:$0x3], $0x80, s31, s14, $0xb8;
	[tilespmem:$0x1E800] =	vst v63  }
0x4d: {  	_ =	swait.ge [sflag:s10], $0x3E80  }
0x4e: {  	[sflag:s10] =	ssyncset.done $0x0  }
0x4f: {  	[sflag:s10] =	ssyncadd.s32 $0xFFFFC180  }
0x50: {  	[tilespmem:s16], [sflag:$0x2] =	stream.indirect.gather [hbm4b:s4+s14], $0x80, s19, s14, $0xb8;
	[tilespmem:$0x1E800] =	vst v63  }
0x51: {  	_ =	swait.ge [sflag:s17], $0x3E80  }
0x52: {  	[sflag:s17] =	ssyncset.done $0x0  }
0x53: {  	[sflag:s17] =	ssyncadd.s32 $0xFFFFC180  }
0x54: {  	[spmem:s2] =	stream.indirect.scatter.add.f32 [tilespmem:s15], [sflag:$0x3], $0x80, s20, s14, $0xb8;
	[tilespmem:$0x1E800] =	vst v63  }
0x55: {  	_ =	swait.ge [sflag:s10], $0x3E80  }
0x56: {  	[sflag:s10] =	ssyncset.done $0x0  }
0x57: {  	[sflag:s10] =	ssyncadd.s32 $0xFFFFC180  }
0x58: {  	_ =	swait.ge [sflag:s18], $0x3E80  }
0x59: {  	[sflag:s18] =	ssyncset.done $0x0  }
0x5a: {  	[sflag:s18] =	ssyncadd.s32 $0xFFFFC180  }
0x5b: {  	[spmem:s2] =	stream.indirect.scatter.add.f32 [tilespmem:s16], [sflag:$0x3], $0x80, s21, s14, $0xb8;
	[tilespmem:$0x1E800] =	vst v63  }
0x5c: {  	_ =	swait.ge [sflag:s10], $0x3E80  }
0x5d: {  	s22 =	sadd.s32 $0x1, s22;
	[sflag:s10] =	ssyncset.done $0x0  }
0x5e: {  	p0 =	sne.s32 s22, s9;
	[sflag:s10] =	ssyncadd.s32 $0xFFFFC180  }
.Ltmp1:
0x5f: {  	[bflag:$0x0] =	sbarrier.arrive $0xFFFF;
	(pc) =	sbr.rel @p0 .LBB2_1-.Ltmp1, $4  }
0x60: {  	[hbm:s8], [sflag:s12] =	dma.local [spmem:s13], $0x2800  }
0x61: {  	_ =	swait.ge [sflag:s10], $0x2800  }
0x62: {  	[sflag:s10] =	ssyncset.done $0x0  }
0x63: {  	[sflag:s10] =	ssyncadd.s32 $0xFFFFD800  }
0x64: {  	_ =	sfence.sel $0x180000  }
0x65: {  	[bflag:$0x0] =	sbarrier.arrive $0xFFFF  }
0x66: {  	p0 =	sne.s32 s0, $0x0;
	_ =	strace $0x90000056  }
0x67: {  	s0 =	sadd.s32 @!p0 $0x100000, s1;
	[bflag:$0x2] =	sbarrier.arrive $0xFFFF  }
0x68: {  	[sflag:s0] =	ssyncadd.tile.s32 @!p0 $0x1;
	_ =	shalt  }
.Lfunc_end2:
_tile_overlayer_lowered:
.L_overlay_start_2:
0x69: {  	(tag) =	ssettag $0x2  }
0x6a: {  	s0 =	rddreg [dreg:$0x0];
	s2 =	stileid.u32  }
0x6b: {  	s1 =	rddreg [dreg:$0x1];
	p0 =	sne.s32 s2, $0x0  }
0x6c: {  	s3 =	rddreg [dreg:$0x2];
	[bflag:$0x3] =	sbarrier.arrive $0xFFFF;
	s2 =	simm.s32 @!p0 $0x1C03  }
0x6d: {  	[timem:s3], [sflag:s2] =	dma.local @!p0 [hbm:s0], s1  }
0x6e: {  	s0 =	simm.s32 @!p0 $0x3  }
0x6f: {  	_ =	swait.ge @!p0 [sflag:s0], s1  }
0x70: {  	s1 =	ssub.s32 @!p0 $0x0, s1;
	[sflag:s0] =	ssyncset.done @!p0 $0x0  }
0x71: {  	[sflag:s0] =	ssyncadd.s32 @!p0 s1  }
0x72: {  	[bflag:$0x3] =	sbarrier.arrive $0xFFFF  }
0x73: {  	_ =	shalt  }

</sc_bundles>
